<compile_context>
chip_gen: v7x
topology: tpu7x:2x2x1
jax: 0.10.2.dev20260603
libtpu: 0.0.44.dev20260713+nightly
codegen_flags: <defaults>
</compile_context>

<pallas_src>
import functools

import jax
import jax.numpy as jnp
from jax import lax
from jax.experimental import pallas as pl
from jax.experimental.pallas import tpu as pltpu
from jax.experimental.pallas import tpu_sc as plsc

_FEAT_STRIDE = 16.0
_SCORE_THRESH = 0.7
_DIST_THRESH = 16.0
_MAX_OUT = 50
_OUT_PAD = 64
_NEG = -3.0e38
_SENT = 1.0e30


def _worker_impl(offv, maxwv,
                 ms_v, mp_v, p0_v, p1_v, l1_v, l2_v, kept_v,
                 bp0_v, bp1_v, bs_v, bv_v, cls_v):
    FW = ms_v.shape[0]
    nchunk = FW // 16
    nsup = nchunk // 16
    lane = lax.broadcasted_iota(jnp.int32, (16,), 0)

    def _clamp(p):
        p = jnp.where(p < 0.0, 0.0, p)
        p = jnp.where(p > maxwv, maxwv, p)
        return p

    def pass_a(g, carry):
        hs, hi, ls, li = carry
        base0 = g * 256
        for il in range(16):
            base = base0 + il * 16
            sl = pl.ds(base, 16)
            gif = (lane + base).astype(jnp.float32)
            center = (gif + 0.5) * _FEAT_STRIDE + offv
            p0c = _clamp(p0_v[sl] * _FEAT_STRIDE + center)
            p1c = _clamp(p1_v[sl] * _FEAT_STRIDE + center)
            p0_v[sl] = p0c
            p1_v[sl] = p1c
            mp_v[sl] = (p0c + p1c) * 0.5
            cls_v[sl] = jnp.zeros((16,), jnp.float32)
            msv = ms_v[sl]
            gidx = lane + base
            bh = (p0c == maxwv) & (p1c == maxwv)
            bl = (p0c == 0.0) & (p1c == 0.0)
            updh = bh & (msv >= hs)
            hs = jnp.where(updh, msv, hs)
            hi = jnp.where(updh, gidx, hi)
            updl = bl & (msv >= ls)
            ls = jnp.where(updl, msv, ls)
            li = jnp.where(updl, gidx, li)
        return hs, hi, ls, li

    neg16 = jnp.full((16,), _NEG, jnp.float32)
    m1_16 = jnp.full((16,), -1, jnp.int32)
    hs, hi, ls, li = lax.fori_loop(0, nsup, pass_a,
                                   (neg16, m1_16, neg16, m1_16))
    hbest_s = jnp.max(hs)
    hbest_i = jnp.max(jnp.where(hs == hbest_s, hi, -1))
    lbest_s = jnp.max(ls)
    lbest_i = jnp.max(jnp.where(ls == lbest_s, li, -1))

    def pass_b(g, carry):
        base0 = g * 256
        acc = jnp.full((16,), _NEG, jnp.float32)
        for il in range(16):
            base = base0 + il * 16
            sl = pl.ds(base, 16)
            p0c = p0_v[sl]
            p1c = p1_v[sl]
            gidx = lane + base
            bh = (p0c == maxwv) & (p1c == maxwv)
            bl = (p0c == 0.0) & (p1c == 0.0)
            kill = (bh & (gidx != hbest_i)) | (bl & (gidx != lbest_i))
            msv = jnp.where(kill, jnp.float32(-1.0), ms_v[sl])
            ms_v[sl] = msv
            cm = jnp.max(msv)
            acc = jnp.where(lane == il, cm, acc)
        l1_v[pl.ds(g * 16, 16)] = acc
        return carry

    lax.fori_loop(0, nsup, pass_b, 0)

    acc0 = jnp.full((16,), _NEG, jnp.float32)
    acc1 = jnp.full((16,), _NEG, jnp.float32)
    for j in range(nsup):
        sm = jnp.max(l1_v[pl.ds(j * 16, 16)])
        if j < 16:
            acc0 = jnp.where(lane == j, sm, acc0)
        else:
            acc1 = jnp.where(lane == (j - 16), sm, acc1)
    l2_v[pl.ds(0, 16)] = acc0
    l2_v[pl.ds(16, 16)] = acc1

    zero16 = jnp.zeros((16,), jnp.float32)
    for q in range(4):
        sl = pl.ds(q * 16, 16)
        kept_v[sl] = jnp.full((16,), _SENT, jnp.float32)
        bp0_v[sl] = zero16
        bp1_v[sl] = zero16
        bs_v[sl] = zero16
        bv_v[sl] = zero16

    def cond(carry):
        kc, cont = carry
        return cont > 0

    def body(carry):
        kc, _ = carry
        v0 = l2_v[pl.ds(0, 16)]
        v1 = l2_v[pl.ds(16, 16)]
        upd = v1 >= v0
        accv = jnp.where(upd, v1, v0)
        accj = jnp.where(upd, lane + 16, lane)
        smax = jnp.max(accv)
        jsel = jnp.max(jnp.where(accv == smax, accj, -1))
        l1sl = pl.ds(jsel * 16, 16)
        l1v = l1_v[l1sl]
        clane = jnp.max(jnp.where(l1v == smax, lane, -1))
        ch = jsel * 16 + clane
        esl = pl.ds(ch * 16, 16)
        msv = ms_v[esl]
        lsel = jnp.max(jnp.where(msv == smax, lane, -1))
        valid = smax >= _SCORE_THRESH
        sel1 = lane == lsel
        m_e = jnp.max(jnp.where(sel1, mp_v[esl], _NEG))
        p0_e = jnp.max(jnp.where(sel1, p0_v[esl], _NEG))
        p1_e = jnp.max(jnp.where(sel1, p1_v[esl], _NEG))
        d01 = jnp.minimum(jnp.abs(kept_v[pl.ds(0, 16)] - m_e),
                          jnp.abs(kept_v[pl.ds(16, 16)] - m_e))
        d23 = jnp.minimum(jnp.abs(kept_v[pl.ds(32, 16)] - m_e),
                          jnp.abs(kept_v[pl.ds(48, 16)] - m_e))
        supp = jnp.min(jnp.minimum(d01, d23)) <= _DIST_THRESH
        dval = jnp.where(valid, jnp.float32(-1.0), smax)
        msv2 = jnp.where(sel1, dval, msv)
        ms_v[esl] = msv2
        ncm = jnp.max(msv2)
        l1v2 = jnp.where(lane == clane, ncm, l1v)
        l1_v[l1sl] = l1v2
        nsm = jnp.max(l1v2)
        jj = jsel // 16
        jl = jsel % 16
        l2sl = pl.ds(jj * 16, 16)
        l2c = l2_v[l2sl]
        l2_v[l2sl] = jnp.where(lane == jl, nsm, l2c)
        do_keep = valid & jnp.logical_not(supp)
        kchunk = kc // 16
        klane = kc % 16
        ksl = pl.ds(kchunk * 16, 16)
        ksel = lane == klane
        kept_v[ksl] = jnp.where(ksel, jnp.where(do_keep, m_e, _SENT), kept_v[ksl])
        bp0_v[ksl] = jnp.where(ksel, jnp.where(do_keep, p0_e, 0.0), bp0_v[ksl])
        bp1_v[ksl] = jnp.where(ksel, jnp.where(do_keep, p1_e, 0.0), bp1_v[ksl])
        bs_v[ksl] = jnp.where(ksel, jnp.where(do_keep, smax, 0.0), bs_v[ksl])
        bv_v[ksl] = jnp.where(ksel, jnp.where(do_keep, 1.0, 0.0), bv_v[ksl])
        col_f = m_e * (1.0 / _FEAT_STRIDE)
        col_i = col_f.astype(jnp.int32)
        col_i = col_i - jnp.where(col_i.astype(jnp.float32) > col_f, 1, 0)
        colk = jnp.where(m_e < 0.0, jnp.int32(-1), col_i)
        cc = jnp.maximum(colk, 0) // 16
        cl = colk - cc * 16
        gate = jnp.where(do_keep, jnp.float32(1.0), jnp.float32(0.0))
        csl = pl.ds(cc * 16, 16)
        cv = cls_v[csl]
        cls_v[csl] = cv + jnp.where(lane == cl, gate, 0.0)

        @pl.when(do_keep)
        def _eager():
            for dd in range(-1, 2):
                cq = jnp.clip(cc + dd, 0, nchunk - 1)
                slq = pl.ds(cq * 16, 16)
                hit = jnp.abs(mp_v[slq] - m_e) <= _DIST_THRESH
                msq = jnp.where(hit, jnp.float32(-1.0), ms_v[slq])
                ms_v[slq] = msq
                cmq = jnp.max(msq)
                gq = cq // 16
                lq = cq % 16
                l1q = pl.ds(gq * 16, 16)
                l1g = jnp.where(lane == lq, cmq, l1_v[l1q])
                l1_v[l1q] = l1g
                nsq = jnp.max(l1g)
                jjq = gq // 16
                jlq = gq % 16
                l2q = pl.ds(jjq * 16, 16)
                l2_v[l2q] = jnp.where(lane == jlq, nsq, l2_v[l2q])

        kc2 = kc + jnp.where(do_keep, 1, 0)
        cont = jnp.where(valid & (kc2 < _MAX_OUT), 1, 0)
        return (kc2, cont)

    lax.while_loop(cond, body, (jnp.int32(0), jnp.int32(1)))


def _sc_body(scores_hbm, d0_hbm, d1_hbm, off_hbm, maxw_hbm,
             p0_hbm, p1_hbm, s_out_hbm, v_hbm, cls_hbm,
             ms_v, mp_v, p0_v, p1_v, l1_v, l2_v, kept_v,
             bp0_v, bp1_v, bs_v, bv_v, cls_v, off_v, maxw_v):
    c_id = lax.axis_index("c")
    s_id = lax.axis_index("s")
    row = s_id
    B = scores_hbm.shape[0]

    @pl.when((c_id == 0) & (s_id < B))
    def _worker():
        pltpu.sync_copy(scores_hbm.at[row], ms_v)
        pltpu.sync_copy(d0_hbm.at[row], p0_v)
        pltpu.sync_copy(d1_hbm.at[row], p1_v)
        pltpu.sync_copy(off_hbm.at[row], off_v)
        pltpu.sync_copy(maxw_hbm.at[row], maxw_v)
        _worker_impl(off_v[...], maxw_v[...],
                     ms_v, mp_v, p0_v, p1_v, l1_v, l2_v, kept_v,
                     bp0_v, bp1_v, bs_v, bv_v, cls_v)
        pltpu.sync_copy(bp0_v, p0_hbm.at[row])
        pltpu.sync_copy(bp1_v, p1_hbm.at[row])
        pltpu.sync_copy(bs_v, s_out_hbm.at[row])
        pltpu.sync_copy(bv_v, v_hbm.at[row])
        pltpu.sync_copy(cls_v, cls_hbm.at[row])


@functools.lru_cache(maxsize=None)
def _make_sc(B, FW):
    mesh = plsc.VectorSubcoreMesh(core_axis_name="c", subcore_axis_name="s",
                                  num_cores=2, num_subcores=16)
    f32 = jnp.float32
    sc_call = pl.kernel(
        _sc_body,
        out_type=[
            jax.ShapeDtypeStruct((B, _OUT_PAD), f32),
            jax.ShapeDtypeStruct((B, _OUT_PAD), f32),
            jax.ShapeDtypeStruct((B, _OUT_PAD), f32),
            jax.ShapeDtypeStruct((B, _OUT_PAD), f32),
            jax.ShapeDtypeStruct((B, FW), f32),
        ],
        mesh=mesh,
        scratch_types=[
            pltpu.VMEM((FW,), f32),
            pltpu.VMEM((FW,), f32),
            pltpu.VMEM((FW,), f32),
            pltpu.VMEM((FW,), f32),
            pltpu.VMEM((FW // 16,), f32),
            pltpu.VMEM((32,), f32),
            pltpu.VMEM((_OUT_PAD,), f32),
            pltpu.VMEM((_OUT_PAD,), f32),
            pltpu.VMEM((_OUT_PAD,), f32),
            pltpu.VMEM((_OUT_PAD,), f32),
            pltpu.VMEM((_OUT_PAD,), f32),
            pltpu.VMEM((FW,), f32),
            pltpu.VMEM((16,), f32),
            pltpu.VMEM((16,), f32),
        ],
        compiler_params=pltpu.CompilerParams(needs_layout_passes=False),
    )
    return jax.jit(sc_call)


def kernel(pred_cls_logit, pred_delta, img_width, real_images_width):
    B, FW = pred_cls_logit.shape
    scores = jax.nn.sigmoid(pred_cls_logit)
    d0 = pred_delta[..., 0]
    d1 = pred_delta[..., 1]
    off = (jnp.asarray(img_width) - FW * 16).astype(jnp.float32)
    off_b = jnp.broadcast_to(jnp.reshape(off, (1, 1)), (B, 16))
    maxw_b = jnp.broadcast_to(
        (jnp.asarray(real_images_width, jnp.float32) - 1.0).reshape(B, 1), (B, 16))
    P0, P1, S, V, cls = _make_sc(B, FW)(scores, d0, d1, off_b, maxw_b)
    P0, P1, S, V = (a[:, :_MAX_OUT] for a in (P0, P1, S, V))
    nms_positions = jnp.stack([P0, P1, V], axis=-1)
    nms_scores = jnp.stack([S, V], axis=-1)
    return nms_positions, nms_scores, cls

# --- scband reference (transcript-rebuilt; emitter-appended) ---
"""Pipeline reference for scband-extract-split-position-41420664603030 (READ-ONLY COPY).

The authoritative reference and input builder live on the scoring server;
editing this copy changes nothing except your own understanding.
"""

import jax, jax.numpy as jnp
import numpy as np

FEAT_STRIDE = 16
SCORE_THRESH = 0.7
DIST_THRESH = 16.0
MAX_OUT = 50
B = 8
IMG_W = 81920
FW = IMG_W // FEAT_STRIDE


def setup_inputs(seed: int = 0):
    key = jax.random.key(seed)
    k1, k2, k3 = jax.random.split(key, 3)
    return {
        "pred_cls_logit": jax.random.normal(k1, (B, FW), dtype=jnp.float32),
        "pred_delta": jax.random.normal(k2, (B, FW, 2), dtype=jnp.float32),
        "img_width": IMG_W,
        "real_images_width": jax.random.randint(k3, (B,), 0, IMG_W).astype(jnp.float32),
    }


def _pad_fixed(x, size):
    n = x.shape[0]
    x = np.concatenate([x, np.ones((n, 1), dtype=np.float32)], axis=1)
    if n < size:
        x = np.concatenate([x, np.zeros((size - n, x.shape[1]), dtype=np.float32)], axis=0)
    return x[:size]


def _nms_np(positions, scores):
    idx = np.where(scores >= SCORE_THRESH)[0]
    s = scores[idx]
    p = positions[idx]
    order = np.argsort(s)[::-1]
    s = s[order]
    p = p[order]
    ks = []
    kp = []
    while s.shape[0] > 0:
        ks.append(s[0])
        kp.append(p[0])
        d = p[1:].mean(axis=1) - p[0].mean()
        keep = np.where(np.abs(d) > DIST_THRESH)[0] + 1
        s = s[keep]
        p = p[keep]
    kp = np.asarray(kp, dtype=np.float32).reshape(-1, 2)
    ks = np.asarray(ks, dtype=np.float32).reshape(-1, 1)
    return _pad_fixed(kp, MAX_OUT), _pad_fixed(ks, MAX_OUT)


def _nms_fixed(positions, scores):
    n = scores.shape[0]
    order = jnp.argsort(scores, stable=True)[::-1]
    s = scores[order]
    p = positions[order]
    m = jnp.mean(p, axis=1)
    valid = s >= SCORE_THRESH
    ar = jnp.arange(n)

    def body(i, carry):
        removed, keep = carry
        active = valid[i] & jnp.logical_not(removed[i])
        keep = keep.at[i].set(active)
        supp = (jnp.abs(m - m[i]) <= DIST_THRESH) & (ar > i)
        removed = jnp.where(active, removed | supp, removed)
        return removed, keep

    removed0 = jnp.zeros((n,), dtype=bool)
    keep0 = jnp.zeros((n,), dtype=bool)
    _, keep = jax.lax.fori_loop(0, n, body, (removed0, keep0))
    rank = jnp.cumsum(keep.astype(jnp.int32)) - 1
    idx = jnp.where(keep & (rank < MAX_OUT), rank, MAX_OUT)
    one = jnp.ones((n, 1), dtype=jnp.float32)
    p_aug = jnp.concatenate([p, one], axis=1)
    s_aug = jnp.concatenate([s[:, None], one], axis=1)
    out_p = jnp.zeros((MAX_OUT + 1, 3), dtype=jnp.float32).at[idx].set(p_aug)[:MAX_OUT]
    out_s = jnp.zeros((MAX_OUT + 1, 2), dtype=jnp.float32).at[idx].set(s_aug)[:MAX_OUT]
    return out_p, out_s


def reference(pred_cls_logit, pred_delta, img_width, real_images_width):
    feat_width = pred_cls_logit.shape[1]
    img_offset = (jnp.asarray(img_width) - feat_width * FEAT_STRIDE).astype(jnp.float32)
    center = (jnp.arange(feat_width, dtype=jnp.float32) + 0.5) * FEAT_STRIDE
    center = jnp.tile(center[:, None], (1, 2))[None, ...] + img_offset
    pos = pred_delta * FEAT_STRIDE + center
    scores = jax.nn.sigmoid(pred_cls_logit)
    max_w = real_images_width[:, None, None] - 1.0
    pos = jnp.where(pos < 0.0, 0.0, pos)
    pos = jnp.where(pos > max_w, max_w, pos)
    nms_positions, nms_scores = jax.vmap(_nms_fixed)(pos, scores)
    nms_center = jnp.mean(nms_positions[..., :2], axis=2)
    x_num = jnp.floor(nms_center / FEAT_STRIDE)
    valid = nms_positions[..., 2] == 1.0
    xn = x_num.astype(jnp.int32)
    batch = pos.shape[0]
    col = jnp.where(valid, xn, feat_width)
    row = jnp.broadcast_to(jnp.arange(batch)[:, None], col.shape)
    cls_ids = jnp.zeros((batch, feat_width + 1), dtype=jnp.float32)
    cls_ids = cls_ids.at[(row, col)].add(1.0)[:, :feat_width]
    return nms_positions, nms_scores, cls_ids

if __name__ == "__main__":
    import jax
    _d = setup_inputs()
    print(jax.jit(kernel)(*tuple(_d.values())))

</pallas_src>

<mosaic_0001>
#map = affine_map<(d0, d1) -> (0, 0)>
module attributes {stable_mosaic.version = 14 : i64} {
  func.func @_sc_body(%arg0: i32, %arg1: i32, %arg2: memref<8x5120xf32, #tpu.memory_space<hbm>>, %arg3: memref<8x5120xf32, #tpu.memory_space<hbm>>, %arg4: memref<8x5120xf32, #tpu.memory_space<hbm>>, %arg5: memref<8x16xf32, #tpu.memory_space<hbm>>, %arg6: memref<8x16xf32, #tpu.memory_space<hbm>>, %arg7: memref<8x64xf32, #tpu.memory_space<hbm>>, %arg8: memref<8x64xf32, #tpu.memory_space<hbm>>, %arg9: memref<8x64xf32, #tpu.memory_space<hbm>>, %arg10: memref<8x64xf32, #tpu.memory_space<hbm>>, %arg11: memref<8x5120xf32, #tpu.memory_space<hbm>>, %arg12: memref<5120xf32, #tpu.memory_space<vmem>>, %arg13: memref<5120xf32, #tpu.memory_space<vmem>>, %arg14: memref<5120xf32, #tpu.memory_space<vmem>>, %arg15: memref<5120xf32, #tpu.memory_space<vmem>>, %arg16: memref<320xf32, #tpu.memory_space<vmem>>, %arg17: memref<32xf32, #tpu.memory_space<vmem>>, %arg18: memref<64xf32, #tpu.memory_space<vmem>>, %arg19: memref<64xf32, #tpu.memory_space<vmem>>, %arg20: memref<64xf32, #tpu.memory_space<vmem>>, %arg21: memref<64xf32, #tpu.memory_space<vmem>>, %arg22: memref<64xf32, #tpu.memory_space<vmem>>, %arg23: memref<5120xf32, #tpu.memory_space<vmem>>, %arg24: memref<16xf32, #tpu.memory_space<vmem>>, %arg25: memref<16xf32, #tpu.memory_space<vmem>>) attributes {dimension_semantics = [#tpu.dimension_semantics<core_parallel>, #tpu.dimension_semantics<subcore_parallel>], iteration_bounds = array<i64: 2, 16>, scalar_prefetch = 0 : i64, scratch_operands = 14 : i64, tpu.core_type = #tpu.core_type<sc_vector_subcore>, window_params = [{transform_indices = #map}, {transform_indices = #map}, {transform_indices = #map}, {transform_indices = #map}, {transform_indices = #map}, {transform_indices = #map}, {transform_indices = #map}, {transform_indices = #map}, {transform_indices = #map}, {transform_indices = #map}]} {
    %eq3A = arith.constant 0 : i32
    %eq3A_0 = arith.cmpi eq, %arg0, %eq3A : i32
    %lt3A = arith.constant 8 : i32
    %lt3A_1 = arith.cmpi slt, %arg1, %lt3A : i32
    %and3A = arith.andi %eq3A_0, %lt3A_1 : i1
    %convert_element_type3A = arith.extui %and3A : i1 to i32
    %cond3A = arith.constant 0 : i32
    %cond3A_2 = arith.cmpi ne, %convert_element_type3A, %cond3A : i32
    scf.if %cond3A_2 {
      "tpu.region"() ({
        %run_scoped3A = tpu.sem_alloc : memref<!tpu.dma_semaphore, #tpu.memory_space<semaphore_mem>>
        %dma_start3A = arith.constant 0 : i32
        %dma_start3A_330 = tpu.memref_slice %arg2[%arg1, %dma_start3A] : memref<8x5120xf32, #tpu.memory_space<hbm>> -> memref<1x5120xf32, #tpu.memory_space<hbm>>
        %dma_start3A_331 = tpu.memref_squeeze %dma_start3A_330 : memref<1x5120xf32, #tpu.memory_space<hbm>> -> memref<5120xf32, #tpu.memory_space<hbm>>
        %dma_start3A_332 = arith.constant 0 : i32
        %dma_start3A_333 = tpu.memref_slice %arg2[%arg1, %dma_start3A_332] : memref<8x5120xf32, #tpu.memory_space<hbm>> -> memref<1x5120xf32, #tpu.memory_space<hbm>>
        %dma_start3A_334 = tpu.memref_squeeze %dma_start3A_333 : memref<1x5120xf32, #tpu.memory_space<hbm>> -> memref<5120xf32, #tpu.memory_space<hbm>>
        tpu.enqueue_dma source(%dma_start3A_334 : memref<5120xf32, #tpu.memory_space<hbm>>) target(%arg12 : memref<5120xf32, #tpu.memory_space<vmem>>) target_semaphore(%run_scoped3A : memref<!tpu.dma_semaphore, #tpu.memory_space<semaphore_mem>>)
        %dma_wait3A = arith.constant 0 : i32
        %dma_wait3A_335 = tpu.memref_slice %arg2[%arg1, %dma_wait3A] : memref<8x5120xf32, #tpu.memory_space<hbm>> -> memref<1x5120xf32, #tpu.memory_space<hbm>>
        %dma_wait3A_336 = tpu.memref_squeeze %dma_wait3A_335 : memref<1x5120xf32, #tpu.memory_space<hbm>> -> memref<5120xf32, #tpu.memory_space<hbm>>
        %dma_wait3A_337 = arith.constant 0 : i32
        %dma_wait3A_338 = tpu.memref_slice %arg2[%arg1, %dma_wait3A_337] : memref<8x5120xf32, #tpu.memory_space<hbm>> -> memref<1x5120xf32, #tpu.memory_space<hbm>>
        %dma_wait3A_339 = tpu.memref_squeeze %dma_wait3A_338 : memref<1x5120xf32, #tpu.memory_space<hbm>> -> memref<5120xf32, #tpu.memory_space<hbm>>
        tpu.wait_dma2 semaphore(%run_scoped3A : memref<!tpu.dma_semaphore, #tpu.memory_space<semaphore_mem>>) src(%dma_wait3A_339 : memref<5120xf32, #tpu.memory_space<hbm>>) dst(%arg12 : memref<5120xf32, #tpu.memory_space<vmem>>)
        tpu.yield
      }) : () -> ()
      "tpu.region"() ({
        %run_scoped3A = tpu.sem_alloc : memref<!tpu.dma_semaphore, #tpu.memory_space<semaphore_mem>>
        %dma_start3A = arith.constant 0 : i32
        %dma_start3A_330 = tpu.memref_slice %arg3[%arg1, %dma_start3A] : memref<8x5120xf32, #tpu.memory_space<hbm>> -> memref<1x5120xf32, #tpu.memory_space<hbm>>
        %dma_start3A_331 = tpu.memref_squeeze %dma_start3A_330 : memref<1x5120xf32, #tpu.memory_space<hbm>> -> memref<5120xf32, #tpu.memory_space<hbm>>
        %dma_start3A_332 = arith.constant 0 : i32
        %dma_start3A_333 = tpu.memref_slice %arg3[%arg1, %dma_start3A_332] : memref<8x5120xf32, #tpu.memory_space<hbm>> -> memref<1x5120xf32, #tpu.memory_space<hbm>>
        %dma_start3A_334 = tpu.memref_squeeze %dma_start3A_333 : memref<1x5120xf32, #tpu.memory_space<hbm>> -> memref<5120xf32, #tpu.memory_space<hbm>>
        tpu.enqueue_dma source(%dma_start3A_334 : memref<5120xf32, #tpu.memory_space<hbm>>) target(%arg14 : memref<5120xf32, #tpu.memory_space<vmem>>) target_semaphore(%run_scoped3A : memref<!tpu.dma_semaphore, #tpu.memory_space<semaphore_mem>>)
        %dma_wait3A = arith.constant 0 : i32
        %dma_wait3A_335 = tpu.memref_slice %arg3[%arg1, %dma_wait3A] : memref<8x5120xf32, #tpu.memory_space<hbm>> -> memref<1x5120xf32, #tpu.memory_space<hbm>>
        %dma_wait3A_336 = tpu.memref_squeeze %dma_wait3A_335 : memref<1x5120xf32, #tpu.memory_space<hbm>> -> memref<5120xf32, #tpu.memory_space<hbm>>
        %dma_wait3A_337 = arith.constant 0 : i32
        %dma_wait3A_338 = tpu.memref_slice %arg3[%arg1, %dma_wait3A_337] : memref<8x5120xf32, #tpu.memory_space<hbm>> -> memref<1x5120xf32, #tpu.memory_space<hbm>>
        %dma_wait3A_339 = tpu.memref_squeeze %dma_wait3A_338 : memref<1x5120xf32, #tpu.memory_space<hbm>> -> memref<5120xf32, #tpu.memory_space<hbm>>
        tpu.wait_dma2 semaphore(%run_scoped3A : memref<!tpu.dma_semaphore, #tpu.memory_space<semaphore_mem>>) src(%dma_wait3A_339 : memref<5120xf32, #tpu.memory_space<hbm>>) dst(%arg14 : memref<5120xf32, #tpu.memory_space<vmem>>)
        tpu.yield
      }) : () -> ()
      "tpu.region"() ({
        %run_scoped3A = tpu.sem_alloc : memref<!tpu.dma_semaphore, #tpu.memory_space<semaphore_mem>>
        %dma_start3A = arith.constant 0 : i32
        %dma_start3A_330 = tpu.memref_slice %arg4[%arg1, %dma_start3A] : memref<8x5120xf32, #tpu.memory_space<hbm>> -> memref<1x5120xf32, #tpu.memory_space<hbm>>
        %dma_start3A_331 = tpu.memref_squeeze %dma_start3A_330 : memref<1x5120xf32, #tpu.memory_space<hbm>> -> memref<5120xf32, #tpu.memory_space<hbm>>
        %dma_start3A_332 = arith.constant 0 : i32
        %dma_start3A_333 = tpu.memref_slice %arg4[%arg1, %dma_start3A_332] : memref<8x5120xf32, #tpu.memory_space<hbm>> -> memref<1x5120xf32, #tpu.memory_space<hbm>>
        %dma_start3A_334 = tpu.memref_squeeze %dma_start3A_333 : memref<1x5120xf32, #tpu.memory_space<hbm>> -> memref<5120xf32, #tpu.memory_space<hbm>>
        tpu.enqueue_dma source(%dma_start3A_334 : memref<5120xf32, #tpu.memory_space<hbm>>) target(%arg15 : memref<5120xf32, #tpu.memory_space<vmem>>) target_semaphore(%run_scoped3A : memref<!tpu.dma_semaphore, #tpu.memory_space<semaphore_mem>>)
        %dma_wait3A = arith.constant 0 : i32
        %dma_wait3A_335 = tpu.memref_slice %arg4[%arg1, %dma_wait3A] : memref<8x5120xf32, #tpu.memory_space<hbm>> -> memref<1x5120xf32, #tpu.memory_space<hbm>>
        %dma_wait3A_336 = tpu.memref_squeeze %dma_wait3A_335 : memref<1x5120xf32, #tpu.memory_space<hbm>> -> memref<5120xf32, #tpu.memory_space<hbm>>
        %dma_wait3A_337 = arith.constant 0 : i32
        %dma_wait3A_338 = tpu.memref_slice %arg4[%arg1, %dma_wait3A_337] : memref<8x5120xf32, #tpu.memory_space<hbm>> -> memref<1x5120xf32, #tpu.memory_space<hbm>>
        %dma_wait3A_339 = tpu.memref_squeeze %dma_wait3A_338 : memref<1x5120xf32, #tpu.memory_space<hbm>> -> memref<5120xf32, #tpu.memory_space<hbm>>
        tpu.wait_dma2 semaphore(%run_scoped3A : memref<!tpu.dma_semaphore, #tpu.memory_space<semaphore_mem>>) src(%dma_wait3A_339 : memref<5120xf32, #tpu.memory_space<hbm>>) dst(%arg15 : memref<5120xf32, #tpu.memory_space<vmem>>)
        tpu.yield
      }) : () -> ()
      "tpu.region"() ({
        %run_scoped3A = tpu.sem_alloc : memref<!tpu.dma_semaphore, #tpu.memory_space<semaphore_mem>>
        %dma_start3A = arith.constant 0 : i32
        %dma_start3A_330 = tpu.memref_slice %arg5[%arg1, %dma_start3A] : memref<8x16xf32, #tpu.memory_space<hbm>> -> memref<1x16xf32, #tpu.memory_space<hbm>>
        %dma_start3A_331 = tpu.memref_squeeze %dma_start3A_330 : memref<1x16xf32, #tpu.memory_space<hbm>> -> memref<16xf32, #tpu.memory_space<hbm>>
        %dma_start3A_332 = arith.constant 0 : i32
        %dma_start3A_333 = tpu.memref_slice %arg5[%arg1, %dma_start3A_332] : memref<8x16xf32, #tpu.memory_space<hbm>> -> memref<1x16xf32, #tpu.memory_space<hbm>>
        %dma_start3A_334 = tpu.memref_squeeze %dma_start3A_333 : memref<1x16xf32, #tpu.memory_space<hbm>> -> memref<16xf32, #tpu.memory_space<hbm>>
        tpu.enqueue_dma source(%dma_start3A_334 : memref<16xf32, #tpu.memory_space<hbm>>) target(%arg24 : memref<16xf32, #tpu.memory_space<vmem>>) target_semaphore(%run_scoped3A : memref<!tpu.dma_semaphore, #tpu.memory_space<semaphore_mem>>)
        %dma_wait3A = arith.constant 0 : i32
        %dma_wait3A_335 = tpu.memref_slice %arg5[%arg1, %dma_wait3A] : memref<8x16xf32, #tpu.memory_space<hbm>> -> memref<1x16xf32, #tpu.memory_space<hbm>>
        %dma_wait3A_336 = tpu.memref_squeeze %dma_wait3A_335 : memref<1x16xf32, #tpu.memory_space<hbm>> -> memref<16xf32, #tpu.memory_space<hbm>>
        %dma_wait3A_337 = arith.constant 0 : i32
        %dma_wait3A_338 = tpu.memref_slice %arg5[%arg1, %dma_wait3A_337] : memref<8x16xf32, #tpu.memory_space<hbm>> -> memref<1x16xf32, #tpu.memory_space<hbm>>
        %dma_wait3A_339 = tpu.memref_squeeze %dma_wait3A_338 : memref<1x16xf32, #tpu.memory_space<hbm>> -> memref<16xf32, #tpu.memory_space<hbm>>
        tpu.wait_dma2 semaphore(%run_scoped3A : memref<!tpu.dma_semaphore, #tpu.memory_space<semaphore_mem>>) src(%dma_wait3A_339 : memref<16xf32, #tpu.memory_space<hbm>>) dst(%arg24 : memref<16xf32, #tpu.memory_space<vmem>>)
        tpu.yield
      }) : () -> ()
      "tpu.region"() ({
        %run_scoped3A = tpu.sem_alloc : memref<!tpu.dma_semaphore, #tpu.memory_space<semaphore_mem>>
        %dma_start3A = arith.constant 0 : i32
        %dma_start3A_330 = tpu.memref_slice %arg6[%arg1, %dma_start3A] : memref<8x16xf32, #tpu.memory_space<hbm>> -> memref<1x16xf32, #tpu.memory_space<hbm>>
        %dma_start3A_331 = tpu.memref_squeeze %dma_start3A_330 : memref<1x16xf32, #tpu.memory_space<hbm>> -> memref<16xf32, #tpu.memory_space<hbm>>
        %dma_start3A_332 = arith.constant 0 : i32
        %dma_start3A_333 = tpu.memref_slice %arg6[%arg1, %dma_start3A_332] : memref<8x16xf32, #tpu.memory_space<hbm>> -> memref<1x16xf32, #tpu.memory_space<hbm>>
        %dma_start3A_334 = tpu.memref_squeeze %dma_start3A_333 : memref<1x16xf32, #tpu.memory_space<hbm>> -> memref<16xf32, #tpu.memory_space<hbm>>
        tpu.enqueue_dma source(%dma_start3A_334 : memref<16xf32, #tpu.memory_space<hbm>>) target(%arg25 : memref<16xf32, #tpu.memory_space<vmem>>) target_semaphore(%run_scoped3A : memref<!tpu.dma_semaphore, #tpu.memory_space<semaphore_mem>>)
        %dma_wait3A = arith.constant 0 : i32
        %dma_wait3A_335 = tpu.memref_slice %arg6[%arg1, %dma_wait3A] : memref<8x16xf32, #tpu.memory_space<hbm>> -> memref<1x16xf32, #tpu.memory_space<hbm>>
        %dma_wait3A_336 = tpu.memref_squeeze %dma_wait3A_335 : memref<1x16xf32, #tpu.memory_space<hbm>> -> memref<16xf32, #tpu.memory_space<hbm>>
        %dma_wait3A_337 = arith.constant 0 : i32
        %dma_wait3A_338 = tpu.memref_slice %arg6[%arg1, %dma_wait3A_337] : memref<8x16xf32, #tpu.memory_space<hbm>> -> memref<1x16xf32, #tpu.memory_space<hbm>>
        %dma_wait3A_339 = tpu.memref_squeeze %dma_wait3A_338 : memref<1x16xf32, #tpu.memory_space<hbm>> -> memref<16xf32, #tpu.memory_space<hbm>>
        tpu.wait_dma2 semaphore(%run_scoped3A : memref<!tpu.dma_semaphore, #tpu.memory_space<semaphore_mem>>) src(%dma_wait3A_339 : memref<16xf32, #tpu.memory_space<hbm>>) dst(%arg25 : memref<16xf32, #tpu.memory_space<vmem>>)
        tpu.yield
      }) : () -> ()
      %get3A = arith.constant 0 : index
      %get3A_3 = tpu.vector_load %arg24[%get3A] {strides = array<i32>} : memref<16xf32, #tpu.memory_space<vmem>>, vector<16xf32>,
      %get3A_4 = arith.constant 0 : index
      %get3A_5 = tpu.vector_load %arg25[%get3A_4] {strides = array<i32>} : memref<16xf32, #tpu.memory_space<vmem>>, vector<16xf32>,
      %iota3A = tpu.iota {dimensions = array<i32: 0>} : vector<16xi32>
      %broadcast_in_dim3A = arith.constant -3.000000e+38 : f32
      %broadcast_in_dim3A_6 = vector.broadcast %broadcast_in_dim3A : f32 to vector<16xf32>
      %broadcast_in_dim3A_7 = arith.constant -1 : i32
      %broadcast_in_dim3A_8 = vector.broadcast %broadcast_in_dim3A_7 : i32 to vector<16xi32>
      %scan3A = arith.constant 0 : i32
      %scan3A_9 = arith.constant 20 : i32
      %scan3A_10 = arith.addi %scan3A, %scan3A_9 : i32
      %scan3A_11 = arith.constant 1 : i32
      %scan3A_12:4 = scf.for %scan3A_330 = %scan3A to %scan3A_10 step %scan3A_11 iter_args(%scan3A_331 = %broadcast_in_dim3A_6, %scan3A_332 = %broadcast_in_dim3A_8, %scan3A_333 = %broadcast_in_dim3A_6, %scan3A_334 = %broadcast_in_dim3A_8) -> (vector<16xf32>, vector<16xi32>, vector<16xf32>, vector<16xi32>)  : i32 {
        %mul3A = arith.constant 256 : i32
        %mul3A_335 = arith.muli %scan3A_330, %mul3A : i32
        %add3A = arith.constant 0 : i32
        %add3A_336 = arith.addi %mul3A_335, %add3A : i32
        %add3A_337 = vector.broadcast %add3A_336 : i32 to vector<16xi32>
        %add3A_338 = arith.addi %iota3A, %add3A_337 : vector<16xi32>
        %convert_element_type3A_339 = arith.sitofp %add3A_338 : vector<16xi32> to vector<16xf32>
        %add3A_340 = arith.constant 5.000000e-01 : f32
        %add3A_341 = vector.broadcast %add3A_340 : f32 to vector<16xf32>
        %add3A_342 = arith.addf %convert_element_type3A_339, %add3A_341 : vector<16xf32>
        %mul3A_343 = arith.constant 1.600000e+01 : f32
        %mul3A_344 = vector.broadcast %mul3A_343 : f32 to vector<16xf32>
        %mul3A_345 = arith.mulf %add3A_342, %mul3A_344 : vector<16xf32>
        %add3A_346 = arith.addf %mul3A_345, %get3A_3 : vector<16xf32>
        %get3A_347 = arith.index_cast %add3A_336 : i32 to index
        %get3A_348 = tpu.vector_load %arg14[%get3A_347] {strides = array<i32>} : memref<5120xf32, #tpu.memory_space<vmem>>, vector<16xf32>,
        %mul3A_349 = arith.constant 1.600000e+01 : f32
        %mul3A_350 = vector.broadcast %mul3A_349 : f32 to vector<16xf32>
        %mul3A_351 = arith.mulf %get3A_348, %mul3A_350 : vector<16xf32>
        %add3A_352 = arith.addf %mul3A_351, %add3A_346 : vector<16xf32>
        %lt3A_353 = arith.constant 0.000000e+00 : f32
        %lt3A_354 = vector.broadcast %lt3A_353 : f32 to vector<16xf32>
        %lt3A_355 = arith.cmpf olt, %add3A_352, %lt3A_354 : vector<16xf32>
        %jit3A_356 = arith.constant 0.000000e+00 : f32
        %broadcast_in_dim3A_357 = vector.broadcast %jit3A_356 : f32 to vector<16xf32>
        %select_n3A_358 = arith.select %lt3A_355, %broadcast_in_dim3A_357, %add3A_352 : vector<16xi1>, vector<16xf32>
        %gt3A = arith.cmpf ogt, %select_n3A_358, %get3A_5 : vector<16xf32>
        %select_n3A_359 = arith.select %gt3A, %get3A_5, %select_n3A_358 : vector<16xi1>, vector<16xf32>
        %get3A_360 = arith.index_cast %add3A_336 : i32 to index
        %get3A_361 = tpu.vector_load %arg15[%get3A_360] {strides = array<i32>} : memref<5120xf32, #tpu.memory_space<vmem>>, vector<16xf32>,
        %mul3A_362 = arith.constant 1.600000e+01 : f32
        %mul3A_363 = vector.broadcast %mul3A_362 : f32 to vector<16xf32>
        %mul3A_364 = arith.mulf %get3A_361, %mul3A_363 : vector<16xf32>
        %add3A_365 = arith.addf %mul3A_364, %add3A_346 : vector<16xf32>
        %lt3A_366 = arith.constant 0.000000e+00 : f32
        %lt3A_367 = vector.broadcast %lt3A_366 : f32 to vector<16xf32>
        %lt3A_368 = arith.cmpf olt, %add3A_365, %lt3A_367 : vector<16xf32>
        %jit3A_369 = arith.constant 0.000000e+00 : f32
        %broadcast_in_dim3A_370 = vector.broadcast %jit3A_369 : f32 to vector<16xf32>
        %select_n3A_371 = arith.select %lt3A_368, %broadcast_in_dim3A_370, %add3A_365 : vector<16xi1>, vector<16xf32>
        %gt3A_372 = arith.cmpf ogt, %select_n3A_371, %get3A_5 : vector<16xf32>
        %select_n3A_373 = arith.select %gt3A_372, %get3A_5, %select_n3A_371 : vector<16xi1>, vector<16xf32>
        %swap3A_374 = arith.index_cast %add3A_336 : i32 to index
        %swap3A_375 = tpu.vector_load %arg14[%swap3A_374] {strides = array<i32>} : memref<5120xf32, #tpu.memory_space<vmem>>, vector<16xf32>,
        tpu.vector_store %arg14[%swap3A_374], %select_n3A_359 {strides = array<i32>} : memref<5120xf32, #tpu.memory_space<vmem>>, vector<16xf32>,
        %swap3A_376 = arith.index_cast %add3A_336 : i32 to index
        %swap3A_377 = tpu.vector_load %arg15[%swap3A_376] {strides = array<i32>} : memref<5120xf32, #tpu.memory_space<vmem>>, vector<16xf32>,
        tpu.vector_store %arg15[%swap3A_376], %select_n3A_373 {strides = array<i32>} : memref<5120xf32, #tpu.memory_space<vmem>>, vector<16xf32>,
        %add3A_378 = arith.addf %select_n3A_359, %select_n3A_373 : vector<16xf32>
        %mul3A_379 = arith.constant 5.000000e-01 : f32
        %mul3A_380 = vector.broadcast %mul3A_379 : f32 to vector<16xf32>
        %mul3A_381 = arith.mulf %add3A_378, %mul3A_380 : vector<16xf32>
        %swap3A_382 = arith.index_cast %add3A_336 : i32 to index
        %swap3A_383 = tpu.vector_load %arg13[%swap3A_382] {strides = array<i32>} : memref<5120xf32, #tpu.memory_space<vmem>>, vector<16xf32>,
        tpu.vector_store %arg13[%swap3A_382], %mul3A_381 {strides = array<i32>} : memref<5120xf32, #tpu.memory_space<vmem>>, vector<16xf32>,
        %broadcast_in_dim3A_384 = arith.constant 0.000000e+00 : f32
        %broadcast_in_dim3A_385 = vector.broadcast %broadcast_in_dim3A_384 : f32 to vector<16xf32>
        %swap3A_386 = arith.index_cast %add3A_336 : i32 to index
        %swap3A_387 = tpu.vector_load %arg23[%swap3A_386] {strides = array<i32>} : memref<5120xf32, #tpu.memory_space<vmem>>, vector<16xf32>,
        tpu.vector_store %arg23[%swap3A_386], %broadcast_in_dim3A_385 {strides = array<i32>} : memref<5120xf32, #tpu.memory_space<vmem>>, vector<16xf32>,
        %get3A_388 = arith.index_cast %add3A_336 : i32 to index
        %get3A_389 = tpu.vector_load %arg12[%get3A_388] {strides = array<i32>} : memref<5120xf32, #tpu.memory_space<vmem>>, vector<16xf32>,
        %add3A_390 = vector.broadcast %add3A_336 : i32 to vector<16xi32>
        %add3A_391 = arith.addi %iota3A, %add3A_390 : vector<16xi32>
        %eq3A_392 = arith.cmpf oeq, %select_n3A_359, %get3A_5 : vector<16xf32>
        %eq3A_393 = arith.cmpf oeq, %select_n3A_373, %get3A_5 : vector<16xf32>
        %and3A_394 = arith.andi %eq3A_392, %eq3A_393 : vector<16xi1>
        %eq3A_395 = arith.constant 0.000000e+00 : f32
        %eq3A_396 = vector.broadcast %eq3A_395 : f32 to vector<16xf32>
        %eq3A_397 = arith.cmpf oeq, %select_n3A_359, %eq3A_396 : vector<16xf32>
        %eq3A_398 = arith.constant 0.000000e+00 : f32
        %eq3A_399 = vector.broadcast %eq3A_398 : f32 to vector<16xf32>
        %eq3A_400 = arith.cmpf oeq, %select_n3A_373, %eq3A_399 : vector<16xf32>
        %and3A_401 = arith.andi %eq3A_397, %eq3A_400 : vector<16xi1>
        %ge3A = arith.cmpf oge, %get3A_389, %scan3A_331 : vector<16xf32>
        %and3A_402 = arith.andi %and3A_394, %ge3A : vector<16xi1>
        %select_n3A_403 = arith.select %and3A_402, %get3A_389, %scan3A_331 : vector<16xi1>, vector<16xf32>
        %select_n3A_404 = arith.select %and3A_402, %add3A_391, %scan3A_332 : vector<16xi1>, vector<16xi32>
        %ge3A_405 = arith.cmpf oge, %get3A_389, %scan3A_333 : vector<16xf32>
        %and3A_406 = arith.andi %and3A_401, %ge3A_405 : vector<16xi1>
        %select_n3A_407 = arith.select %and3A_406, %get3A_389, %scan3A_333 : vector<16xi1>, vector<16xf32>
        %select_n3A_408 = arith.select %and3A_406, %add3A_391, %scan3A_334 : vector<16xi1>, vector<16xi32>
        %add3A_409 = arith.constant 16 : i32
        %add3A_410 = arith.addi %mul3A_335, %add3A_409 : i32
        %add3A_411 = vector.broadcast %add3A_410 : i32 to vector<16xi32>
        %add3A_412 = arith.addi %iota3A, %add3A_411 : vector<16xi32>
        %convert_element_type3A_413 = arith.sitofp %add3A_412 : vector<16xi32> to vector<16xf32>
        %add3A_414 = arith.constant 5.000000e-01 : f32
        %add3A_415 = vector.broadcast %add3A_414 : f32 to vector<16xf32>
        %add3A_416 = arith.addf %convert_element_type3A_413, %add3A_415 : vector<16xf32>
        %mul3A_417 = arith.constant 1.600000e+01 : f32
        %mul3A_418 = vector.broadcast %mul3A_417 : f32 to vector<16xf32>
        %mul3A_419 = arith.mulf %add3A_416, %mul3A_418 : vector<16xf32>
        %add3A_420 = arith.addf %mul3A_419, %get3A_3 : vector<16xf32>
        %get3A_421 = arith.index_cast %add3A_410 : i32 to index
        %get3A_422 = tpu.vector_load %arg14[%get3A_421] {strides = array<i32>} : memref<5120xf32, #tpu.memory_space<vmem>>, vector<16xf32>,
        %mul3A_423 = arith.constant 1.600000e+01 : f32
        %mul3A_424 = vector.broadcast %mul3A_423 : f32 to vector<16xf32>
        %mul3A_425 = arith.mulf %get3A_422, %mul3A_424 : vector<16xf32>
        %add3A_426 = arith.addf %mul3A_425, %add3A_420 : vector<16xf32>
        %lt3A_427 = arith.constant 0.000000e+00 : f32
        %lt3A_428 = vector.broadcast %lt3A_427 : f32 to vector<16xf32>
        %lt3A_429 = arith.cmpf olt, %add3A_426, %lt3A_428 : vector<16xf32>
        %jit3A_430 = arith.constant 0.000000e+00 : f32
        %broadcast_in_dim3A_431 = vector.broadcast %jit3A_430 : f32 to vector<16xf32>
        %select_n3A_432 = arith.select %lt3A_429, %broadcast_in_dim3A_431, %add3A_426 : vector<16xi1>, vector<16xf32>
        %gt3A_433 = arith.cmpf ogt, %select_n3A_432, %get3A_5 : vector<16xf32>
        %select_n3A_434 = arith.select %gt3A_433, %get3A_5, %select_n3A_432 : vector<16xi1>, vector<16xf32>
        %get3A_435 = arith.index_cast %add3A_410 : i32 to index
        %get3A_436 = tpu.vector_load %arg15[%get3A_435] {strides = array<i32>} : memref<5120xf32, #tpu.memory_space<vmem>>, vector<16xf32>,
        %mul3A_437 = arith.constant 1.600000e+01 : f32
        %mul3A_438 = vector.broadcast %mul3A_437 : f32 to vector<16xf32>
        %mul3A_439 = arith.mulf %get3A_436, %mul3A_438 : vector<16xf32>
        %add3A_440 = arith.addf %mul3A_439, %add3A_420 : vector<16xf32>
        %lt3A_441 = arith.constant 0.000000e+00 : f32
        %lt3A_442 = vector.broadcast %lt3A_441 : f32 to vector<16xf32>
        %lt3A_443 = arith.cmpf olt, %add3A_440, %lt3A_442 : vector<16xf32>
        %jit3A_444 = arith.constant 0.000000e+00 : f32
        %broadcast_in_dim3A_445 = vector.broadcast %jit3A_444 : f32 to vector<16xf32>
        %select_n3A_446 = arith.select %lt3A_443, %broadcast_in_dim3A_445, %add3A_440 : vector<16xi1>, vector<16xf32>
        %gt3A_447 = arith.cmpf ogt, %select_n3A_446, %get3A_5 : vector<16xf32>
        %select_n3A_448 = arith.select %gt3A_447, %get3A_5, %select_n3A_446 : vector<16xi1>, vector<16xf32>
        %swap3A_449 = arith.index_cast %add3A_410 : i32 to index
        %swap3A_450 = tpu.vector_load %arg14[%swap3A_449] {strides = array<i32>} : memref<5120xf32, #tpu.memory_space<vmem>>, vector<16xf32>,
        tpu.vector_store %arg14[%swap3A_449], %select_n3A_434 {strides = array<i32>} : memref<5120xf32, #tpu.memory_space<vmem>>, vector<16xf32>,
        %swap3A_451 = arith.index_cast %add3A_410 : i32 to index
        %swap3A_452 = tpu.vector_load %arg15[%swap3A_451] {strides = array<i32>} : memref<5120xf32, #tpu.memory_space<vmem>>, vector<16xf32>,
        tpu.vector_store %arg15[%swap3A_451], %select_n3A_448 {strides = array<i32>} : memref<5120xf32, #tpu.memory_space<vmem>>, vector<16xf32>,
        %add3A_453 = arith.addf %select_n3A_434, %select_n3A_448 : vector<16xf32>
        %mul3A_454 = arith.constant 5.000000e-01 : f32
        %mul3A_455 = vector.broadcast %mul3A_454 : f32 to vector<16xf32>
        %mul3A_456 = arith.mulf %add3A_453, %mul3A_455 : vector<16xf32>
        %swap3A_457 = arith.index_cast %add3A_410 : i32 to index
        %swap3A_458 = tpu.vector_load %arg13[%swap3A_457] {strides = array<i32>} : memref<5120xf32, #tpu.memory_space<vmem>>, vector<16xf32>,
        tpu.vector_store %arg13[%swap3A_457], %mul3A_456 {strides = array<i32>} : memref<5120xf32, #tpu.memory_space<vmem>>, vector<16xf32>,
        %broadcast_in_dim3A_459 = arith.constant 0.000000e+00 : f32
        %broadcast_in_dim3A_460 = vector.broadcast %broadcast_in_dim3A_459 : f32 to vector<16xf32>
        %swap3A_461 = arith.index_cast %add3A_410 : i32 to index
        %swap3A_462 = tpu.vector_load %arg23[%swap3A_461] {strides = array<i32>} : memref<5120xf32, #tpu.memory_space<vmem>>, vector<16xf32>,
        tpu.vector_store %arg23[%swap3A_461], %broadcast_in_dim3A_460 {strides = array<i32>} : memref<5120xf32, #tpu.memory_space<vmem>>, vector<16xf32>,
        %get3A_463 = arith.index_cast %add3A_410 : i32 to index
        %get3A_464 = tpu.vector_load %arg12[%get3A_463] {strides = array<i32>} : memref<5120xf32, #tpu.memory_space<vmem>>, vector<16xf32>,
        %add3A_465 = vector.broadcast %add3A_410 : i32 to vector<16xi32>
        %add3A_466 = arith.addi %iota3A, %add3A_465 : vector<16xi32>
        %eq3A_467 = arith.cmpf oeq, %select_n3A_434, %get3A_5 : vector<16xf32>
        %eq3A_468 = arith.cmpf oeq, %select_n3A_448, %get3A_5 : vector<16xf32>
        %and3A_469 = arith.andi %eq3A_467, %eq3A_468 : vector<16xi1>
        %eq3A_470 = arith.constant 0.000000e+00 : f32
        %eq3A_471 = vector.broadcast %eq3A_470 : f32 to vector<16xf32>
        %eq3A_472 = arith.cmpf oeq, %select_n3A_434, %eq3A_471 : vector<16xf32>
        %eq3A_473 = arith.constant 0.000000e+00 : f32
        %eq3A_474 = vector.broadcast %eq3A_473 : f32 to vector<16xf32>
        %eq3A_475 = arith.cmpf oeq, %select_n3A_448, %eq3A_474 : vector<16xf32>
        %and3A_476 = arith.andi %eq3A_472, %eq3A_475 : vector<16xi1>
        %ge3A_477 = arith.cmpf oge, %get3A_464, %select_n3A_403 : vector<16xf32>
        %and3A_478 = arith.andi %and3A_469, %ge3A_477 : vector<16xi1>
        %select_n3A_479 = arith.select %and3A_478, %get3A_464, %select_n3A_403 : vector<16xi1>, vector<16xf32>
        %select_n3A_480 = arith.select %and3A_478, %add3A_466, %select_n3A_404 : vector<16xi1>, vector<16xi32>
        %ge3A_481 = arith.cmpf oge, %get3A_464, %select_n3A_407 : vector<16xf32>
        %and3A_482 = arith.andi %and3A_476, %ge3A_481 : vector<16xi1>
        %select_n3A_483 = arith.select %and3A_482, %get3A_464, %select_n3A_407 : vector<16xi1>, vector<16xf32>
        %select_n3A_484 = arith.select %and3A_482, %add3A_466, %select_n3A_408 : vector<16xi1>, vector<16xi32>
        %add3A_485 = arith.constant 32 : i32
        %add3A_486 = arith.addi %mul3A_335, %add3A_485 : i32
        %add3A_487 = vector.broadcast %add3A_486 : i32 to vector<16xi32>
        %add3A_488 = arith.addi %iota3A, %add3A_487 : vector<16xi32>
        %convert_element_type3A_489 = arith.sitofp %add3A_488 : vector<16xi32> to vector<16xf32>
        %add3A_490 = arith.constant 5.000000e-01 : f32
        %add3A_491 = vector.broadcast %add3A_490 : f32 to vector<16xf32>
        %add3A_492 = arith.addf %convert_element_type3A_489, %add3A_491 : vector<16xf32>
        %mul3A_493 = arith.constant 1.600000e+01 : f32
        %mul3A_494 = vector.broadcast %mul3A_493 : f32 to vector<16xf32>
        %mul3A_495 = arith.mulf %add3A_492, %mul3A_494 : vector<16xf32>
        %add3A_496 = arith.addf %mul3A_495, %get3A_3 : vector<16xf32>
        %get3A_497 = arith.index_cast %add3A_486 : i32 to index
        %get3A_498 = tpu.vector_load %arg14[%get3A_497] {strides = array<i32>} : memref<5120xf32, #tpu.memory_space<vmem>>, vector<16xf32>,
        %mul3A_499 = arith.constant 1.600000e+01 : f32
        %mul3A_500 = vector.broadcast %mul3A_499 : f32 to vector<16xf32>
        %mul3A_501 = arith.mulf %get3A_498, %mul3A_500 : vector<16xf32>
        %add3A_502 = arith.addf %mul3A_501, %add3A_496 : vector<16xf32>
        %lt3A_503 = arith.constant 0.000000e+00 : f32
        %lt3A_504 = vector.broadcast %lt3A_503 : f32 to vector<16xf32>
        %lt3A_505 = arith.cmpf olt, %add3A_502, %lt3A_504 : vector<16xf32>
        %jit3A_506 = arith.constant 0.000000e+00 : f32
        %broadcast_in_dim3A_507 = vector.broadcast %jit3A_506 : f32 to vector<16xf32>
        %select_n3A_508 = arith.select %lt3A_505, %broadcast_in_dim3A_507, %add3A_502 : vector<16xi1>, vector<16xf32>
        %gt3A_509 = arith.cmpf ogt, %select_n3A_508, %get3A_5 : vector<16xf32>
        %select_n3A_510 = arith.select %gt3A_509, %get3A_5, %select_n3A_508 : vector<16xi1>, vector<16xf32>
        %get3A_511 = arith.index_cast %add3A_486 : i32 to index
        %get3A_512 = tpu.vector_load %arg15[%get3A_511] {strides = array<i32>} : memref<5120xf32, #tpu.memory_space<vmem>>, vector<16xf32>,
        %mul3A_513 = arith.constant 1.600000e+01 : f32
        %mul3A_514 = vector.broadcast %mul3A_513 : f32 to vector<16xf32>
        %mul3A_515 = arith.mulf %get3A_512, %mul3A_514 : vector<16xf32>
        %add3A_516 = arith.addf %mul3A_515, %add3A_496 : vector<16xf32>
        %lt3A_517 = arith.constant 0.000000e+00 : f32
        %lt3A_518 = vector.broadcast %lt3A_517 : f32 to vector<16xf32>
        %lt3A_519 = arith.cmpf olt, %add3A_516, %lt3A_518 : vector<16xf32>
        %jit3A_520 = arith.constant 0.000000e+00 : f32
        %broadcast_in_dim3A_521 = vector.broadcast %jit3A_520 : f32 to vector<16xf32>
        %select_n3A_522 = arith.select %lt3A_519, %broadcast_in_dim3A_521, %add3A_516 : vector<16xi1>, vector<16xf32>
        %gt3A_523 = arith.cmpf ogt, %select_n3A_522, %get3A_5 : vector<16xf32>
        %select_n3A_524 = arith.select %gt3A_523, %get3A_5, %select_n3A_522 : vector<16xi1>, vector<16xf32>
        %swap3A_525 = arith.index_cast %add3A_486 : i32 to index
        %swap3A_526 = tpu.vector_load %arg14[%swap3A_525] {strides = array<i32>} : memref<5120xf32, #tpu.memory_space<vmem>>, vector<16xf32>,
        tpu.vector_store %arg14[%swap3A_525], %select_n3A_510 {strides = array<i32>} : memref<5120xf32, #tpu.memory_space<vmem>>, vector<16xf32>,
        %swap3A_527 = arith.index_cast %add3A_486 : i32 to index
        %swap3A_528 = tpu.vector_load %arg15[%swap3A_527] {strides = array<i32>} : memref<5120xf32, #tpu.memory_space<vmem>>, vector<16xf32>,
        tpu.vector_store %arg15[%swap3A_527], %select_n3A_524 {strides = array<i32>} : memref<5120xf32, #tpu.memory_space<vmem>>, vector<16xf32>,
        %add3A_529 = arith.addf %select_n3A_510, %select_n3A_524 : vector<16xf32>
        %mul3A_530 = arith.constant 5.000000e-01 : f32
        %mul3A_531 = vector.broadcast %mul3A_530 : f32 to vector<16xf32>
        %mul3A_532 = arith.mulf %add3A_529, %mul3A_531 : vector<16xf32>
        %swap3A_533 = arith.index_cast %add3A_486 : i32 to index
        %swap3A_534 = tpu.vector_load %arg13[%swap3A_533] {strides = array<i32>} : memref<5120xf32, #tpu.memory_space<vmem>>, vector<16xf32>,
        tpu.vector_store %arg13[%swap3A_533], %mul3A_532 {strides = array<i32>} : memref<5120xf32, #tpu.memory_space<vmem>>, vector<16xf32>,
        %broadcast_in_dim3A_535 = arith.constant 0.000000e+00 : f32
        %broadcast_in_dim3A_536 = vector.broadcast %broadcast_in_dim3A_535 : f32 to vector<16xf32>
        %swap3A_537 = arith.index_cast %add3A_486 : i32 to index
        %swap3A_538 = tpu.vector_load %arg23[%swap3A_537] {strides = array<i32>} : memref<5120xf32, #tpu.memory_space<vmem>>, vector<16xf32>,
        tpu.vector_store %arg23[%swap3A_537], %broadcast_in_dim3A_536 {strides = array<i32>} : memref<5120xf32, #tpu.memory_space<vmem>>, vector<16xf32>,
        %get3A_539 = arith.index_cast %add3A_486 : i32 to index
        %get3A_540 = tpu.vector_load %arg12[%get3A_539] {strides = array<i32>} : memref<5120xf32, #tpu.memory_space<vmem>>, vector<16xf32>,
        %add3A_541 = vector.broadcast %add3A_486 : i32 to vector<16xi32>
        %add3A_542 = arith.addi %iota3A, %add3A_541 : vector<16xi32>
        %eq3A_543 = arith.cmpf oeq, %select_n3A_510, %get3A_5 : vector<16xf32>
        %eq3A_544 = arith.cmpf oeq, %select_n3A_524, %get3A_5 : vector<16xf32>
        %and3A_545 = arith.andi %eq3A_543, %eq3A_544 : vector<16xi1>
        %eq3A_546 = arith.constant 0.000000e+00 : f32
        %eq3A_547 = vector.broadcast %eq3A_546 : f32 to vector<16xf32>
        %eq3A_548 = arith.cmpf oeq, %select_n3A_510, %eq3A_547 : vector<16xf32>
        %eq3A_549 = arith.constant 0.000000e+00 : f32
        %eq3A_550 = vector.broadcast %eq3A_549 : f32 to vector<16xf32>
        %eq3A_551 = arith.cmpf oeq, %select_n3A_524, %eq3A_550 : vector<16xf32>
        %and3A_552 = arith.andi %eq3A_548, %eq3A_551 : vector<16xi1>
        %ge3A_553 = arith.cmpf oge, %get3A_540, %select_n3A_479 : vector<16xf32>
        %and3A_554 = arith.andi %and3A_545, %ge3A_553 : vector<16xi1>
        %select_n3A_555 = arith.select %and3A_554, %get3A_540, %select_n3A_479 : vector<16xi1>, vector<16xf32>
        %select_n3A_556 = arith.select %and3A_554, %add3A_542, %select_n3A_480 : vector<16xi1>, vector<16xi32>
        %ge3A_557 = arith.cmpf oge, %get3A_540, %select_n3A_483 : vector<16xf32>
        %and3A_558 = arith.andi %and3A_552, %ge3A_557 : vector<16xi1>
        %select_n3A_559 = arith.select %and3A_558, %get3A_540, %select_n3A_483 : vector<16xi1>, vector<16xf32>
        %select_n3A_560 = arith.select %and3A_558, %add3A_542, %select_n3A_484 : vector<16xi1>, vector<16xi32>
        %add3A_561 = arith.constant 48 : i32
        %add3A_562 = arith.addi %mul3A_335, %add3A_561 : i32
        %add3A_563 = vector.broadcast %add3A_562 : i32 to vector<16xi32>
        %add3A_564 = arith.addi %iota3A, %add3A_563 : vector<16xi32>
        %convert_element_type3A_565 = arith.sitofp %add3A_564 : vector<16xi32> to vector<16xf32>
        %add3A_566 = arith.constant 5.000000e-01 : f32
        %add3A_567 = vector.broadcast %add3A_566 : f32 to vector<16xf32>
        %add3A_568 = arith.addf %convert_element_type3A_565, %add3A_567 : vector<16xf32>
        %mul3A_569 = arith.constant 1.600000e+01 : f32
        %mul3A_570 = vector.broadcast %mul3A_569 : f32 to vector<16xf32>
        %mul3A_571 = arith.mulf %add3A_568, %mul3A_570 : vector<16xf32>
        %add3A_572 = arith.addf %mul3A_571, %get3A_3 : vector<16xf32>
        %get3A_573 = arith.index_cast %add3A_562 : i32 to index
        %get3A_574 = tpu.vector_load %arg14[%get3A_573] {strides = array<i32>} : memref<5120xf32, #tpu.memory_space<vmem>>, vector<16xf32>,
        %mul3A_575 = arith.constant 1.600000e+01 : f32
        %mul3A_576 = vector.broadcast %mul3A_575 : f32 to vector<16xf32>
        %mul3A_577 = arith.mulf %get3A_574, %mul3A_576 : vector<16xf32>
        %add3A_578 = arith.addf %mul3A_577, %add3A_572 : vector<16xf32>
        %lt3A_579 = arith.constant 0.000000e+00 : f32
        %lt3A_580 = vector.broadcast %lt3A_579 : f32 to vector<16xf32>
        %lt3A_581 = arith.cmpf olt, %add3A_578, %lt3A_580 : vector<16xf32>
        %jit3A_582 = arith.constant 0.000000e+00 : f32
        %broadcast_in_dim3A_583 = vector.broadcast %jit3A_582 : f32 to vector<16xf32>
        %select_n3A_584 = arith.select %lt3A_581, %broadcast_in_dim3A_583, %add3A_578 : vector<16xi1>, vector<16xf32>
        %gt3A_585 = arith.cmpf ogt, %select_n3A_584, %get3A_5 : vector<16xf32>
        %select_n3A_586 = arith.select %gt3A_585, %get3A_5, %select_n3A_584 : vector<16xi1>, vector<16xf32>
        %get3A_587 = arith.index_cast %add3A_562 : i32 to index
        %get3A_588 = tpu.vector_load %arg15[%get3A_587] {strides = array<i32>} : memref<5120xf32, #tpu.memory_space<vmem>>, vector<16xf32>,
        %mul3A_589 = arith.constant 1.600000e+01 : f32
        %mul3A_590 = vector.broadcast %mul3A_589 : f32 to vector<16xf32>
        %mul3A_591 = arith.mulf %get3A_588, %mul3A_590 : vector<16xf32>
        %add3A_592 = arith.addf %mul3A_591, %add3A_572 : vector<16xf32>
        %lt3A_593 = arith.constant 0.000000e+00 : f32
        %lt3A_594 = vector.broadcast %lt3A_593 : f32 to vector<16xf32>
        %lt3A_595 = arith.cmpf olt, %add3A_592, %lt3A_594 : vector<16xf32>
        %jit3A_596 = arith.constant 0.000000e+00 : f32
        %broadcast_in_dim3A_597 = vector.broadcast %jit3A_596 : f32 to vector<16xf32>
        %select_n3A_598 = arith.select %lt3A_595, %broadcast_in_dim3A_597, %add3A_592 : vector<16xi1>, vector<16xf32>
        %gt3A_599 = arith.cmpf ogt, %select_n3A_598, %get3A_5 : vector<16xf32>
        %select_n3A_600 = arith.select %gt3A_599, %get3A_5, %select_n3A_598 : vector<16xi1>, vector<16xf32>
        %swap3A_601 = arith.index_cast %add3A_562 : i32 to index
        %swap3A_602 = tpu.vector_load %arg14[%swap3A_601] {strides = array<i32>} : memref<5120xf32, #tpu.memory_space<vmem>>, vector<16xf32>,
        tpu.vector_store %arg14[%swap3A_601], %select_n3A_586 {strides = array<i32>} : memref<5120xf32, #tpu.memory_space<vmem>>, vector<16xf32>,
        %swap3A_603 = arith.index_cast %add3A_562 : i32 to index
        %swap3A_604 = tpu.vector_load %arg15[%swap3A_603] {strides = array<i32>} : memref<5120xf32, #tpu.memory_space<vmem>>, vector<16xf32>,
        tpu.vector_store %arg15[%swap3A_603], %select_n3A_600 {strides = array<i32>} : memref<5120xf32, #tpu.memory_space<vmem>>, vector<16xf32>,
        %add3A_605 = arith.addf %select_n3A_586, %select_n3A_600 : vector<16xf32>
        %mul3A_606 = arith.constant 5.000000e-01 : f32
        %mul3A_607 = vector.broadcast %mul3A_606 : f32 to vector<16xf32>
        %mul3A_608 = arith.mulf %add3A_605, %mul3A_607 : vector<16xf32>
        %swap3A_609 = arith.index_cast %add3A_562 : i32 to index
        %swap3A_610 = tpu.vector_load %arg13[%swap3A_609] {strides = array<i32>} : memref<5120xf32, #tpu.memory_space<vmem>>, vector<16xf32>,
        tpu.vector_store %arg13[%swap3A_609], %mul3A_608 {strides = array<i32>} : memref<5120xf32, #tpu.memory_space<vmem>>, vector<16xf32>,
        %broadcast_in_dim3A_611 = arith.constant 0.000000e+00 : f32
        %broadcast_in_dim3A_612 = vector.broadcast %broadcast_in_dim3A_611 : f32 to vector<16xf32>
        %swap3A_613 = arith.index_cast %add3A_562 : i32 to index
        %swap3A_614 = tpu.vector_load %arg23[%swap3A_613] {strides = array<i32>} : memref<5120xf32, #tpu.memory_space<vmem>>, vector<16xf32>,
        tpu.vector_store %arg23[%swap3A_613], %broadcast_in_dim3A_612 {strides = array<i32>} : memref<5120xf32, #tpu.memory_space<vmem>>, vector<16xf32>,
        %get3A_615 = arith.index_cast %add3A_562 : i32 to index
        %get3A_616 = tpu.vector_load %arg12[%get3A_615] {strides = array<i32>} : memref<5120xf32, #tpu.memory_space<vmem>>, vector<16xf32>,
        %add3A_617 = vector.broadcast %add3A_562 : i32 to vector<16xi32>
        %add3A_618 = arith.addi %iota3A, %add3A_617 : vector<16xi32>
        %eq3A_619 = arith.cmpf oeq, %select_n3A_586, %get3A_5 : vector<16xf32>
        %eq3A_620 = arith.cmpf oeq, %select_n3A_600, %get3A_5 : vector<16xf32>
        %and3A_621 = arith.andi %eq3A_619, %eq3A_620 : vector<16xi1>
        %eq3A_622 = arith.constant 0.000000e+00 : f32
        %eq3A_623 = vector.broadcast %eq3A_622 : f32 to vector<16xf32>
        %eq3A_624 = arith.cmpf oeq, %select_n3A_586, %eq3A_623 : vector<16xf32>
        %eq3A_625 = arith.constant 0.000000e+00 : f32
        %eq3A_626 = vector.broadcast %eq3A_625 : f32 to vector<16xf32>
        %eq3A_627 = arith.cmpf oeq, %select_n3A_600, %eq3A_626 : vector<16xf32>
        %and3A_628 = arith.andi %eq3A_624, %eq3A_627 : vector<16xi1>
        %ge3A_629 = arith.cmpf oge, %get3A_616, %select_n3A_555 : vector<16xf32>
        %and3A_630 = arith.andi %and3A_621, %ge3A_629 : vector<16xi1>
        %select_n3A_631 = arith.select %and3A_630, %get3A_616, %select_n3A_555 : vector<16xi1>, vector<16xf32>
        %select_n3A_632 = arith.select %and3A_630, %add3A_618, %select_n3A_556 : vector<16xi1>, vector<16xi32>
        %ge3A_633 = arith.cmpf oge, %get3A_616, %select_n3A_559 : vector<16xf32>
        %and3A_634 = arith.andi %and3A_628, %ge3A_633 : vector<16xi1>
        %select_n3A_635 = arith.select %and3A_634, %get3A_616, %select_n3A_559 : vector<16xi1>, vector<16xf32>
        %select_n3A_636 = arith.select %and3A_634, %add3A_618, %select_n3A_560 : vector<16xi1>, vector<16xi32>
        %add3A_637 = arith.constant 64 : i32
        %add3A_638 = arith.addi %mul3A_335, %add3A_637 : i32
        %add3A_639 = vector.broadcast %add3A_638 : i32 to vector<16xi32>
        %add3A_640 = arith.addi %iota3A, %add3A_639 : vector<16xi32>
        %convert_element_type3A_641 = arith.sitofp %add3A_640 : vector<16xi32> to vector<16xf32>
        %add3A_642 = arith.constant 5.000000e-01 : f32
        %add3A_643 = vector.broadcast %add3A_642 : f32 to vector<16xf32>
        %add3A_644 = arith.addf %convert_element_type3A_641, %add3A_643 : vector<16xf32>
        %mul3A_645 = arith.constant 1.600000e+01 : f32
        %mul3A_646 = vector.broadcast %mul3A_645 : f32 to vector<16xf32>
        %mul3A_647 = arith.mulf %add3A_644, %mul3A_646 : vector<16xf32>
        %add3A_648 = arith.addf %mul3A_647, %get3A_3 : vector<16xf32>
        %get3A_649 = arith.index_cast %add3A_638 : i32 to index
        %get3A_650 = tpu.vector_load %arg14[%get3A_649] {strides = array<i32>} : memref<5120xf32, #tpu.memory_space<vmem>>, vector<16xf32>,
        %mul3A_651 = arith.constant 1.600000e+01 : f32
        %mul3A_652 = vector.broadcast %mul3A_651 : f32 to vector<16xf32>
        %mul3A_653 = arith.mulf %get3A_650, %mul3A_652 : vector<16xf32>
        %add3A_654 = arith.addf %mul3A_653, %add3A_648 : vector<16xf32>
        %lt3A_655 = arith.constant 0.000000e+00 : f32
        %lt3A_656 = vector.broadcast %lt3A_655 : f32 to vector<16xf32>
        %lt3A_657 = arith.cmpf olt, %add3A_654, %lt3A_656 : vector<16xf32>
        %jit3A_658 = arith.constant 0.000000e+00 : f32
        %broadcast_in_dim3A_659 = vector.broadcast %jit3A_658 : f32 to vector<16xf32>
        %select_n3A_660 = arith.select %lt3A_657, %broadcast_in_dim3A_659, %add3A_654 : vector<16xi1>, vector<16xf32>
        %gt3A_661 = arith.cmpf ogt, %select_n3A_660, %get3A_5 : vector<16xf32>
        %select_n3A_662 = arith.select %gt3A_661, %get3A_5, %select_n3A_660 : vector<16xi1>, vector<16xf32>
        %get3A_663 = arith.index_cast %add3A_638 : i32 to index
        %get3A_664 = tpu.vector_load %arg15[%get3A_663] {strides = array<i32>} : memref<5120xf32, #tpu.memory_space<vmem>>, vector<16xf32>,
        %mul3A_665 = arith.constant 1.600000e+01 : f32
        %mul3A_666 = vector.broadcast %mul3A_665 : f32 to vector<16xf32>
        %mul3A_667 = arith.mulf %get3A_664, %mul3A_666 : vector<16xf32>
        %add3A_668 = arith.addf %mul3A_667, %add3A_648 : vector<16xf32>
        %lt3A_669 = arith.constant 0.000000e+00 : f32
        %lt3A_670 = vector.broadcast %lt3A_669 : f32 to vector<16xf32>
        %lt3A_671 = arith.cmpf olt, %add3A_668, %lt3A_670 : vector<16xf32>
        %jit3A_672 = arith.constant 0.000000e+00 : f32
        %broadcast_in_dim3A_673 = vector.broadcast %jit3A_672 : f32 to vector<16xf32>
        %select_n3A_674 = arith.select %lt3A_671, %broadcast_in_dim3A_673, %add3A_668 : vector<16xi1>, vector<16xf32>
        %gt3A_675 = arith.cmpf ogt, %select_n3A_674, %get3A_5 : vector<16xf32>
        %select_n3A_676 = arith.select %gt3A_675, %get3A_5, %select_n3A_674 : vector<16xi1>, vector<16xf32>
        %swap3A_677 = arith.index_cast %add3A_638 : i32 to index
        %swap3A_678 = tpu.vector_load %arg14[%swap3A_677] {strides = array<i32>} : memref<5120xf32, #tpu.memory_space<vmem>>, vector<16xf32>,
        tpu.vector_store %arg14[%swap3A_677], %select_n3A_662 {strides = array<i32>} : memref<5120xf32, #tpu.memory_space<vmem>>, vector<16xf32>,
        %swap3A_679 = arith.index_cast %add3A_638 : i32 to index
        %swap3A_680 = tpu.vector_load %arg15[%swap3A_679] {strides = array<i32>} : memref<5120xf32, #tpu.memory_space<vmem>>, vector<16xf32>,
        tpu.vector_store %arg15[%swap3A_679], %select_n3A_676 {strides = array<i32>} : memref<5120xf32, #tpu.memory_space<vmem>>, vector<16xf32>,
        %add3A_681 = arith.addf %select_n3A_662, %select_n3A_676 : vector<16xf32>
        %mul3A_682 = arith.constant 5.000000e-01 : f32
        %mul3A_683 = vector.broadcast %mul3A_682 : f32 to vector<16xf32>
        %mul3A_684 = arith.mulf %add3A_681, %mul3A_683 : vector<16xf32>
        %swap3A_685 = arith.index_cast %add3A_638 : i32 to index
        %swap3A_686 = tpu.vector_load %arg13[%swap3A_685] {strides = array<i32>} : memref<5120xf32, #tpu.memory_space<vmem>>, vector<16xf32>,
        tpu.vector_store %arg13[%swap3A_685], %mul3A_684 {strides = array<i32>} : memref<5120xf32, #tpu.memory_space<vmem>>, vector<16xf32>,
        %broadcast_in_dim3A_687 = arith.constant 0.000000e+00 : f32
        %broadcast_in_dim3A_688 = vector.broadcast %broadcast_in_dim3A_687 : f32 to vector<16xf32>
        %swap3A_689 = arith.index_cast %add3A_638 : i32 to index
        %swap3A_690 = tpu.vector_load %arg23[%swap3A_689] {strides = array<i32>} : memref<5120xf32, #tpu.memory_space<vmem>>, vector<16xf32>,
        tpu.vector_store %arg23[%swap3A_689], %broadcast_in_dim3A_688 {strides = array<i32>} : memref<5120xf32, #tpu.memory_space<vmem>>, vector<16xf32>,
        %get3A_691 = arith.index_cast %add3A_638 : i32 to index
        %get3A_692 = tpu.vector_load %arg12[%get3A_691] {strides = array<i32>} : memref<5120xf32, #tpu.memory_space<vmem>>, vector<16xf32>,
        %add3A_693 = vector.broadcast %add3A_638 : i32 to vector<16xi32>
        %add3A_694 = arith.addi %iota3A, %add3A_693 : vector<16xi32>
        %eq3A_695 = arith.cmpf oeq, %select_n3A_662, %get3A_5 : vector<16xf32>
        %eq3A_696 = arith.cmpf oeq, %select_n3A_676, %get3A_5 : vector<16xf32>
        %and3A_697 = arith.andi %eq3A_695, %eq3A_696 : vector<16xi1>
        %eq3A_698 = arith.constant 0.000000e+00 : f32
        %eq3A_699 = vector.broadcast %eq3A_698 : f32 to vector<16xf32>
        %eq3A_700 = arith.cmpf oeq, %select_n3A_662, %eq3A_699 : vector<16xf32>
        %eq3A_701 = arith.constant 0.000000e+00 : f32
        %eq3A_702 = vector.broadcast %eq3A_701 : f32 to vector<16xf32>
        %eq3A_703 = arith.cmpf oeq, %select_n3A_676, %eq3A_702 : vector<16xf32>
        %and3A_704 = arith.andi %eq3A_700, %eq3A_703 : vector<16xi1>
        %ge3A_705 = arith.cmpf oge, %get3A_692, %select_n3A_631 : vector<16xf32>
        %and3A_706 = arith.andi %and3A_697, %ge3A_705 : vector<16xi1>
        %select_n3A_707 = arith.select %and3A_706, %get3A_692, %select_n3A_631 : vector<16xi1>, vector<16xf32>
        %select_n3A_708 = arith.select %and3A_706, %add3A_694, %select_n3A_632 : vector<16xi1>, vector<16xi32>
        %ge3A_709 = arith.cmpf oge, %get3A_692, %select_n3A_635 : vector<16xf32>
        %and3A_710 = arith.andi %and3A_704, %ge3A_709 : vector<16xi1>
        %select_n3A_711 = arith.select %and3A_710, %get3A_692, %select_n3A_635 : vector<16xi1>, vector<16xf32>
        %select_n3A_712 = arith.select %and3A_710, %add3A_694, %select_n3A_636 : vector<16xi1>, vector<16xi32>
        %add3A_713 = arith.constant 80 : i32
        %add3A_714 = arith.addi %mul3A_335, %add3A_713 : i32
        %add3A_715 = vector.broadcast %add3A_714 : i32 to vector<16xi32>
        %add3A_716 = arith.addi %iota3A, %add3A_715 : vector<16xi32>
        %convert_element_type3A_717 = arith.sitofp %add3A_716 : vector<16xi32> to vector<16xf32>
        %add3A_718 = arith.constant 5.000000e-01 : f32
        %add3A_719 = vector.broadcast %add3A_718 : f32 to vector<16xf32>
        %add3A_720 = arith.addf %convert_element_type3A_717, %add3A_719 : vector<16xf32>
        %mul3A_721 = arith.constant 1.600000e+01 : f32
        %mul3A_722 = vector.broadcast %mul3A_721 : f32 to vector<16xf32>
        %mul3A_723 = arith.mulf %add3A_720, %mul3A_722 : vector<16xf32>
        %add3A_724 = arith.addf %mul3A_723, %get3A_3 : vector<16xf32>
        %get3A_725 = arith.index_cast %add3A_714 : i32 to index
        %get3A_726 = tpu.vector_load %arg14[%get3A_725] {strides = array<i32>} : memref<5120xf32, #tpu.memory_space<vmem>>, vector<16xf32>,
        %mul3A_727 = arith.constant 1.600000e+01 : f32
        %mul3A_728 = vector.broadcast %mul3A_727 : f32 to vector<16xf32>
        %mul3A_729 = arith.mulf %get3A_726, %mul3A_728 : vector<16xf32>
        %add3A_730 = arith.addf %mul3A_729, %add3A_724 : vector<16xf32>
        %lt3A_731 = arith.constant 0.000000e+00 : f32
        %lt3A_732 = vector.broadcast %lt3A_731 : f32 to vector<16xf32>
        %lt3A_733 = arith.cmpf olt, %add3A_730, %lt3A_732 : vector<16xf32>
        %jit3A_734 = arith.constant 0.000000e+00 : f32
        %broadcast_in_dim3A_735 = vector.broadcast %jit3A_734 : f32 to vector<16xf32>
        %select_n3A_736 = arith.select %lt3A_733, %broadcast_in_dim3A_735, %add3A_730 : vector<16xi1>, vector<16xf32>
        %gt3A_737 = arith.cmpf ogt, %select_n3A_736, %get3A_5 : vector<16xf32>
        %select_n3A_738 = arith.select %gt3A_737, %get3A_5, %select_n3A_736 : vector<16xi1>, vector<16xf32>
        %get3A_739 = arith.index_cast %add3A_714 : i32 to index
        %get3A_740 = tpu.vector_load %arg15[%get3A_739] {strides = array<i32>} : memref<5120xf32, #tpu.memory_space<vmem>>, vector<16xf32>,
        %mul3A_741 = arith.constant 1.600000e+01 : f32
        %mul3A_742 = vector.broadcast %mul3A_741 : f32 to vector<16xf32>
        %mul3A_743 = arith.mulf %get3A_740, %mul3A_742 : vector<16xf32>
        %add3A_744 = arith.addf %mul3A_743, %add3A_724 : vector<16xf32>
        %lt3A_745 = arith.constant 0.000000e+00 : f32
        %lt3A_746 = vector.broadcast %lt3A_745 : f32 to vector<16xf32>
        %lt3A_747 = arith.cmpf olt, %add3A_744, %lt3A_746 : vector<16xf32>
        %jit3A_748 = arith.constant 0.000000e+00 : f32
        %broadcast_in_dim3A_749 = vector.broadcast %jit3A_748 : f32 to vector<16xf32>
        %select_n3A_750 = arith.select %lt3A_747, %broadcast_in_dim3A_749, %add3A_744 : vector<16xi1>, vector<16xf32>
        %gt3A_751 = arith.cmpf ogt, %select_n3A_750, %get3A_5 : vector<16xf32>
        %select_n3A_752 = arith.select %gt3A_751, %get3A_5, %select_n3A_750 : vector<16xi1>, vector<16xf32>
        %swap3A_753 = arith.index_cast %add3A_714 : i32 to index
        %swap3A_754 = tpu.vector_load %arg14[%swap3A_753] {strides = array<i32>} : memref<5120xf32, #tpu.memory_space<vmem>>, vector<16xf32>,
        tpu.vector_store %arg14[%swap3A_753], %select_n3A_738 {strides = array<i32>} : memref<5120xf32, #tpu.memory_space<vmem>>, vector<16xf32>,
        %swap3A_755 = arith.index_cast %add3A_714 : i32 to index
        %swap3A_756 = tpu.vector_load %arg15[%swap3A_755] {strides = array<i32>} : memref<5120xf32, #tpu.memory_space<vmem>>, vector<16xf32>,
        tpu.vector_store %arg15[%swap3A_755], %select_n3A_752 {strides = array<i32>} : memref<5120xf32, #tpu.memory_space<vmem>>, vector<16xf32>,
        %add3A_757 = arith.addf %select_n3A_738, %select_n3A_752 : vector<16xf32>
        %mul3A_758 = arith.constant 5.000000e-01 : f32
        %mul3A_759 = vector.broadcast %mul3A_758 : f32 to vector<16xf32>
        %mul3A_760 = arith.mulf %add3A_757, %mul3A_759 : vector<16xf32>
        %swap3A_761 = arith.index_cast %add3A_714 : i32 to index
        %swap3A_762 = tpu.vector_load %arg13[%swap3A_761] {strides = array<i32>} : memref<5120xf32, #tpu.memory_space<vmem>>, vector<16xf32>,
        tpu.vector_store %arg13[%swap3A_761], %mul3A_760 {strides = array<i32>} : memref<5120xf32, #tpu.memory_space<vmem>>, vector<16xf32>,
        %broadcast_in_dim3A_763 = arith.constant 0.000000e+00 : f32
        %broadcast_in_dim3A_764 = vector.broadcast %broadcast_in_dim3A_763 : f32 to vector<16xf32>
        %swap3A_765 = arith.index_cast %add3A_714 : i32 to index
        %swap3A_766 = tpu.vector_load %arg23[%swap3A_765] {strides = array<i32>} : memref<5120xf32, #tpu.memory_space<vmem>>, vector<16xf32>,
        tpu.vector_store %arg23[%swap3A_765], %broadcast_in_dim3A_764 {strides = array<i32>} : memref<5120xf32, #tpu.memory_space<vmem>>, vector<16xf32>,
        %get3A_767 = arith.index_cast %add3A_714 : i32 to index
        %get3A_768 = tpu.vector_load %arg12[%get3A_767] {strides = array<i32>} : memref<5120xf32, #tpu.memory_space<vmem>>, vector<16xf32>,
        %add3A_769 = vector.broadcast %add3A_714 : i32 to vector<16xi32>
        %add3A_770 = arith.addi %iota3A, %add3A_769 : vector<16xi32>
        %eq3A_771 = arith.cmpf oeq, %select_n3A_738, %get3A_5 : vector<16xf32>
        %eq3A_772 = arith.cmpf oeq, %select_n3A_752, %get3A_5 : vector<16xf32>
        %and3A_773 = arith.andi %eq3A_771, %eq3A_772 : vector<16xi1>
        %eq3A_774 = arith.constant 0.000000e+00 : f32
        %eq3A_775 = vector.broadcast %eq3A_774 : f32 to vector<16xf32>
        %eq3A_776 = arith.cmpf oeq, %select_n3A_738, %eq3A_775 : vector<16xf32>
        %eq3A_777 = arith.constant 0.000000e+00 : f32
        %eq3A_778 = vector.broadcast %eq3A_777 : f32 to vector<16xf32>
        %eq3A_779 = arith.cmpf oeq, %select_n3A_752, %eq3A_778 : vector<16xf32>
        %and3A_780 = arith.andi %eq3A_776, %eq3A_779 : vector<16xi1>
        %ge3A_781 = arith.cmpf oge, %get3A_768, %select_n3A_707 : vector<16xf32>
        %and3A_782 = arith.andi %and3A_773, %ge3A_781 : vector<16xi1>
        %select_n3A_783 = arith.select %and3A_782, %get3A_768, %select_n3A_707 : vector<16xi1>, vector<16xf32>
        %select_n3A_784 = arith.select %and3A_782, %add3A_770, %select_n3A_708 : vector<16xi1>, vector<16xi32>
        %ge3A_785 = arith.cmpf oge, %get3A_768, %select_n3A_711 : vector<16xf32>
        %and3A_786 = arith.andi %and3A_780, %ge3A_785 : vector<16xi1>
        %select_n3A_787 = arith.select %and3A_786, %get3A_768, %select_n3A_711 : vector<16xi1>, vector<16xf32>
        %select_n3A_788 = arith.select %and3A_786, %add3A_770, %select_n3A_712 : vector<16xi1>, vector<16xi32>
        %add3A_789 = arith.constant 96 : i32
        %add3A_790 = arith.addi %mul3A_335, %add3A_789 : i32
        %add3A_791 = vector.broadcast %add3A_790 : i32 to vector<16xi32>
        %add3A_792 = arith.addi %iota3A, %add3A_791 : vector<16xi32>
        %convert_element_type3A_793 = arith.sitofp %add3A_792 : vector<16xi32> to vector<16xf32>
        %add3A_794 = arith.constant 5.000000e-01 : f32
        %add3A_795 = vector.broadcast %add3A_794 : f32 to vector<16xf32>
        %add3A_796 = arith.addf %convert_element_type3A_793, %add3A_795 : vector<16xf32>
        %mul3A_797 = arith.constant 1.600000e+01 : f32
        %mul3A_798 = vector.broadcast %mul3A_797 : f32 to vector<16xf32>
        %mul3A_799 = arith.mulf %add3A_796, %mul3A_798 : vector<16xf32>
        %add3A_800 = arith.addf %mul3A_799, %get3A_3 : vector<16xf32>
        %get3A_801 = arith.index_cast %add3A_790 : i32 to index
        %get3A_802 = tpu.vector_load %arg14[%get3A_801] {strides = array<i32>} : memref<5120xf32, #tpu.memory_space<vmem>>, vector<16xf32>,
        %mul3A_803 = arith.constant 1.600000e+01 : f32
        %mul3A_804 = vector.broadcast %mul3A_803 : f32 to vector<16xf32>
        %mul3A_805 = arith.mulf %get3A_802, %mul3A_804 : vector<16xf32>
        %add3A_806 = arith.addf %mul3A_805, %add3A_800 : vector<16xf32>
        %lt3A_807 = arith.constant 0.000000e+00 : f32
        %lt3A_808 = vector.broadcast %lt3A_807 : f32 to vector<16xf32>
        %lt3A_809 = arith.cmpf olt, %add3A_806, %lt3A_808 : vector<16xf32>
        %jit3A_810 = arith.constant 0.000000e+00 : f32
        %broadcast_in_dim3A_811 = vector.broadcast %jit3A_810 : f32 to vector<16xf32>
        %select_n3A_812 = arith.select %lt3A_809, %broadcast_in_dim3A_811, %add3A_806 : vector<16xi1>, vector<16xf32>
        %gt3A_813 = arith.cmpf ogt, %select_n3A_812, %get3A_5 : vector<16xf32>
        %select_n3A_814 = arith.select %gt3A_813, %get3A_5, %select_n3A_812 : vector<16xi1>, vector<16xf32>
        %get3A_815 = arith.index_cast %add3A_790 : i32 to index
        %get3A_816 = tpu.vector_load %arg15[%get3A_815] {strides = array<i32>} : memref<5120xf32, #tpu.memory_space<vmem>>, vector<16xf32>,
        %mul3A_817 = arith.constant 1.600000e+01 : f32
        %mul3A_818 = vector.broadcast %mul3A_817 : f32 to vector<16xf32>
        %mul3A_819 = arith.mulf %get3A_816, %mul3A_818 : vector<16xf32>
        %add3A_820 = arith.addf %mul3A_819, %add3A_800 : vector<16xf32>
        %lt3A_821 = arith.constant 0.000000e+00 : f32
        %lt3A_822 = vector.broadcast %lt3A_821 : f32 to vector<16xf32>
        %lt3A_823 = arith.cmpf olt, %add3A_820, %lt3A_822 : vector<16xf32>
        %jit3A_824 = arith.constant 0.000000e+00 : f32
        %broadcast_in_dim3A_825 = vector.broadcast %jit3A_824 : f32 to vector<16xf32>
        %select_n3A_826 = arith.select %lt3A_823, %broadcast_in_dim3A_825, %add3A_820 : vector<16xi1>, vector<16xf32>
        %gt3A_827 = arith.cmpf ogt, %select_n3A_826, %get3A_5 : vector<16xf32>
        %select_n3A_828 = arith.select %gt3A_827, %get3A_5, %select_n3A_826 : vector<16xi1>, vector<16xf32>
        %swap3A_829 = arith.index_cast %add3A_790 : i32 to index
        %swap3A_830 = tpu.vector_load %arg14[%swap3A_829] {strides = array<i32>} : memref<5120xf32, #tpu.memory_space<vmem>>, vector<16xf32>,
        tpu.vector_store %arg14[%swap3A_829], %select_n3A_814 {strides = array<i32>} : memref<5120xf32, #tpu.memory_space<vmem>>, vector<16xf32>,
        %swap3A_831 = arith.index_cast %add3A_790 : i32 to index
        %swap3A_832 = tpu.vector_load %arg15[%swap3A_831] {strides = array<i32>} : memref<5120xf32, #tpu.memory_space<vmem>>, vector<16xf32>,
        tpu.vector_store %arg15[%swap3A_831], %select_n3A_828 {strides = array<i32>} : memref<5120xf32, #tpu.memory_space<vmem>>, vector<16xf32>,
        %add3A_833 = arith.addf %select_n3A_814, %select_n3A_828 : vector<16xf32>
        %mul3A_834 = arith.constant 5.000000e-01 : f32
        %mul3A_835 = vector.broadcast %mul3A_834 : f32 to vector<16xf32>
        %mul3A_836 = arith.mulf %add3A_833, %mul3A_835 : vector<16xf32>
        %swap3A_837 = arith.index_cast %add3A_790 : i32 to index
        %swap3A_838 = tpu.vector_load %arg13[%swap3A_837] {strides = array<i32>} : memref<5120xf32, #tpu.memory_space<vmem>>, vector<16xf32>,
        tpu.vector_store %arg13[%swap3A_837], %mul3A_836 {strides = array<i32>} : memref<5120xf32, #tpu.memory_space<vmem>>, vector<16xf32>,
        %broadcast_in_dim3A_839 = arith.constant 0.000000e+00 : f32
        %broadcast_in_dim3A_840 = vector.broadcast %broadcast_in_dim3A_839 : f32 to vector<16xf32>
        %swap3A_841 = arith.index_cast %add3A_790 : i32 to index
        %swap3A_842 = tpu.vector_load %arg23[%swap3A_841] {strides = array<i32>} : memref<5120xf32, #tpu.memory_space<vmem>>, vector<16xf32>,
        tpu.vector_store %arg23[%swap3A_841], %broadcast_in_dim3A_840 {strides = array<i32>} : memref<5120xf32, #tpu.memory_space<vmem>>, vector<16xf32>,
        %get3A_843 = arith.index_cast %add3A_790 : i32 to index
        %get3A_844 = tpu.vector_load %arg12[%get3A_843] {strides = array<i32>} : memref<5120xf32, #tpu.memory_space<vmem>>, vector<16xf32>,
        %add3A_845 = vector.broadcast %add3A_790 : i32 to vector<16xi32>
        %add3A_846 = arith.addi %iota3A, %add3A_845 : vector<16xi32>
        %eq3A_847 = arith.cmpf oeq, %select_n3A_814, %get3A_5 : vector<16xf32>
        %eq3A_848 = arith.cmpf oeq, %select_n3A_828, %get3A_5 : vector<16xf32>
        %and3A_849 = arith.andi %eq3A_847, %eq3A_848 : vector<16xi1>
        %eq3A_850 = arith.constant 0.000000e+00 : f32
        %eq3A_851 = vector.broadcast %eq3A_850 : f32 to vector<16xf32>
        %eq3A_852 = arith.cmpf oeq, %select_n3A_814, %eq3A_851 : vector<16xf32>
        %eq3A_853 = arith.constant 0.000000e+00 : f32
        %eq3A_854 = vector.broadcast %eq3A_853 : f32 to vector<16xf32>
        %eq3A_855 = arith.cmpf oeq, %select_n3A_828, %eq3A_854 : vector<16xf32>
        %and3A_856 = arith.andi %eq3A_852, %eq3A_855 : vector<16xi1>
        %ge3A_857 = arith.cmpf oge, %get3A_844, %select_n3A_783 : vector<16xf32>
        %and3A_858 = arith.andi %and3A_849, %ge3A_857 : vector<16xi1>
        %select_n3A_859 = arith.select %and3A_858, %get3A_844, %select_n3A_783 : vector<16xi1>, vector<16xf32>
        %select_n3A_860 = arith.select %and3A_858, %add3A_846, %select_n3A_784 : vector<16xi1>, vector<16xi32>
        %ge3A_861 = arith.cmpf oge, %get3A_844, %select_n3A_787 : vector<16xf32>
        %and3A_862 = arith.andi %and3A_856, %ge3A_861 : vector<16xi1>
        %select_n3A_863 = arith.select %and3A_862, %get3A_844, %select_n3A_787 : vector<16xi1>, vector<16xf32>
        %select_n3A_864 = arith.select %and3A_862, %add3A_846, %select_n3A_788 : vector<16xi1>, vector<16xi32>
        %add3A_865 = arith.constant 112 : i32
        %add3A_866 = arith.addi %mul3A_335, %add3A_865 : i32
        %add3A_867 = vector.broadcast %add3A_866 : i32 to vector<16xi32>
        %add3A_868 = arith.addi %iota3A, %add3A_867 : vector<16xi32>
        %convert_element_type3A_869 = arith.sitofp %add3A_868 : vector<16xi32> to vector<16xf32>
        %add3A_870 = arith.constant 5.000000e-01 : f32
        %add3A_871 = vector.broadcast %add3A_870 : f32 to vector<16xf32>
        %add3A_872 = arith.addf %convert_element_type3A_869, %add3A_871 : vector<16xf32>
        %mul3A_873 = arith.constant 1.600000e+01 : f32
        %mul3A_874 = vector.broadcast %mul3A_873 : f32 to vector<16xf32>
        %mul3A_875 = arith.mulf %add3A_872, %mul3A_874 : vector<16xf32>
        %add3A_876 = arith.addf %mul3A_875, %get3A_3 : vector<16xf32>
        %get3A_877 = arith.index_cast %add3A_866 : i32 to index
        %get3A_878 = tpu.vector_load %arg14[%get3A_877] {strides = array<i32>} : memref<5120xf32, #tpu.memory_space<vmem>>, vector<16xf32>,
        %mul3A_879 = arith.constant 1.600000e+01 : f32
        %mul3A_880 = vector.broadcast %mul3A_879 : f32 to vector<16xf32>
        %mul3A_881 = arith.mulf %get3A_878, %mul3A_880 : vector<16xf32>
        %add3A_882 = arith.addf %mul3A_881, %add3A_876 : vector<16xf32>
        %lt3A_883 = arith.constant 0.000000e+00 : f32
        %lt3A_884 = vector.broadcast %lt3A_883 : f32 to vector<16xf32>
        %lt3A_885 = arith.cmpf olt, %add3A_882, %lt3A_884 : vector<16xf32>
        %jit3A_886 = arith.constant 0.000000e+00 : f32
        %broadcast_in_dim3A_887 = vector.broadcast %jit3A_886 : f32 to vector<16xf32>
        %select_n3A_888 = arith.select %lt3A_885, %broadcast_in_dim3A_887, %add3A_882 : vector<16xi1>, vector<16xf32>
        %gt3A_889 = arith.cmpf ogt, %select_n3A_888, %get3A_5 : vector<16xf32>
        %select_n3A_890 = arith.select %gt3A_889, %get3A_5, %select_n3A_888 : vector<16xi1>, vector<16xf32>
        %get3A_891 = arith.index_cast %add3A_866 : i32 to index
        %get3A_892 = tpu.vector_load %arg15[%get3A_891] {strides = array<i32>} : memref<5120xf32, #tpu.memory_space<vmem>>, vector<16xf32>,
        %mul3A_893 = arith.constant 1.600000e+01 : f32
        %mul3A_894 = vector.broadcast %mul3A_893 : f32 to vector<16xf32>
        %mul3A_895 = arith.mulf %get3A_892, %mul3A_894 : vector<16xf32>
        %add3A_896 = arith.addf %mul3A_895, %add3A_876 : vector<16xf32>
        %lt3A_897 = arith.constant 0.000000e+00 : f32
        %lt3A_898 = vector.broadcast %lt3A_897 : f32 to vector<16xf32>
        %lt3A_899 = arith.cmpf olt, %add3A_896, %lt3A_898 : vector<16xf32>
        %jit3A_900 = arith.constant 0.000000e+00 : f32
        %broadcast_in_dim3A_901 = vector.broadcast %jit3A_900 : f32 to vector<16xf32>
        %select_n3A_902 = arith.select %lt3A_899, %broadcast_in_dim3A_901, %add3A_896 : vector<16xi1>, vector<16xf32>
        %gt3A_903 = arith.cmpf ogt, %select_n3A_902, %get3A_5 : vector<16xf32>
        %select_n3A_904 = arith.select %gt3A_903, %get3A_5, %select_n3A_902 : vector<16xi1>, vector<16xf32>
        %swap3A_905 = arith.index_cast %add3A_866 : i32 to index
        %swap3A_906 = tpu.vector_load %arg14[%swap3A_905] {strides = array<i32>} : memref<5120xf32, #tpu.memory_space<vmem>>, vector<16xf32>,
        tpu.vector_store %arg14[%swap3A_905], %select_n3A_890 {strides = array<i32>} : memref<5120xf32, #tpu.memory_space<vmem>>, vector<16xf32>,
        %swap3A_907 = arith.index_cast %add3A_866 : i32 to index
        %swap3A_908 = tpu.vector_load %arg15[%swap3A_907] {strides = array<i32>} : memref<5120xf32, #tpu.memory_space<vmem>>, vector<16xf32>,
        tpu.vector_store %arg15[%swap3A_907], %select_n3A_904 {strides = array<i32>} : memref<5120xf32, #tpu.memory_space<vmem>>, vector<16xf32>,
        %add3A_909 = arith.addf %select_n3A_890, %select_n3A_904 : vector<16xf32>
        %mul3A_910 = arith.constant 5.000000e-01 : f32
        %mul3A_911 = vector.broadcast %mul3A_910 : f32 to vector<16xf32>
        %mul3A_912 = arith.mulf %add3A_909, %mul3A_911 : vector<16xf32>
        %swap3A_913 = arith.index_cast %add3A_866 : i32 to index
        %swap3A_914 = tpu.vector_load %arg13[%swap3A_913] {strides = array<i32>} : memref<5120xf32, #tpu.memory_space<vmem>>, vector<16xf32>,
        tpu.vector_store %arg13[%swap3A_913], %mul3A_912 {strides = array<i32>} : memref<5120xf32, #tpu.memory_space<vmem>>, vector<16xf32>,
        %broadcast_in_dim3A_915 = arith.constant 0.000000e+00 : f32
        %broadcast_in_dim3A_916 = vector.broadcast %broadcast_in_dim3A_915 : f32 to vector<16xf32>
        %swap3A_917 = arith.index_cast %add3A_866 : i32 to index
        %swap3A_918 = tpu.vector_load %arg23[%swap3A_917] {strides = array<i32>} : memref<5120xf32, #tpu.memory_space<vmem>>, vector<16xf32>,
        tpu.vector_store %arg23[%swap3A_917], %broadcast_in_dim3A_916 {strides = array<i32>} : memref<5120xf32, #tpu.memory_space<vmem>>, vector<16xf32>,
        %get3A_919 = arith.index_cast %add3A_866 : i32 to index
        %get3A_920 = tpu.vector_load %arg12[%get3A_919] {strides = array<i32>} : memref<5120xf32, #tpu.memory_space<vmem>>, vector<16xf32>,
        %add3A_921 = vector.broadcast %add3A_866 : i32 to vector<16xi32>
        %add3A_922 = arith.addi %iota3A, %add3A_921 : vector<16xi32>
        %eq3A_923 = arith.cmpf oeq, %select_n3A_890, %get3A_5 : vector<16xf32>
        %eq3A_924 = arith.cmpf oeq, %select_n3A_904, %get3A_5 : vector<16xf32>
        %and3A_925 = arith.andi %eq3A_923, %eq3A_924 : vector<16xi1>
        %eq3A_926 = arith.constant 0.000000e+00 : f32
        %eq3A_927 = vector.broadcast %eq3A_926 : f32 to vector<16xf32>
        %eq3A_928 = arith.cmpf oeq, %select_n3A_890, %eq3A_927 : vector<16xf32>
        %eq3A_929 = arith.constant 0.000000e+00 : f32
        %eq3A_930 = vector.broadcast %eq3A_929 : f32 to vector<16xf32>
        %eq3A_931 = arith.cmpf oeq, %select_n3A_904, %eq3A_930 : vector<16xf32>
        %and3A_932 = arith.andi %eq3A_928, %eq3A_931 : vector<16xi1>
        %ge3A_933 = arith.cmpf oge, %get3A_920, %select_n3A_859 : vector<16xf32>
        %and3A_934 = arith.andi %and3A_925, %ge3A_933 : vector<16xi1>
        %select_n3A_935 = arith.select %and3A_934, %get3A_920, %select_n3A_859 : vector<16xi1>, vector<16xf32>
        %select_n3A_936 = arith.select %and3A_934, %add3A_922, %select_n3A_860 : vector<16xi1>, vector<16xi32>
        %ge3A_937 = arith.cmpf oge, %get3A_920, %select_n3A_863 : vector<16xf32>
        %and3A_938 = arith.andi %and3A_932, %ge3A_937 : vector<16xi1>
        %select_n3A_939 = arith.select %and3A_938, %get3A_920, %select_n3A_863 : vector<16xi1>, vector<16xf32>
        %select_n3A_940 = arith.select %and3A_938, %add3A_922, %select_n3A_864 : vector<16xi1>, vector<16xi32>
        %add3A_941 = arith.constant 128 : i32
        %add3A_942 = arith.addi %mul3A_335, %add3A_941 : i32
        %add3A_943 = vector.broadcast %add3A_942 : i32 to vector<16xi32>
        %add3A_944 = arith.addi %iota3A, %add3A_943 : vector<16xi32>
        %convert_element_type3A_945 = arith.sitofp %add3A_944 : vector<16xi32> to vector<16xf32>
        %add3A_946 = arith.constant 5.000000e-01 : f32
        %add3A_947 = vector.broadcast %add3A_946 : f32 to vector<16xf32>
        %add3A_948 = arith.addf %convert_element_type3A_945, %add3A_947 : vector<16xf32>
        %mul3A_949 = arith.constant 1.600000e+01 : f32
        %mul3A_950 = vector.broadcast %mul3A_949 : f32 to vector<16xf32>
        %mul3A_951 = arith.mulf %add3A_948, %mul3A_950 : vector<16xf32>
        %add3A_952 = arith.addf %mul3A_951, %get3A_3 : vector<16xf32>
        %get3A_953 = arith.index_cast %add3A_942 : i32 to index
        %get3A_954 = tpu.vector_load %arg14[%get3A_953] {strides = array<i32>} : memref<5120xf32, #tpu.memory_space<vmem>>, vector<16xf32>,
        %mul3A_955 = arith.constant 1.600000e+01 : f32
        %mul3A_956 = vector.broadcast %mul3A_955 : f32 to vector<16xf32>
        %mul3A_957 = arith.mulf %get3A_954, %mul3A_956 : vector<16xf32>
        %add3A_958 = arith.addf %mul3A_957, %add3A_952 : vector<16xf32>
        %lt3A_959 = arith.constant 0.000000e+00 : f32
        %lt3A_960 = vector.broadcast %lt3A_959 : f32 to vector<16xf32>
        %lt3A_961 = arith.cmpf olt, %add3A_958, %lt3A_960 : vector<16xf32>
        %jit3A_962 = arith.constant 0.000000e+00 : f32
        %broadcast_in_dim3A_963 = vector.broadcast %jit3A_962 : f32 to vector<16xf32>
        %select_n3A_964 = arith.select %lt3A_961, %broadcast_in_dim3A_963, %add3A_958 : vector<16xi1>, vector<16xf32>
        %gt3A_965 = arith.cmpf ogt, %select_n3A_964, %get3A_5 : vector<16xf32>
        %select_n3A_966 = arith.select %gt3A_965, %get3A_5, %select_n3A_964 : vector<16xi1>, vector<16xf32>
        %get3A_967 = arith.index_cast %add3A_942 : i32 to index
        %get3A_968 = tpu.vector_load %arg15[%get3A_967] {strides = array<i32>} : memref<5120xf32, #tpu.memory_space<vmem>>, vector<16xf32>,
        %mul3A_969 = arith.constant 1.600000e+01 : f32
        %mul3A_970 = vector.broadcast %mul3A_969 : f32 to vector<16xf32>
        %mul3A_971 = arith.mulf %get3A_968, %mul3A_970 : vector<16xf32>
        %add3A_972 = arith.addf %mul3A_971, %add3A_952 : vector<16xf32>
        %lt3A_973 = arith.constant 0.000000e+00 : f32
        %lt3A_974 = vector.broadcast %lt3A_973 : f32 to vector<16xf32>
        %lt3A_975 = arith.cmpf olt, %add3A_972, %lt3A_974 : vector<16xf32>
        %jit3A_976 = arith.constant 0.000000e+00 : f32
        %broadcast_in_dim3A_977 = vector.broadcast %jit3A_976 : f32 to vector<16xf32>
        %select_n3A_978 = arith.select %lt3A_975, %broadcast_in_dim3A_977, %add3A_972 : vector<16xi1>, vector<16xf32>
        %gt3A_979 = arith.cmpf ogt, %select_n3A_978, %get3A_5 : vector<16xf32>
        %select_n3A_980 = arith.select %gt3A_979, %get3A_5, %select_n3A_978 : vector<16xi1>, vector<16xf32>
        %swap3A_981 = arith.index_cast %add3A_942 : i32 to index
        %swap3A_982 = tpu.vector_load %arg14[%swap3A_981] {strides = array<i32>} : memref<5120xf32, #tpu.memory_space<vmem>>, vector<16xf32>,
        tpu.vector_store %arg14[%swap3A_981], %select_n3A_966 {strides = array<i32>} : memref<5120xf32, #tpu.memory_space<vmem>>, vector<16xf32>,
        %swap3A_983 = arith.index_cast %add3A_942 : i32 to index
        %swap3A_984 = tpu.vector_load %arg15[%swap3A_983] {strides = array<i32>} : memref<5120xf32, #tpu.memory_space<vmem>>, vector<16xf32>,
        tpu.vector_store %arg15[%swap3A_983], %select_n3A_980 {strides = array<i32>} : memref<5120xf32, #tpu.memory_space<vmem>>, vector<16xf32>,
        %add3A_985 = arith.addf %select_n3A_966, %select_n3A_980 : vector<16xf32>
        %mul3A_986 = arith.constant 5.000000e-01 : f32
        %mul3A_987 = vector.broadcast %mul3A_986 : f32 to vector<16xf32>
        %mul3A_988 = arith.mulf %add3A_985, %mul3A_987 : vector<16xf32>
        %swap3A_989 = arith.index_cast %add3A_942 : i32 to index
        %swap3A_990 = tpu.vector_load %arg13[%swap3A_989] {strides = array<i32>} : memref<5120xf32, #tpu.memory_space<vmem>>, vector<16xf32>,
        tpu.vector_store %arg13[%swap3A_989], %mul3A_988 {strides = array<i32>} : memref<5120xf32, #tpu.memory_space<vmem>>, vector<16xf32>,
        %broadcast_in_dim3A_991 = arith.constant 0.000000e+00 : f32
        %broadcast_in_dim3A_992 = vector.broadcast %broadcast_in_dim3A_991 : f32 to vector<16xf32>
        %swap3A_993 = arith.index_cast %add3A_942 : i32 to index
        %swap3A_994 = tpu.vector_load %arg23[%swap3A_993] {strides = array<i32>} : memref<5120xf32, #tpu.memory_space<vmem>>, vector<16xf32>,
        tpu.vector_store %arg23[%swap3A_993], %broadcast_in_dim3A_992 {strides = array<i32>} : memref<5120xf32, #tpu.memory_space<vmem>>, vector<16xf32>,
        %get3A_995 = arith.index_cast %add3A_942 : i32 to index
        %get3A_996 = tpu.vector_load %arg12[%get3A_995] {strides = array<i32>} : memref<5120xf32, #tpu.memory_space<vmem>>, vector<16xf32>,
        %add3A_997 = vector.broadcast %add3A_942 : i32 to vector<16xi32>
        %add3A_998 = arith.addi %iota3A, %add3A_997 : vector<16xi32>
        %eq3A_999 = arith.cmpf oeq, %select_n3A_966, %get3A_5 : vector<16xf32>
        %eq3A_1000 = arith.cmpf oeq, %select_n3A_980, %get3A_5 : vector<16xf32>
        %and3A_1001 = arith.andi %eq3A_999, %eq3A_1000 : vector<16xi1>
        %eq3A_1002 = arith.constant 0.000000e+00 : f32
        %eq3A_1003 = vector.broadcast %eq3A_1002 : f32 to vector<16xf32>
        %eq3A_1004 = arith.cmpf oeq, %select_n3A_966, %eq3A_1003 : vector<16xf32>
        %eq3A_1005 = arith.constant 0.000000e+00 : f32
        %eq3A_1006 = vector.broadcast %eq3A_1005 : f32 to vector<16xf32>
        %eq3A_1007 = arith.cmpf oeq, %select_n3A_980, %eq3A_1006 : vector<16xf32>
        %and3A_1008 = arith.andi %eq3A_1004, %eq3A_1007 : vector<16xi1>
        %ge3A_1009 = arith.cmpf oge, %get3A_996, %select_n3A_935 : vector<16xf32>
        %and3A_1010 = arith.andi %and3A_1001, %ge3A_1009 : vector<16xi1>
        %select_n3A_1011 = arith.select %and3A_1010, %get3A_996, %select_n3A_935 : vector<16xi1>, vector<16xf32>
        %select_n3A_1012 = arith.select %and3A_1010, %add3A_998, %select_n3A_936 : vector<16xi1>, vector<16xi32>
        %ge3A_1013 = arith.cmpf oge, %get3A_996, %select_n3A_939 : vector<16xf32>
        %and3A_1014 = arith.andi %and3A_1008, %ge3A_1013 : vector<16xi1>
        %select_n3A_1015 = arith.select %and3A_1014, %get3A_996, %select_n3A_939 : vector<16xi1>, vector<16xf32>
        %select_n3A_1016 = arith.select %and3A_1014, %add3A_998, %select_n3A_940 : vector<16xi1>, vector<16xi32>
        %add3A_1017 = arith.constant 144 : i32
        %add3A_1018 = arith.addi %mul3A_335, %add3A_1017 : i32
        %add3A_1019 = vector.broadcast %add3A_1018 : i32 to vector<16xi32>
        %add3A_1020 = arith.addi %iota3A, %add3A_1019 : vector<16xi32>
        %convert_element_type3A_1021 = arith.sitofp %add3A_1020 : vector<16xi32> to vector<16xf32>
        %add3A_1022 = arith.constant 5.000000e-01 : f32
        %add3A_1023 = vector.broadcast %add3A_1022 : f32 to vector<16xf32>
        %add3A_1024 = arith.addf %convert_element_type3A_1021, %add3A_1023 : vector<16xf32>
        %mul3A_1025 = arith.constant 1.600000e+01 : f32
        %mul3A_1026 = vector.broadcast %mul3A_1025 : f32 to vector<16xf32>
        %mul3A_1027 = arith.mulf %add3A_1024, %mul3A_1026 : vector<16xf32>
        %add3A_1028 = arith.addf %mul3A_1027, %get3A_3 : vector<16xf32>
        %get3A_1029 = arith.index_cast %add3A_1018 : i32 to index
        %get3A_1030 = tpu.vector_load %arg14[%get3A_1029] {strides = array<i32>} : memref<5120xf32, #tpu.memory_space<vmem>>, vector<16xf32>,
        %mul3A_1031 = arith.constant 1.600000e+01 : f32
        %mul3A_1032 = vector.broadcast %mul3A_1031 : f32 to vector<16xf32>
        %mul3A_1033 = arith.mulf %get3A_1030, %mul3A_1032 : vector<16xf32>
        %add3A_1034 = arith.addf %mul3A_1033, %add3A_1028 : vector<16xf32>
        %lt3A_1035 = arith.constant 0.000000e+00 : f32
        %lt3A_1036 = vector.broadcast %lt3A_1035 : f32 to vector<16xf32>
        %lt3A_1037 = arith.cmpf olt, %add3A_1034, %lt3A_1036 : vector<16xf32>
        %jit3A_1038 = arith.constant 0.000000e+00 : f32
        %broadcast_in_dim3A_1039 = vector.broadcast %jit3A_1038 : f32 to vector<16xf32>
        %select_n3A_1040 = arith.select %lt3A_1037, %broadcast_in_dim3A_1039, %add3A_1034 : vector<16xi1>, vector<16xf32>
        %gt3A_1041 = arith.cmpf ogt, %select_n3A_1040, %get3A_5 : vector<16xf32>
        %select_n3A_1042 = arith.select %gt3A_1041, %get3A_5, %select_n3A_1040 : vector<16xi1>, vector<16xf32>
        %get3A_1043 = arith.index_cast %add3A_1018 : i32 to index
        %get3A_1044 = tpu.vector_load %arg15[%get3A_1043] {strides = array<i32>} : memref<5120xf32, #tpu.memory_space<vmem>>, vector<16xf32>,
        %mul3A_1045 = arith.constant 1.600000e+01 : f32
        %mul3A_1046 = vector.broadcast %mul3A_1045 : f32 to vector<16xf32>
        %mul3A_1047 = arith.mulf %get3A_1044, %mul3A_1046 : vector<16xf32>
        %add3A_1048 = arith.addf %mul3A_1047, %add3A_1028 : vector<16xf32>
        %lt3A_1049 = arith.constant 0.000000e+00 : f32
        %lt3A_1050 = vector.broadcast %lt3A_1049 : f32 to vector<16xf32>
        %lt3A_1051 = arith.cmpf olt, %add3A_1048, %lt3A_1050 : vector<16xf32>
        %jit3A_1052 = arith.constant 0.000000e+00 : f32
        %broadcast_in_dim3A_1053 = vector.broadcast %jit3A_1052 : f32 to vector<16xf32>
        %select_n3A_1054 = arith.select %lt3A_1051, %broadcast_in_dim3A_1053, %add3A_1048 : vector<16xi1>, vector<16xf32>
        %gt3A_1055 = arith.cmpf ogt, %select_n3A_1054, %get3A_5 : vector<16xf32>
        %select_n3A_1056 = arith.select %gt3A_1055, %get3A_5, %select_n3A_1054 : vector<16xi1>, vector<16xf32>
        %swap3A_1057 = arith.index_cast %add3A_1018 : i32 to index
        %swap3A_1058 = tpu.vector_load %arg14[%swap3A_1057] {strides = array<i32>} : memref<5120xf32, #tpu.memory_space<vmem>>, vector<16xf32>,
        tpu.vector_store %arg14[%swap3A_1057], %select_n3A_1042 {strides = array<i32>} : memref<5120xf32, #tpu.memory_space<vmem>>, vector<16xf32>,
        %swap3A_1059 = arith.index_cast %add3A_1018 : i32 to index
        %swap3A_1060 = tpu.vector_load %arg15[%swap3A_1059] {strides = array<i32>} : memref<5120xf32, #tpu.memory_space<vmem>>, vector<16xf32>,
        tpu.vector_store %arg15[%swap3A_1059], %select_n3A_1056 {strides = array<i32>} : memref<5120xf32, #tpu.memory_space<vmem>>, vector<16xf32>,
        %add3A_1061 = arith.addf %select_n3A_1042, %select_n3A_1056 : vector<16xf32>
        %mul3A_1062 = arith.constant 5.000000e-01 : f32
        %mul3A_1063 = vector.broadcast %mul3A_1062 : f32 to vector<16xf32>
        %mul3A_1064 = arith.mulf %add3A_1061, %mul3A_1063 : vector<16xf32>
        %swap3A_1065 = arith.index_cast %add3A_1018 : i32 to index
        %swap3A_1066 = tpu.vector_load %arg13[%swap3A_1065] {strides = array<i32>} : memref<5120xf32, #tpu.memory_space<vmem>>, vector<16xf32>,
        tpu.vector_store %arg13[%swap3A_1065], %mul3A_1064 {strides = array<i32>} : memref<5120xf32, #tpu.memory_space<vmem>>, vector<16xf32>,
        %broadcast_in_dim3A_1067 = arith.constant 0.000000e+00 : f32
        %broadcast_in_dim3A_1068 = vector.broadcast %broadcast_in_dim3A_1067 : f32 to vector<16xf32>
        %swap3A_1069 = arith.index_cast %add3A_1018 : i32 to index
        %swap3A_1070 = tpu.vector_load %arg23[%swap3A_1069] {strides = array<i32>} : memref<5120xf32, #tpu.memory_space<vmem>>, vector<16xf32>,
        tpu.vector_store %arg23[%swap3A_1069], %broadcast_in_dim3A_1068 {strides = array<i32>} : memref<5120xf32, #tpu.memory_space<vmem>>, vector<16xf32>,
        %get3A_1071 = arith.index_cast %add3A_1018 : i32 to index
        %get3A_1072 = tpu.vector_load %arg12[%get3A_1071] {strides = array<i32>} : memref<5120xf32, #tpu.memory_space<vmem>>, vector<16xf32>,
        %add3A_1073 = vector.broadcast %add3A_1018 : i32 to vector<16xi32>
        %add3A_1074 = arith.addi %iota3A, %add3A_1073 : vector<16xi32>
        %eq3A_1075 = arith.cmpf oeq, %select_n3A_1042, %get3A_5 : vector<16xf32>
        %eq3A_1076 = arith.cmpf oeq, %select_n3A_1056, %get3A_5 : vector<16xf32>
        %and3A_1077 = arith.andi %eq3A_1075, %eq3A_1076 : vector<16xi1>
        %eq3A_1078 = arith.constant 0.000000e+00 : f32
        %eq3A_1079 = vector.broadcast %eq3A_1078 : f32 to vector<16xf32>
        %eq3A_1080 = arith.cmpf oeq, %select_n3A_1042, %eq3A_1079 : vector<16xf32>
        %eq3A_1081 = arith.constant 0.000000e+00 : f32
        %eq3A_1082 = vector.broadcast %eq3A_1081 : f32 to vector<16xf32>
        %eq3A_1083 = arith.cmpf oeq, %select_n3A_1056, %eq3A_1082 : vector<16xf32>
        %and3A_1084 = arith.andi %eq3A_1080, %eq3A_1083 : vector<16xi1>
        %ge3A_1085 = arith.cmpf oge, %get3A_1072, %select_n3A_1011 : vector<16xf32>
        %and3A_1086 = arith.andi %and3A_1077, %ge3A_1085 : vector<16xi1>
        %select_n3A_1087 = arith.select %and3A_1086, %get3A_1072, %select_n3A_1011 : vector<16xi1>, vector<16xf32>
        %select_n3A_1088 = arith.select %and3A_1086, %add3A_1074, %select_n3A_1012 : vector<16xi1>, vector<16xi32>
        %ge3A_1089 = arith.cmpf oge, %get3A_1072, %select_n3A_1015 : vector<16xf32>
        %and3A_1090 = arith.andi %and3A_1084, %ge3A_1089 : vector<16xi1>
        %select_n3A_1091 = arith.select %and3A_1090, %get3A_1072, %select_n3A_1015 : vector<16xi1>, vector<16xf32>
        %select_n3A_1092 = arith.select %and3A_1090, %add3A_1074, %select_n3A_1016 : vector<16xi1>, vector<16xi32>
        %add3A_1093 = arith.constant 160 : i32
        %add3A_1094 = arith.addi %mul3A_335, %add3A_1093 : i32
        %add3A_1095 = vector.broadcast %add3A_1094 : i32 to vector<16xi32>
        %add3A_1096 = arith.addi %iota3A, %add3A_1095 : vector<16xi32>
        %convert_element_type3A_1097 = arith.sitofp %add3A_1096 : vector<16xi32> to vector<16xf32>
        %add3A_1098 = arith.constant 5.000000e-01 : f32
        %add3A_1099 = vector.broadcast %add3A_1098 : f32 to vector<16xf32>
        %add3A_1100 = arith.addf %convert_element_type3A_1097, %add3A_1099 : vector<16xf32>
        %mul3A_1101 = arith.constant 1.600000e+01 : f32
        %mul3A_1102 = vector.broadcast %mul3A_1101 : f32 to vector<16xf32>
        %mul3A_1103 = arith.mulf %add3A_1100, %mul3A_1102 : vector<16xf32>
        %add3A_1104 = arith.addf %mul3A_1103, %get3A_3 : vector<16xf32>
        %get3A_1105 = arith.index_cast %add3A_1094 : i32 to index
        %get3A_1106 = tpu.vector_load %arg14[%get3A_1105] {strides = array<i32>} : memref<5120xf32, #tpu.memory_space<vmem>>, vector<16xf32>,
        %mul3A_1107 = arith.constant 1.600000e+01 : f32
        %mul3A_1108 = vector.broadcast %mul3A_1107 : f32 to vector<16xf32>
        %mul3A_1109 = arith.mulf %get3A_1106, %mul3A_1108 : vector<16xf32>
        %add3A_1110 = arith.addf %mul3A_1109, %add3A_1104 : vector<16xf32>
        %lt3A_1111 = arith.constant 0.000000e+00 : f32
        %lt3A_1112 = vector.broadcast %lt3A_1111 : f32 to vector<16xf32>
        %lt3A_1113 = arith.cmpf olt, %add3A_1110, %lt3A_1112 : vector<16xf32>
        %jit3A_1114 = arith.constant 0.000000e+00 : f32
        %broadcast_in_dim3A_1115 = vector.broadcast %jit3A_1114 : f32 to vector<16xf32>
        %select_n3A_1116 = arith.select %lt3A_1113, %broadcast_in_dim3A_1115, %add3A_1110 : vector<16xi1>, vector<16xf32>
        %gt3A_1117 = arith.cmpf ogt, %select_n3A_1116, %get3A_5 : vector<16xf32>
        %select_n3A_1118 = arith.select %gt3A_1117, %get3A_5, %select_n3A_1116 : vector<16xi1>, vector<16xf32>
        %get3A_1119 = arith.index_cast %add3A_1094 : i32 to index
        %get3A_1120 = tpu.vector_load %arg15[%get3A_1119] {strides = array<i32>} : memref<5120xf32, #tpu.memory_space<vmem>>, vector<16xf32>,
        %mul3A_1121 = arith.constant 1.600000e+01 : f32
        %mul3A_1122 = vector.broadcast %mul3A_1121 : f32 to vector<16xf32>
        %mul3A_1123 = arith.mulf %get3A_1120, %mul3A_1122 : vector<16xf32>
        %add3A_1124 = arith.addf %mul3A_1123, %add3A_1104 : vector<16xf32>
        %lt3A_1125 = arith.constant 0.000000e+00 : f32
        %lt3A_1126 = vector.broadcast %lt3A_1125 : f32 to vector<16xf32>
        %lt3A_1127 = arith.cmpf olt, %add3A_1124, %lt3A_1126 : vector<16xf32>
        %jit3A_1128 = arith.constant 0.000000e+00 : f32
        %broadcast_in_dim3A_1129 = vector.broadcast %jit3A_1128 : f32 to vector<16xf32>
        %select_n3A_1130 = arith.select %lt3A_1127, %broadcast_in_dim3A_1129, %add3A_1124 : vector<16xi1>, vector<16xf32>
        %gt3A_1131 = arith.cmpf ogt, %select_n3A_1130, %get3A_5 : vector<16xf32>
        %select_n3A_1132 = arith.select %gt3A_1131, %get3A_5, %select_n3A_1130 : vector<16xi1>, vector<16xf32>
        %swap3A_1133 = arith.index_cast %add3A_1094 : i32 to index
        %swap3A_1134 = tpu.vector_load %arg14[%swap3A_1133] {strides = array<i32>} : memref<5120xf32, #tpu.memory_space<vmem>>, vector<16xf32>,
        tpu.vector_store %arg14[%swap3A_1133], %select_n3A_1118 {strides = array<i32>} : memref<5120xf32, #tpu.memory_space<vmem>>, vector<16xf32>,
        %swap3A_1135 = arith.index_cast %add3A_1094 : i32 to index
        %swap3A_1136 = tpu.vector_load %arg15[%swap3A_1135] {strides = array<i32>} : memref<5120xf32, #tpu.memory_space<vmem>>, vector<16xf32>,
        tpu.vector_store %arg15[%swap3A_1135], %select_n3A_1132 {strides = array<i32>} : memref<5120xf32, #tpu.memory_space<vmem>>, vector<16xf32>,
        %add3A_1137 = arith.addf %select_n3A_1118, %select_n3A_1132 : vector<16xf32>
        %mul3A_1138 = arith.constant 5.000000e-01 : f32
        %mul3A_1139 = vector.broadcast %mul3A_1138 : f32 to vector<16xf32>
        %mul3A_1140 = arith.mulf %add3A_1137, %mul3A_1139 : vector<16xf32>
        %swap3A_1141 = arith.index_cast %add3A_1094 : i32 to index
        %swap3A_1142 = tpu.vector_load %arg13[%swap3A_1141] {strides = array<i32>} : memref<5120xf32, #tpu.memory_space<vmem>>, vector<16xf32>,
        tpu.vector_store %arg13[%swap3A_1141], %mul3A_1140 {strides = array<i32>} : memref<5120xf32, #tpu.memory_space<vmem>>, vector<16xf32>,
        %broadcast_in_dim3A_1143 = arith.constant 0.000000e+00 : f32
        %broadcast_in_dim3A_1144 = vector.broadcast %broadcast_in_dim3A_1143 : f32 to vector<16xf32>
        %swap3A_1145 = arith.index_cast %add3A_1094 : i32 to index
        %swap3A_1146 = tpu.vector_load %arg23[%swap3A_1145] {strides = array<i32>} : memref<5120xf32, #tpu.memory_space<vmem>>, vector<16xf32>,
        tpu.vector_store %arg23[%swap3A_1145], %broadcast_in_dim3A_1144 {strides = array<i32>} : memref<5120xf32, #tpu.memory_space<vmem>>, vector<16xf32>,
        %get3A_1147 = arith.index_cast %add3A_1094 : i32 to index
        %get3A_1148 = tpu.vector_load %arg12[%get3A_1147] {strides = array<i32>} : memref<5120xf32, #tpu.memory_space<vmem>>, vector<16xf32>,
        %add3A_1149 = vector.broadcast %add3A_1094 : i32 to vector<16xi32>
        %add3A_1150 = arith.addi %iota3A, %add3A_1149 : vector<16xi32>
        %eq3A_1151 = arith.cmpf oeq, %select_n3A_1118, %get3A_5 : vector<16xf32>
        %eq3A_1152 = arith.cmpf oeq, %select_n3A_1132, %get3A_5 : vector<16xf32>
        %and3A_1153 = arith.andi %eq3A_1151, %eq3A_1152 : vector<16xi1>
        %eq3A_1154 = arith.constant 0.000000e+00 : f32
        %eq3A_1155 = vector.broadcast %eq3A_1154 : f32 to vector<16xf32>
        %eq3A_1156 = arith.cmpf oeq, %select_n3A_1118, %eq3A_1155 : vector<16xf32>
        %eq3A_1157 = arith.constant 0.000000e+00 : f32
        %eq3A_1158 = vector.broadcast %eq3A_1157 : f32 to vector<16xf32>
        %eq3A_1159 = arith.cmpf oeq, %select_n3A_1132, %eq3A_1158 : vector<16xf32>
        %and3A_1160 = arith.andi %eq3A_1156, %eq3A_1159 : vector<16xi1>
        %ge3A_1161 = arith.cmpf oge, %get3A_1148, %select_n3A_1087 : vector<16xf32>
        %and3A_1162 = arith.andi %and3A_1153, %ge3A_1161 : vector<16xi1>
        %select_n3A_1163 = arith.select %and3A_1162, %get3A_1148, %select_n3A_1087 : vector<16xi1>, vector<16xf32>
        %select_n3A_1164 = arith.select %and3A_1162, %add3A_1150, %select_n3A_1088 : vector<16xi1>, vector<16xi32>
        %ge3A_1165 = arith.cmpf oge, %get3A_1148, %select_n3A_1091 : vector<16xf32>
        %and3A_1166 = arith.andi %and3A_1160, %ge3A_1165 : vector<16xi1>
        %select_n3A_1167 = arith.select %and3A_1166, %get3A_1148, %select_n3A_1091 : vector<16xi1>, vector<16xf32>
        %select_n3A_1168 = arith.select %and3A_1166, %add3A_1150, %select_n3A_1092 : vector<16xi1>, vector<16xi32>
        %add3A_1169 = arith.constant 176 : i32
        %add3A_1170 = arith.addi %mul3A_335, %add3A_1169 : i32
        %add3A_1171 = vector.broadcast %add3A_1170 : i32 to vector<16xi32>
        %add3A_1172 = arith.addi %iota3A, %add3A_1171 : vector<16xi32>
        %convert_element_type3A_1173 = arith.sitofp %add3A_1172 : vector<16xi32> to vector<16xf32>
        %add3A_1174 = arith.constant 5.000000e-01 : f32
        %add3A_1175 = vector.broadcast %add3A_1174 : f32 to vector<16xf32>
        %add3A_1176 = arith.addf %convert_element_type3A_1173, %add3A_1175 : vector<16xf32>
        %mul3A_1177 = arith.constant 1.600000e+01 : f32
        %mul3A_1178 = vector.broadcast %mul3A_1177 : f32 to vector<16xf32>
        %mul3A_1179 = arith.mulf %add3A_1176, %mul3A_1178 : vector<16xf32>
        %add3A_1180 = arith.addf %mul3A_1179, %get3A_3 : vector<16xf32>
        %get3A_1181 = arith.index_cast %add3A_1170 : i32 to index
        %get3A_1182 = tpu.vector_load %arg14[%get3A_1181] {strides = array<i32>} : memref<5120xf32, #tpu.memory_space<vmem>>, vector<16xf32>,
        %mul3A_1183 = arith.constant 1.600000e+01 : f32
        %mul3A_1184 = vector.broadcast %mul3A_1183 : f32 to vector<16xf32>
        %mul3A_1185 = arith.mulf %get3A_1182, %mul3A_1184 : vector<16xf32>
        %add3A_1186 = arith.addf %mul3A_1185, %add3A_1180 : vector<16xf32>
        %lt3A_1187 = arith.constant 0.000000e+00 : f32
        %lt3A_1188 = vector.broadcast %lt3A_1187 : f32 to vector<16xf32>
        %lt3A_1189 = arith.cmpf olt, %add3A_1186, %lt3A_1188 : vector<16xf32>
        %jit3A_1190 = arith.constant 0.000000e+00 : f32
        %broadcast_in_dim3A_1191 = vector.broadcast %jit3A_1190 : f32 to vector<16xf32>
        %select_n3A_1192 = arith.select %lt3A_1189, %broadcast_in_dim3A_1191, %add3A_1186 : vector<16xi1>, vector<16xf32>
        %gt3A_1193 = arith.cmpf ogt, %select_n3A_1192, %get3A_5 : vector<16xf32>
        %select_n3A_1194 = arith.select %gt3A_1193, %get3A_5, %select_n3A_1192 : vector<16xi1>, vector<16xf32>
        %get3A_1195 = arith.index_cast %add3A_1170 : i32 to index
        %get3A_1196 = tpu.vector_load %arg15[%get3A_1195] {strides = array<i32>} : memref<5120xf32, #tpu.memory_space<vmem>>, vector<16xf32>,
        %mul3A_1197 = arith.constant 1.600000e+01 : f32
        %mul3A_1198 = vector.broadcast %mul3A_1197 : f32 to vector<16xf32>
        %mul3A_1199 = arith.mulf %get3A_1196, %mul3A_1198 : vector<16xf32>
        %add3A_1200 = arith.addf %mul3A_1199, %add3A_1180 : vector<16xf32>
        %lt3A_1201 = arith.constant 0.000000e+00 : f32
        %lt3A_1202 = vector.broadcast %lt3A_1201 : f32 to vector<16xf32>
        %lt3A_1203 = arith.cmpf olt, %add3A_1200, %lt3A_1202 : vector<16xf32>
        %jit3A_1204 = arith.constant 0.000000e+00 : f32
        %broadcast_in_dim3A_1205 = vector.broadcast %jit3A_1204 : f32 to vector<16xf32>
        %select_n3A_1206 = arith.select %lt3A_1203, %broadcast_in_dim3A_1205, %add3A_1200 : vector<16xi1>, vector<16xf32>
        %gt3A_1207 = arith.cmpf ogt, %select_n3A_1206, %get3A_5 : vector<16xf32>
        %select_n3A_1208 = arith.select %gt3A_1207, %get3A_5, %select_n3A_1206 : vector<16xi1>, vector<16xf32>
        %swap3A_1209 = arith.index_cast %add3A_1170 : i32 to index
        %swap3A_1210 = tpu.vector_load %arg14[%swap3A_1209] {strides = array<i32>} : memref<5120xf32, #tpu.memory_space<vmem>>, vector<16xf32>,
        tpu.vector_store %arg14[%swap3A_1209], %select_n3A_1194 {strides = array<i32>} : memref<5120xf32, #tpu.memory_space<vmem>>, vector<16xf32>,
        %swap3A_1211 = arith.index_cast %add3A_1170 : i32 to index
        %swap3A_1212 = tpu.vector_load %arg15[%swap3A_1211] {strides = array<i32>} : memref<5120xf32, #tpu.memory_space<vmem>>, vector<16xf32>,
        tpu.vector_store %arg15[%swap3A_1211], %select_n3A_1208 {strides = array<i32>} : memref<5120xf32, #tpu.memory_space<vmem>>, vector<16xf32>,
        %add3A_1213 = arith.addf %select_n3A_1194, %select_n3A_1208 : vector<16xf32>
        %mul3A_1214 = arith.constant 5.000000e-01 : f32
        %mul3A_1215 = vector.broadcast %mul3A_1214 : f32 to vector<16xf32>
        %mul3A_1216 = arith.mulf %add3A_1213, %mul3A_1215 : vector<16xf32>
        %swap3A_1217 = arith.index_cast %add3A_1170 : i32 to index
        %swap3A_1218 = tpu.vector_load %arg13[%swap3A_1217] {strides = array<i32>} : memref<5120xf32, #tpu.memory_space<vmem>>, vector<16xf32>,
        tpu.vector_store %arg13[%swap3A_1217], %mul3A_1216 {strides = array<i32>} : memref<5120xf32, #tpu.memory_space<vmem>>, vector<16xf32>,
        %broadcast_in_dim3A_1219 = arith.constant 0.000000e+00 : f32
        %broadcast_in_dim3A_1220 = vector.broadcast %broadcast_in_dim3A_1219 : f32 to vector<16xf32>
        %swap3A_1221 = arith.index_cast %add3A_1170 : i32 to index
        %swap3A_1222 = tpu.vector_load %arg23[%swap3A_1221] {strides = array<i32>} : memref<5120xf32, #tpu.memory_space<vmem>>, vector<16xf32>,
        tpu.vector_store %arg23[%swap3A_1221], %broadcast_in_dim3A_1220 {strides = array<i32>} : memref<5120xf32, #tpu.memory_space<vmem>>, vector<16xf32>,
        %get3A_1223 = arith.index_cast %add3A_1170 : i32 to index
        %get3A_1224 = tpu.vector_load %arg12[%get3A_1223] {strides = array<i32>} : memref<5120xf32, #tpu.memory_space<vmem>>, vector<16xf32>,
        %add3A_1225 = vector.broadcast %add3A_1170 : i32 to vector<16xi32>
        %add3A_1226 = arith.addi %iota3A, %add3A_1225 : vector<16xi32>
        %eq3A_1227 = arith.cmpf oeq, %select_n3A_1194, %get3A_5 : vector<16xf32>
        %eq3A_1228 = arith.cmpf oeq, %select_n3A_1208, %get3A_5 : vector<16xf32>
        %and3A_1229 = arith.andi %eq3A_1227, %eq3A_1228 : vector<16xi1>
        %eq3A_1230 = arith.constant 0.000000e+00 : f32
        %eq3A_1231 = vector.broadcast %eq3A_1230 : f32 to vector<16xf32>
        %eq3A_1232 = arith.cmpf oeq, %select_n3A_1194, %eq3A_1231 : vector<16xf32>
        %eq3A_1233 = arith.constant 0.000000e+00 : f32
        %eq3A_1234 = vector.broadcast %eq3A_1233 : f32 to vector<16xf32>
        %eq3A_1235 = arith.cmpf oeq, %select_n3A_1208, %eq3A_1234 : vector<16xf32>
        %and3A_1236 = arith.andi %eq3A_1232, %eq3A_1235 : vector<16xi1>
        %ge3A_1237 = arith.cmpf oge, %get3A_1224, %select_n3A_1163 : vector<16xf32>
        %and3A_1238 = arith.andi %and3A_1229, %ge3A_1237 : vector<16xi1>
        %select_n3A_1239 = arith.select %and3A_1238, %get3A_1224, %select_n3A_1163 : vector<16xi1>, vector<16xf32>
        %select_n3A_1240 = arith.select %and3A_1238, %add3A_1226, %select_n3A_1164 : vector<16xi1>, vector<16xi32>
        %ge3A_1241 = arith.cmpf oge, %get3A_1224, %select_n3A_1167 : vector<16xf32>
        %and3A_1242 = arith.andi %and3A_1236, %ge3A_1241 : vector<16xi1>
        %select_n3A_1243 = arith.select %and3A_1242, %get3A_1224, %select_n3A_1167 : vector<16xi1>, vector<16xf32>
        %select_n3A_1244 = arith.select %and3A_1242, %add3A_1226, %select_n3A_1168 : vector<16xi1>, vector<16xi32>
        %add3A_1245 = arith.constant 192 : i32
        %add3A_1246 = arith.addi %mul3A_335, %add3A_1245 : i32
        %add3A_1247 = vector.broadcast %add3A_1246 : i32 to vector<16xi32>
        %add3A_1248 = arith.addi %iota3A, %add3A_1247 : vector<16xi32>
        %convert_element_type3A_1249 = arith.sitofp %add3A_1248 : vector<16xi32> to vector<16xf32>
        %add3A_1250 = arith.constant 5.000000e-01 : f32
        %add3A_1251 = vector.broadcast %add3A_1250 : f32 to vector<16xf32>
        %add3A_1252 = arith.addf %convert_element_type3A_1249, %add3A_1251 : vector<16xf32>
        %mul3A_1253 = arith.constant 1.600000e+01 : f32
        %mul3A_1254 = vector.broadcast %mul3A_1253 : f32 to vector<16xf32>
        %mul3A_1255 = arith.mulf %add3A_1252, %mul3A_1254 : vector<16xf32>
        %add3A_1256 = arith.addf %mul3A_1255, %get3A_3 : vector<16xf32>
        %get3A_1257 = arith.index_cast %add3A_1246 : i32 to index
        %get3A_1258 = tpu.vector_load %arg14[%get3A_1257] {strides = array<i32>} : memref<5120xf32, #tpu.memory_space<vmem>>, vector<16xf32>,
        %mul3A_1259 = arith.constant 1.600000e+01 : f32
        %mul3A_1260 = vector.broadcast %mul3A_1259 : f32 to vector<16xf32>
        %mul3A_1261 = arith.mulf %get3A_1258, %mul3A_1260 : vector<16xf32>
        %add3A_1262 = arith.addf %mul3A_1261, %add3A_1256 : vector<16xf32>
        %lt3A_1263 = arith.constant 0.000000e+00 : f32
        %lt3A_1264 = vector.broadcast %lt3A_1263 : f32 to vector<16xf32>
        %lt3A_1265 = arith.cmpf olt, %add3A_1262, %lt3A_1264 : vector<16xf32>
        %jit3A_1266 = arith.constant 0.000000e+00 : f32
        %broadcast_in_dim3A_1267 = vector.broadcast %jit3A_1266 : f32 to vector<16xf32>
        %select_n3A_1268 = arith.select %lt3A_1265, %broadcast_in_dim3A_1267, %add3A_1262 : vector<16xi1>, vector<16xf32>
        %gt3A_1269 = arith.cmpf ogt, %select_n3A_1268, %get3A_5 : vector<16xf32>
        %select_n3A_1270 = arith.select %gt3A_1269, %get3A_5, %select_n3A_1268 : vector<16xi1>, vector<16xf32>
        %get3A_1271 = arith.index_cast %add3A_1246 : i32 to index
        %get3A_1272 = tpu.vector_load %arg15[%get3A_1271] {strides = array<i32>} : memref<5120xf32, #tpu.memory_space<vmem>>, vector<16xf32>,
        %mul3A_1273 = arith.constant 1.600000e+01 : f32
        %mul3A_1274 = vector.broadcast %mul3A_1273 : f32 to vector<16xf32>
        %mul3A_1275 = arith.mulf %get3A_1272, %mul3A_1274 : vector<16xf32>
        %add3A_1276 = arith.addf %mul3A_1275, %add3A_1256 : vector<16xf32>
        %lt3A_1277 = arith.constant 0.000000e+00 : f32
        %lt3A_1278 = vector.broadcast %lt3A_1277 : f32 to vector<16xf32>
        %lt3A_1279 = arith.cmpf olt, %add3A_1276, %lt3A_1278 : vector<16xf32>
        %jit3A_1280 = arith.constant 0.000000e+00 : f32
        %broadcast_in_dim3A_1281 = vector.broadcast %jit3A_1280 : f32 to vector<16xf32>
        %select_n3A_1282 = arith.select %lt3A_1279, %broadcast_in_dim3A_1281, %add3A_1276 : vector<16xi1>, vector<16xf32>
        %gt3A_1283 = arith.cmpf ogt, %select_n3A_1282, %get3A_5 : vector<16xf32>
        %select_n3A_1284 = arith.select %gt3A_1283, %get3A_5, %select_n3A_1282 : vector<16xi1>, vector<16xf32>
        %swap3A_1285 = arith.index_cast %add3A_1246 : i32 to index
        %swap3A_1286 = tpu.vector_load %arg14[%swap3A_1285] {strides = array<i32>} : memref<5120xf32, #tpu.memory_space<vmem>>, vector<16xf32>,
        tpu.vector_store %arg14[%swap3A_1285], %select_n3A_1270 {strides = array<i32>} : memref<5120xf32, #tpu.memory_space<vmem>>, vector<16xf32>,
        %swap3A_1287 = arith.index_cast %add3A_1246 : i32 to index
        %swap3A_1288 = tpu.vector_load %arg15[%swap3A_1287] {strides = array<i32>} : memref<5120xf32, #tpu.memory_space<vmem>>, vector<16xf32>,
        tpu.vector_store %arg15[%swap3A_1287], %select_n3A_1284 {strides = array<i32>} : memref<5120xf32, #tpu.memory_space<vmem>>, vector<16xf32>,
        %add3A_1289 = arith.addf %select_n3A_1270, %select_n3A_1284 : vector<16xf32>
        %mul3A_1290 = arith.constant 5.000000e-01 : f32
        %mul3A_1291 = vector.broadcast %mul3A_1290 : f32 to vector<16xf32>
        %mul3A_1292 = arith.mulf %add3A_1289, %mul3A_1291 : vector<16xf32>
        %swap3A_1293 = arith.index_cast %add3A_1246 : i32 to index
        %swap3A_1294 = tpu.vector_load %arg13[%swap3A_1293] {strides = array<i32>} : memref<5120xf32, #tpu.memory_space<vmem>>, vector<16xf32>,
        tpu.vector_store %arg13[%swap3A_1293], %mul3A_1292 {strides = array<i32>} : memref<5120xf32, #tpu.memory_space<vmem>>, vector<16xf32>,
        %broadcast_in_dim3A_1295 = arith.constant 0.000000e+00 : f32
        %broadcast_in_dim3A_1296 = vector.broadcast %broadcast_in_dim3A_1295 : f32 to vector<16xf32>
        %swap3A_1297 = arith.index_cast %add3A_1246 : i32 to index
        %swap3A_1298 = tpu.vector_load %arg23[%swap3A_1297] {strides = array<i32>} : memref<5120xf32, #tpu.memory_space<vmem>>, vector<16xf32>,
        tpu.vector_store %arg23[%swap3A_1297], %broadcast_in_dim3A_1296 {strides = array<i32>} : memref<5120xf32, #tpu.memory_space<vmem>>, vector<16xf32>,
        %get3A_1299 = arith.index_cast %add3A_1246 : i32 to index
        %get3A_1300 = tpu.vector_load %arg12[%get3A_1299] {strides = array<i32>} : memref<5120xf32, #tpu.memory_space<vmem>>, vector<16xf32>,
        %add3A_1301 = vector.broadcast %add3A_1246 : i32 to vector<16xi32>
        %add3A_1302 = arith.addi %iota3A, %add3A_1301 : vector<16xi32>
        %eq3A_1303 = arith.cmpf oeq, %select_n3A_1270, %get3A_5 : vector<16xf32>
        %eq3A_1304 = arith.cmpf oeq, %select_n3A_1284, %get3A_5 : vector<16xf32>
        %and3A_1305 = arith.andi %eq3A_1303, %eq3A_1304 : vector<16xi1>
        %eq3A_1306 = arith.constant 0.000000e+00 : f32
        %eq3A_1307 = vector.broadcast %eq3A_1306 : f32 to vector<16xf32>
        %eq3A_1308 = arith.cmpf oeq, %select_n3A_1270, %eq3A_1307 : vector<16xf32>
        %eq3A_1309 = arith.constant 0.000000e+00 : f32
        %eq3A_1310 = vector.broadcast %eq3A_1309 : f32 to vector<16xf32>
        %eq3A_1311 = arith.cmpf oeq, %select_n3A_1284, %eq3A_1310 : vector<16xf32>
        %and3A_1312 = arith.andi %eq3A_1308, %eq3A_1311 : vector<16xi1>
        %ge3A_1313 = arith.cmpf oge, %get3A_1300, %select_n3A_1239 : vector<16xf32>
        %and3A_1314 = arith.andi %and3A_1305, %ge3A_1313 : vector<16xi1>
        %select_n3A_1315 = arith.select %and3A_1314, %get3A_1300, %select_n3A_1239 : vector<16xi1>, vector<16xf32>
        %select_n3A_1316 = arith.select %and3A_1314, %add3A_1302, %select_n3A_1240 : vector<16xi1>, vector<16xi32>
        %ge3A_1317 = arith.cmpf oge, %get3A_1300, %select_n3A_1243 : vector<16xf32>
        %and3A_1318 = arith.andi %and3A_1312, %ge3A_1317 : vector<16xi1>
        %select_n3A_1319 = arith.select %and3A_1318, %get3A_1300, %select_n3A_1243 : vector<16xi1>, vector<16xf32>
        %select_n3A_1320 = arith.select %and3A_1318, %add3A_1302, %select_n3A_1244 : vector<16xi1>, vector<16xi32>
        %add3A_1321 = arith.constant 208 : i32
        %add3A_1322 = arith.addi %mul3A_335, %add3A_1321 : i32
        %add3A_1323 = vector.broadcast %add3A_1322 : i32 to vector<16xi32>
        %add3A_1324 = arith.addi %iota3A, %add3A_1323 : vector<16xi32>
        %convert_element_type3A_1325 = arith.sitofp %add3A_1324 : vector<16xi32> to vector<16xf32>
        %add3A_1326 = arith.constant 5.000000e-01 : f32
        %add3A_1327 = vector.broadcast %add3A_1326 : f32 to vector<16xf32>
        %add3A_1328 = arith.addf %convert_element_type3A_1325, %add3A_1327 : vector<16xf32>
        %mul3A_1329 = arith.constant 1.600000e+01 : f32
        %mul3A_1330 = vector.broadcast %mul3A_1329 : f32 to vector<16xf32>
        %mul3A_1331 = arith.mulf %add3A_1328, %mul3A_1330 : vector<16xf32>
        %add3A_1332 = arith.addf %mul3A_1331, %get3A_3 : vector<16xf32>
        %get3A_1333 = arith.index_cast %add3A_1322 : i32 to index
        %get3A_1334 = tpu.vector_load %arg14[%get3A_1333] {strides = array<i32>} : memref<5120xf32, #tpu.memory_space<vmem>>, vector<16xf32>,
        %mul3A_1335 = arith.constant 1.600000e+01 : f32
        %mul3A_1336 = vector.broadcast %mul3A_1335 : f32 to vector<16xf32>
        %mul3A_1337 = arith.mulf %get3A_1334, %mul3A_1336 : vector<16xf32>
        %add3A_1338 = arith.addf %mul3A_1337, %add3A_1332 : vector<16xf32>
        %lt3A_1339 = arith.constant 0.000000e+00 : f32
        %lt3A_1340 = vector.broadcast %lt3A_1339 : f32 to vector<16xf32>
        %lt3A_1341 = arith.cmpf olt, %add3A_1338, %lt3A_1340 : vector<16xf32>
        %jit3A_1342 = arith.constant 0.000000e+00 : f32
        %broadcast_in_dim3A_1343 = vector.broadcast %jit3A_1342 : f32 to vector<16xf32>
        %select_n3A_1344 = arith.select %lt3A_1341, %broadcast_in_dim3A_1343, %add3A_1338 : vector<16xi1>, vector<16xf32>
        %gt3A_1345 = arith.cmpf ogt, %select_n3A_1344, %get3A_5 : vector<16xf32>
        %select_n3A_1346 = arith.select %gt3A_1345, %get3A_5, %select_n3A_1344 : vector<16xi1>, vector<16xf32>
        %get3A_1347 = arith.index_cast %add3A_1322 : i32 to index
        %get3A_1348 = tpu.vector_load %arg15[%get3A_1347] {strides = array<i32>} : memref<5120xf32, #tpu.memory_space<vmem>>, vector<16xf32>,
        %mul3A_1349 = arith.constant 1.600000e+01 : f32
        %mul3A_1350 = vector.broadcast %mul3A_1349 : f32 to vector<16xf32>
        %mul3A_1351 = arith.mulf %get3A_1348, %mul3A_1350 : vector<16xf32>
        %add3A_1352 = arith.addf %mul3A_1351, %add3A_1332 : vector<16xf32>
        %lt3A_1353 = arith.constant 0.000000e+00 : f32
        %lt3A_1354 = vector.broadcast %lt3A_1353 : f32 to vector<16xf32>
        %lt3A_1355 = arith.cmpf olt, %add3A_1352, %lt3A_1354 : vector<16xf32>
        %jit3A_1356 = arith.constant 0.000000e+00 : f32
        %broadcast_in_dim3A_1357 = vector.broadcast %jit3A_1356 : f32 to vector<16xf32>
        %select_n3A_1358 = arith.select %lt3A_1355, %broadcast_in_dim3A_1357, %add3A_1352 : vector<16xi1>, vector<16xf32>
        %gt3A_1359 = arith.cmpf ogt, %select_n3A_1358, %get3A_5 : vector<16xf32>
        %select_n3A_1360 = arith.select %gt3A_1359, %get3A_5, %select_n3A_1358 : vector<16xi1>, vector<16xf32>
        %swap3A_1361 = arith.index_cast %add3A_1322 : i32 to index
        %swap3A_1362 = tpu.vector_load %arg14[%swap3A_1361] {strides = array<i32>} : memref<5120xf32, #tpu.memory_space<vmem>>, vector<16xf32>,
        tpu.vector_store %arg14[%swap3A_1361], %select_n3A_1346 {strides = array<i32>} : memref<5120xf32, #tpu.memory_space<vmem>>, vector<16xf32>,
        %swap3A_1363 = arith.index_cast %add3A_1322 : i32 to index
        %swap3A_1364 = tpu.vector_load %arg15[%swap3A_1363] {strides = array<i32>} : memref<5120xf32, #tpu.memory_space<vmem>>, vector<16xf32>,
        tpu.vector_store %arg15[%swap3A_1363], %select_n3A_1360 {strides = array<i32>} : memref<5120xf32, #tpu.memory_space<vmem>>, vector<16xf32>,
        %add3A_1365 = arith.addf %select_n3A_1346, %select_n3A_1360 : vector<16xf32>
        %mul3A_1366 = arith.constant 5.000000e-01 : f32
        %mul3A_1367 = vector.broadcast %mul3A_1366 : f32 to vector<16xf32>
        %mul3A_1368 = arith.mulf %add3A_1365, %mul3A_1367 : vector<16xf32>
        %swap3A_1369 = arith.index_cast %add3A_1322 : i32 to index
        %swap3A_1370 = tpu.vector_load %arg13[%swap3A_1369] {strides = array<i32>} : memref<5120xf32, #tpu.memory_space<vmem>>, vector<16xf32>,
        tpu.vector_store %arg13[%swap3A_1369], %mul3A_1368 {strides = array<i32>} : memref<5120xf32, #tpu.memory_space<vmem>>, vector<16xf32>,
        %broadcast_in_dim3A_1371 = arith.constant 0.000000e+00 : f32
        %broadcast_in_dim3A_1372 = vector.broadcast %broadcast_in_dim3A_1371 : f32 to vector<16xf32>
        %swap3A_1373 = arith.index_cast %add3A_1322 : i32 to index
        %swap3A_1374 = tpu.vector_load %arg23[%swap3A_1373] {strides = array<i32>} : memref<5120xf32, #tpu.memory_space<vmem>>, vector<16xf32>,
        tpu.vector_store %arg23[%swap3A_1373], %broadcast_in_dim3A_1372 {strides = array<i32>} : memref<5120xf32, #tpu.memory_space<vmem>>, vector<16xf32>,
        %get3A_1375 = arith.index_cast %add3A_1322 : i32 to index
        %get3A_1376 = tpu.vector_load %arg12[%get3A_1375] {strides = array<i32>} : memref<5120xf32, #tpu.memory_space<vmem>>, vector<16xf32>,
        %add3A_1377 = vector.broadcast %add3A_1322 : i32 to vector<16xi32>
        %add3A_1378 = arith.addi %iota3A, %add3A_1377 : vector<16xi32>
        %eq3A_1379 = arith.cmpf oeq, %select_n3A_1346, %get3A_5 : vector<16xf32>
        %eq3A_1380 = arith.cmpf oeq, %select_n3A_1360, %get3A_5 : vector<16xf32>
        %and3A_1381 = arith.andi %eq3A_1379, %eq3A_1380 : vector<16xi1>
        %eq3A_1382 = arith.constant 0.000000e+00 : f32
        %eq3A_1383 = vector.broadcast %eq3A_1382 : f32 to vector<16xf32>
        %eq3A_1384 = arith.cmpf oeq, %select_n3A_1346, %eq3A_1383 : vector<16xf32>
        %eq3A_1385 = arith.constant 0.000000e+00 : f32
        %eq3A_1386 = vector.broadcast %eq3A_1385 : f32 to vector<16xf32>
        %eq3A_1387 = arith.cmpf oeq, %select_n3A_1360, %eq3A_1386 : vector<16xf32>
        %and3A_1388 = arith.andi %eq3A_1384, %eq3A_1387 : vector<16xi1>
        %ge3A_1389 = arith.cmpf oge, %get3A_1376, %select_n3A_1315 : vector<16xf32>
        %and3A_1390 = arith.andi %and3A_1381, %ge3A_1389 : vector<16xi1>
        %select_n3A_1391 = arith.select %and3A_1390, %get3A_1376, %select_n3A_1315 : vector<16xi1>, vector<16xf32>
        %select_n3A_1392 = arith.select %and3A_1390, %add3A_1378, %select_n3A_1316 : vector<16xi1>, vector<16xi32>
        %ge3A_1393 = arith.cmpf oge, %get3A_1376, %select_n3A_1319 : vector<16xf32>
        %and3A_1394 = arith.andi %and3A_1388, %ge3A_1393 : vector<16xi1>
        %select_n3A_1395 = arith.select %and3A_1394, %get3A_1376, %select_n3A_1319 : vector<16xi1>, vector<16xf32>
        %select_n3A_1396 = arith.select %and3A_1394, %add3A_1378, %select_n3A_1320 : vector<16xi1>, vector<16xi32>
        %add3A_1397 = arith.constant 224 : i32
        %add3A_1398 = arith.addi %mul3A_335, %add3A_1397 : i32
        %add3A_1399 = vector.broadcast %add3A_1398 : i32 to vector<16xi32>
        %add3A_1400 = arith.addi %iota3A, %add3A_1399 : vector<16xi32>
        %convert_element_type3A_1401 = arith.sitofp %add3A_1400 : vector<16xi32> to vector<16xf32>
        %add3A_1402 = arith.constant 5.000000e-01 : f32
        %add3A_1403 = vector.broadcast %add3A_1402 : f32 to vector<16xf32>
        %add3A_1404 = arith.addf %convert_element_type3A_1401, %add3A_1403 : vector<16xf32>
        %mul3A_1405 = arith.constant 1.600000e+01 : f32
        %mul3A_1406 = vector.broadcast %mul3A_1405 : f32 to vector<16xf32>
        %mul3A_1407 = arith.mulf %add3A_1404, %mul3A_1406 : vector<16xf32>
        %add3A_1408 = arith.addf %mul3A_1407, %get3A_3 : vector<16xf32>
        %get3A_1409 = arith.index_cast %add3A_1398 : i32 to index
        %get3A_1410 = tpu.vector_load %arg14[%get3A_1409] {strides = array<i32>} : memref<5120xf32, #tpu.memory_space<vmem>>, vector<16xf32>,
        %mul3A_1411 = arith.constant 1.600000e+01 : f32
        %mul3A_1412 = vector.broadcast %mul3A_1411 : f32 to vector<16xf32>
        %mul3A_1413 = arith.mulf %get3A_1410, %mul3A_1412 : vector<16xf32>
        %add3A_1414 = arith.addf %mul3A_1413, %add3A_1408 : vector<16xf32>
        %lt3A_1415 = arith.constant 0.000000e+00 : f32
        %lt3A_1416 = vector.broadcast %lt3A_1415 : f32 to vector<16xf32>
        %lt3A_1417 = arith.cmpf olt, %add3A_1414, %lt3A_1416 : vector<16xf32>
        %jit3A_1418 = arith.constant 0.000000e+00 : f32
        %broadcast_in_dim3A_1419 = vector.broadcast %jit3A_1418 : f32 to vector<16xf32>
        %select_n3A_1420 = arith.select %lt3A_1417, %broadcast_in_dim3A_1419, %add3A_1414 : vector<16xi1>, vector<16xf32>
        %gt3A_1421 = arith.cmpf ogt, %select_n3A_1420, %get3A_5 : vector<16xf32>
        %select_n3A_1422 = arith.select %gt3A_1421, %get3A_5, %select_n3A_1420 : vector<16xi1>, vector<16xf32>
        %get3A_1423 = arith.index_cast %add3A_1398 : i32 to index
        %get3A_1424 = tpu.vector_load %arg15[%get3A_1423] {strides = array<i32>} : memref<5120xf32, #tpu.memory_space<vmem>>, vector<16xf32>,
        %mul3A_1425 = arith.constant 1.600000e+01 : f32
        %mul3A_1426 = vector.broadcast %mul3A_1425 : f32 to vector<16xf32>
        %mul3A_1427 = arith.mulf %get3A_1424, %mul3A_1426 : vector<16xf32>
        %add3A_1428 = arith.addf %mul3A_1427, %add3A_1408 : vector<16xf32>
        %lt3A_1429 = arith.constant 0.000000e+00 : f32
        %lt3A_1430 = vector.broadcast %lt3A_1429 : f32 to vector<16xf32>
        %lt3A_1431 = arith.cmpf olt, %add3A_1428, %lt3A_1430 : vector<16xf32>
        %jit3A_1432 = arith.constant 0.000000e+00 : f32
        %broadcast_in_dim3A_1433 = vector.broadcast %jit3A_1432 : f32 to vector<16xf32>
        %select_n3A_1434 = arith.select %lt3A_1431, %broadcast_in_dim3A_1433, %add3A_1428 : vector<16xi1>, vector<16xf32>
        %gt3A_1435 = arith.cmpf ogt, %select_n3A_1434, %get3A_5 : vector<16xf32>
        %select_n3A_1436 = arith.select %gt3A_1435, %get3A_5, %select_n3A_1434 : vector<16xi1>, vector<16xf32>
        %swap3A_1437 = arith.index_cast %add3A_1398 : i32 to index
        %swap3A_1438 = tpu.vector_load %arg14[%swap3A_1437] {strides = array<i32>} : memref<5120xf32, #tpu.memory_space<vmem>>, vector<16xf32>,
        tpu.vector_store %arg14[%swap3A_1437], %select_n3A_1422 {strides = array<i32>} : memref<5120xf32, #tpu.memory_space<vmem>>, vector<16xf32>,
        %swap3A_1439 = arith.index_cast %add3A_1398 : i32 to index
        %swap3A_1440 = tpu.vector_load %arg15[%swap3A_1439] {strides = array<i32>} : memref<5120xf32, #tpu.memory_space<vmem>>, vector<16xf32>,
        tpu.vector_store %arg15[%swap3A_1439], %select_n3A_1436 {strides = array<i32>} : memref<5120xf32, #tpu.memory_space<vmem>>, vector<16xf32>,
        %add3A_1441 = arith.addf %select_n3A_1422, %select_n3A_1436 : vector<16xf32>
        %mul3A_1442 = arith.constant 5.000000e-01 : f32
        %mul3A_1443 = vector.broadcast %mul3A_1442 : f32 to vector<16xf32>
        %mul3A_1444 = arith.mulf %add3A_1441, %mul3A_1443 : vector<16xf32>
        %swap3A_1445 = arith.index_cast %add3A_1398 : i32 to index
        %swap3A_1446 = tpu.vector_load %arg13[%swap3A_1445] {strides = array<i32>} : memref<5120xf32, #tpu.memory_space<vmem>>, vector<16xf32>,
        tpu.vector_store %arg13[%swap3A_1445], %mul3A_1444 {strides = array<i32>} : memref<5120xf32, #tpu.memory_space<vmem>>, vector<16xf32>,
        %broadcast_in_dim3A_1447 = arith.constant 0.000000e+00 : f32
        %broadcast_in_dim3A_1448 = vector.broadcast %broadcast_in_dim3A_1447 : f32 to vector<16xf32>
        %swap3A_1449 = arith.index_cast %add3A_1398 : i32 to index
        %swap3A_1450 = tpu.vector_load %arg23[%swap3A_1449] {strides = array<i32>} : memref<5120xf32, #tpu.memory_space<vmem>>, vector<16xf32>,
        tpu.vector_store %arg23[%swap3A_1449], %broadcast_in_dim3A_1448 {strides = array<i32>} : memref<5120xf32, #tpu.memory_space<vmem>>, vector<16xf32>,
        %get3A_1451 = arith.index_cast %add3A_1398 : i32 to index
        %get3A_1452 = tpu.vector_load %arg12[%get3A_1451] {strides = array<i32>} : memref<5120xf32, #tpu.memory_space<vmem>>, vector<16xf32>,
        %add3A_1453 = vector.broadcast %add3A_1398 : i32 to vector<16xi32>
        %add3A_1454 = arith.addi %iota3A, %add3A_1453 : vector<16xi32>
        %eq3A_1455 = arith.cmpf oeq, %select_n3A_1422, %get3A_5 : vector<16xf32>
        %eq3A_1456 = arith.cmpf oeq, %select_n3A_1436, %get3A_5 : vector<16xf32>
        %and3A_1457 = arith.andi %eq3A_1455, %eq3A_1456 : vector<16xi1>
        %eq3A_1458 = arith.constant 0.000000e+00 : f32
        %eq3A_1459 = vector.broadcast %eq3A_1458 : f32 to vector<16xf32>
        %eq3A_1460 = arith.cmpf oeq, %select_n3A_1422, %eq3A_1459 : vector<16xf32>
        %eq3A_1461 = arith.constant 0.000000e+00 : f32
        %eq3A_1462 = vector.broadcast %eq3A_1461 : f32 to vector<16xf32>
        %eq3A_1463 = arith.cmpf oeq, %select_n3A_1436, %eq3A_1462 : vector<16xf32>
        %and3A_1464 = arith.andi %eq3A_1460, %eq3A_1463 : vector<16xi1>
        %ge3A_1465 = arith.cmpf oge, %get3A_1452, %select_n3A_1391 : vector<16xf32>
        %and3A_1466 = arith.andi %and3A_1457, %ge3A_1465 : vector<16xi1>
        %select_n3A_1467 = arith.select %and3A_1466, %get3A_1452, %select_n3A_1391 : vector<16xi1>, vector<16xf32>
        %select_n3A_1468 = arith.select %and3A_1466, %add3A_1454, %select_n3A_1392 : vector<16xi1>, vector<16xi32>
        %ge3A_1469 = arith.cmpf oge, %get3A_1452, %select_n3A_1395 : vector<16xf32>
        %and3A_1470 = arith.andi %and3A_1464, %ge3A_1469 : vector<16xi1>
        %select_n3A_1471 = arith.select %and3A_1470, %get3A_1452, %select_n3A_1395 : vector<16xi1>, vector<16xf32>
        %select_n3A_1472 = arith.select %and3A_1470, %add3A_1454, %select_n3A_1396 : vector<16xi1>, vector<16xi32>
        %add3A_1473 = arith.constant 240 : i32
        %add3A_1474 = arith.addi %mul3A_335, %add3A_1473 : i32
        %add3A_1475 = vector.broadcast %add3A_1474 : i32 to vector<16xi32>
        %add3A_1476 = arith.addi %iota3A, %add3A_1475 : vector<16xi32>
        %convert_element_type3A_1477 = arith.sitofp %add3A_1476 : vector<16xi32> to vector<16xf32>
        %add3A_1478 = arith.constant 5.000000e-01 : f32
        %add3A_1479 = vector.broadcast %add3A_1478 : f32 to vector<16xf32>
        %add3A_1480 = arith.addf %convert_element_type3A_1477, %add3A_1479 : vector<16xf32>
        %mul3A_1481 = arith.constant 1.600000e+01 : f32
        %mul3A_1482 = vector.broadcast %mul3A_1481 : f32 to vector<16xf32>
        %mul3A_1483 = arith.mulf %add3A_1480, %mul3A_1482 : vector<16xf32>
        %add3A_1484 = arith.addf %mul3A_1483, %get3A_3 : vector<16xf32>
        %get3A_1485 = arith.index_cast %add3A_1474 : i32 to index
        %get3A_1486 = tpu.vector_load %arg14[%get3A_1485] {strides = array<i32>} : memref<5120xf32, #tpu.memory_space<vmem>>, vector<16xf32>,
        %mul3A_1487 = arith.constant 1.600000e+01 : f32
        %mul3A_1488 = vector.broadcast %mul3A_1487 : f32 to vector<16xf32>
        %mul3A_1489 = arith.mulf %get3A_1486, %mul3A_1488 : vector<16xf32>
        %add3A_1490 = arith.addf %mul3A_1489, %add3A_1484 : vector<16xf32>
        %lt3A_1491 = arith.constant 0.000000e+00 : f32
        %lt3A_1492 = vector.broadcast %lt3A_1491 : f32 to vector<16xf32>
        %lt3A_1493 = arith.cmpf olt, %add3A_1490, %lt3A_1492 : vector<16xf32>
        %jit3A_1494 = arith.constant 0.000000e+00 : f32
        %broadcast_in_dim3A_1495 = vector.broadcast %jit3A_1494 : f32 to vector<16xf32>
        %select_n3A_1496 = arith.select %lt3A_1493, %broadcast_in_dim3A_1495, %add3A_1490 : vector<16xi1>, vector<16xf32>
        %gt3A_1497 = arith.cmpf ogt, %select_n3A_1496, %get3A_5 : vector<16xf32>
        %select_n3A_1498 = arith.select %gt3A_1497, %get3A_5, %select_n3A_1496 : vector<16xi1>, vector<16xf32>
        %get3A_1499 = arith.index_cast %add3A_1474 : i32 to index
        %get3A_1500 = tpu.vector_load %arg15[%get3A_1499] {strides = array<i32>} : memref<5120xf32, #tpu.memory_space<vmem>>, vector<16xf32>,
        %mul3A_1501 = arith.constant 1.600000e+01 : f32
        %mul3A_1502 = vector.broadcast %mul3A_1501 : f32 to vector<16xf32>
        %mul3A_1503 = arith.mulf %get3A_1500, %mul3A_1502 : vector<16xf32>
        %add3A_1504 = arith.addf %mul3A_1503, %add3A_1484 : vector<16xf32>
        %lt3A_1505 = arith.constant 0.000000e+00 : f32
        %lt3A_1506 = vector.broadcast %lt3A_1505 : f32 to vector<16xf32>
        %lt3A_1507 = arith.cmpf olt, %add3A_1504, %lt3A_1506 : vector<16xf32>
        %jit3A_1508 = arith.constant 0.000000e+00 : f32
        %broadcast_in_dim3A_1509 = vector.broadcast %jit3A_1508 : f32 to vector<16xf32>
        %select_n3A_1510 = arith.select %lt3A_1507, %broadcast_in_dim3A_1509, %add3A_1504 : vector<16xi1>, vector<16xf32>
        %gt3A_1511 = arith.cmpf ogt, %select_n3A_1510, %get3A_5 : vector<16xf32>
        %select_n3A_1512 = arith.select %gt3A_1511, %get3A_5, %select_n3A_1510 : vector<16xi1>, vector<16xf32>
        %swap3A_1513 = arith.index_cast %add3A_1474 : i32 to index
        %swap3A_1514 = tpu.vector_load %arg14[%swap3A_1513] {strides = array<i32>} : memref<5120xf32, #tpu.memory_space<vmem>>, vector<16xf32>,
        tpu.vector_store %arg14[%swap3A_1513], %select_n3A_1498 {strides = array<i32>} : memref<5120xf32, #tpu.memory_space<vmem>>, vector<16xf32>,
        %swap3A_1515 = arith.index_cast %add3A_1474 : i32 to index
        %swap3A_1516 = tpu.vector_load %arg15[%swap3A_1515] {strides = array<i32>} : memref<5120xf32, #tpu.memory_space<vmem>>, vector<16xf32>,
        tpu.vector_store %arg15[%swap3A_1515], %select_n3A_1512 {strides = array<i32>} : memref<5120xf32, #tpu.memory_space<vmem>>, vector<16xf32>,
        %add3A_1517 = arith.addf %select_n3A_1498, %select_n3A_1512 : vector<16xf32>
        %mul3A_1518 = arith.constant 5.000000e-01 : f32
        %mul3A_1519 = vector.broadcast %mul3A_1518 : f32 to vector<16xf32>
        %mul3A_1520 = arith.mulf %add3A_1517, %mul3A_1519 : vector<16xf32>
        %swap3A_1521 = arith.index_cast %add3A_1474 : i32 to index
        %swap3A_1522 = tpu.vector_load %arg13[%swap3A_1521] {strides = array<i32>} : memref<5120xf32, #tpu.memory_space<vmem>>, vector<16xf32>,
        tpu.vector_store %arg13[%swap3A_1521], %mul3A_1520 {strides = array<i32>} : memref<5120xf32, #tpu.memory_space<vmem>>, vector<16xf32>,
        %broadcast_in_dim3A_1523 = arith.constant 0.000000e+00 : f32
        %broadcast_in_dim3A_1524 = vector.broadcast %broadcast_in_dim3A_1523 : f32 to vector<16xf32>
        %swap3A_1525 = arith.index_cast %add3A_1474 : i32 to index
        %swap3A_1526 = tpu.vector_load %arg23[%swap3A_1525] {strides = array<i32>} : memref<5120xf32, #tpu.memory_space<vmem>>, vector<16xf32>,
        tpu.vector_store %arg23[%swap3A_1525], %broadcast_in_dim3A_1524 {strides = array<i32>} : memref<5120xf32, #tpu.memory_space<vmem>>, vector<16xf32>,
        %get3A_1527 = arith.index_cast %add3A_1474 : i32 to index
        %get3A_1528 = tpu.vector_load %arg12[%get3A_1527] {strides = array<i32>} : memref<5120xf32, #tpu.memory_space<vmem>>, vector<16xf32>,
        %add3A_1529 = vector.broadcast %add3A_1474 : i32 to vector<16xi32>
        %add3A_1530 = arith.addi %iota3A, %add3A_1529 : vector<16xi32>
        %eq3A_1531 = arith.cmpf oeq, %select_n3A_1498, %get3A_5 : vector<16xf32>
        %eq3A_1532 = arith.cmpf oeq, %select_n3A_1512, %get3A_5 : vector<16xf32>
        %and3A_1533 = arith.andi %eq3A_1531, %eq3A_1532 : vector<16xi1>
        %eq3A_1534 = arith.constant 0.000000e+00 : f32
        %eq3A_1535 = vector.broadcast %eq3A_1534 : f32 to vector<16xf32>
        %eq3A_1536 = arith.cmpf oeq, %select_n3A_1498, %eq3A_1535 : vector<16xf32>
        %eq3A_1537 = arith.constant 0.000000e+00 : f32
        %eq3A_1538 = vector.broadcast %eq3A_1537 : f32 to vector<16xf32>
        %eq3A_1539 = arith.cmpf oeq, %select_n3A_1512, %eq3A_1538 : vector<16xf32>
        %and3A_1540 = arith.andi %eq3A_1536, %eq3A_1539 : vector<16xi1>
        %ge3A_1541 = arith.cmpf oge, %get3A_1528, %select_n3A_1467 : vector<16xf32>
        %and3A_1542 = arith.andi %and3A_1533, %ge3A_1541 : vector<16xi1>
        %select_n3A_1543 = arith.select %and3A_1542, %get3A_1528, %select_n3A_1467 : vector<16xi1>, vector<16xf32>
        %select_n3A_1544 = arith.select %and3A_1542, %add3A_1530, %select_n3A_1468 : vector<16xi1>, vector<16xi32>
        %ge3A_1545 = arith.cmpf oge, %get3A_1528, %select_n3A_1471 : vector<16xf32>
        %and3A_1546 = arith.andi %and3A_1540, %ge3A_1545 : vector<16xi1>
        %select_n3A_1547 = arith.select %and3A_1546, %get3A_1528, %select_n3A_1471 : vector<16xi1>, vector<16xf32>
        %select_n3A_1548 = arith.select %and3A_1546, %add3A_1530, %select_n3A_1472 : vector<16xi1>, vector<16xi32>
        scf.yield %select_n3A_1543, %select_n3A_1544, %select_n3A_1547, %select_n3A_1548 : vector<16xf32>, vector<16xi32>, vector<16xf32>, vector<16xi32>
      }
      %scan3A_13 = arith.constant 20 : i32
      %reduce_max3A = arith.constant true
      %reduce_max3A_14 = vector.broadcast %reduce_max3A : i1 to vector<16xi1>
      %reduce_max3A_15 = tpu.scan <max>, %scan3A_12#0 masked %reduce_max3A_14 : vector<16xf32>, vector<16xi1> -> vector<16xf32>
      %reduce_max3A_16 = vector.extract %reduce_max3A_15[15] : f32 from vector<16xf32>
      %eq3A_17 = vector.broadcast %reduce_max3A_16 : f32 to vector<16xf32>
      %eq3A_18 = arith.cmpf oeq, %scan3A_12#0, %eq3A_17 : vector<16xf32>
      %jit3A = arith.constant -1 : i32
      %broadcast_in_dim3A_19 = vector.broadcast %jit3A : i32 to vector<16xi32>
      %select_n3A = arith.select %eq3A_18, %scan3A_12#1, %broadcast_in_dim3A_19 : vector<16xi1>, vector<16xi32>
      %reduce_max3A_20 = arith.constant true
      %reduce_max3A_21 = vector.broadcast %reduce_max3A_20 : i1 to vector<16xi1>
      %reduce_max3A_22 = arith.constant -2147483648 : i32
      %reduce_max3A_23 = vector.broadcast %reduce_max3A_22 : i32 to vector<16xi32>
      %reduce_max3A_24 = arith.xori %select_n3A, %reduce_max3A_23 : vector<16xi32>
      %reduce_max3A_25 = tpu.scan <max>, %reduce_max3A_24 masked %reduce_max3A_21 : vector<16xi32>, vector<16xi1> -> vector<16xi32>
      %reduce_max3A_26 = arith.xori %reduce_max3A_25, %reduce_max3A_23 : vector<16xi32>
      %reduce_max3A_27 = vector.extract %reduce_max3A_26[15] : i32 from vector<16xi32>
      %reduce_max3A_28 = arith.constant true
      %reduce_max3A_29 = vector.broadcast %reduce_max3A_28 : i1 to vector<16xi1>
      %reduce_max3A_30 = tpu.scan <max>, %scan3A_12#2 masked %reduce_max3A_29 : vector<16xf32>, vector<16xi1> -> vector<16xf32>
      %reduce_max3A_31 = vector.extract %reduce_max3A_30[15] : f32 from vector<16xf32>
      %eq3A_32 = vector.broadcast %reduce_max3A_31 : f32 to vector<16xf32>
      %eq3A_33 = arith.cmpf oeq, %scan3A_12#2, %eq3A_32 : vector<16xf32>
      %jit3A_34 = arith.constant -1 : i32
      %broadcast_in_dim3A_35 = vector.broadcast %jit3A_34 : i32 to vector<16xi32>
      %select_n3A_36 = arith.select %eq3A_33, %scan3A_12#3, %broadcast_in_dim3A_35 : vector<16xi1>, vector<16xi32>
      %reduce_max3A_37 = arith.constant true
      %reduce_max3A_38 = vector.broadcast %reduce_max3A_37 : i1 to vector<16xi1>
      %reduce_max3A_39 = arith.constant -2147483648 : i32
      %reduce_max3A_40 = vector.broadcast %reduce_max3A_39 : i32 to vector<16xi32>
      %reduce_max3A_41 = arith.xori %select_n3A_36, %reduce_max3A_40 : vector<16xi32>
      %reduce_max3A_42 = tpu.scan <max>, %reduce_max3A_41 masked %reduce_max3A_38 : vector<16xi32>, vector<16xi1> -> vector<16xi32>
      %reduce_max3A_43 = arith.xori %reduce_max3A_42, %reduce_max3A_40 : vector<16xi32>
      %reduce_max3A_44 = vector.extract %reduce_max3A_43[15] : i32 from vector<16xi32>
      %scan3A_45 = arith.constant 0 : i32
      %scan3A_46 = arith.constant 0 : i32
      %scan3A_47 = arith.constant 20 : i32
      %scan3A_48 = arith.addi %scan3A_46, %scan3A_47 : i32
      %scan3A_49 = arith.constant 1 : i32
      scf.for %scan3A_330 = %scan3A_46 to %scan3A_48 step %scan3A_49  : i32 {
        %mul3A = arith.constant 256 : i32
        %mul3A_331 = arith.muli %scan3A_330, %mul3A : i32
        %broadcast_in_dim3A_332 = arith.constant -3.000000e+38 : f32
        %broadcast_in_dim3A_333 = vector.broadcast %broadcast_in_dim3A_332 : f32 to vector<16xf32>
        %add3A = arith.constant 0 : i32
        %add3A_334 = arith.addi %mul3A_331, %add3A : i32
        %get3A_335 = arith.index_cast %add3A_334 : i32 to index
        %get3A_336 = tpu.vector_load %arg14[%get3A_335] {strides = array<i32>} : memref<5120xf32, #tpu.memory_space<vmem>>, vector<16xf32>,
        %get3A_337 = arith.index_cast %add3A_334 : i32 to index
        %get3A_338 = tpu.vector_load %arg15[%get3A_337] {strides = array<i32>} : memref<5120xf32, #tpu.memory_space<vmem>>, vector<16xf32>,
        %add3A_339 = vector.broadcast %add3A_334 : i32 to vector<16xi32>
        %add3A_340 = arith.addi %iota3A, %add3A_339 : vector<16xi32>
        %eq3A_341 = arith.cmpf oeq, %get3A_336, %get3A_5 : vector<16xf32>
        %eq3A_342 = arith.cmpf oeq, %get3A_338, %get3A_5 : vector<16xf32>
        %and3A_343 = arith.andi %eq3A_341, %eq3A_342 : vector<16xi1>
        %eq3A_344 = arith.constant 0.000000e+00 : f32
        %eq3A_345 = vector.broadcast %eq3A_344 : f32 to vector<16xf32>
        %eq3A_346 = arith.cmpf oeq, %get3A_336, %eq3A_345 : vector<16xf32>
        %eq3A_347 = arith.constant 0.000000e+00 : f32
        %eq3A_348 = vector.broadcast %eq3A_347 : f32 to vector<16xf32>
        %eq3A_349 = arith.cmpf oeq, %get3A_338, %eq3A_348 : vector<16xf32>
        %and3A_350 = arith.andi %eq3A_346, %eq3A_349 : vector<16xi1>
        %ne3A = vector.broadcast %reduce_max3A_27 : i32 to vector<16xi32>
        %ne3A_351 = arith.cmpi ne, %add3A_340, %ne3A : vector<16xi32>
        %and3A_352 = arith.andi %and3A_343, %ne3A_351 : vector<16xi1>
        %ne3A_353 = vector.broadcast %reduce_max3A_44 : i32 to vector<16xi32>
        %ne3A_354 = arith.cmpi ne, %add3A_340, %ne3A_353 : vector<16xi32>
        %and3A_355 = arith.andi %and3A_350, %ne3A_354 : vector<16xi1>
        %or3A = arith.ori %and3A_352, %and3A_355 : vector<16xi1>
        %get3A_356 = arith.index_cast %add3A_334 : i32 to index
        %get3A_357 = tpu.vector_load %arg12[%get3A_356] {strides = array<i32>} : memref<5120xf32, #tpu.memory_space<vmem>>, vector<16xf32>,
        %jit3A_358 = arith.constant -1.000000e+00 : f32
        %broadcast_in_dim3A_359 = vector.broadcast %jit3A_358 : f32 to vector<16xf32>
        %select_n3A_360 = arith.select %or3A, %broadcast_in_dim3A_359, %get3A_357 : vector<16xi1>, vector<16xf32>
        %swap3A_361 = arith.index_cast %add3A_334 : i32 to index
        %swap3A_362 = tpu.vector_load %arg12[%swap3A_361] {strides = array<i32>} : memref<5120xf32, #tpu.memory_space<vmem>>, vector<16xf32>,
        tpu.vector_store %arg12[%swap3A_361], %select_n3A_360 {strides = array<i32>} : memref<5120xf32, #tpu.memory_space<vmem>>, vector<16xf32>,
        %reduce_max3A_363 = arith.constant true
        %reduce_max3A_364 = vector.broadcast %reduce_max3A_363 : i1 to vector<16xi1>
        %reduce_max3A_365 = tpu.scan <max>, %select_n3A_360 masked %reduce_max3A_364 : vector<16xf32>, vector<16xi1> -> vector<16xf32>
        %reduce_max3A_366 = vector.extract %reduce_max3A_365[15] : f32 from vector<16xf32>
        %eq3A_367 = arith.constant 0 : i32
        %eq3A_368 = vector.broadcast %eq3A_367 : i32 to vector<16xi32>
        %eq3A_369 = arith.cmpi eq, %iota3A, %eq3A_368 : vector<16xi32>
        %broadcast_in_dim3A_370 = vector.broadcast %reduce_max3A_366 : f32 to vector<16xf32>
        %select_n3A_371 = arith.select %eq3A_369, %broadcast_in_dim3A_370, %broadcast_in_dim3A_333 : vector<16xi1>, vector<16xf32>
        %add3A_372 = arith.constant 16 : i32
        %add3A_373 = arith.addi %mul3A_331, %add3A_372 : i32
        %get3A_374 = arith.index_cast %add3A_373 : i32 to index
        %get3A_375 = tpu.vector_load %arg14[%get3A_374] {strides = array<i32>} : memref<5120xf32, #tpu.memory_space<vmem>>, vector<16xf32>,
        %get3A_376 = arith.index_cast %add3A_373 : i32 to index
        %get3A_377 = tpu.vector_load %arg15[%get3A_376] {strides = array<i32>} : memref<5120xf32, #tpu.memory_space<vmem>>, vector<16xf32>,
        %add3A_378 = vector.broadcast %add3A_373 : i32 to vector<16xi32>
        %add3A_379 = arith.addi %iota3A, %add3A_378 : vector<16xi32>
        %eq3A_380 = arith.cmpf oeq, %get3A_375, %get3A_5 : vector<16xf32>
        %eq3A_381 = arith.cmpf oeq, %get3A_377, %get3A_5 : vector<16xf32>
        %and3A_382 = arith.andi %eq3A_380, %eq3A_381 : vector<16xi1>
        %eq3A_383 = arith.constant 0.000000e+00 : f32
        %eq3A_384 = vector.broadcast %eq3A_383 : f32 to vector<16xf32>
        %eq3A_385 = arith.cmpf oeq, %get3A_375, %eq3A_384 : vector<16xf32>
        %eq3A_386 = arith.constant 0.000000e+00 : f32
        %eq3A_387 = vector.broadcast %eq3A_386 : f32 to vector<16xf32>
        %eq3A_388 = arith.cmpf oeq, %get3A_377, %eq3A_387 : vector<16xf32>
        %and3A_389 = arith.andi %eq3A_385, %eq3A_388 : vector<16xi1>
        %ne3A_390 = vector.broadcast %reduce_max3A_27 : i32 to vector<16xi32>
        %ne3A_391 = arith.cmpi ne, %add3A_379, %ne3A_390 : vector<16xi32>
        %and3A_392 = arith.andi %and3A_382, %ne3A_391 : vector<16xi1>
        %ne3A_393 = vector.broadcast %reduce_max3A_44 : i32 to vector<16xi32>
        %ne3A_394 = arith.cmpi ne, %add3A_379, %ne3A_393 : vector<16xi32>
        %and3A_395 = arith.andi %and3A_389, %ne3A_394 : vector<16xi1>
        %or3A_396 = arith.ori %and3A_392, %and3A_395 : vector<16xi1>
        %get3A_397 = arith.index_cast %add3A_373 : i32 to index
        %get3A_398 = tpu.vector_load %arg12[%get3A_397] {strides = array<i32>} : memref<5120xf32, #tpu.memory_space<vmem>>, vector<16xf32>,
        %jit3A_399 = arith.constant -1.000000e+00 : f32
        %broadcast_in_dim3A_400 = vector.broadcast %jit3A_399 : f32 to vector<16xf32>
        %select_n3A_401 = arith.select %or3A_396, %broadcast_in_dim3A_400, %get3A_398 : vector<16xi1>, vector<16xf32>
        %swap3A_402 = arith.index_cast %add3A_373 : i32 to index
        %swap3A_403 = tpu.vector_load %arg12[%swap3A_402] {strides = array<i32>} : memref<5120xf32, #tpu.memory_space<vmem>>, vector<16xf32>,
        tpu.vector_store %arg12[%swap3A_402], %select_n3A_401 {strides = array<i32>} : memref<5120xf32, #tpu.memory_space<vmem>>, vector<16xf32>,
        %reduce_max3A_404 = arith.constant true
        %reduce_max3A_405 = vector.broadcast %reduce_max3A_404 : i1 to vector<16xi1>
        %reduce_max3A_406 = tpu.scan <max>, %select_n3A_401 masked %reduce_max3A_405 : vector<16xf32>, vector<16xi1> -> vector<16xf32>
        %reduce_max3A_407 = vector.extract %reduce_max3A_406[15] : f32 from vector<16xf32>
        %eq3A_408 = arith.constant 1 : i32
        %eq3A_409 = vector.broadcast %eq3A_408 : i32 to vector<16xi32>
        %eq3A_410 = arith.cmpi eq, %iota3A, %eq3A_409 : vector<16xi32>
        %broadcast_in_dim3A_411 = vector.broadcast %reduce_max3A_407 : f32 to vector<16xf32>
        %select_n3A_412 = arith.select %eq3A_410, %broadcast_in_dim3A_411, %select_n3A_371 : vector<16xi1>, vector<16xf32>
        %add3A_413 = arith.constant 32 : i32
        %add3A_414 = arith.addi %mul3A_331, %add3A_413 : i32
        %get3A_415 = arith.index_cast %add3A_414 : i32 to index
        %get3A_416 = tpu.vector_load %arg14[%get3A_415] {strides = array<i32>} : memref<5120xf32, #tpu.memory_space<vmem>>, vector<16xf32>,
        %get3A_417 = arith.index_cast %add3A_414 : i32 to index
        %get3A_418 = tpu.vector_load %arg15[%get3A_417] {strides = array<i32>} : memref<5120xf32, #tpu.memory_space<vmem>>, vector<16xf32>,
        %add3A_419 = vector.broadcast %add3A_414 : i32 to vector<16xi32>
        %add3A_420 = arith.addi %iota3A, %add3A_419 : vector<16xi32>
        %eq3A_421 = arith.cmpf oeq, %get3A_416, %get3A_5 : vector<16xf32>
        %eq3A_422 = arith.cmpf oeq, %get3A_418, %get3A_5 : vector<16xf32>
        %and3A_423 = arith.andi %eq3A_421, %eq3A_422 : vector<16xi1>
        %eq3A_424 = arith.constant 0.000000e+00 : f32
        %eq3A_425 = vector.broadcast %eq3A_424 : f32 to vector<16xf32>
        %eq3A_426 = arith.cmpf oeq, %get3A_416, %eq3A_425 : vector<16xf32>
        %eq3A_427 = arith.constant 0.000000e+00 : f32
        %eq3A_428 = vector.broadcast %eq3A_427 : f32 to vector<16xf32>
        %eq3A_429 = arith.cmpf oeq, %get3A_418, %eq3A_428 : vector<16xf32>
        %and3A_430 = arith.andi %eq3A_426, %eq3A_429 : vector<16xi1>
        %ne3A_431 = vector.broadcast %reduce_max3A_27 : i32 to vector<16xi32>
        %ne3A_432 = arith.cmpi ne, %add3A_420, %ne3A_431 : vector<16xi32>
        %and3A_433 = arith.andi %and3A_423, %ne3A_432 : vector<16xi1>
        %ne3A_434 = vector.broadcast %reduce_max3A_44 : i32 to vector<16xi32>
        %ne3A_435 = arith.cmpi ne, %add3A_420, %ne3A_434 : vector<16xi32>
        %and3A_436 = arith.andi %and3A_430, %ne3A_435 : vector<16xi1>
        %or3A_437 = arith.ori %and3A_433, %and3A_436 : vector<16xi1>
        %get3A_438 = arith.index_cast %add3A_414 : i32 to index
        %get3A_439 = tpu.vector_load %arg12[%get3A_438] {strides = array<i32>} : memref<5120xf32, #tpu.memory_space<vmem>>, vector<16xf32>,
        %jit3A_440 = arith.constant -1.000000e+00 : f32
        %broadcast_in_dim3A_441 = vector.broadcast %jit3A_440 : f32 to vector<16xf32>
        %select_n3A_442 = arith.select %or3A_437, %broadcast_in_dim3A_441, %get3A_439 : vector<16xi1>, vector<16xf32>
        %swap3A_443 = arith.index_cast %add3A_414 : i32 to index
        %swap3A_444 = tpu.vector_load %arg12[%swap3A_443] {strides = array<i32>} : memref<5120xf32, #tpu.memory_space<vmem>>, vector<16xf32>,
        tpu.vector_store %arg12[%swap3A_443], %select_n3A_442 {strides = array<i32>} : memref<5120xf32, #tpu.memory_space<vmem>>, vector<16xf32>,
        %reduce_max3A_445 = arith.constant true
        %reduce_max3A_446 = vector.broadcast %reduce_max3A_445 : i1 to vector<16xi1>
        %reduce_max3A_447 = tpu.scan <max>, %select_n3A_442 masked %reduce_max3A_446 : vector<16xf32>, vector<16xi1> -> vector<16xf32>
        %reduce_max3A_448 = vector.extract %reduce_max3A_447[15] : f32 from vector<16xf32>
        %eq3A_449 = arith.constant 2 : i32
        %eq3A_450 = vector.broadcast %eq3A_449 : i32 to vector<16xi32>
        %eq3A_451 = arith.cmpi eq, %iota3A, %eq3A_450 : vector<16xi32>
        %broadcast_in_dim3A_452 = vector.broadcast %reduce_max3A_448 : f32 to vector<16xf32>
        %select_n3A_453 = arith.select %eq3A_451, %broadcast_in_dim3A_452, %select_n3A_412 : vector<16xi1>, vector<16xf32>
        %add3A_454 = arith.constant 48 : i32
        %add3A_455 = arith.addi %mul3A_331, %add3A_454 : i32
        %get3A_456 = arith.index_cast %add3A_455 : i32 to index
        %get3A_457 = tpu.vector_load %arg14[%get3A_456] {strides = array<i32>} : memref<5120xf32, #tpu.memory_space<vmem>>, vector<16xf32>,
        %get3A_458 = arith.index_cast %add3A_455 : i32 to index
        %get3A_459 = tpu.vector_load %arg15[%get3A_458] {strides = array<i32>} : memref<5120xf32, #tpu.memory_space<vmem>>, vector<16xf32>,
        %add3A_460 = vector.broadcast %add3A_455 : i32 to vector<16xi32>
        %add3A_461 = arith.addi %iota3A, %add3A_460 : vector<16xi32>
        %eq3A_462 = arith.cmpf oeq, %get3A_457, %get3A_5 : vector<16xf32>
        %eq3A_463 = arith.cmpf oeq, %get3A_459, %get3A_5 : vector<16xf32>
        %and3A_464 = arith.andi %eq3A_462, %eq3A_463 : vector<16xi1>
        %eq3A_465 = arith.constant 0.000000e+00 : f32
        %eq3A_466 = vector.broadcast %eq3A_465 : f32 to vector<16xf32>
        %eq3A_467 = arith.cmpf oeq, %get3A_457, %eq3A_466 : vector<16xf32>
        %eq3A_468 = arith.constant 0.000000e+00 : f32
        %eq3A_469 = vector.broadcast %eq3A_468 : f32 to vector<16xf32>
        %eq3A_470 = arith.cmpf oeq, %get3A_459, %eq3A_469 : vector<16xf32>
        %and3A_471 = arith.andi %eq3A_467, %eq3A_470 : vector<16xi1>
        %ne3A_472 = vector.broadcast %reduce_max3A_27 : i32 to vector<16xi32>
        %ne3A_473 = arith.cmpi ne, %add3A_461, %ne3A_472 : vector<16xi32>
        %and3A_474 = arith.andi %and3A_464, %ne3A_473 : vector<16xi1>
        %ne3A_475 = vector.broadcast %reduce_max3A_44 : i32 to vector<16xi32>
        %ne3A_476 = arith.cmpi ne, %add3A_461, %ne3A_475 : vector<16xi32>
        %and3A_477 = arith.andi %and3A_471, %ne3A_476 : vector<16xi1>
        %or3A_478 = arith.ori %and3A_474, %and3A_477 : vector<16xi1>
        %get3A_479 = arith.index_cast %add3A_455 : i32 to index
        %get3A_480 = tpu.vector_load %arg12[%get3A_479] {strides = array<i32>} : memref<5120xf32, #tpu.memory_space<vmem>>, vector<16xf32>,
        %jit3A_481 = arith.constant -1.000000e+00 : f32
        %broadcast_in_dim3A_482 = vector.broadcast %jit3A_481 : f32 to vector<16xf32>
        %select_n3A_483 = arith.select %or3A_478, %broadcast_in_dim3A_482, %get3A_480 : vector<16xi1>, vector<16xf32>
        %swap3A_484 = arith.index_cast %add3A_455 : i32 to index
        %swap3A_485 = tpu.vector_load %arg12[%swap3A_484] {strides = array<i32>} : memref<5120xf32, #tpu.memory_space<vmem>>, vector<16xf32>,
        tpu.vector_store %arg12[%swap3A_484], %select_n3A_483 {strides = array<i32>} : memref<5120xf32, #tpu.memory_space<vmem>>, vector<16xf32>,
        %reduce_max3A_486 = arith.constant true
        %reduce_max3A_487 = vector.broadcast %reduce_max3A_486 : i1 to vector<16xi1>
        %reduce_max3A_488 = tpu.scan <max>, %select_n3A_483 masked %reduce_max3A_487 : vector<16xf32>, vector<16xi1> -> vector<16xf32>
        %reduce_max3A_489 = vector.extract %reduce_max3A_488[15] : f32 from vector<16xf32>
        %eq3A_490 = arith.constant 3 : i32
        %eq3A_491 = vector.broadcast %eq3A_490 : i32 to vector<16xi32>
        %eq3A_492 = arith.cmpi eq, %iota3A, %eq3A_491 : vector<16xi32>
        %broadcast_in_dim3A_493 = vector.broadcast %reduce_max3A_489 : f32 to vector<16xf32>
        %select_n3A_494 = arith.select %eq3A_492, %broadcast_in_dim3A_493, %select_n3A_453 : vector<16xi1>, vector<16xf32>
        %add3A_495 = arith.constant 64 : i32
        %add3A_496 = arith.addi %mul3A_331, %add3A_495 : i32
        %get3A_497 = arith.index_cast %add3A_496 : i32 to index
        %get3A_498 = tpu.vector_load %arg14[%get3A_497] {strides = array<i32>} : memref<5120xf32, #tpu.memory_space<vmem>>, vector<16xf32>,
        %get3A_499 = arith.index_cast %add3A_496 : i32 to index
        %get3A_500 = tpu.vector_load %arg15[%get3A_499] {strides = array<i32>} : memref<5120xf32, #tpu.memory_space<vmem>>, vector<16xf32>,
        %add3A_501 = vector.broadcast %add3A_496 : i32 to vector<16xi32>
        %add3A_502 = arith.addi %iota3A, %add3A_501 : vector<16xi32>
        %eq3A_503 = arith.cmpf oeq, %get3A_498, %get3A_5 : vector<16xf32>
        %eq3A_504 = arith.cmpf oeq, %get3A_500, %get3A_5 : vector<16xf32>
        %and3A_505 = arith.andi %eq3A_503, %eq3A_504 : vector<16xi1>
        %eq3A_506 = arith.constant 0.000000e+00 : f32
        %eq3A_507 = vector.broadcast %eq3A_506 : f32 to vector<16xf32>
        %eq3A_508 = arith.cmpf oeq, %get3A_498, %eq3A_507 : vector<16xf32>
        %eq3A_509 = arith.constant 0.000000e+00 : f32
        %eq3A_510 = vector.broadcast %eq3A_509 : f32 to vector<16xf32>
        %eq3A_511 = arith.cmpf oeq, %get3A_500, %eq3A_510 : vector<16xf32>
        %and3A_512 = arith.andi %eq3A_508, %eq3A_511 : vector<16xi1>
        %ne3A_513 = vector.broadcast %reduce_max3A_27 : i32 to vector<16xi32>
        %ne3A_514 = arith.cmpi ne, %add3A_502, %ne3A_513 : vector<16xi32>
        %and3A_515 = arith.andi %and3A_505, %ne3A_514 : vector<16xi1>
        %ne3A_516 = vector.broadcast %reduce_max3A_44 : i32 to vector<16xi32>
        %ne3A_517 = arith.cmpi ne, %add3A_502, %ne3A_516 : vector<16xi32>
        %and3A_518 = arith.andi %and3A_512, %ne3A_517 : vector<16xi1>
        %or3A_519 = arith.ori %and3A_515, %and3A_518 : vector<16xi1>
        %get3A_520 = arith.index_cast %add3A_496 : i32 to index
        %get3A_521 = tpu.vector_load %arg12[%get3A_520] {strides = array<i32>} : memref<5120xf32, #tpu.memory_space<vmem>>, vector<16xf32>,
        %jit3A_522 = arith.constant -1.000000e+00 : f32
        %broadcast_in_dim3A_523 = vector.broadcast %jit3A_522 : f32 to vector<16xf32>
        %select_n3A_524 = arith.select %or3A_519, %broadcast_in_dim3A_523, %get3A_521 : vector<16xi1>, vector<16xf32>
        %swap3A_525 = arith.index_cast %add3A_496 : i32 to index
        %swap3A_526 = tpu.vector_load %arg12[%swap3A_525] {strides = array<i32>} : memref<5120xf32, #tpu.memory_space<vmem>>, vector<16xf32>,
        tpu.vector_store %arg12[%swap3A_525], %select_n3A_524 {strides = array<i32>} : memref<5120xf32, #tpu.memory_space<vmem>>, vector<16xf32>,
        %reduce_max3A_527 = arith.constant true
        %reduce_max3A_528 = vector.broadcast %reduce_max3A_527 : i1 to vector<16xi1>
        %reduce_max3A_529 = tpu.scan <max>, %select_n3A_524 masked %reduce_max3A_528 : vector<16xf32>, vector<16xi1> -> vector<16xf32>
        %reduce_max3A_530 = vector.extract %reduce_max3A_529[15] : f32 from vector<16xf32>
        %eq3A_531 = arith.constant 4 : i32
        %eq3A_532 = vector.broadcast %eq3A_531 : i32 to vector<16xi32>
        %eq3A_533 = arith.cmpi eq, %iota3A, %eq3A_532 : vector<16xi32>
        %broadcast_in_dim3A_534 = vector.broadcast %reduce_max3A_530 : f32 to vector<16xf32>
        %select_n3A_535 = arith.select %eq3A_533, %broadcast_in_dim3A_534, %select_n3A_494 : vector<16xi1>, vector<16xf32>
        %add3A_536 = arith.constant 80 : i32
        %add3A_537 = arith.addi %mul3A_331, %add3A_536 : i32
        %get3A_538 = arith.index_cast %add3A_537 : i32 to index
        %get3A_539 = tpu.vector_load %arg14[%get3A_538] {strides = array<i32>} : memref<5120xf32, #tpu.memory_space<vmem>>, vector<16xf32>,
        %get3A_540 = arith.index_cast %add3A_537 : i32 to index
        %get3A_541 = tpu.vector_load %arg15[%get3A_540] {strides = array<i32>} : memref<5120xf32, #tpu.memory_space<vmem>>, vector<16xf32>,
        %add3A_542 = vector.broadcast %add3A_537 : i32 to vector<16xi32>
        %add3A_543 = arith.addi %iota3A, %add3A_542 : vector<16xi32>
        %eq3A_544 = arith.cmpf oeq, %get3A_539, %get3A_5 : vector<16xf32>
        %eq3A_545 = arith.cmpf oeq, %get3A_541, %get3A_5 : vector<16xf32>
        %and3A_546 = arith.andi %eq3A_544, %eq3A_545 : vector<16xi1>
        %eq3A_547 = arith.constant 0.000000e+00 : f32
        %eq3A_548 = vector.broadcast %eq3A_547 : f32 to vector<16xf32>
        %eq3A_549 = arith.cmpf oeq, %get3A_539, %eq3A_548 : vector<16xf32>
        %eq3A_550 = arith.constant 0.000000e+00 : f32
        %eq3A_551 = vector.broadcast %eq3A_550 : f32 to vector<16xf32>
        %eq3A_552 = arith.cmpf oeq, %get3A_541, %eq3A_551 : vector<16xf32>
        %and3A_553 = arith.andi %eq3A_549, %eq3A_552 : vector<16xi1>
        %ne3A_554 = vector.broadcast %reduce_max3A_27 : i32 to vector<16xi32>
        %ne3A_555 = arith.cmpi ne, %add3A_543, %ne3A_554 : vector<16xi32>
        %and3A_556 = arith.andi %and3A_546, %ne3A_555 : vector<16xi1>
        %ne3A_557 = vector.broadcast %reduce_max3A_44 : i32 to vector<16xi32>
        %ne3A_558 = arith.cmpi ne, %add3A_543, %ne3A_557 : vector<16xi32>
        %and3A_559 = arith.andi %and3A_553, %ne3A_558 : vector<16xi1>
        %or3A_560 = arith.ori %and3A_556, %and3A_559 : vector<16xi1>
        %get3A_561 = arith.index_cast %add3A_537 : i32 to index
        %get3A_562 = tpu.vector_load %arg12[%get3A_561] {strides = array<i32>} : memref<5120xf32, #tpu.memory_space<vmem>>, vector<16xf32>,
        %jit3A_563 = arith.constant -1.000000e+00 : f32
        %broadcast_in_dim3A_564 = vector.broadcast %jit3A_563 : f32 to vector<16xf32>
        %select_n3A_565 = arith.select %or3A_560, %broadcast_in_dim3A_564, %get3A_562 : vector<16xi1>, vector<16xf32>
        %swap3A_566 = arith.index_cast %add3A_537 : i32 to index
        %swap3A_567 = tpu.vector_load %arg12[%swap3A_566] {strides = array<i32>} : memref<5120xf32, #tpu.memory_space<vmem>>, vector<16xf32>,
        tpu.vector_store %arg12[%swap3A_566], %select_n3A_565 {strides = array<i32>} : memref<5120xf32, #tpu.memory_space<vmem>>, vector<16xf32>,
        %reduce_max3A_568 = arith.constant true
        %reduce_max3A_569 = vector.broadcast %reduce_max3A_568 : i1 to vector<16xi1>
        %reduce_max3A_570 = tpu.scan <max>, %select_n3A_565 masked %reduce_max3A_569 : vector<16xf32>, vector<16xi1> -> vector<16xf32>
        %reduce_max3A_571 = vector.extract %reduce_max3A_570[15] : f32 from vector<16xf32>
        %eq3A_572 = arith.constant 5 : i32
        %eq3A_573 = vector.broadcast %eq3A_572 : i32 to vector<16xi32>
        %eq3A_574 = arith.cmpi eq, %iota3A, %eq3A_573 : vector<16xi32>
        %broadcast_in_dim3A_575 = vector.broadcast %reduce_max3A_571 : f32 to vector<16xf32>
        %select_n3A_576 = arith.select %eq3A_574, %broadcast_in_dim3A_575, %select_n3A_535 : vector<16xi1>, vector<16xf32>
        %add3A_577 = arith.constant 96 : i32
        %add3A_578 = arith.addi %mul3A_331, %add3A_577 : i32
        %get3A_579 = arith.index_cast %add3A_578 : i32 to index
        %get3A_580 = tpu.vector_load %arg14[%get3A_579] {strides = array<i32>} : memref<5120xf32, #tpu.memory_space<vmem>>, vector<16xf32>,
        %get3A_581 = arith.index_cast %add3A_578 : i32 to index
        %get3A_582 = tpu.vector_load %arg15[%get3A_581] {strides = array<i32>} : memref<5120xf32, #tpu.memory_space<vmem>>, vector<16xf32>,
        %add3A_583 = vector.broadcast %add3A_578 : i32 to vector<16xi32>
        %add3A_584 = arith.addi %iota3A, %add3A_583 : vector<16xi32>
        %eq3A_585 = arith.cmpf oeq, %get3A_580, %get3A_5 : vector<16xf32>
        %eq3A_586 = arith.cmpf oeq, %get3A_582, %get3A_5 : vector<16xf32>
        %and3A_587 = arith.andi %eq3A_585, %eq3A_586 : vector<16xi1>
        %eq3A_588 = arith.constant 0.000000e+00 : f32
        %eq3A_589 = vector.broadcast %eq3A_588 : f32 to vector<16xf32>
        %eq3A_590 = arith.cmpf oeq, %get3A_580, %eq3A_589 : vector<16xf32>
        %eq3A_591 = arith.constant 0.000000e+00 : f32
        %eq3A_592 = vector.broadcast %eq3A_591 : f32 to vector<16xf32>
        %eq3A_593 = arith.cmpf oeq, %get3A_582, %eq3A_592 : vector<16xf32>
        %and3A_594 = arith.andi %eq3A_590, %eq3A_593 : vector<16xi1>
        %ne3A_595 = vector.broadcast %reduce_max3A_27 : i32 to vector<16xi32>
        %ne3A_596 = arith.cmpi ne, %add3A_584, %ne3A_595 : vector<16xi32>
        %and3A_597 = arith.andi %and3A_587, %ne3A_596 : vector<16xi1>
        %ne3A_598 = vector.broadcast %reduce_max3A_44 : i32 to vector<16xi32>
        %ne3A_599 = arith.cmpi ne, %add3A_584, %ne3A_598 : vector<16xi32>
        %and3A_600 = arith.andi %and3A_594, %ne3A_599 : vector<16xi1>
        %or3A_601 = arith.ori %and3A_597, %and3A_600 : vector<16xi1>
        %get3A_602 = arith.index_cast %add3A_578 : i32 to index
        %get3A_603 = tpu.vector_load %arg12[%get3A_602] {strides = array<i32>} : memref<5120xf32, #tpu.memory_space<vmem>>, vector<16xf32>,
        %jit3A_604 = arith.constant -1.000000e+00 : f32
        %broadcast_in_dim3A_605 = vector.broadcast %jit3A_604 : f32 to vector<16xf32>
        %select_n3A_606 = arith.select %or3A_601, %broadcast_in_dim3A_605, %get3A_603 : vector<16xi1>, vector<16xf32>
        %swap3A_607 = arith.index_cast %add3A_578 : i32 to index
        %swap3A_608 = tpu.vector_load %arg12[%swap3A_607] {strides = array<i32>} : memref<5120xf32, #tpu.memory_space<vmem>>, vector<16xf32>,
        tpu.vector_store %arg12[%swap3A_607], %select_n3A_606 {strides = array<i32>} : memref<5120xf32, #tpu.memory_space<vmem>>, vector<16xf32>,
        %reduce_max3A_609 = arith.constant true
        %reduce_max3A_610 = vector.broadcast %reduce_max3A_609 : i1 to vector<16xi1>
        %reduce_max3A_611 = tpu.scan <max>, %select_n3A_606 masked %reduce_max3A_610 : vector<16xf32>, vector<16xi1> -> vector<16xf32>
        %reduce_max3A_612 = vector.extract %reduce_max3A_611[15] : f32 from vector<16xf32>
        %eq3A_613 = arith.constant 6 : i32
        %eq3A_614 = vector.broadcast %eq3A_613 : i32 to vector<16xi32>
        %eq3A_615 = arith.cmpi eq, %iota3A, %eq3A_614 : vector<16xi32>
        %broadcast_in_dim3A_616 = vector.broadcast %reduce_max3A_612 : f32 to vector<16xf32>
        %select_n3A_617 = arith.select %eq3A_615, %broadcast_in_dim3A_616, %select_n3A_576 : vector<16xi1>, vector<16xf32>
        %add3A_618 = arith.constant 112 : i32
        %add3A_619 = arith.addi %mul3A_331, %add3A_618 : i32
        %get3A_620 = arith.index_cast %add3A_619 : i32 to index
        %get3A_621 = tpu.vector_load %arg14[%get3A_620] {strides = array<i32>} : memref<5120xf32, #tpu.memory_space<vmem>>, vector<16xf32>,
        %get3A_622 = arith.index_cast %add3A_619 : i32 to index
        %get3A_623 = tpu.vector_load %arg15[%get3A_622] {strides = array<i32>} : memref<5120xf32, #tpu.memory_space<vmem>>, vector<16xf32>,
        %add3A_624 = vector.broadcast %add3A_619 : i32 to vector<16xi32>
        %add3A_625 = arith.addi %iota3A, %add3A_624 : vector<16xi32>
        %eq3A_626 = arith.cmpf oeq, %get3A_621, %get3A_5 : vector<16xf32>
        %eq3A_627 = arith.cmpf oeq, %get3A_623, %get3A_5 : vector<16xf32>
        %and3A_628 = arith.andi %eq3A_626, %eq3A_627 : vector<16xi1>
        %eq3A_629 = arith.constant 0.000000e+00 : f32
        %eq3A_630 = vector.broadcast %eq3A_629 : f32 to vector<16xf32>
        %eq3A_631 = arith.cmpf oeq, %get3A_621, %eq3A_630 : vector<16xf32>
        %eq3A_632 = arith.constant 0.000000e+00 : f32
        %eq3A_633 = vector.broadcast %eq3A_632 : f32 to vector<16xf32>
        %eq3A_634 = arith.cmpf oeq, %get3A_623, %eq3A_633 : vector<16xf32>
        %and3A_635 = arith.andi %eq3A_631, %eq3A_634 : vector<16xi1>
        %ne3A_636 = vector.broadcast %reduce_max3A_27 : i32 to vector<16xi32>
        %ne3A_637 = arith.cmpi ne, %add3A_625, %ne3A_636 : vector<16xi32>
        %and3A_638 = arith.andi %and3A_628, %ne3A_637 : vector<16xi1>
        %ne3A_639 = vector.broadcast %reduce_max3A_44 : i32 to vector<16xi32>
        %ne3A_640 = arith.cmpi ne, %add3A_625, %ne3A_639 : vector<16xi32>
        %and3A_641 = arith.andi %and3A_635, %ne3A_640 : vector<16xi1>
        %or3A_642 = arith.ori %and3A_638, %and3A_641 : vector<16xi1>
        %get3A_643 = arith.index_cast %add3A_619 : i32 to index
        %get3A_644 = tpu.vector_load %arg12[%get3A_643] {strides = array<i32>} : memref<5120xf32, #tpu.memory_space<vmem>>, vector<16xf32>,
        %jit3A_645 = arith.constant -1.000000e+00 : f32
        %broadcast_in_dim3A_646 = vector.broadcast %jit3A_645 : f32 to vector<16xf32>
        %select_n3A_647 = arith.select %or3A_642, %broadcast_in_dim3A_646, %get3A_644 : vector<16xi1>, vector<16xf32>
        %swap3A_648 = arith.index_cast %add3A_619 : i32 to index
        %swap3A_649 = tpu.vector_load %arg12[%swap3A_648] {strides = array<i32>} : memref<5120xf32, #tpu.memory_space<vmem>>, vector<16xf32>,
        tpu.vector_store %arg12[%swap3A_648], %select_n3A_647 {strides = array<i32>} : memref<5120xf32, #tpu.memory_space<vmem>>, vector<16xf32>,
        %reduce_max3A_650 = arith.constant true
        %reduce_max3A_651 = vector.broadcast %reduce_max3A_650 : i1 to vector<16xi1>
        %reduce_max3A_652 = tpu.scan <max>, %select_n3A_647 masked %reduce_max3A_651 : vector<16xf32>, vector<16xi1> -> vector<16xf32>
        %reduce_max3A_653 = vector.extract %reduce_max3A_652[15] : f32 from vector<16xf32>
        %eq3A_654 = arith.constant 7 : i32
        %eq3A_655 = vector.broadcast %eq3A_654 : i32 to vector<16xi32>
        %eq3A_656 = arith.cmpi eq, %iota3A, %eq3A_655 : vector<16xi32>
        %broadcast_in_dim3A_657 = vector.broadcast %reduce_max3A_653 : f32 to vector<16xf32>
        %select_n3A_658 = arith.select %eq3A_656, %broadcast_in_dim3A_657, %select_n3A_617 : vector<16xi1>, vector<16xf32>
        %add3A_659 = arith.constant 128 : i32
        %add3A_660 = arith.addi %mul3A_331, %add3A_659 : i32
        %get3A_661 = arith.index_cast %add3A_660 : i32 to index
        %get3A_662 = tpu.vector_load %arg14[%get3A_661] {strides = array<i32>} : memref<5120xf32, #tpu.memory_space<vmem>>, vector<16xf32>,
        %get3A_663 = arith.index_cast %add3A_660 : i32 to index
        %get3A_664 = tpu.vector_load %arg15[%get3A_663] {strides = array<i32>} : memref<5120xf32, #tpu.memory_space<vmem>>, vector<16xf32>,
        %add3A_665 = vector.broadcast %add3A_660 : i32 to vector<16xi32>
        %add3A_666 = arith.addi %iota3A, %add3A_665 : vector<16xi32>
        %eq3A_667 = arith.cmpf oeq, %get3A_662, %get3A_5 : vector<16xf32>
        %eq3A_668 = arith.cmpf oeq, %get3A_664, %get3A_5 : vector<16xf32>
        %and3A_669 = arith.andi %eq3A_667, %eq3A_668 : vector<16xi1>
        %eq3A_670 = arith.constant 0.000000e+00 : f32
        %eq3A_671 = vector.broadcast %eq3A_670 : f32 to vector<16xf32>
        %eq3A_672 = arith.cmpf oeq, %get3A_662, %eq3A_671 : vector<16xf32>
        %eq3A_673 = arith.constant 0.000000e+00 : f32
        %eq3A_674 = vector.broadcast %eq3A_673 : f32 to vector<16xf32>
        %eq3A_675 = arith.cmpf oeq, %get3A_664, %eq3A_674 : vector<16xf32>
        %and3A_676 = arith.andi %eq3A_672, %eq3A_675 : vector<16xi1>
        %ne3A_677 = vector.broadcast %reduce_max3A_27 : i32 to vector<16xi32>
        %ne3A_678 = arith.cmpi ne, %add3A_666, %ne3A_677 : vector<16xi32>
        %and3A_679 = arith.andi %and3A_669, %ne3A_678 : vector<16xi1>
        %ne3A_680 = vector.broadcast %reduce_max3A_44 : i32 to vector<16xi32>
        %ne3A_681 = arith.cmpi ne, %add3A_666, %ne3A_680 : vector<16xi32>
        %and3A_682 = arith.andi %and3A_676, %ne3A_681 : vector<16xi1>
        %or3A_683 = arith.ori %and3A_679, %and3A_682 : vector<16xi1>
        %get3A_684 = arith.index_cast %add3A_660 : i32 to index
        %get3A_685 = tpu.vector_load %arg12[%get3A_684] {strides = array<i32>} : memref<5120xf32, #tpu.memory_space<vmem>>, vector<16xf32>,
        %jit3A_686 = arith.constant -1.000000e+00 : f32
        %broadcast_in_dim3A_687 = vector.broadcast %jit3A_686 : f32 to vector<16xf32>
        %select_n3A_688 = arith.select %or3A_683, %broadcast_in_dim3A_687, %get3A_685 : vector<16xi1>, vector<16xf32>
        %swap3A_689 = arith.index_cast %add3A_660 : i32 to index
        %swap3A_690 = tpu.vector_load %arg12[%swap3A_689] {strides = array<i32>} : memref<5120xf32, #tpu.memory_space<vmem>>, vector<16xf32>,
        tpu.vector_store %arg12[%swap3A_689], %select_n3A_688 {strides = array<i32>} : memref<5120xf32, #tpu.memory_space<vmem>>, vector<16xf32>,
        %reduce_max3A_691 = arith.constant true
        %reduce_max3A_692 = vector.broadcast %reduce_max3A_691 : i1 to vector<16xi1>
        %reduce_max3A_693 = tpu.scan <max>, %select_n3A_688 masked %reduce_max3A_692 : vector<16xf32>, vector<16xi1> -> vector<16xf32>
        %reduce_max3A_694 = vector.extract %reduce_max3A_693[15] : f32 from vector<16xf32>
        %eq3A_695 = arith.constant 8 : i32
        %eq3A_696 = vector.broadcast %eq3A_695 : i32 to vector<16xi32>
        %eq3A_697 = arith.cmpi eq, %iota3A, %eq3A_696 : vector<16xi32>
        %broadcast_in_dim3A_698 = vector.broadcast %reduce_max3A_694 : f32 to vector<16xf32>
        %select_n3A_699 = arith.select %eq3A_697, %broadcast_in_dim3A_698, %select_n3A_658 : vector<16xi1>, vector<16xf32>
        %add3A_700 = arith.constant 144 : i32
        %add3A_701 = arith.addi %mul3A_331, %add3A_700 : i32
        %get3A_702 = arith.index_cast %add3A_701 : i32 to index
        %get3A_703 = tpu.vector_load %arg14[%get3A_702] {strides = array<i32>} : memref<5120xf32, #tpu.memory_space<vmem>>, vector<16xf32>,
        %get3A_704 = arith.index_cast %add3A_701 : i32 to index
        %get3A_705 = tpu.vector_load %arg15[%get3A_704] {strides = array<i32>} : memref<5120xf32, #tpu.memory_space<vmem>>, vector<16xf32>,
        %add3A_706 = vector.broadcast %add3A_701 : i32 to vector<16xi32>
        %add3A_707 = arith.addi %iota3A, %add3A_706 : vector<16xi32>
        %eq3A_708 = arith.cmpf oeq, %get3A_703, %get3A_5 : vector<16xf32>
        %eq3A_709 = arith.cmpf oeq, %get3A_705, %get3A_5 : vector<16xf32>
        %and3A_710 = arith.andi %eq3A_708, %eq3A_709 : vector<16xi1>
        %eq3A_711 = arith.constant 0.000000e+00 : f32
        %eq3A_712 = vector.broadcast %eq3A_711 : f32 to vector<16xf32>
        %eq3A_713 = arith.cmpf oeq, %get3A_703, %eq3A_712 : vector<16xf32>
        %eq3A_714 = arith.constant 0.000000e+00 : f32
        %eq3A_715 = vector.broadcast %eq3A_714 : f32 to vector<16xf32>
        %eq3A_716 = arith.cmpf oeq, %get3A_705, %eq3A_715 : vector<16xf32>
        %and3A_717 = arith.andi %eq3A_713, %eq3A_716 : vector<16xi1>
        %ne3A_718 = vector.broadcast %reduce_max3A_27 : i32 to vector<16xi32>
        %ne3A_719 = arith.cmpi ne, %add3A_707, %ne3A_718 : vector<16xi32>
        %and3A_720 = arith.andi %and3A_710, %ne3A_719 : vector<16xi1>
        %ne3A_721 = vector.broadcast %reduce_max3A_44 : i32 to vector<16xi32>
        %ne3A_722 = arith.cmpi ne, %add3A_707, %ne3A_721 : vector<16xi32>
        %and3A_723 = arith.andi %and3A_717, %ne3A_722 : vector<16xi1>
        %or3A_724 = arith.ori %and3A_720, %and3A_723 : vector<16xi1>
        %get3A_725 = arith.index_cast %add3A_701 : i32 to index
        %get3A_726 = tpu.vector_load %arg12[%get3A_725] {strides = array<i32>} : memref<5120xf32, #tpu.memory_space<vmem>>, vector<16xf32>,
        %jit3A_727 = arith.constant -1.000000e+00 : f32
        %broadcast_in_dim3A_728 = vector.broadcast %jit3A_727 : f32 to vector<16xf32>
        %select_n3A_729 = arith.select %or3A_724, %broadcast_in_dim3A_728, %get3A_726 : vector<16xi1>, vector<16xf32>
        %swap3A_730 = arith.index_cast %add3A_701 : i32 to index
        %swap3A_731 = tpu.vector_load %arg12[%swap3A_730] {strides = array<i32>} : memref<5120xf32, #tpu.memory_space<vmem>>, vector<16xf32>,
        tpu.vector_store %arg12[%swap3A_730], %select_n3A_729 {strides = array<i32>} : memref<5120xf32, #tpu.memory_space<vmem>>, vector<16xf32>,
        %reduce_max3A_732 = arith.constant true
        %reduce_max3A_733 = vector.broadcast %reduce_max3A_732 : i1 to vector<16xi1>
        %reduce_max3A_734 = tpu.scan <max>, %select_n3A_729 masked %reduce_max3A_733 : vector<16xf32>, vector<16xi1> -> vector<16xf32>
        %reduce_max3A_735 = vector.extract %reduce_max3A_734[15] : f32 from vector<16xf32>
        %eq3A_736 = arith.constant 9 : i32
        %eq3A_737 = vector.broadcast %eq3A_736 : i32 to vector<16xi32>
        %eq3A_738 = arith.cmpi eq, %iota3A, %eq3A_737 : vector<16xi32>
        %broadcast_in_dim3A_739 = vector.broadcast %reduce_max3A_735 : f32 to vector<16xf32>
        %select_n3A_740 = arith.select %eq3A_738, %broadcast_in_dim3A_739, %select_n3A_699 : vector<16xi1>, vector<16xf32>
        %add3A_741 = arith.constant 160 : i32
        %add3A_742 = arith.addi %mul3A_331, %add3A_741 : i32
        %get3A_743 = arith.index_cast %add3A_742 : i32 to index
        %get3A_744 = tpu.vector_load %arg14[%get3A_743] {strides = array<i32>} : memref<5120xf32, #tpu.memory_space<vmem>>, vector<16xf32>,
        %get3A_745 = arith.index_cast %add3A_742 : i32 to index
        %get3A_746 = tpu.vector_load %arg15[%get3A_745] {strides = array<i32>} : memref<5120xf32, #tpu.memory_space<vmem>>, vector<16xf32>,
        %add3A_747 = vector.broadcast %add3A_742 : i32 to vector<16xi32>
        %add3A_748 = arith.addi %iota3A, %add3A_747 : vector<16xi32>
        %eq3A_749 = arith.cmpf oeq, %get3A_744, %get3A_5 : vector<16xf32>
        %eq3A_750 = arith.cmpf oeq, %get3A_746, %get3A_5 : vector<16xf32>
        %and3A_751 = arith.andi %eq3A_749, %eq3A_750 : vector<16xi1>
        %eq3A_752 = arith.constant 0.000000e+00 : f32
        %eq3A_753 = vector.broadcast %eq3A_752 : f32 to vector<16xf32>
        %eq3A_754 = arith.cmpf oeq, %get3A_744, %eq3A_753 : vector<16xf32>
        %eq3A_755 = arith.constant 0.000000e+00 : f32
        %eq3A_756 = vector.broadcast %eq3A_755 : f32 to vector<16xf32>
        %eq3A_757 = arith.cmpf oeq, %get3A_746, %eq3A_756 : vector<16xf32>
        %and3A_758 = arith.andi %eq3A_754, %eq3A_757 : vector<16xi1>
        %ne3A_759 = vector.broadcast %reduce_max3A_27 : i32 to vector<16xi32>
        %ne3A_760 = arith.cmpi ne, %add3A_748, %ne3A_759 : vector<16xi32>
        %and3A_761 = arith.andi %and3A_751, %ne3A_760 : vector<16xi1>
        %ne3A_762 = vector.broadcast %reduce_max3A_44 : i32 to vector<16xi32>
        %ne3A_763 = arith.cmpi ne, %add3A_748, %ne3A_762 : vector<16xi32>
        %and3A_764 = arith.andi %and3A_758, %ne3A_763 : vector<16xi1>
        %or3A_765 = arith.ori %and3A_761, %and3A_764 : vector<16xi1>
        %get3A_766 = arith.index_cast %add3A_742 : i32 to index
        %get3A_767 = tpu.vector_load %arg12[%get3A_766] {strides = array<i32>} : memref<5120xf32, #tpu.memory_space<vmem>>, vector<16xf32>,
        %jit3A_768 = arith.constant -1.000000e+00 : f32
        %broadcast_in_dim3A_769 = vector.broadcast %jit3A_768 : f32 to vector<16xf32>
        %select_n3A_770 = arith.select %or3A_765, %broadcast_in_dim3A_769, %get3A_767 : vector<16xi1>, vector<16xf32>
        %swap3A_771 = arith.index_cast %add3A_742 : i32 to index
        %swap3A_772 = tpu.vector_load %arg12[%swap3A_771] {strides = array<i32>} : memref<5120xf32, #tpu.memory_space<vmem>>, vector<16xf32>,
        tpu.vector_store %arg12[%swap3A_771], %select_n3A_770 {strides = array<i32>} : memref<5120xf32, #tpu.memory_space<vmem>>, vector<16xf32>,
        %reduce_max3A_773 = arith.constant true
        %reduce_max3A_774 = vector.broadcast %reduce_max3A_773 : i1 to vector<16xi1>
        %reduce_max3A_775 = tpu.scan <max>, %select_n3A_770 masked %reduce_max3A_774 : vector<16xf32>, vector<16xi1> -> vector<16xf32>
        %reduce_max3A_776 = vector.extract %reduce_max3A_775[15] : f32 from vector<16xf32>
        %eq3A_777 = arith.constant 10 : i32
        %eq3A_778 = vector.broadcast %eq3A_777 : i32 to vector<16xi32>
        %eq3A_779 = arith.cmpi eq, %iota3A, %eq3A_778 : vector<16xi32>
        %broadcast_in_dim3A_780 = vector.broadcast %reduce_max3A_776 : f32 to vector<16xf32>
        %select_n3A_781 = arith.select %eq3A_779, %broadcast_in_dim3A_780, %select_n3A_740 : vector<16xi1>, vector<16xf32>
        %add3A_782 = arith.constant 176 : i32
        %add3A_783 = arith.addi %mul3A_331, %add3A_782 : i32
        %get3A_784 = arith.index_cast %add3A_783 : i32 to index
        %get3A_785 = tpu.vector_load %arg14[%get3A_784] {strides = array<i32>} : memref<5120xf32, #tpu.memory_space<vmem>>, vector<16xf32>,
        %get3A_786 = arith.index_cast %add3A_783 : i32 to index
        %get3A_787 = tpu.vector_load %arg15[%get3A_786] {strides = array<i32>} : memref<5120xf32, #tpu.memory_space<vmem>>, vector<16xf32>,
        %add3A_788 = vector.broadcast %add3A_783 : i32 to vector<16xi32>
        %add3A_789 = arith.addi %iota3A, %add3A_788 : vector<16xi32>
        %eq3A_790 = arith.cmpf oeq, %get3A_785, %get3A_5 : vector<16xf32>
        %eq3A_791 = arith.cmpf oeq, %get3A_787, %get3A_5 : vector<16xf32>
        %and3A_792 = arith.andi %eq3A_790, %eq3A_791 : vector<16xi1>
        %eq3A_793 = arith.constant 0.000000e+00 : f32
        %eq3A_794 = vector.broadcast %eq3A_793 : f32 to vector<16xf32>
        %eq3A_795 = arith.cmpf oeq, %get3A_785, %eq3A_794 : vector<16xf32>
        %eq3A_796 = arith.constant 0.000000e+00 : f32
        %eq3A_797 = vector.broadcast %eq3A_796 : f32 to vector<16xf32>
        %eq3A_798 = arith.cmpf oeq, %get3A_787, %eq3A_797 : vector<16xf32>
        %and3A_799 = arith.andi %eq3A_795, %eq3A_798 : vector<16xi1>
        %ne3A_800 = vector.broadcast %reduce_max3A_27 : i32 to vector<16xi32>
        %ne3A_801 = arith.cmpi ne, %add3A_789, %ne3A_800 : vector<16xi32>
        %and3A_802 = arith.andi %and3A_792, %ne3A_801 : vector<16xi1>
        %ne3A_803 = vector.broadcast %reduce_max3A_44 : i32 to vector<16xi32>
        %ne3A_804 = arith.cmpi ne, %add3A_789, %ne3A_803 : vector<16xi32>
        %and3A_805 = arith.andi %and3A_799, %ne3A_804 : vector<16xi1>
        %or3A_806 = arith.ori %and3A_802, %and3A_805 : vector<16xi1>
        %get3A_807 = arith.index_cast %add3A_783 : i32 to index
        %get3A_808 = tpu.vector_load %arg12[%get3A_807] {strides = array<i32>} : memref<5120xf32, #tpu.memory_space<vmem>>, vector<16xf32>,
        %jit3A_809 = arith.constant -1.000000e+00 : f32
        %broadcast_in_dim3A_810 = vector.broadcast %jit3A_809 : f32 to vector<16xf32>
        %select_n3A_811 = arith.select %or3A_806, %broadcast_in_dim3A_810, %get3A_808 : vector<16xi1>, vector<16xf32>
        %swap3A_812 = arith.index_cast %add3A_783 : i32 to index
        %swap3A_813 = tpu.vector_load %arg12[%swap3A_812] {strides = array<i32>} : memref<5120xf32, #tpu.memory_space<vmem>>, vector<16xf32>,
        tpu.vector_store %arg12[%swap3A_812], %select_n3A_811 {strides = array<i32>} : memref<5120xf32, #tpu.memory_space<vmem>>, vector<16xf32>,
        %reduce_max3A_814 = arith.constant true
        %reduce_max3A_815 = vector.broadcast %reduce_max3A_814 : i1 to vector<16xi1>
        %reduce_max3A_816 = tpu.scan <max>, %select_n3A_811 masked %reduce_max3A_815 : vector<16xf32>, vector<16xi1> -> vector<16xf32>
        %reduce_max3A_817 = vector.extract %reduce_max3A_816[15] : f32 from vector<16xf32>
        %eq3A_818 = arith.constant 11 : i32
        %eq3A_819 = vector.broadcast %eq3A_818 : i32 to vector<16xi32>
        %eq3A_820 = arith.cmpi eq, %iota3A, %eq3A_819 : vector<16xi32>
        %broadcast_in_dim3A_821 = vector.broadcast %reduce_max3A_817 : f32 to vector<16xf32>
        %select_n3A_822 = arith.select %eq3A_820, %broadcast_in_dim3A_821, %select_n3A_781 : vector<16xi1>, vector<16xf32>
        %add3A_823 = arith.constant 192 : i32
        %add3A_824 = arith.addi %mul3A_331, %add3A_823 : i32
        %get3A_825 = arith.index_cast %add3A_824 : i32 to index
        %get3A_826 = tpu.vector_load %arg14[%get3A_825] {strides = array<i32>} : memref<5120xf32, #tpu.memory_space<vmem>>, vector<16xf32>,
        %get3A_827 = arith.index_cast %add3A_824 : i32 to index
        %get3A_828 = tpu.vector_load %arg15[%get3A_827] {strides = array<i32>} : memref<5120xf32, #tpu.memory_space<vmem>>, vector<16xf32>,
        %add3A_829 = vector.broadcast %add3A_824 : i32 to vector<16xi32>
        %add3A_830 = arith.addi %iota3A, %add3A_829 : vector<16xi32>
        %eq3A_831 = arith.cmpf oeq, %get3A_826, %get3A_5 : vector<16xf32>
        %eq3A_832 = arith.cmpf oeq, %get3A_828, %get3A_5 : vector<16xf32>
        %and3A_833 = arith.andi %eq3A_831, %eq3A_832 : vector<16xi1>
        %eq3A_834 = arith.constant 0.000000e+00 : f32
        %eq3A_835 = vector.broadcast %eq3A_834 : f32 to vector<16xf32>
        %eq3A_836 = arith.cmpf oeq, %get3A_826, %eq3A_835 : vector<16xf32>
        %eq3A_837 = arith.constant 0.000000e+00 : f32
        %eq3A_838 = vector.broadcast %eq3A_837 : f32 to vector<16xf32>
        %eq3A_839 = arith.cmpf oeq, %get3A_828, %eq3A_838 : vector<16xf32>
        %and3A_840 = arith.andi %eq3A_836, %eq3A_839 : vector<16xi1>
        %ne3A_841 = vector.broadcast %reduce_max3A_27 : i32 to vector<16xi32>
        %ne3A_842 = arith.cmpi ne, %add3A_830, %ne3A_841 : vector<16xi32>
        %and3A_843 = arith.andi %and3A_833, %ne3A_842 : vector<16xi1>
        %ne3A_844 = vector.broadcast %reduce_max3A_44 : i32 to vector<16xi32>
        %ne3A_845 = arith.cmpi ne, %add3A_830, %ne3A_844 : vector<16xi32>
        %and3A_846 = arith.andi %and3A_840, %ne3A_845 : vector<16xi1>
        %or3A_847 = arith.ori %and3A_843, %and3A_846 : vector<16xi1>
        %get3A_848 = arith.index_cast %add3A_824 : i32 to index
        %get3A_849 = tpu.vector_load %arg12[%get3A_848] {strides = array<i32>} : memref<5120xf32, #tpu.memory_space<vmem>>, vector<16xf32>,
        %jit3A_850 = arith.constant -1.000000e+00 : f32
        %broadcast_in_dim3A_851 = vector.broadcast %jit3A_850 : f32 to vector<16xf32>
        %select_n3A_852 = arith.select %or3A_847, %broadcast_in_dim3A_851, %get3A_849 : vector<16xi1>, vector<16xf32>
        %swap3A_853 = arith.index_cast %add3A_824 : i32 to index
        %swap3A_854 = tpu.vector_load %arg12[%swap3A_853] {strides = array<i32>} : memref<5120xf32, #tpu.memory_space<vmem>>, vector<16xf32>,
        tpu.vector_store %arg12[%swap3A_853], %select_n3A_852 {strides = array<i32>} : memref<5120xf32, #tpu.memory_space<vmem>>, vector<16xf32>,
        %reduce_max3A_855 = arith.constant true
        %reduce_max3A_856 = vector.broadcast %reduce_max3A_855 : i1 to vector<16xi1>
        %reduce_max3A_857 = tpu.scan <max>, %select_n3A_852 masked %reduce_max3A_856 : vector<16xf32>, vector<16xi1> -> vector<16xf32>
        %reduce_max3A_858 = vector.extract %reduce_max3A_857[15] : f32 from vector<16xf32>
        %eq3A_859 = arith.constant 12 : i32
        %eq3A_860 = vector.broadcast %eq3A_859 : i32 to vector<16xi32>
        %eq3A_861 = arith.cmpi eq, %iota3A, %eq3A_860 : vector<16xi32>
        %broadcast_in_dim3A_862 = vector.broadcast %reduce_max3A_858 : f32 to vector<16xf32>
        %select_n3A_863 = arith.select %eq3A_861, %broadcast_in_dim3A_862, %select_n3A_822 : vector<16xi1>, vector<16xf32>
        %add3A_864 = arith.constant 208 : i32
        %add3A_865 = arith.addi %mul3A_331, %add3A_864 : i32
        %get3A_866 = arith.index_cast %add3A_865 : i32 to index
        %get3A_867 = tpu.vector_load %arg14[%get3A_866] {strides = array<i32>} : memref<5120xf32, #tpu.memory_space<vmem>>, vector<16xf32>,
        %get3A_868 = arith.index_cast %add3A_865 : i32 to index
        %get3A_869 = tpu.vector_load %arg15[%get3A_868] {strides = array<i32>} : memref<5120xf32, #tpu.memory_space<vmem>>, vector<16xf32>,
        %add3A_870 = vector.broadcast %add3A_865 : i32 to vector<16xi32>
        %add3A_871 = arith.addi %iota3A, %add3A_870 : vector<16xi32>
        %eq3A_872 = arith.cmpf oeq, %get3A_867, %get3A_5 : vector<16xf32>
        %eq3A_873 = arith.cmpf oeq, %get3A_869, %get3A_5 : vector<16xf32>
        %and3A_874 = arith.andi %eq3A_872, %eq3A_873 : vector<16xi1>
        %eq3A_875 = arith.constant 0.000000e+00 : f32
        %eq3A_876 = vector.broadcast %eq3A_875 : f32 to vector<16xf32>
        %eq3A_877 = arith.cmpf oeq, %get3A_867, %eq3A_876 : vector<16xf32>
        %eq3A_878 = arith.constant 0.000000e+00 : f32
        %eq3A_879 = vector.broadcast %eq3A_878 : f32 to vector<16xf32>
        %eq3A_880 = arith.cmpf oeq, %get3A_869, %eq3A_879 : vector<16xf32>
        %and3A_881 = arith.andi %eq3A_877, %eq3A_880 : vector<16xi1>
        %ne3A_882 = vector.broadcast %reduce_max3A_27 : i32 to vector<16xi32>
        %ne3A_883 = arith.cmpi ne, %add3A_871, %ne3A_882 : vector<16xi32>
        %and3A_884 = arith.andi %and3A_874, %ne3A_883 : vector<16xi1>
        %ne3A_885 = vector.broadcast %reduce_max3A_44 : i32 to vector<16xi32>
        %ne3A_886 = arith.cmpi ne, %add3A_871, %ne3A_885 : vector<16xi32>
        %and3A_887 = arith.andi %and3A_881, %ne3A_886 : vector<16xi1>
        %or3A_888 = arith.ori %and3A_884, %and3A_887 : vector<16xi1>
        %get3A_889 = arith.index_cast %add3A_865 : i32 to index
        %get3A_890 = tpu.vector_load %arg12[%get3A_889] {strides = array<i32>} : memref<5120xf32, #tpu.memory_space<vmem>>, vector<16xf32>,
        %jit3A_891 = arith.constant -1.000000e+00 : f32
        %broadcast_in_dim3A_892 = vector.broadcast %jit3A_891 : f32 to vector<16xf32>
        %select_n3A_893 = arith.select %or3A_888, %broadcast_in_dim3A_892, %get3A_890 : vector<16xi1>, vector<16xf32>
        %swap3A_894 = arith.index_cast %add3A_865 : i32 to index
        %swap3A_895 = tpu.vector_load %arg12[%swap3A_894] {strides = array<i32>} : memref<5120xf32, #tpu.memory_space<vmem>>, vector<16xf32>,
        tpu.vector_store %arg12[%swap3A_894], %select_n3A_893 {strides = array<i32>} : memref<5120xf32, #tpu.memory_space<vmem>>, vector<16xf32>,
        %reduce_max3A_896 = arith.constant true
        %reduce_max3A_897 = vector.broadcast %reduce_max3A_896 : i1 to vector<16xi1>
        %reduce_max3A_898 = tpu.scan <max>, %select_n3A_893 masked %reduce_max3A_897 : vector<16xf32>, vector<16xi1> -> vector<16xf32>
        %reduce_max3A_899 = vector.extract %reduce_max3A_898[15] : f32 from vector<16xf32>
        %eq3A_900 = arith.constant 13 : i32
        %eq3A_901 = vector.broadcast %eq3A_900 : i32 to vector<16xi32>
        %eq3A_902 = arith.cmpi eq, %iota3A, %eq3A_901 : vector<16xi32>
        %broadcast_in_dim3A_903 = vector.broadcast %reduce_max3A_899 : f32 to vector<16xf32>
        %select_n3A_904 = arith.select %eq3A_902, %broadcast_in_dim3A_903, %select_n3A_863 : vector<16xi1>, vector<16xf32>
        %add3A_905 = arith.constant 224 : i32
        %add3A_906 = arith.addi %mul3A_331, %add3A_905 : i32
        %get3A_907 = arith.index_cast %add3A_906 : i32 to index
        %get3A_908 = tpu.vector_load %arg14[%get3A_907] {strides = array<i32>} : memref<5120xf32, #tpu.memory_space<vmem>>, vector<16xf32>,
        %get3A_909 = arith.index_cast %add3A_906 : i32 to index
        %get3A_910 = tpu.vector_load %arg15[%get3A_909] {strides = array<i32>} : memref<5120xf32, #tpu.memory_space<vmem>>, vector<16xf32>,
        %add3A_911 = vector.broadcast %add3A_906 : i32 to vector<16xi32>
        %add3A_912 = arith.addi %iota3A, %add3A_911 : vector<16xi32>
        %eq3A_913 = arith.cmpf oeq, %get3A_908, %get3A_5 : vector<16xf32>
        %eq3A_914 = arith.cmpf oeq, %get3A_910, %get3A_5 : vector<16xf32>
        %and3A_915 = arith.andi %eq3A_913, %eq3A_914 : vector<16xi1>
        %eq3A_916 = arith.constant 0.000000e+00 : f32
        %eq3A_917 = vector.broadcast %eq3A_916 : f32 to vector<16xf32>
        %eq3A_918 = arith.cmpf oeq, %get3A_908, %eq3A_917 : vector<16xf32>
        %eq3A_919 = arith.constant 0.000000e+00 : f32
        %eq3A_920 = vector.broadcast %eq3A_919 : f32 to vector<16xf32>
        %eq3A_921 = arith.cmpf oeq, %get3A_910, %eq3A_920 : vector<16xf32>
        %and3A_922 = arith.andi %eq3A_918, %eq3A_921 : vector<16xi1>
        %ne3A_923 = vector.broadcast %reduce_max3A_27 : i32 to vector<16xi32>
        %ne3A_924 = arith.cmpi ne, %add3A_912, %ne3A_923 : vector<16xi32>
        %and3A_925 = arith.andi %and3A_915, %ne3A_924 : vector<16xi1>
        %ne3A_926 = vector.broadcast %reduce_max3A_44 : i32 to vector<16xi32>
        %ne3A_927 = arith.cmpi ne, %add3A_912, %ne3A_926 : vector<16xi32>
        %and3A_928 = arith.andi %and3A_922, %ne3A_927 : vector<16xi1>
        %or3A_929 = arith.ori %and3A_925, %and3A_928 : vector<16xi1>
        %get3A_930 = arith.index_cast %add3A_906 : i32 to index
        %get3A_931 = tpu.vector_load %arg12[%get3A_930] {strides = array<i32>} : memref<5120xf32, #tpu.memory_space<vmem>>, vector<16xf32>,
        %jit3A_932 = arith.constant -1.000000e+00 : f32
        %broadcast_in_dim3A_933 = vector.broadcast %jit3A_932 : f32 to vector<16xf32>
        %select_n3A_934 = arith.select %or3A_929, %broadcast_in_dim3A_933, %get3A_931 : vector<16xi1>, vector<16xf32>
        %swap3A_935 = arith.index_cast %add3A_906 : i32 to index
        %swap3A_936 = tpu.vector_load %arg12[%swap3A_935] {strides = array<i32>} : memref<5120xf32, #tpu.memory_space<vmem>>, vector<16xf32>,
        tpu.vector_store %arg12[%swap3A_935], %select_n3A_934 {strides = array<i32>} : memref<5120xf32, #tpu.memory_space<vmem>>, vector<16xf32>,
        %reduce_max3A_937 = arith.constant true
        %reduce_max3A_938 = vector.broadcast %reduce_max3A_937 : i1 to vector<16xi1>
        %reduce_max3A_939 = tpu.scan <max>, %select_n3A_934 masked %reduce_max3A_938 : vector<16xf32>, vector<16xi1> -> vector<16xf32>
        %reduce_max3A_940 = vector.extract %reduce_max3A_939[15] : f32 from vector<16xf32>
        %eq3A_941 = arith.constant 14 : i32
        %eq3A_942 = vector.broadcast %eq3A_941 : i32 to vector<16xi32>
        %eq3A_943 = arith.cmpi eq, %iota3A, %eq3A_942 : vector<16xi32>
        %broadcast_in_dim3A_944 = vector.broadcast %reduce_max3A_940 : f32 to vector<16xf32>
        %select_n3A_945 = arith.select %eq3A_943, %broadcast_in_dim3A_944, %select_n3A_904 : vector<16xi1>, vector<16xf32>
        %add3A_946 = arith.constant 240 : i32
        %add3A_947 = arith.addi %mul3A_331, %add3A_946 : i32
        %get3A_948 = arith.index_cast %add3A_947 : i32 to index
        %get3A_949 = tpu.vector_load %arg14[%get3A_948] {strides = array<i32>} : memref<5120xf32, #tpu.memory_space<vmem>>, vector<16xf32>,
        %get3A_950 = arith.index_cast %add3A_947 : i32 to index
        %get3A_951 = tpu.vector_load %arg15[%get3A_950] {strides = array<i32>} : memref<5120xf32, #tpu.memory_space<vmem>>, vector<16xf32>,
        %add3A_952 = vector.broadcast %add3A_947 : i32 to vector<16xi32>
        %add3A_953 = arith.addi %iota3A, %add3A_952 : vector<16xi32>
        %eq3A_954 = arith.cmpf oeq, %get3A_949, %get3A_5 : vector<16xf32>
        %eq3A_955 = arith.cmpf oeq, %get3A_951, %get3A_5 : vector<16xf32>
        %and3A_956 = arith.andi %eq3A_954, %eq3A_955 : vector<16xi1>
        %eq3A_957 = arith.constant 0.000000e+00 : f32
        %eq3A_958 = vector.broadcast %eq3A_957 : f32 to vector<16xf32>
        %eq3A_959 = arith.cmpf oeq, %get3A_949, %eq3A_958 : vector<16xf32>
        %eq3A_960 = arith.constant 0.000000e+00 : f32
        %eq3A_961 = vector.broadcast %eq3A_960 : f32 to vector<16xf32>
        %eq3A_962 = arith.cmpf oeq, %get3A_951, %eq3A_961 : vector<16xf32>
        %and3A_963 = arith.andi %eq3A_959, %eq3A_962 : vector<16xi1>
        %ne3A_964 = vector.broadcast %reduce_max3A_27 : i32 to vector<16xi32>
        %ne3A_965 = arith.cmpi ne, %add3A_953, %ne3A_964 : vector<16xi32>
        %and3A_966 = arith.andi %and3A_956, %ne3A_965 : vector<16xi1>
        %ne3A_967 = vector.broadcast %reduce_max3A_44 : i32 to vector<16xi32>
        %ne3A_968 = arith.cmpi ne, %add3A_953, %ne3A_967 : vector<16xi32>
        %and3A_969 = arith.andi %and3A_963, %ne3A_968 : vector<16xi1>
        %or3A_970 = arith.ori %and3A_966, %and3A_969 : vector<16xi1>
        %get3A_971 = arith.index_cast %add3A_947 : i32 to index
        %get3A_972 = tpu.vector_load %arg12[%get3A_971] {strides = array<i32>} : memref<5120xf32, #tpu.memory_space<vmem>>, vector<16xf32>,
        %jit3A_973 = arith.constant -1.000000e+00 : f32
        %broadcast_in_dim3A_974 = vector.broadcast %jit3A_973 : f32 to vector<16xf32>
        %select_n3A_975 = arith.select %or3A_970, %broadcast_in_dim3A_974, %get3A_972 : vector<16xi1>, vector<16xf32>
        %swap3A_976 = arith.index_cast %add3A_947 : i32 to index
        %swap3A_977 = tpu.vector_load %arg12[%swap3A_976] {strides = array<i32>} : memref<5120xf32, #tpu.memory_space<vmem>>, vector<16xf32>,
        tpu.vector_store %arg12[%swap3A_976], %select_n3A_975 {strides = array<i32>} : memref<5120xf32, #tpu.memory_space<vmem>>, vector<16xf32>,
        %reduce_max3A_978 = arith.constant true
        %reduce_max3A_979 = vector.broadcast %reduce_max3A_978 : i1 to vector<16xi1>
        %reduce_max3A_980 = tpu.scan <max>, %select_n3A_975 masked %reduce_max3A_979 : vector<16xf32>, vector<16xi1> -> vector<16xf32>
        %reduce_max3A_981 = vector.extract %reduce_max3A_980[15] : f32 from vector<16xf32>
        %eq3A_982 = arith.constant 15 : i32
        %eq3A_983 = vector.broadcast %eq3A_982 : i32 to vector<16xi32>
        %eq3A_984 = arith.cmpi eq, %iota3A, %eq3A_983 : vector<16xi32>
        %broadcast_in_dim3A_985 = vector.broadcast %reduce_max3A_981 : f32 to vector<16xf32>
        %select_n3A_986 = arith.select %eq3A_984, %broadcast_in_dim3A_985, %select_n3A_945 : vector<16xi1>, vector<16xf32>
        %mul3A_987 = arith.constant 16 : i32
        %mul3A_988 = arith.muli %scan3A_330, %mul3A_987 : i32
        %swap3A_989 = arith.index_cast %mul3A_988 : i32 to index
        %swap3A_990 = tpu.vector_load %arg16[%swap3A_989] {strides = array<i32>} : memref<320xf32, #tpu.memory_space<vmem>>, vector<16xf32>,
        tpu.vector_store %arg16[%swap3A_989], %select_n3A_986 {strides = array<i32>} : memref<320xf32, #tpu.memory_space<vmem>>, vector<16xf32>,
      }
      %scan3A_50 = arith.constant 20 : i32
      %broadcast_in_dim3A_51 = arith.constant -3.000000e+38 : f32
      %broadcast_in_dim3A_52 = vector.broadcast %broadcast_in_dim3A_51 : f32 to vector<16xf32>
      %broadcast_in_dim3A_53 = arith.constant -3.000000e+38 : f32
      %broadcast_in_dim3A_54 = vector.broadcast %broadcast_in_dim3A_53 : f32 to vector<16xf32>
      %get3A_55 = arith.constant 0 : index
      %get3A_56 = tpu.vector_load %arg16[%get3A_55] {strides = array<i32>} : memref<320xf32, #tpu.memory_space<vmem>>, vector<16xf32>,
      %reduce_max3A_57 = arith.constant true
      %reduce_max3A_58 = vector.broadcast %reduce_max3A_57 : i1 to vector<16xi1>
      %reduce_max3A_59 = tpu.scan <max>, %get3A_56 masked %reduce_max3A_58 : vector<16xf32>, vector<16xi1> -> vector<16xf32>
      %reduce_max3A_60 = vector.extract %reduce_max3A_59[15] : f32 from vector<16xf32>
      %eq3A_61 = arith.constant 0 : i32
      %eq3A_62 = vector.broadcast %eq3A_61 : i32 to vector<16xi32>
      %eq3A_63 = arith.cmpi eq, %iota3A, %eq3A_62 : vector<16xi32>
      %broadcast_in_dim3A_64 = vector.broadcast %reduce_max3A_60 : f32 to vector<16xf32>
      %select_n3A_65 = arith.select %eq3A_63, %broadcast_in_dim3A_64, %broadcast_in_dim3A_52 : vector<16xi1>, vector<16xf32>
      %get3A_66 = arith.constant 16 : index
      %get3A_67 = tpu.vector_load %arg16[%get3A_66] {strides = array<i32>} : memref<320xf32, #tpu.memory_space<vmem>>, vector<16xf32>,
      %reduce_max3A_68 = arith.constant true
      %reduce_max3A_69 = vector.broadcast %reduce_max3A_68 : i1 to vector<16xi1>
      %reduce_max3A_70 = tpu.scan <max>, %get3A_67 masked %reduce_max3A_69 : vector<16xf32>, vector<16xi1> -> vector<16xf32>
      %reduce_max3A_71 = vector.extract %reduce_max3A_70[15] : f32 from vector<16xf32>
      %eq3A_72 = arith.constant 1 : i32
      %eq3A_73 = vector.broadcast %eq3A_72 : i32 to vector<16xi32>
      %eq3A_74 = arith.cmpi eq, %iota3A, %eq3A_73 : vector<16xi32>
      %broadcast_in_dim3A_75 = vector.broadcast %reduce_max3A_71 : f32 to vector<16xf32>
      %select_n3A_76 = arith.select %eq3A_74, %broadcast_in_dim3A_75, %select_n3A_65 : vector<16xi1>, vector<16xf32>
      %get3A_77 = arith.constant 32 : index
      %get3A_78 = tpu.vector_load %arg16[%get3A_77] {strides = array<i32>} : memref<320xf32, #tpu.memory_space<vmem>>, vector<16xf32>,
      %reduce_max3A_79 = arith.constant true
      %reduce_max3A_80 = vector.broadcast %reduce_max3A_79 : i1 to vector<16xi1>
      %reduce_max3A_81 = tpu.scan <max>, %get3A_78 masked %reduce_max3A_80 : vector<16xf32>, vector<16xi1> -> vector<16xf32>
      %reduce_max3A_82 = vector.extract %reduce_max3A_81[15] : f32 from vector<16xf32>
      %eq3A_83 = arith.constant 2 : i32
      %eq3A_84 = vector.broadcast %eq3A_83 : i32 to vector<16xi32>
      %eq3A_85 = arith.cmpi eq, %iota3A, %eq3A_84 : vector<16xi32>
      %broadcast_in_dim3A_86 = vector.broadcast %reduce_max3A_82 : f32 to vector<16xf32>
      %select_n3A_87 = arith.select %eq3A_85, %broadcast_in_dim3A_86, %select_n3A_76 : vector<16xi1>, vector<16xf32>
      %get3A_88 = arith.constant 48 : index
      %get3A_89 = tpu.vector_load %arg16[%get3A_88] {strides = array<i32>} : memref<320xf32, #tpu.memory_space<vmem>>, vector<16xf32>,
      %reduce_max3A_90 = arith.constant true
      %reduce_max3A_91 = vector.broadcast %reduce_max3A_90 : i1 to vector<16xi1>
      %reduce_max3A_92 = tpu.scan <max>, %get3A_89 masked %reduce_max3A_91 : vector<16xf32>, vector<16xi1> -> vector<16xf32>
      %reduce_max3A_93 = vector.extract %reduce_max3A_92[15] : f32 from vector<16xf32>
      %eq3A_94 = arith.constant 3 : i32
      %eq3A_95 = vector.broadcast %eq3A_94 : i32 to vector<16xi32>
      %eq3A_96 = arith.cmpi eq, %iota3A, %eq3A_95 : vector<16xi32>
      %broadcast_in_dim3A_97 = vector.broadcast %reduce_max3A_93 : f32 to vector<16xf32>
      %select_n3A_98 = arith.select %eq3A_96, %broadcast_in_dim3A_97, %select_n3A_87 : vector<16xi1>, vector<16xf32>
      %get3A_99 = arith.constant 64 : index
      %get3A_100 = tpu.vector_load %arg16[%get3A_99] {strides = array<i32>} : memref<320xf32, #tpu.memory_space<vmem>>, vector<16xf32>,
      %reduce_max3A_101 = arith.constant true
      %reduce_max3A_102 = vector.broadcast %reduce_max3A_101 : i1 to vector<16xi1>
      %reduce_max3A_103 = tpu.scan <max>, %get3A_100 masked %reduce_max3A_102 : vector<16xf32>, vector<16xi1> -> vector<16xf32>
      %reduce_max3A_104 = vector.extract %reduce_max3A_103[15] : f32 from vector<16xf32>
      %eq3A_105 = arith.constant 4 : i32
      %eq3A_106 = vector.broadcast %eq3A_105 : i32 to vector<16xi32>
      %eq3A_107 = arith.cmpi eq, %iota3A, %eq3A_106 : vector<16xi32>
      %broadcast_in_dim3A_108 = vector.broadcast %reduce_max3A_104 : f32 to vector<16xf32>
      %select_n3A_109 = arith.select %eq3A_107, %broadcast_in_dim3A_108, %select_n3A_98 : vector<16xi1>, vector<16xf32>
      %get3A_110 = arith.constant 80 : index
      %get3A_111 = tpu.vector_load %arg16[%get3A_110] {strides = array<i32>} : memref<320xf32, #tpu.memory_space<vmem>>, vector<16xf32>,
      %reduce_max3A_112 = arith.constant true
      %reduce_max3A_113 = vector.broadcast %reduce_max3A_112 : i1 to vector<16xi1>
      %reduce_max3A_114 = tpu.scan <max>, %get3A_111 masked %reduce_max3A_113 : vector<16xf32>, vector<16xi1> -> vector<16xf32>
      %reduce_max3A_115 = vector.extract %reduce_max3A_114[15] : f32 from vector<16xf32>
      %eq3A_116 = arith.constant 5 : i32
      %eq3A_117 = vector.broadcast %eq3A_116 : i32 to vector<16xi32>
      %eq3A_118 = arith.cmpi eq, %iota3A, %eq3A_117 : vector<16xi32>
      %broadcast_in_dim3A_119 = vector.broadcast %reduce_max3A_115 : f32 to vector<16xf32>
      %select_n3A_120 = arith.select %eq3A_118, %broadcast_in_dim3A_119, %select_n3A_109 : vector<16xi1>, vector<16xf32>
      %get3A_121 = arith.constant 96 : index
      %get3A_122 = tpu.vector_load %arg16[%get3A_121] {strides = array<i32>} : memref<320xf32, #tpu.memory_space<vmem>>, vector<16xf32>,
      %reduce_max3A_123 = arith.constant true
      %reduce_max3A_124 = vector.broadcast %reduce_max3A_123 : i1 to vector<16xi1>
      %reduce_max3A_125 = tpu.scan <max>, %get3A_122 masked %reduce_max3A_124 : vector<16xf32>, vector<16xi1> -> vector<16xf32>
      %reduce_max3A_126 = vector.extract %reduce_max3A_125[15] : f32 from vector<16xf32>
      %eq3A_127 = arith.constant 6 : i32
      %eq3A_128 = vector.broadcast %eq3A_127 : i32 to vector<16xi32>
      %eq3A_129 = arith.cmpi eq, %iota3A, %eq3A_128 : vector<16xi32>
      %broadcast_in_dim3A_130 = vector.broadcast %reduce_max3A_126 : f32 to vector<16xf32>
      %select_n3A_131 = arith.select %eq3A_129, %broadcast_in_dim3A_130, %select_n3A_120 : vector<16xi1>, vector<16xf32>
      %get3A_132 = arith.constant 112 : index
      %get3A_133 = tpu.vector_load %arg16[%get3A_132] {strides = array<i32>} : memref<320xf32, #tpu.memory_space<vmem>>, vector<16xf32>,
      %reduce_max3A_134 = arith.constant true
      %reduce_max3A_135 = vector.broadcast %reduce_max3A_134 : i1 to vector<16xi1>
      %reduce_max3A_136 = tpu.scan <max>, %get3A_133 masked %reduce_max3A_135 : vector<16xf32>, vector<16xi1> -> vector<16xf32>
      %reduce_max3A_137 = vector.extract %reduce_max3A_136[15] : f32 from vector<16xf32>
      %eq3A_138 = arith.constant 7 : i32
      %eq3A_139 = vector.broadcast %eq3A_138 : i32 to vector<16xi32>
      %eq3A_140 = arith.cmpi eq, %iota3A, %eq3A_139 : vector<16xi32>
      %broadcast_in_dim3A_141 = vector.broadcast %reduce_max3A_137 : f32 to vector<16xf32>
      %select_n3A_142 = arith.select %eq3A_140, %broadcast_in_dim3A_141, %select_n3A_131 : vector<16xi1>, vector<16xf32>
      %get3A_143 = arith.constant 128 : index
      %get3A_144 = tpu.vector_load %arg16[%get3A_143] {strides = array<i32>} : memref<320xf32, #tpu.memory_space<vmem>>, vector<16xf32>,
      %reduce_max3A_145 = arith.constant true
      %reduce_max3A_146 = vector.broadcast %reduce_max3A_145 : i1 to vector<16xi1>
      %reduce_max3A_147 = tpu.scan <max>, %get3A_144 masked %reduce_max3A_146 : vector<16xf32>, vector<16xi1> -> vector<16xf32>
      %reduce_max3A_148 = vector.extract %reduce_max3A_147[15] : f32 from vector<16xf32>
      %eq3A_149 = arith.constant 8 : i32
      %eq3A_150 = vector.broadcast %eq3A_149 : i32 to vector<16xi32>
      %eq3A_151 = arith.cmpi eq, %iota3A, %eq3A_150 : vector<16xi32>
      %broadcast_in_dim3A_152 = vector.broadcast %reduce_max3A_148 : f32 to vector<16xf32>
      %select_n3A_153 = arith.select %eq3A_151, %broadcast_in_dim3A_152, %select_n3A_142 : vector<16xi1>, vector<16xf32>
      %get3A_154 = arith.constant 144 : index
      %get3A_155 = tpu.vector_load %arg16[%get3A_154] {strides = array<i32>} : memref<320xf32, #tpu.memory_space<vmem>>, vector<16xf32>,
      %reduce_max3A_156 = arith.constant true
      %reduce_max3A_157 = vector.broadcast %reduce_max3A_156 : i1 to vector<16xi1>
      %reduce_max3A_158 = tpu.scan <max>, %get3A_155 masked %reduce_max3A_157 : vector<16xf32>, vector<16xi1> -> vector<16xf32>
      %reduce_max3A_159 = vector.extract %reduce_max3A_158[15] : f32 from vector<16xf32>
      %eq3A_160 = arith.constant 9 : i32
      %eq3A_161 = vector.broadcast %eq3A_160 : i32 to vector<16xi32>
      %eq3A_162 = arith.cmpi eq, %iota3A, %eq3A_161 : vector<16xi32>
      %broadcast_in_dim3A_163 = vector.broadcast %reduce_max3A_159 : f32 to vector<16xf32>
      %select_n3A_164 = arith.select %eq3A_162, %broadcast_in_dim3A_163, %select_n3A_153 : vector<16xi1>, vector<16xf32>
      %get3A_165 = arith.constant 160 : index
      %get3A_166 = tpu.vector_load %arg16[%get3A_165] {strides = array<i32>} : memref<320xf32, #tpu.memory_space<vmem>>, vector<16xf32>,
      %reduce_max3A_167 = arith.constant true
      %reduce_max3A_168 = vector.broadcast %reduce_max3A_167 : i1 to vector<16xi1>
      %reduce_max3A_169 = tpu.scan <max>, %get3A_166 masked %reduce_max3A_168 : vector<16xf32>, vector<16xi1> -> vector<16xf32>
      %reduce_max3A_170 = vector.extract %reduce_max3A_169[15] : f32 from vector<16xf32>
      %eq3A_171 = arith.constant 10 : i32
      %eq3A_172 = vector.broadcast %eq3A_171 : i32 to vector<16xi32>
      %eq3A_173 = arith.cmpi eq, %iota3A, %eq3A_172 : vector<16xi32>
      %broadcast_in_dim3A_174 = vector.broadcast %reduce_max3A_170 : f32 to vector<16xf32>
      %select_n3A_175 = arith.select %eq3A_173, %broadcast_in_dim3A_174, %select_n3A_164 : vector<16xi1>, vector<16xf32>
      %get3A_176 = arith.constant 176 : index
      %get3A_177 = tpu.vector_load %arg16[%get3A_176] {strides = array<i32>} : memref<320xf32, #tpu.memory_space<vmem>>, vector<16xf32>,
      %reduce_max3A_178 = arith.constant true
      %reduce_max3A_179 = vector.broadcast %reduce_max3A_178 : i1 to vector<16xi1>
      %reduce_max3A_180 = tpu.scan <max>, %get3A_177 masked %reduce_max3A_179 : vector<16xf32>, vector<16xi1> -> vector<16xf32>
      %reduce_max3A_181 = vector.extract %reduce_max3A_180[15] : f32 from vector<16xf32>
      %eq3A_182 = arith.constant 11 : i32
      %eq3A_183 = vector.broadcast %eq3A_182 : i32 to vector<16xi32>
      %eq3A_184 = arith.cmpi eq, %iota3A, %eq3A_183 : vector<16xi32>
      %broadcast_in_dim3A_185 = vector.broadcast %reduce_max3A_181 : f32 to vector<16xf32>
      %select_n3A_186 = arith.select %eq3A_184, %broadcast_in_dim3A_185, %select_n3A_175 : vector<16xi1>, vector<16xf32>
      %get3A_187 = arith.constant 192 : index
      %get3A_188 = tpu.vector_load %arg16[%get3A_187] {strides = array<i32>} : memref<320xf32, #tpu.memory_space<vmem>>, vector<16xf32>,
      %reduce_max3A_189 = arith.constant true
      %reduce_max3A_190 = vector.broadcast %reduce_max3A_189 : i1 to vector<16xi1>
      %reduce_max3A_191 = tpu.scan <max>, %get3A_188 masked %reduce_max3A_190 : vector<16xf32>, vector<16xi1> -> vector<16xf32>
      %reduce_max3A_192 = vector.extract %reduce_max3A_191[15] : f32 from vector<16xf32>
      %eq3A_193 = arith.constant 12 : i32
      %eq3A_194 = vector.broadcast %eq3A_193 : i32 to vector<16xi32>
      %eq3A_195 = arith.cmpi eq, %iota3A, %eq3A_194 : vector<16xi32>
      %broadcast_in_dim3A_196 = vector.broadcast %reduce_max3A_192 : f32 to vector<16xf32>
      %select_n3A_197 = arith.select %eq3A_195, %broadcast_in_dim3A_196, %select_n3A_186 : vector<16xi1>, vector<16xf32>
      %get3A_198 = arith.constant 208 : index
      %get3A_199 = tpu.vector_load %arg16[%get3A_198] {strides = array<i32>} : memref<320xf32, #tpu.memory_space<vmem>>, vector<16xf32>,
      %reduce_max3A_200 = arith.constant true
      %reduce_max3A_201 = vector.broadcast %reduce_max3A_200 : i1 to vector<16xi1>
      %reduce_max3A_202 = tpu.scan <max>, %get3A_199 masked %reduce_max3A_201 : vector<16xf32>, vector<16xi1> -> vector<16xf32>
      %reduce_max3A_203 = vector.extract %reduce_max3A_202[15] : f32 from vector<16xf32>
      %eq3A_204 = arith.constant 13 : i32
      %eq3A_205 = vector.broadcast %eq3A_204 : i32 to vector<16xi32>
      %eq3A_206 = arith.cmpi eq, %iota3A, %eq3A_205 : vector<16xi32>
      %broadcast_in_dim3A_207 = vector.broadcast %reduce_max3A_203 : f32 to vector<16xf32>
      %select_n3A_208 = arith.select %eq3A_206, %broadcast_in_dim3A_207, %select_n3A_197 : vector<16xi1>, vector<16xf32>
      %get3A_209 = arith.constant 224 : index
      %get3A_210 = tpu.vector_load %arg16[%get3A_209] {strides = array<i32>} : memref<320xf32, #tpu.memory_space<vmem>>, vector<16xf32>,
      %reduce_max3A_211 = arith.constant true
      %reduce_max3A_212 = vector.broadcast %reduce_max3A_211 : i1 to vector<16xi1>
      %reduce_max3A_213 = tpu.scan <max>, %get3A_210 masked %reduce_max3A_212 : vector<16xf32>, vector<16xi1> -> vector<16xf32>
      %reduce_max3A_214 = vector.extract %reduce_max3A_213[15] : f32 from vector<16xf32>
      %eq3A_215 = arith.constant 14 : i32
      %eq3A_216 = vector.broadcast %eq3A_215 : i32 to vector<16xi32>
      %eq3A_217 = arith.cmpi eq, %iota3A, %eq3A_216 : vector<16xi32>
      %broadcast_in_dim3A_218 = vector.broadcast %reduce_max3A_214 : f32 to vector<16xf32>
      %select_n3A_219 = arith.select %eq3A_217, %broadcast_in_dim3A_218, %select_n3A_208 : vector<16xi1>, vector<16xf32>
      %get3A_220 = arith.constant 240 : index
      %get3A_221 = tpu.vector_load %arg16[%get3A_220] {strides = array<i32>} : memref<320xf32, #tpu.memory_space<vmem>>, vector<16xf32>,
      %reduce_max3A_222 = arith.constant true
      %reduce_max3A_223 = vector.broadcast %reduce_max3A_222 : i1 to vector<16xi1>
      %reduce_max3A_224 = tpu.scan <max>, %get3A_221 masked %reduce_max3A_223 : vector<16xf32>, vector<16xi1> -> vector<16xf32>
      %reduce_max3A_225 = vector.extract %reduce_max3A_224[15] : f32 from vector<16xf32>
      %eq3A_226 = arith.constant 15 : i32
      %eq3A_227 = vector.broadcast %eq3A_226 : i32 to vector<16xi32>
      %eq3A_228 = arith.cmpi eq, %iota3A, %eq3A_227 : vector<16xi32>
      %broadcast_in_dim3A_229 = vector.broadcast %reduce_max3A_225 : f32 to vector<16xf32>
      %select_n3A_230 = arith.select %eq3A_228, %broadcast_in_dim3A_229, %select_n3A_219 : vector<16xi1>, vector<16xf32>
      %get3A_231 = arith.constant 256 : index
      %get3A_232 = tpu.vector_load %arg16[%get3A_231] {strides = array<i32>} : memref<320xf32, #tpu.memory_space<vmem>>, vector<16xf32>,
      %reduce_max3A_233 = arith.constant true
      %reduce_max3A_234 = vector.broadcast %reduce_max3A_233 : i1 to vector<16xi1>
      %reduce_max3A_235 = tpu.scan <max>, %get3A_232 masked %reduce_max3A_234 : vector<16xf32>, vector<16xi1> -> vector<16xf32>
      %reduce_max3A_236 = vector.extract %reduce_max3A_235[15] : f32 from vector<16xf32>
      %eq3A_237 = arith.constant 0 : i32
      %eq3A_238 = vector.broadcast %eq3A_237 : i32 to vector<16xi32>
      %eq3A_239 = arith.cmpi eq, %iota3A, %eq3A_238 : vector<16xi32>
      %broadcast_in_dim3A_240 = vector.broadcast %reduce_max3A_236 : f32 to vector<16xf32>
      %select_n3A_241 = arith.select %eq3A_239, %broadcast_in_dim3A_240, %broadcast_in_dim3A_54 : vector<16xi1>, vector<16xf32>
      %get3A_242 = arith.constant 272 : index
      %get3A_243 = tpu.vector_load %arg16[%get3A_242] {strides = array<i32>} : memref<320xf32, #tpu.memory_space<vmem>>, vector<16xf32>,
      %reduce_max3A_244 = arith.constant true
      %reduce_max3A_245 = vector.broadcast %reduce_max3A_244 : i1 to vector<16xi1>
      %reduce_max3A_246 = tpu.scan <max>, %get3A_243 masked %reduce_max3A_245 : vector<16xf32>, vector<16xi1> -> vector<16xf32>
      %reduce_max3A_247 = vector.extract %reduce_max3A_246[15] : f32 from vector<16xf32>
      %eq3A_248 = arith.constant 1 : i32
      %eq3A_249 = vector.broadcast %eq3A_248 : i32 to vector<16xi32>
      %eq3A_250 = arith.cmpi eq, %iota3A, %eq3A_249 : vector<16xi32>
      %broadcast_in_dim3A_251 = vector.broadcast %reduce_max3A_247 : f32 to vector<16xf32>
      %select_n3A_252 = arith.select %eq3A_250, %broadcast_in_dim3A_251, %select_n3A_241 : vector<16xi1>, vector<16xf32>
      %get3A_253 = arith.constant 288 : index
      %get3A_254 = tpu.vector_load %arg16[%get3A_253] {strides = array<i32>} : memref<320xf32, #tpu.memory_space<vmem>>, vector<16xf32>,
      %reduce_max3A_255 = arith.constant true
      %reduce_max3A_256 = vector.broadcast %reduce_max3A_255 : i1 to vector<16xi1>
      %reduce_max3A_257 = tpu.scan <max>, %get3A_254 masked %reduce_max3A_256 : vector<16xf32>, vector<16xi1> -> vector<16xf32>
      %reduce_max3A_258 = vector.extract %reduce_max3A_257[15] : f32 from vector<16xf32>
      %eq3A_259 = arith.constant 2 : i32
      %eq3A_260 = vector.broadcast %eq3A_259 : i32 to vector<16xi32>
      %eq3A_261 = arith.cmpi eq, %iota3A, %eq3A_260 : vector<16xi32>
      %broadcast_in_dim3A_262 = vector.broadcast %reduce_max3A_258 : f32 to vector<16xf32>
      %select_n3A_263 = arith.select %eq3A_261, %broadcast_in_dim3A_262, %select_n3A_252 : vector<16xi1>, vector<16xf32>
      %get3A_264 = arith.constant 304 : index
      %get3A_265 = tpu.vector_load %arg16[%get3A_264] {strides = array<i32>} : memref<320xf32, #tpu.memory_space<vmem>>, vector<16xf32>,
      %reduce_max3A_266 = arith.constant true
      %reduce_max3A_267 = vector.broadcast %reduce_max3A_266 : i1 to vector<16xi1>
      %reduce_max3A_268 = tpu.scan <max>, %get3A_265 masked %reduce_max3A_267 : vector<16xf32>, vector<16xi1> -> vector<16xf32>
      %reduce_max3A_269 = vector.extract %reduce_max3A_268[15] : f32 from vector<16xf32>
      %eq3A_270 = arith.constant 3 : i32
      %eq3A_271 = vector.broadcast %eq3A_270 : i32 to vector<16xi32>
      %eq3A_272 = arith.cmpi eq, %iota3A, %eq3A_271 : vector<16xi32>
      %broadcast_in_dim3A_273 = vector.broadcast %reduce_max3A_269 : f32 to vector<16xf32>
      %select_n3A_274 = arith.select %eq3A_272, %broadcast_in_dim3A_273, %select_n3A_263 : vector<16xi1>, vector<16xf32>
      %swap3A = arith.constant 0 : index
      %swap3A_275 = tpu.vector_load %arg17[%swap3A] {strides = array<i32>} : memref<32xf32, #tpu.memory_space<vmem>>, vector<16xf32>,
      tpu.vector_store %arg17[%swap3A], %select_n3A_230 {strides = array<i32>} : memref<32xf32, #tpu.memory_space<vmem>>, vector<16xf32>,
      %swap3A_276 = arith.constant 16 : index
      %swap3A_277 = tpu.vector_load %arg17[%swap3A_276] {strides = array<i32>} : memref<32xf32, #tpu.memory_space<vmem>>, vector<16xf32>,
      tpu.vector_store %arg17[%swap3A_276], %select_n3A_274 {strides = array<i32>} : memref<32xf32, #tpu.memory_space<vmem>>, vector<16xf32>,
      %broadcast_in_dim3A_278 = arith.constant 0.000000e+00 : f32
      %broadcast_in_dim3A_279 = vector.broadcast %broadcast_in_dim3A_278 : f32 to vector<16xf32>
      %broadcast_in_dim3A_280 = arith.constant 1.000000e+30 : f32
      %broadcast_in_dim3A_281 = vector.broadcast %broadcast_in_dim3A_280 : f32 to vector<16xf32>
      %swap3A_282 = arith.constant 0 : index
      %swap3A_283 = tpu.vector_load %arg18[%swap3A_282] {strides = array<i32>} : memref<64xf32, #tpu.memory_space<vmem>>, vector<16xf32>,
      tpu.vector_store %arg18[%swap3A_282], %broadcast_in_dim3A_281 {strides = array<i32>} : memref<64xf32, #tpu.memory_space<vmem>>, vector<16xf32>,
      %swap3A_284 = arith.constant 0 : index
      %swap3A_285 = tpu.vector_load %arg19[%swap3A_284] {strides = array<i32>} : memref<64xf32, #tpu.memory_space<vmem>>, vector<16xf32>,
      tpu.vector_store %arg19[%swap3A_284], %broadcast_in_dim3A_279 {strides = array<i32>} : memref<64xf32, #tpu.memory_space<vmem>>, vector<16xf32>,
      %swap3A_286 = arith.constant 0 : index
      %swap3A_287 = tpu.vector_load %arg20[%swap3A_286] {strides = array<i32>} : memref<64xf32, #tpu.memory_space<vmem>>, vector<16xf32>,
      tpu.vector_store %arg20[%swap3A_286], %broadcast_in_dim3A_279 {strides = array<i32>} : memref<64xf32, #tpu.memory_space<vmem>>, vector<16xf32>,
      %swap3A_288 = arith.constant 0 : index
      %swap3A_289 = tpu.vector_load %arg21[%swap3A_288] {strides = array<i32>} : memref<64xf32, #tpu.memory_space<vmem>>, vector<16xf32>,
      tpu.vector_store %arg21[%swap3A_288], %broadcast_in_dim3A_279 {strides = array<i32>} : memref<64xf32, #tpu.memory_space<vmem>>, vector<16xf32>,
      %swap3A_290 = arith.constant 0 : index
      %swap3A_291 = tpu.vector_load %arg22[%swap3A_290] {strides = array<i32>} : memref<64xf32, #tpu.memory_space<vmem>>, vector<16xf32>,
      tpu.vector_store %arg22[%swap3A_290], %broadcast_in_dim3A_279 {strides = array<i32>} : memref<64xf32, #tpu.memory_space<vmem>>, vector<16xf32>,
      %broadcast_in_dim3A_292 = arith.constant 1.000000e+30 : f32
      %broadcast_in_dim3A_293 = vector.broadcast %broadcast_in_dim3A_292 : f32 to vector<16xf32>
      %swap3A_294 = arith.constant 16 : index
      %swap3A_295 = tpu.vector_load %arg18[%swap3A_294] {strides = array<i32>} : memref<64xf32, #tpu.memory_space<vmem>>, vector<16xf32>,
      tpu.vector_store %arg18[%swap3A_294], %broadcast_in_dim3A_293 {strides = array<i32>} : memref<64xf32, #tpu.memory_space<vmem>>, vector<16xf32>,
      %swap3A_296 = arith.constant 16 : index
      %swap3A_297 = tpu.vector_load %arg19[%swap3A_296] {strides = array<i32>} : memref<64xf32, #tpu.memory_space<vmem>>, vector<16xf32>,
      tpu.vector_store %arg19[%swap3A_296], %broadcast_in_dim3A_279 {strides = array<i32>} : memref<64xf32, #tpu.memory_space<vmem>>, vector<16xf32>,
      %swap3A_298 = arith.constant 16 : index
      %swap3A_299 = tpu.vector_load %arg20[%swap3A_298] {strides = array<i32>} : memref<64xf32, #tpu.memory_space<vmem>>, vector<16xf32>,
      tpu.vector_store %arg20[%swap3A_298], %broadcast_in_dim3A_279 {strides = array<i32>} : memref<64xf32, #tpu.memory_space<vmem>>, vector<16xf32>,
      %swap3A_300 = arith.constant 16 : index
      %swap3A_301 = tpu.vector_load %arg21[%swap3A_300] {strides = array<i32>} : memref<64xf32, #tpu.memory_space<vmem>>, vector<16xf32>,
      tpu.vector_store %arg21[%swap3A_300], %broadcast_in_dim3A_279 {strides = array<i32>} : memref<64xf32, #tpu.memory_space<vmem>>, vector<16xf32>,
      %swap3A_302 = arith.constant 16 : index
      %swap3A_303 = tpu.vector_load %arg22[%swap3A_302] {strides = array<i32>} : memref<64xf32, #tpu.memory_space<vmem>>, vector<16xf32>,
      tpu.vector_store %arg22[%swap3A_302], %broadcast_in_dim3A_279 {strides = array<i32>} : memref<64xf32, #tpu.memory_space<vmem>>, vector<16xf32>,
      %broadcast_in_dim3A_304 = arith.constant 1.000000e+30 : f32
      %broadcast_in_dim3A_305 = vector.broadcast %broadcast_in_dim3A_304 : f32 to vector<16xf32>
      %swap3A_306 = arith.constant 32 : index
      %swap3A_307 = tpu.vector_load %arg18[%swap3A_306] {strides = array<i32>} : memref<64xf32, #tpu.memory_space<vmem>>, vector<16xf32>,
      tpu.vector_store %arg18[%swap3A_306], %broadcast_in_dim3A_305 {strides = array<i32>} : memref<64xf32, #tpu.memory_space<vmem>>, vector<16xf32>,
      %swap3A_308 = arith.constant 32 : index
      %swap3A_309 = tpu.vector_load %arg19[%swap3A_308] {strides = array<i32>} : memref<64xf32, #tpu.memory_space<vmem>>, vector<16xf32>,
      tpu.vector_store %arg19[%swap3A_308], %broadcast_in_dim3A_279 {strides = array<i32>} : memref<64xf32, #tpu.memory_space<vmem>>, vector<16xf32>,
      %swap3A_310 = arith.constant 32 : index
      %swap3A_311 = tpu.vector_load %arg20[%swap3A_310] {strides = array<i32>} : memref<64xf32, #tpu.memory_space<vmem>>, vector<16xf32>,
      tpu.vector_store %arg20[%swap3A_310], %broadcast_in_dim3A_279 {strides = array<i32>} : memref<64xf32, #tpu.memory_space<vmem>>, vector<16xf32>,
      %swap3A_312 = arith.constant 32 : index
      %swap3A_313 = tpu.vector_load %arg21[%swap3A_312] {strides = array<i32>} : memref<64xf32, #tpu.memory_space<vmem>>, vector<16xf32>,
      tpu.vector_store %arg21[%swap3A_312], %broadcast_in_dim3A_279 {strides = array<i32>} : memref<64xf32, #tpu.memory_space<vmem>>, vector<16xf32>,
      %swap3A_314 = arith.constant 32 : index
      %swap3A_315 = tpu.vector_load %arg22[%swap3A_314] {strides = array<i32>} : memref<64xf32, #tpu.memory_space<vmem>>, vector<16xf32>,
      tpu.vector_store %arg22[%swap3A_314], %broadcast_in_dim3A_279 {strides = array<i32>} : memref<64xf32, #tpu.memory_space<vmem>>, vector<16xf32>,
      %broadcast_in_dim3A_316 = arith.constant 1.000000e+30 : f32
      %broadcast_in_dim3A_317 = vector.broadcast %broadcast_in_dim3A_316 : f32 to vector<16xf32>
      %swap3A_318 = arith.constant 48 : index
      %swap3A_319 = tpu.vector_load %arg18[%swap3A_318] {strides = array<i32>} : memref<64xf32, #tpu.memory_space<vmem>>, vector<16xf32>,
      tpu.vector_store %arg18[%swap3A_318], %broadcast_in_dim3A_317 {strides = array<i32>} : memref<64xf32, #tpu.memory_space<vmem>>, vector<16xf32>,
      %swap3A_320 = arith.constant 48 : index
      %swap3A_321 = tpu.vector_load %arg19[%swap3A_320] {strides = array<i32>} : memref<64xf32, #tpu.memory_space<vmem>>, vector<16xf32>,
      tpu.vector_store %arg19[%swap3A_320], %broadcast_in_dim3A_279 {strides = array<i32>} : memref<64xf32, #tpu.memory_space<vmem>>, vector<16xf32>,
      %swap3A_322 = arith.constant 48 : index
      %swap3A_323 = tpu.vector_load %arg20[%swap3A_322] {strides = array<i32>} : memref<64xf32, #tpu.memory_space<vmem>>, vector<16xf32>,
      tpu.vector_store %arg20[%swap3A_322], %broadcast_in_dim3A_279 {strides = array<i32>} : memref<64xf32, #tpu.memory_space<vmem>>, vector<16xf32>,
      %swap3A_324 = arith.constant 48 : index
      %swap3A_325 = tpu.vector_load %arg21[%swap3A_324] {strides = array<i32>} : memref<64xf32, #tpu.memory_space<vmem>>, vector<16xf32>,
      tpu.vector_store %arg21[%swap3A_324], %broadcast_in_dim3A_279 {strides = array<i32>} : memref<64xf32, #tpu.memory_space<vmem>>, vector<16xf32>,
      %swap3A_326 = arith.constant 48 : index
      %swap3A_327 = tpu.vector_load %arg22[%swap3A_326] {strides = array<i32>} : memref<64xf32, #tpu.memory_space<vmem>>, vector<16xf32>,
      tpu.vector_store %arg22[%swap3A_326], %broadcast_in_dim3A_279 {strides = array<i32>} : memref<64xf32, #tpu.memory_space<vmem>>, vector<16xf32>,
      %while3A = arith.constant 0 : i32
      %while3A_328 = arith.constant 1 : i32
      %while3A_329:2 = scf.while (%while3A_330 = %while3A, %while3A_331 = %while3A_328) : (i32, i32) -> (i32, i32) {
        %gt3A = arith.constant 0 : i32
        %gt3A_332 = arith.cmpi sgt, %while3A_331, %gt3A : i32
        scf.condition(%gt3A_332) %while3A_330, %while3A_331 : i32, i32
      } do {
      ^bb0(%while3A_330: i32, %while3A_331: i32):
        %get3A_332 = arith.constant 0 : index
        %get3A_333 = tpu.vector_load %arg17[%get3A_332] {strides = array<i32>} : memref<32xf32, #tpu.memory_space<vmem>>, vector<16xf32>,
        %get3A_334 = arith.constant 16 : index
        %get3A_335 = tpu.vector_load %arg17[%get3A_334] {strides = array<i32>} : memref<32xf32, #tpu.memory_space<vmem>>, vector<16xf32>,
        %ge3A = arith.cmpf oge, %get3A_335, %get3A_333 : vector<16xf32>
        %select_n3A_336 = arith.select %ge3A, %get3A_335, %get3A_333 : vector<16xi1>, vector<16xf32>
        %add3A = arith.constant 16 : i32
        %add3A_337 = vector.broadcast %add3A : i32 to vector<16xi32>
        %add3A_338 = arith.addi %iota3A, %add3A_337 : vector<16xi32>
        %select_n3A_339 = arith.select %ge3A, %add3A_338, %iota3A : vector<16xi1>, vector<16xi32>
        %reduce_max3A_340 = arith.constant true
        %reduce_max3A_341 = vector.broadcast %reduce_max3A_340 : i1 to vector<16xi1>
        %reduce_max3A_342 = tpu.scan <max>, %select_n3A_336 masked %reduce_max3A_341 : vector<16xf32>, vector<16xi1> -> vector<16xf32>
        %reduce_max3A_343 = vector.extract %reduce_max3A_342[15] : f32 from vector<16xf32>
        %eq3A_344 = vector.broadcast %reduce_max3A_343 : f32 to vector<16xf32>
        %eq3A_345 = arith.cmpf oeq, %select_n3A_336, %eq3A_344 : vector<16xf32>
        %jit3A_346 = arith.constant -1 : i32
        %broadcast_in_dim3A_347 = vector.broadcast %jit3A_346 : i32 to vector<16xi32>
        %select_n3A_348 = arith.select %eq3A_345, %select_n3A_339, %broadcast_in_dim3A_347 : vector<16xi1>, vector<16xi32>
        %reduce_max3A_349 = arith.constant true
        %reduce_max3A_350 = vector.broadcast %reduce_max3A_349 : i1 to vector<16xi1>
        %reduce_max3A_351 = arith.constant -2147483648 : i32
        %reduce_max3A_352 = vector.broadcast %reduce_max3A_351 : i32 to vector<16xi32>
        %reduce_max3A_353 = arith.xori %select_n3A_348, %reduce_max3A_352 : vector<16xi32>
        %reduce_max3A_354 = tpu.scan <max>, %reduce_max3A_353 masked %reduce_max3A_350 : vector<16xi32>, vector<16xi1> -> vector<16xi32>
        %reduce_max3A_355 = arith.xori %reduce_max3A_354, %reduce_max3A_352 : vector<16xi32>
        %reduce_max3A_356 = vector.extract %reduce_max3A_355[15] : i32 from vector<16xi32>
        %mul3A = arith.constant 16 : i32
        %mul3A_357 = arith.muli %reduce_max3A_356, %mul3A : i32
        %get3A_358 = arith.index_cast %mul3A_357 : i32 to index
        %get3A_359 = tpu.vector_load %arg16[%get3A_358] {strides = array<i32>} : memref<320xf32, #tpu.memory_space<vmem>>, vector<16xf32>,
        %eq3A_360 = vector.broadcast %reduce_max3A_343 : f32 to vector<16xf32>
        %eq3A_361 = arith.cmpf oeq, %get3A_359, %eq3A_360 : vector<16xf32>
        %jit3A_362 = arith.constant -1 : i32
        %broadcast_in_dim3A_363 = vector.broadcast %jit3A_362 : i32 to vector<16xi32>
        %select_n3A_364 = arith.select %eq3A_361, %iota3A, %broadcast_in_dim3A_363 : vector<16xi1>, vector<16xi32>
        %reduce_max3A_365 = arith.constant true
        %reduce_max3A_366 = vector.broadcast %reduce_max3A_365 : i1 to vector<16xi1>
        %reduce_max3A_367 = arith.constant -2147483648 : i32
        %reduce_max3A_368 = vector.broadcast %reduce_max3A_367 : i32 to vector<16xi32>
        %reduce_max3A_369 = arith.xori %select_n3A_364, %reduce_max3A_368 : vector<16xi32>
        %reduce_max3A_370 = tpu.scan <max>, %reduce_max3A_369 masked %reduce_max3A_366 : vector<16xi32>, vector<16xi1> -> vector<16xi32>
        %reduce_max3A_371 = arith.xori %reduce_max3A_370, %reduce_max3A_368 : vector<16xi32>
        %reduce_max3A_372 = vector.extract %reduce_max3A_371[15] : i32 from vector<16xi32>
        %mul3A_373 = arith.constant 16 : i32
        %mul3A_374 = arith.muli %reduce_max3A_356, %mul3A_373 : i32
        %add3A_375 = arith.addi %mul3A_374, %reduce_max3A_372 : i32
        %mul3A_376 = arith.constant 16 : i32
        %mul3A_377 = arith.muli %add3A_375, %mul3A_376 : i32
        %get3A_378 = arith.index_cast %mul3A_377 : i32 to index
        %get3A_379 = tpu.vector_load %arg12[%get3A_378] {strides = array<i32>} : memref<5120xf32, #tpu.memory_space<vmem>>, vector<16xf32>,
        %eq3A_380 = vector.broadcast %reduce_max3A_343 : f32 to vector<16xf32>
        %eq3A_381 = arith.cmpf oeq, %get3A_379, %eq3A_380 : vector<16xf32>
        %jit3A_382 = arith.constant -1 : i32
        %broadcast_in_dim3A_383 = vector.broadcast %jit3A_382 : i32 to vector<16xi32>
        %select_n3A_384 = arith.select %eq3A_381, %iota3A, %broadcast_in_dim3A_383 : vector<16xi1>, vector<16xi32>
        %reduce_max3A_385 = arith.constant true
        %reduce_max3A_386 = vector.broadcast %reduce_max3A_385 : i1 to vector<16xi1>
        %reduce_max3A_387 = arith.constant -2147483648 : i32
        %reduce_max3A_388 = vector.broadcast %reduce_max3A_387 : i32 to vector<16xi32>
        %reduce_max3A_389 = arith.xori %select_n3A_384, %reduce_max3A_388 : vector<16xi32>
        %reduce_max3A_390 = tpu.scan <max>, %reduce_max3A_389 masked %reduce_max3A_386 : vector<16xi32>, vector<16xi1> -> vector<16xi32>
        %reduce_max3A_391 = arith.xori %reduce_max3A_390, %reduce_max3A_388 : vector<16xi32>
        %reduce_max3A_392 = vector.extract %reduce_max3A_391[15] : i32 from vector<16xi32>
        %ge3A_393 = arith.constant 0.699999988 : f32
        %ge3A_394 = arith.cmpf oge, %reduce_max3A_343, %ge3A_393 : f32
        %eq3A_395 = vector.broadcast %reduce_max3A_392 : i32 to vector<16xi32>
        %eq3A_396 = arith.cmpi eq, %iota3A, %eq3A_395 : vector<16xi32>
        %get3A_397 = arith.index_cast %mul3A_377 : i32 to index
        %get3A_398 = tpu.vector_load %arg13[%get3A_397] {strides = array<i32>} : memref<5120xf32, #tpu.memory_space<vmem>>, vector<16xf32>,
        %jit3A_399 = arith.constant -3.000000e+38 : f32
        %broadcast_in_dim3A_400 = vector.broadcast %jit3A_399 : f32 to vector<16xf32>
        %select_n3A_401 = arith.select %eq3A_396, %get3A_398, %broadcast_in_dim3A_400 : vector<16xi1>, vector<16xf32>
        %reduce_max3A_402 = arith.constant true
        %reduce_max3A_403 = vector.broadcast %reduce_max3A_402 : i1 to vector<16xi1>
        %reduce_max3A_404 = tpu.scan <max>, %select_n3A_401 masked %reduce_max3A_403 : vector<16xf32>, vector<16xi1> -> vector<16xf32>
        %reduce_max3A_405 = vector.extract %reduce_max3A_404[15] : f32 from vector<16xf32>
        %get3A_406 = arith.index_cast %mul3A_377 : i32 to index
        %get3A_407 = tpu.vector_load %arg14[%get3A_406] {strides = array<i32>} : memref<5120xf32, #tpu.memory_space<vmem>>, vector<16xf32>,
        %jit3A_408 = arith.constant -3.000000e+38 : f32
        %broadcast_in_dim3A_409 = vector.broadcast %jit3A_408 : f32 to vector<16xf32>
        %select_n3A_410 = arith.select %eq3A_396, %get3A_407, %broadcast_in_dim3A_409 : vector<16xi1>, vector<16xf32>
        %reduce_max3A_411 = arith.constant true
        %reduce_max3A_412 = vector.broadcast %reduce_max3A_411 : i1 to vector<16xi1>
        %reduce_max3A_413 = tpu.scan <max>, %select_n3A_410 masked %reduce_max3A_412 : vector<16xf32>, vector<16xi1> -> vector<16xf32>
        %reduce_max3A_414 = vector.extract %reduce_max3A_413[15] : f32 from vector<16xf32>
        %get3A_415 = arith.index_cast %mul3A_377 : i32 to index
        %get3A_416 = tpu.vector_load %arg15[%get3A_415] {strides = array<i32>} : memref<5120xf32, #tpu.memory_space<vmem>>, vector<16xf32>,
        %jit3A_417 = arith.constant -3.000000e+38 : f32
        %broadcast_in_dim3A_418 = vector.broadcast %jit3A_417 : f32 to vector<16xf32>
        %select_n3A_419 = arith.select %eq3A_396, %get3A_416, %broadcast_in_dim3A_418 : vector<16xi1>, vector<16xf32>
        %reduce_max3A_420 = arith.constant true
        %reduce_max3A_421 = vector.broadcast %reduce_max3A_420 : i1 to vector<16xi1>
        %reduce_max3A_422 = tpu.scan <max>, %select_n3A_419 masked %reduce_max3A_421 : vector<16xf32>, vector<16xi1> -> vector<16xf32>
        %reduce_max3A_423 = vector.extract %reduce_max3A_422[15] : f32 from vector<16xf32>
        %get3A_424 = arith.constant 0 : index
        %get3A_425 = tpu.vector_load %arg18[%get3A_424] {strides = array<i32>} : memref<64xf32, #tpu.memory_space<vmem>>, vector<16xf32>,
        %sub3A = vector.broadcast %reduce_max3A_405 : f32 to vector<16xf32>
        %sub3A_426 = arith.subf %get3A_425, %sub3A : vector<16xf32>
        %abs3A = math.absf %sub3A_426 : vector<16xf32>
        %get3A_427 = arith.constant 16 : index
        %get3A_428 = tpu.vector_load %arg18[%get3A_427] {strides = array<i32>} : memref<64xf32, #tpu.memory_space<vmem>>, vector<16xf32>,
        %sub3A_429 = vector.broadcast %reduce_max3A_405 : f32 to vector<16xf32>
        %sub3A_430 = arith.subf %get3A_428, %sub3A_429 : vector<16xf32>
        %abs3A_431 = math.absf %sub3A_430 : vector<16xf32>
        %min3A = arith.minimumf %abs3A, %abs3A_431 : vector<16xf32>
        %get3A_432 = arith.constant 32 : index
        %get3A_433 = tpu.vector_load %arg18[%get3A_432] {strides = array<i32>} : memref<64xf32, #tpu.memory_space<vmem>>, vector<16xf32>,
        %sub3A_434 = vector.broadcast %reduce_max3A_405 : f32 to vector<16xf32>
        %sub3A_435 = arith.subf %get3A_433, %sub3A_434 : vector<16xf32>
        %abs3A_436 = math.absf %sub3A_435 : vector<16xf32>
        %get3A_437 = arith.constant 48 : index
        %get3A_438 = tpu.vector_load %arg18[%get3A_437] {strides = array<i32>} : memref<64xf32, #tpu.memory_space<vmem>>, vector<16xf32>,
        %sub3A_439 = vector.broadcast %reduce_max3A_405 : f32 to vector<16xf32>
        %sub3A_440 = arith.subf %get3A_438, %sub3A_439 : vector<16xf32>
        %abs3A_441 = math.absf %sub3A_440 : vector<16xf32>
        %min3A_442 = arith.minimumf %abs3A_436, %abs3A_441 : vector<16xf32>
        %min3A_443 = arith.minimumf %min3A, %min3A_442 : vector<16xf32>
        %reduce_min3A = arith.constant true
        %reduce_min3A_444 = vector.broadcast %reduce_min3A : i1 to vector<16xi1>
        %reduce_min3A_445 = tpu.scan <min>, %min3A_443 masked %reduce_min3A_444 : vector<16xf32>, vector<16xi1> -> vector<16xf32>
        %reduce_min3A_446 = vector.extract %reduce_min3A_445[15] : f32 from vector<16xf32>
        %le3A = arith.constant 1.600000e+01 : f32
        %le3A_447 = arith.cmpf ole, %reduce_min3A_446, %le3A : f32
        %jit3A_448 = arith.constant -1.000000e+00 : f32
        %select_n3A_449 = arith.select %ge3A_394, %jit3A_448, %reduce_max3A_343 : f32
        %broadcast_in_dim3A_450 = vector.broadcast %select_n3A_449 : f32 to vector<16xf32>
        %select_n3A_451 = arith.select %eq3A_396, %broadcast_in_dim3A_450, %get3A_379 : vector<16xi1>, vector<16xf32>
        %swap3A_452 = arith.index_cast %mul3A_377 : i32 to index
        %swap3A_453 = tpu.vector_load %arg12[%swap3A_452] {strides = array<i32>} : memref<5120xf32, #tpu.memory_space<vmem>>, vector<16xf32>,
        tpu.vector_store %arg12[%swap3A_452], %select_n3A_451 {strides = array<i32>} : memref<5120xf32, #tpu.memory_space<vmem>>, vector<16xf32>,
        %reduce_max3A_454 = arith.constant true
        %reduce_max3A_455 = vector.broadcast %reduce_max3A_454 : i1 to vector<16xi1>
        %reduce_max3A_456 = tpu.scan <max>, %select_n3A_451 masked %reduce_max3A_455 : vector<16xf32>, vector<16xi1> -> vector<16xf32>
        %reduce_max3A_457 = vector.extract %reduce_max3A_456[15] : f32 from vector<16xf32>
        %eq3A_458 = vector.broadcast %reduce_max3A_372 : i32 to vector<16xi32>
        %eq3A_459 = arith.cmpi eq, %iota3A, %eq3A_458 : vector<16xi32>
        %broadcast_in_dim3A_460 = vector.broadcast %reduce_max3A_457 : f32 to vector<16xf32>
        %select_n3A_461 = arith.select %eq3A_459, %broadcast_in_dim3A_460, %get3A_359 : vector<16xi1>, vector<16xf32>
        %swap3A_462 = arith.index_cast %mul3A_357 : i32 to index
        %swap3A_463 = tpu.vector_load %arg16[%swap3A_462] {strides = array<i32>} : memref<320xf32, #tpu.memory_space<vmem>>, vector<16xf32>,
        tpu.vector_store %arg16[%swap3A_462], %select_n3A_461 {strides = array<i32>} : memref<320xf32, #tpu.memory_space<vmem>>, vector<16xf32>,
        %reduce_max3A_464 = arith.constant true
        %reduce_max3A_465 = vector.broadcast %reduce_max3A_464 : i1 to vector<16xi1>
        %reduce_max3A_466 = tpu.scan <max>, %select_n3A_461 masked %reduce_max3A_465 : vector<16xf32>, vector<16xi1> -> vector<16xf32>
        %reduce_max3A_467 = vector.extract %reduce_max3A_466[15] : f32 from vector<16xf32>
        %jit3A_468 = arith.constant 16 : i32
        %div3A = arith.divsi %reduce_max3A_356, %jit3A_468 : i32
        %sign3A = arith.constant 0 : i32
        %sign3A_469 = arith.cmpi sgt, %reduce_max3A_356, %sign3A : i32
        %sign3A_470 = arith.extui %sign3A_469 : i1 to i32
        %sign3A_471 = arith.constant 0 : i32
        %sign3A_472 = arith.cmpi slt, %reduce_max3A_356, %sign3A_471 : i32
        %sign3A_473 = arith.extui %sign3A_472 : i1 to i32
        %sign3A_474 = arith.subi %sign3A_470, %sign3A_473 : i32
        %sign3A_475 = arith.constant 0 : i32
        %sign3A_476 = arith.cmpi sgt, %jit3A_468, %sign3A_475 : i32
        %sign3A_477 = arith.extui %sign3A_476 : i1 to i32
        %sign3A_478 = arith.constant 0 : i32
        %sign3A_479 = arith.cmpi slt, %jit3A_468, %sign3A_478 : i32
        %sign3A_480 = arith.extui %sign3A_479 : i1 to i32
        %sign3A_481 = arith.subi %sign3A_477, %sign3A_480 : i32
        %ne3A = arith.cmpi ne, %sign3A_474, %sign3A_481 : i32
        %rem3A = arith.remsi %reduce_max3A_356, %jit3A_468 : i32
        %ne3A_482 = arith.constant 0 : i32
        %ne3A_483 = arith.cmpi ne, %rem3A, %ne3A_482 : i32
        %and3A_484 = arith.andi %ne3A, %ne3A_483 : i1
        %sub3A_485 = arith.constant 1 : i32
        %sub3A_486 = arith.subi %div3A, %sub3A_485 : i32
        %select_n3A_487 = arith.select %and3A_484, %sub3A_486, %div3A : i32
        %jit3A_488 = arith.constant 16 : i32
        %eq3A_489 = arith.constant 0 : i32
        %eq3A_490 = arith.cmpi eq, %jit3A_488, %eq3A_489 : i32
        %jit3A_491 = arith.constant 1 : i32
        %select_n3A_492 = arith.select %eq3A_490, %jit3A_491, %jit3A_488 : i32
        %rem3A_493 = arith.remsi %reduce_max3A_356, %select_n3A_492 : i32
        %ne3A_494 = arith.constant 0 : i32
        %ne3A_495 = arith.cmpi ne, %rem3A_493, %ne3A_494 : i32
        %lt3A_496 = arith.constant 0 : i32
        %lt3A_497 = arith.cmpi slt, %rem3A_493, %lt3A_496 : i32
        %lt3A_498 = arith.constant 0 : i32
        %lt3A_499 = arith.cmpi slt, %select_n3A_492, %lt3A_498 : i32
        %ne3A_500 = arith.xori %lt3A_497, %lt3A_499 : i1
        %and3A_501 = arith.andi %ne3A_500, %ne3A_495 : i1
        %add3A_502 = arith.addi %rem3A_493, %select_n3A_492 : i32
        %select_n3A_503 = arith.select %and3A_501, %add3A_502, %rem3A_493 : i32
        %mul3A_504 = arith.constant 16 : i32
        %mul3A_505 = arith.muli %select_n3A_487, %mul3A_504 : i32
        %get3A_506 = arith.index_cast %mul3A_505 : i32 to index
        %get3A_507 = tpu.vector_load %arg17[%get3A_506] {strides = array<i32>} : memref<32xf32, #tpu.memory_space<vmem>>, vector<16xf32>,
        %eq3A_508 = vector.broadcast %select_n3A_503 : i32 to vector<16xi32>
        %eq3A_509 = arith.cmpi eq, %iota3A, %eq3A_508 : vector<16xi32>
        %broadcast_in_dim3A_510 = vector.broadcast %reduce_max3A_467 : f32 to vector<16xf32>
        %select_n3A_511 = arith.select %eq3A_509, %broadcast_in_dim3A_510, %get3A_507 : vector<16xi1>, vector<16xf32>
        %swap3A_512 = arith.index_cast %mul3A_505 : i32 to index
        %swap3A_513 = tpu.vector_load %arg17[%swap3A_512] {strides = array<i32>} : memref<32xf32, #tpu.memory_space<vmem>>, vector<16xf32>,
        tpu.vector_store %arg17[%swap3A_512], %select_n3A_511 {strides = array<i32>} : memref<32xf32, #tpu.memory_space<vmem>>, vector<16xf32>,
        %not3A = arith.constant true
        %not3A_514 = arith.xori %le3A_447, %not3A : i1
        %and3A_515 = arith.andi %ge3A_394, %not3A_514 : i1
        %jit3A_516 = arith.constant 16 : i32
        %div3A_517 = arith.divsi %while3A_330, %jit3A_516 : i32
        %sign3A_518 = arith.constant 0 : i32
        %sign3A_519 = arith.cmpi sgt, %while3A_330, %sign3A_518 : i32
        %sign3A_520 = arith.extui %sign3A_519 : i1 to i32
        %sign3A_521 = arith.constant 0 : i32
        %sign3A_522 = arith.cmpi slt, %while3A_330, %sign3A_521 : i32
        %sign3A_523 = arith.extui %sign3A_522 : i1 to i32
        %sign3A_524 = arith.subi %sign3A_520, %sign3A_523 : i32
        %sign3A_525 = arith.constant 0 : i32
        %sign3A_526 = arith.cmpi sgt, %jit3A_516, %sign3A_525 : i32
        %sign3A_527 = arith.extui %sign3A_526 : i1 to i32
        %sign3A_528 = arith.constant 0 : i32
        %sign3A_529 = arith.cmpi slt, %jit3A_516, %sign3A_528 : i32
        %sign3A_530 = arith.extui %sign3A_529 : i1 to i32
        %sign3A_531 = arith.subi %sign3A_527, %sign3A_530 : i32
        %ne3A_532 = arith.cmpi ne, %sign3A_524, %sign3A_531 : i32
        %rem3A_533 = arith.remsi %while3A_330, %jit3A_516 : i32
        %ne3A_534 = arith.constant 0 : i32
        %ne3A_535 = arith.cmpi ne, %rem3A_533, %ne3A_534 : i32
        %and3A_536 = arith.andi %ne3A_532, %ne3A_535 : i1
        %sub3A_537 = arith.constant 1 : i32
        %sub3A_538 = arith.subi %div3A_517, %sub3A_537 : i32
        %select_n3A_539 = arith.select %and3A_536, %sub3A_538, %div3A_517 : i32
        %jit3A_540 = arith.constant 16 : i32
        %eq3A_541 = arith.constant 0 : i32
        %eq3A_542 = arith.cmpi eq, %jit3A_540, %eq3A_541 : i32
        %jit3A_543 = arith.constant 1 : i32
        %select_n3A_544 = arith.select %eq3A_542, %jit3A_543, %jit3A_540 : i32
        %rem3A_545 = arith.remsi %while3A_330, %select_n3A_544 : i32
        %ne3A_546 = arith.constant 0 : i32
        %ne3A_547 = arith.cmpi ne, %rem3A_545, %ne3A_546 : i32
        %lt3A_548 = arith.constant 0 : i32
        %lt3A_549 = arith.cmpi slt, %rem3A_545, %lt3A_548 : i32
        %lt3A_550 = arith.constant 0 : i32
        %lt3A_551 = arith.cmpi slt, %select_n3A_544, %lt3A_550 : i32
        %ne3A_552 = arith.xori %lt3A_549, %lt3A_551 : i1
        %and3A_553 = arith.andi %ne3A_552, %ne3A_547 : i1
        %add3A_554 = arith.addi %rem3A_545, %select_n3A_544 : i32
        %select_n3A_555 = arith.select %and3A_553, %add3A_554, %rem3A_545 : i32
        %mul3A_556 = arith.constant 16 : i32
        %mul3A_557 = arith.muli %select_n3A_539, %mul3A_556 : i32
        %eq3A_558 = vector.broadcast %select_n3A_555 : i32 to vector<16xi32>
        %eq3A_559 = arith.cmpi eq, %iota3A, %eq3A_558 : vector<16xi32>
        %jit3A_560 = arith.constant 1.000000e+30 : f32
        %select_n3A_561 = arith.select %and3A_515, %reduce_max3A_405, %jit3A_560 : f32
        %get3A_562 = arith.index_cast %mul3A_557 : i32 to index
        %get3A_563 = tpu.vector_load %arg18[%get3A_562] {strides = array<i32>} : memref<64xf32, #tpu.memory_space<vmem>>, vector<16xf32>,
        %broadcast_in_dim3A_564 = vector.broadcast %select_n3A_561 : f32 to vector<16xf32>
        %select_n3A_565 = arith.select %eq3A_559, %broadcast_in_dim3A_564, %get3A_563 : vector<16xi1>, vector<16xf32>
        %swap3A_566 = arith.index_cast %mul3A_557 : i32 to index
        %swap3A_567 = tpu.vector_load %arg18[%swap3A_566] {strides = array<i32>} : memref<64xf32, #tpu.memory_space<vmem>>, vector<16xf32>,
        tpu.vector_store %arg18[%swap3A_566], %select_n3A_565 {strides = array<i32>} : memref<64xf32, #tpu.memory_space<vmem>>, vector<16xf32>,
        %jit3A_568 = arith.constant 0.000000e+00 : f32
        %select_n3A_569 = arith.select %and3A_515, %reduce_max3A_414, %jit3A_568 : f32
        %get3A_570 = arith.index_cast %mul3A_557 : i32 to index
        %get3A_571 = tpu.vector_load %arg19[%get3A_570] {strides = array<i32>} : memref<64xf32, #tpu.memory_space<vmem>>, vector<16xf32>,
        %broadcast_in_dim3A_572 = vector.broadcast %select_n3A_569 : f32 to vector<16xf32>
        %select_n3A_573 = arith.select %eq3A_559, %broadcast_in_dim3A_572, %get3A_571 : vector<16xi1>, vector<16xf32>
        %swap3A_574 = arith.index_cast %mul3A_557 : i32 to index
        %swap3A_575 = tpu.vector_load %arg19[%swap3A_574] {strides = array<i32>} : memref<64xf32, #tpu.memory_space<vmem>>, vector<16xf32>,
        tpu.vector_store %arg19[%swap3A_574], %select_n3A_573 {strides = array<i32>} : memref<64xf32, #tpu.memory_space<vmem>>, vector<16xf32>,
        %jit3A_576 = arith.constant 0.000000e+00 : f32
        %select_n3A_577 = arith.select %and3A_515, %reduce_max3A_423, %jit3A_576 : f32
        %get3A_578 = arith.index_cast %mul3A_557 : i32 to index
        %get3A_579 = tpu.vector_load %arg20[%get3A_578] {strides = array<i32>} : memref<64xf32, #tpu.memory_space<vmem>>, vector<16xf32>,
        %broadcast_in_dim3A_580 = vector.broadcast %select_n3A_577 : f32 to vector<16xf32>
        %select_n3A_581 = arith.select %eq3A_559, %broadcast_in_dim3A_580, %get3A_579 : vector<16xi1>, vector<16xf32>
        %swap3A_582 = arith.index_cast %mul3A_557 : i32 to index
        %swap3A_583 = tpu.vector_load %arg20[%swap3A_582] {strides = array<i32>} : memref<64xf32, #tpu.memory_space<vmem>>, vector<16xf32>,
        tpu.vector_store %arg20[%swap3A_582], %select_n3A_581 {strides = array<i32>} : memref<64xf32, #tpu.memory_space<vmem>>, vector<16xf32>,
        %jit3A_584 = arith.constant 0.000000e+00 : f32
        %select_n3A_585 = arith.select %and3A_515, %reduce_max3A_343, %jit3A_584 : f32
        %get3A_586 = arith.index_cast %mul3A_557 : i32 to index
        %get3A_587 = tpu.vector_load %arg21[%get3A_586] {strides = array<i32>} : memref<64xf32, #tpu.memory_space<vmem>>, vector<16xf32>,
        %broadcast_in_dim3A_588 = vector.broadcast %select_n3A_585 : f32 to vector<16xf32>
        %select_n3A_589 = arith.select %eq3A_559, %broadcast_in_dim3A_588, %get3A_587 : vector<16xi1>, vector<16xf32>
        %swap3A_590 = arith.index_cast %mul3A_557 : i32 to index
        %swap3A_591 = tpu.vector_load %arg21[%swap3A_590] {strides = array<i32>} : memref<64xf32, #tpu.memory_space<vmem>>, vector<16xf32>,
        tpu.vector_store %arg21[%swap3A_590], %select_n3A_589 {strides = array<i32>} : memref<64xf32, #tpu.memory_space<vmem>>, vector<16xf32>,
        %jit3A_592 = arith.constant 1.000000e+00 : f32
        %jit3A_593 = arith.constant 0.000000e+00 : f32
        %select_n3A_594 = arith.select %and3A_515, %jit3A_592, %jit3A_593 : f32
        %get3A_595 = arith.index_cast %mul3A_557 : i32 to index
        %get3A_596 = tpu.vector_load %arg22[%get3A_595] {strides = array<i32>} : memref<64xf32, #tpu.memory_space<vmem>>, vector<16xf32>,
        %broadcast_in_dim3A_597 = vector.broadcast %select_n3A_594 : f32 to vector<16xf32>
        %select_n3A_598 = arith.select %eq3A_559, %broadcast_in_dim3A_597, %get3A_596 : vector<16xi1>, vector<16xf32>
        %swap3A_599 = arith.index_cast %mul3A_557 : i32 to index
        %swap3A_600 = tpu.vector_load %arg22[%swap3A_599] {strides = array<i32>} : memref<64xf32, #tpu.memory_space<vmem>>, vector<16xf32>,
        tpu.vector_store %arg22[%swap3A_599], %select_n3A_598 {strides = array<i32>} : memref<64xf32, #tpu.memory_space<vmem>>, vector<16xf32>,
        %mul3A_601 = arith.constant 6.250000e-02 : f32
        %mul3A_602 = arith.mulf %reduce_max3A_405, %mul3A_601 : f32
        %convert_element_type3A_603 = arith.fptosi %mul3A_602 : f32 to i32
        %convert_element_type3A_604 = arith.sitofp %convert_element_type3A_603 : i32 to f32
        %gt3A = arith.cmpf ogt, %convert_element_type3A_604, %mul3A_602 : f32
        %jit3A_605 = arith.constant 1 : i32
        %jit3A_606 = arith.constant 0 : i32
        %select_n3A_607 = arith.select %gt3A, %jit3A_605, %jit3A_606 : i32
        %sub3A_608 = arith.subi %convert_element_type3A_603, %select_n3A_607 : i32
        %lt3A_609 = arith.constant 0.000000e+00 : f32
        %lt3A_610 = arith.cmpf olt, %reduce_max3A_405, %lt3A_609 : f32
        %jit3A_611 = arith.constant -1 : i32
        %select_n3A_612 = arith.select %lt3A_610, %jit3A_611, %sub3A_608 : i32
        %max3A = arith.constant 0 : i32
        %max3A_613 = arith.maxsi %select_n3A_612, %max3A : i32
        %jit3A_614 = arith.constant 16 : i32
        %div3A_615 = arith.divsi %max3A_613, %jit3A_614 : i32
        %sign3A_616 = arith.constant 0 : i32
        %sign3A_617 = arith.cmpi sgt, %max3A_613, %sign3A_616 : i32
        %sign3A_618 = arith.extui %sign3A_617 : i1 to i32
        %sign3A_619 = arith.constant 0 : i32
        %sign3A_620 = arith.cmpi slt, %max3A_613, %sign3A_619 : i32
        %sign3A_621 = arith.extui %sign3A_620 : i1 to i32
        %sign3A_622 = arith.subi %sign3A_618, %sign3A_621 : i32
        %sign3A_623 = arith.constant 0 : i32
        %sign3A_624 = arith.cmpi sgt, %jit3A_614, %sign3A_623 : i32
        %sign3A_625 = arith.extui %sign3A_624 : i1 to i32
        %sign3A_626 = arith.constant 0 : i32
        %sign3A_627 = arith.cmpi slt, %jit3A_614, %sign3A_626 : i32
        %sign3A_628 = arith.extui %sign3A_627 : i1 to i32
        %sign3A_629 = arith.subi %sign3A_625, %sign3A_628 : i32
        %ne3A_630 = arith.cmpi ne, %sign3A_622, %sign3A_629 : i32
        %rem3A_631 = arith.remsi %max3A_613, %jit3A_614 : i32
        %ne3A_632 = arith.constant 0 : i32
        %ne3A_633 = arith.cmpi ne, %rem3A_631, %ne3A_632 : i32
        %and3A_634 = arith.andi %ne3A_630, %ne3A_633 : i1
        %sub3A_635 = arith.constant 1 : i32
        %sub3A_636 = arith.subi %div3A_615, %sub3A_635 : i32
        %select_n3A_637 = arith.select %and3A_634, %sub3A_636, %div3A_615 : i32
        %mul3A_638 = arith.constant 16 : i32
        %mul3A_639 = arith.muli %select_n3A_637, %mul3A_638 : i32
        %sub3A_640 = arith.subi %select_n3A_612, %mul3A_639 : i32
        %jit3A_641 = arith.constant 1.000000e+00 : f32
        %jit3A_642 = arith.constant 0.000000e+00 : f32
        %select_n3A_643 = arith.select %and3A_515, %jit3A_641, %jit3A_642 : f32
        %mul3A_644 = arith.constant 16 : i32
        %mul3A_645 = arith.muli %select_n3A_637, %mul3A_644 : i32
        %get3A_646 = arith.index_cast %mul3A_645 : i32 to index
        %get3A_647 = tpu.vector_load %arg23[%get3A_646] {strides = array<i32>} : memref<5120xf32, #tpu.memory_space<vmem>>, vector<16xf32>,
        %eq3A_648 = vector.broadcast %sub3A_640 : i32 to vector<16xi32>
        %eq3A_649 = arith.cmpi eq, %iota3A, %eq3A_648 : vector<16xi32>
        %jit3A_650 = arith.constant 0.000000e+00 : f32
        %broadcast_in_dim3A_651 = vector.broadcast %select_n3A_643 : f32 to vector<16xf32>
        %broadcast_in_dim3A_652 = vector.broadcast %jit3A_650 : f32 to vector<16xf32>
        %select_n3A_653 = arith.select %eq3A_649, %broadcast_in_dim3A_651, %broadcast_in_dim3A_652 : vector<16xi1>, vector<16xf32>
        %add3A_654 = arith.addf %get3A_647, %select_n3A_653 : vector<16xf32>
        %swap3A_655 = arith.index_cast %mul3A_645 : i32 to index
        %swap3A_656 = tpu.vector_load %arg23[%swap3A_655] {strides = array<i32>} : memref<5120xf32, #tpu.memory_space<vmem>>, vector<16xf32>,
        tpu.vector_store %arg23[%swap3A_655], %add3A_654 {strides = array<i32>} : memref<5120xf32, #tpu.memory_space<vmem>>, vector<16xf32>,
        %convert_element_type3A_657 = arith.extui %and3A_515 : i1 to i32
        %cond3A_658 = arith.constant 0 : i32
        %cond3A_659 = arith.cmpi ne, %convert_element_type3A_657, %cond3A_658 : i32
        scf.if %cond3A_659 {
          %add3A_670 = arith.constant -1 : i32
          %add3A_671 = arith.addi %select_n3A_637, %add3A_670 : i32
          %jit3A_672 = arith.constant 0 : i32
          %jit3A_673 = arith.constant 319 : i32
          %max3A_674 = arith.maxsi %jit3A_672, %add3A_671 : i32
          %min3A_675 = arith.minsi %jit3A_673, %max3A_674 : i32
          %mul3A_676 = arith.constant 16 : i32
          %mul3A_677 = arith.muli %min3A_675, %mul3A_676 : i32
          %get3A_678 = arith.index_cast %mul3A_677 : i32 to index
          %get3A_679 = tpu.vector_load %arg13[%get3A_678] {strides = array<i32>} : memref<5120xf32, #tpu.memory_space<vmem>>, vector<16xf32>,
          %sub3A_680 = vector.broadcast %reduce_max3A_405 : f32 to vector<16xf32>
          %sub3A_681 = arith.subf %get3A_679, %sub3A_680 : vector<16xf32>
          %abs3A_682 = math.absf %sub3A_681 : vector<16xf32>
          %le3A_683 = arith.constant 1.600000e+01 : f32
          %le3A_684 = vector.broadcast %le3A_683 : f32 to vector<16xf32>
          %le3A_685 = arith.cmpf ole, %abs3A_682, %le3A_684 : vector<16xf32>
          %get3A_686 = arith.index_cast %mul3A_677 : i32 to index
          %get3A_687 = tpu.vector_load %arg12[%get3A_686] {strides = array<i32>} : memref<5120xf32, #tpu.memory_space<vmem>>, vector<16xf32>,
          %jit3A_688 = arith.constant -1.000000e+00 : f32
          %broadcast_in_dim3A_689 = vector.broadcast %jit3A_688 : f32 to vector<16xf32>
          %select_n3A_690 = arith.select %le3A_685, %broadcast_in_dim3A_689, %get3A_687 : vector<16xi1>, vector<16xf32>
          %swap3A_691 = arith.index_cast %mul3A_677 : i32 to index
          %swap3A_692 = tpu.vector_load %arg12[%swap3A_691] {strides = array<i32>} : memref<5120xf32, #tpu.memory_space<vmem>>, vector<16xf32>,
          tpu.vector_store %arg12[%swap3A_691], %select_n3A_690 {strides = array<i32>} : memref<5120xf32, #tpu.memory_space<vmem>>, vector<16xf32>,
          %reduce_max3A_693 = arith.constant true
          %reduce_max3A_694 = vector.broadcast %reduce_max3A_693 : i1 to vector<16xi1>
          %reduce_max3A_695 = tpu.scan <max>, %select_n3A_690 masked %reduce_max3A_694 : vector<16xf32>, vector<16xi1> -> vector<16xf32>
          %reduce_max3A_696 = vector.extract %reduce_max3A_695[15] : f32 from vector<16xf32>
          %jit3A_697 = arith.constant 16 : i32
          %div3A_698 = arith.divsi %min3A_675, %jit3A_697 : i32
          %sign3A_699 = arith.constant 0 : i32
          %sign3A_700 = arith.cmpi sgt, %min3A_675, %sign3A_699 : i32
          %sign3A_701 = arith.extui %sign3A_700 : i1 to i32
          %sign3A_702 = arith.constant 0 : i32
          %sign3A_703 = arith.cmpi slt, %min3A_675, %sign3A_702 : i32
          %sign3A_704 = arith.extui %sign3A_703 : i1 to i32
          %sign3A_705 = arith.subi %sign3A_701, %sign3A_704 : i32
          %sign3A_706 = arith.constant 0 : i32
          %sign3A_707 = arith.cmpi sgt, %jit3A_697, %sign3A_706 : i32
          %sign3A_708 = arith.extui %sign3A_707 : i1 to i32
          %sign3A_709 = arith.constant 0 : i32
          %sign3A_710 = arith.cmpi slt, %jit3A_697, %sign3A_709 : i32
          %sign3A_711 = arith.extui %sign3A_710 : i1 to i32
          %sign3A_712 = arith.subi %sign3A_708, %sign3A_711 : i32
          %ne3A_713 = arith.cmpi ne, %sign3A_705, %sign3A_712 : i32
          %rem3A_714 = arith.remsi %min3A_675, %jit3A_697 : i32
          %ne3A_715 = arith.constant 0 : i32
          %ne3A_716 = arith.cmpi ne, %rem3A_714, %ne3A_715 : i32
          %and3A_717 = arith.andi %ne3A_713, %ne3A_716 : i1
          %sub3A_718 = arith.constant 1 : i32
          %sub3A_719 = arith.subi %div3A_698, %sub3A_718 : i32
          %select_n3A_720 = arith.select %and3A_717, %sub3A_719, %div3A_698 : i32
          %jit3A_721 = arith.constant 16 : i32
          %eq3A_722 = arith.constant 0 : i32
          %eq3A_723 = arith.cmpi eq, %jit3A_721, %eq3A_722 : i32
          %jit3A_724 = arith.constant 1 : i32
          %select_n3A_725 = arith.select %eq3A_723, %jit3A_724, %jit3A_721 : i32
          %rem3A_726 = arith.remsi %min3A_675, %select_n3A_725 : i32
          %ne3A_727 = arith.constant 0 : i32
          %ne3A_728 = arith.cmpi ne, %rem3A_726, %ne3A_727 : i32
          %lt3A_729 = arith.constant 0 : i32
          %lt3A_730 = arith.cmpi slt, %rem3A_726, %lt3A_729 : i32
          %lt3A_731 = arith.constant 0 : i32
          %lt3A_732 = arith.cmpi slt, %select_n3A_725, %lt3A_731 : i32
          %ne3A_733 = arith.xori %lt3A_730, %lt3A_732 : i1
          %and3A_734 = arith.andi %ne3A_733, %ne3A_728 : i1
          %add3A_735 = arith.addi %rem3A_726, %select_n3A_725 : i32
          %select_n3A_736 = arith.select %and3A_734, %add3A_735, %rem3A_726 : i32
          %mul3A_737 = arith.constant 16 : i32
          %mul3A_738 = arith.muli %select_n3A_720, %mul3A_737 : i32
          %eq3A_739 = vector.broadcast %select_n3A_736 : i32 to vector<16xi32>
          %eq3A_740 = arith.cmpi eq, %iota3A, %eq3A_739 : vector<16xi32>
          %get3A_741 = arith.index_cast %mul3A_738 : i32 to index
          %get3A_742 = tpu.vector_load %arg16[%get3A_741] {strides = array<i32>} : memref<320xf32, #tpu.memory_space<vmem>>, vector<16xf32>,
          %broadcast_in_dim3A_743 = vector.broadcast %reduce_max3A_696 : f32 to vector<16xf32>
          %select_n3A_744 = arith.select %eq3A_740, %broadcast_in_dim3A_743, %get3A_742 : vector<16xi1>, vector<16xf32>
          %swap3A_745 = arith.index_cast %mul3A_738 : i32 to index
          %swap3A_746 = tpu.vector_load %arg16[%swap3A_745] {strides = array<i32>} : memref<320xf32, #tpu.memory_space<vmem>>, vector<16xf32>,
          tpu.vector_store %arg16[%swap3A_745], %select_n3A_744 {strides = array<i32>} : memref<320xf32, #tpu.memory_space<vmem>>, vector<16xf32>,
          %reduce_max3A_747 = arith.constant true
          %reduce_max3A_748 = vector.broadcast %reduce_max3A_747 : i1 to vector<16xi1>
          %reduce_max3A_749 = tpu.scan <max>, %select_n3A_744 masked %reduce_max3A_748 : vector<16xf32>, vector<16xi1> -> vector<16xf32>
          %reduce_max3A_750 = vector.extract %reduce_max3A_749[15] : f32 from vector<16xf32>
          %jit3A_751 = arith.constant 16 : i32
          %div3A_752 = arith.divsi %select_n3A_720, %jit3A_751 : i32
          %sign3A_753 = arith.constant 0 : i32
          %sign3A_754 = arith.cmpi sgt, %select_n3A_720, %sign3A_753 : i32
          %sign3A_755 = arith.extui %sign3A_754 : i1 to i32
          %sign3A_756 = arith.constant 0 : i32
          %sign3A_757 = arith.cmpi slt, %select_n3A_720, %sign3A_756 : i32
          %sign3A_758 = arith.extui %sign3A_757 : i1 to i32
          %sign3A_759 = arith.subi %sign3A_755, %sign3A_758 : i32
          %sign3A_760 = arith.constant 0 : i32
          %sign3A_761 = arith.cmpi sgt, %jit3A_751, %sign3A_760 : i32
          %sign3A_762 = arith.extui %sign3A_761 : i1 to i32
          %sign3A_763 = arith.constant 0 : i32
          %sign3A_764 = arith.cmpi slt, %jit3A_751, %sign3A_763 : i32
          %sign3A_765 = arith.extui %sign3A_764 : i1 to i32
          %sign3A_766 = arith.subi %sign3A_762, %sign3A_765 : i32
          %ne3A_767 = arith.cmpi ne, %sign3A_759, %sign3A_766 : i32
          %rem3A_768 = arith.remsi %select_n3A_720, %jit3A_751 : i32
          %ne3A_769 = arith.constant 0 : i32
          %ne3A_770 = arith.cmpi ne, %rem3A_768, %ne3A_769 : i32
          %and3A_771 = arith.andi %ne3A_767, %ne3A_770 : i1
          %sub3A_772 = arith.constant 1 : i32
          %sub3A_773 = arith.subi %div3A_752, %sub3A_772 : i32
          %select_n3A_774 = arith.select %and3A_771, %sub3A_773, %div3A_752 : i32
          %jit3A_775 = arith.constant 16 : i32
          %eq3A_776 = arith.constant 0 : i32
          %eq3A_777 = arith.cmpi eq, %jit3A_775, %eq3A_776 : i32
          %jit3A_778 = arith.constant 1 : i32
          %select_n3A_779 = arith.select %eq3A_777, %jit3A_778, %jit3A_775 : i32
          %rem3A_780 = arith.remsi %select_n3A_720, %select_n3A_779 : i32
          %ne3A_781 = arith.constant 0 : i32
          %ne3A_782 = arith.cmpi ne, %rem3A_780, %ne3A_781 : i32
          %lt3A_783 = arith.constant 0 : i32
          %lt3A_784 = arith.cmpi slt, %rem3A_780, %lt3A_783 : i32
          %lt3A_785 = arith.constant 0 : i32
          %lt3A_786 = arith.cmpi slt, %select_n3A_779, %lt3A_785 : i32
          %ne3A_787 = arith.xori %lt3A_784, %lt3A_786 : i1
          %and3A_788 = arith.andi %ne3A_787, %ne3A_782 : i1
          %add3A_789 = arith.addi %rem3A_780, %select_n3A_779 : i32
          %select_n3A_790 = arith.select %and3A_788, %add3A_789, %rem3A_780 : i32
          %mul3A_791 = arith.constant 16 : i32
          %mul3A_792 = arith.muli %select_n3A_774, %mul3A_791 : i32
          %eq3A_793 = vector.broadcast %select_n3A_790 : i32 to vector<16xi32>
          %eq3A_794 = arith.cmpi eq, %iota3A, %eq3A_793 : vector<16xi32>
          %get3A_795 = arith.index_cast %mul3A_792 : i32 to index
          %get3A_796 = tpu.vector_load %arg17[%get3A_795] {strides = array<i32>} : memref<32xf32, #tpu.memory_space<vmem>>, vector<16xf32>,
          %broadcast_in_dim3A_797 = vector.broadcast %reduce_max3A_750 : f32 to vector<16xf32>
          %select_n3A_798 = arith.select %eq3A_794, %broadcast_in_dim3A_797, %get3A_796 : vector<16xi1>, vector<16xf32>
          %swap3A_799 = arith.index_cast %mul3A_792 : i32 to index
          %swap3A_800 = tpu.vector_load %arg17[%swap3A_799] {strides = array<i32>} : memref<32xf32, #tpu.memory_space<vmem>>, vector<16xf32>,
          tpu.vector_store %arg17[%swap3A_799], %select_n3A_798 {strides = array<i32>} : memref<32xf32, #tpu.memory_space<vmem>>, vector<16xf32>,
          %add3A_801 = arith.constant 0 : i32
          %add3A_802 = arith.addi %select_n3A_637, %add3A_801 : i32
          %jit3A_803 = arith.constant 0 : i32
          %jit3A_804 = arith.constant 319 : i32
          %max3A_805 = arith.maxsi %jit3A_803, %add3A_802 : i32
          %min3A_806 = arith.minsi %jit3A_804, %max3A_805 : i32
          %mul3A_807 = arith.constant 16 : i32
          %mul3A_808 = arith.muli %min3A_806, %mul3A_807 : i32
          %get3A_809 = arith.index_cast %mul3A_808 : i32 to index
          %get3A_810 = tpu.vector_load %arg13[%get3A_809] {strides = array<i32>} : memref<5120xf32, #tpu.memory_space<vmem>>, vector<16xf32>,
          %sub3A_811 = vector.broadcast %reduce_max3A_405 : f32 to vector<16xf32>
          %sub3A_812 = arith.subf %get3A_810, %sub3A_811 : vector<16xf32>
          %abs3A_813 = math.absf %sub3A_812 : vector<16xf32>
          %le3A_814 = arith.constant 1.600000e+01 : f32
          %le3A_815 = vector.broadcast %le3A_814 : f32 to vector<16xf32>
          %le3A_816 = arith.cmpf ole, %abs3A_813, %le3A_815 : vector<16xf32>
          %get3A_817 = arith.index_cast %mul3A_808 : i32 to index
          %get3A_818 = tpu.vector_load %arg12[%get3A_817] {strides = array<i32>} : memref<5120xf32, #tpu.memory_space<vmem>>, vector<16xf32>,
          %jit3A_819 = arith.constant -1.000000e+00 : f32
          %broadcast_in_dim3A_820 = vector.broadcast %jit3A_819 : f32 to vector<16xf32>
          %select_n3A_821 = arith.select %le3A_816, %broadcast_in_dim3A_820, %get3A_818 : vector<16xi1>, vector<16xf32>
          %swap3A_822 = arith.index_cast %mul3A_808 : i32 to index
          %swap3A_823 = tpu.vector_load %arg12[%swap3A_822] {strides = array<i32>} : memref<5120xf32, #tpu.memory_space<vmem>>, vector<16xf32>,
          tpu.vector_store %arg12[%swap3A_822], %select_n3A_821 {strides = array<i32>} : memref<5120xf32, #tpu.memory_space<vmem>>, vector<16xf32>,
          %reduce_max3A_824 = arith.constant true
          %reduce_max3A_825 = vector.broadcast %reduce_max3A_824 : i1 to vector<16xi1>
          %reduce_max3A_826 = tpu.scan <max>, %select_n3A_821 masked %reduce_max3A_825 : vector<16xf32>, vector<16xi1> -> vector<16xf32>
          %reduce_max3A_827 = vector.extract %reduce_max3A_826[15] : f32 from vector<16xf32>
          %jit3A_828 = arith.constant 16 : i32
          %div3A_829 = arith.divsi %min3A_806, %jit3A_828 : i32
          %sign3A_830 = arith.constant 0 : i32
          %sign3A_831 = arith.cmpi sgt, %min3A_806, %sign3A_830 : i32
          %sign3A_832 = arith.extui %sign3A_831 : i1 to i32
          %sign3A_833 = arith.constant 0 : i32
          %sign3A_834 = arith.cmpi slt, %min3A_806, %sign3A_833 : i32
          %sign3A_835 = arith.extui %sign3A_834 : i1 to i32
          %sign3A_836 = arith.subi %sign3A_832, %sign3A_835 : i32
          %sign3A_837 = arith.constant 0 : i32
          %sign3A_838 = arith.cmpi sgt, %jit3A_828, %sign3A_837 : i32
          %sign3A_839 = arith.extui %sign3A_838 : i1 to i32
          %sign3A_840 = arith.constant 0 : i32
          %sign3A_841 = arith.cmpi slt, %jit3A_828, %sign3A_840 : i32
          %sign3A_842 = arith.extui %sign3A_841 : i1 to i32
          %sign3A_843 = arith.subi %sign3A_839, %sign3A_842 : i32
          %ne3A_844 = arith.cmpi ne, %sign3A_836, %sign3A_843 : i32
          %rem3A_845 = arith.remsi %min3A_806, %jit3A_828 : i32
          %ne3A_846 = arith.constant 0 : i32
          %ne3A_847 = arith.cmpi ne, %rem3A_845, %ne3A_846 : i32
          %and3A_848 = arith.andi %ne3A_844, %ne3A_847 : i1
          %sub3A_849 = arith.constant 1 : i32
          %sub3A_850 = arith.subi %div3A_829, %sub3A_849 : i32
          %select_n3A_851 = arith.select %and3A_848, %sub3A_850, %div3A_829 : i32
          %jit3A_852 = arith.constant 16 : i32
          %eq3A_853 = arith.constant 0 : i32
          %eq3A_854 = arith.cmpi eq, %jit3A_852, %eq3A_853 : i32
          %jit3A_855 = arith.constant 1 : i32
          %select_n3A_856 = arith.select %eq3A_854, %jit3A_855, %jit3A_852 : i32
          %rem3A_857 = arith.remsi %min3A_806, %select_n3A_856 : i32
          %ne3A_858 = arith.constant 0 : i32
          %ne3A_859 = arith.cmpi ne, %rem3A_857, %ne3A_858 : i32
          %lt3A_860 = arith.constant 0 : i32
          %lt3A_861 = arith.cmpi slt, %rem3A_857, %lt3A_860 : i32
          %lt3A_862 = arith.constant 0 : i32
          %lt3A_863 = arith.cmpi slt, %select_n3A_856, %lt3A_862 : i32
          %ne3A_864 = arith.xori %lt3A_861, %lt3A_863 : i1
          %and3A_865 = arith.andi %ne3A_864, %ne3A_859 : i1
          %add3A_866 = arith.addi %rem3A_857, %select_n3A_856 : i32
          %select_n3A_867 = arith.select %and3A_865, %add3A_866, %rem3A_857 : i32
          %mul3A_868 = arith.constant 16 : i32
          %mul3A_869 = arith.muli %select_n3A_851, %mul3A_868 : i32
          %eq3A_870 = vector.broadcast %select_n3A_867 : i32 to vector<16xi32>
          %eq3A_871 = arith.cmpi eq, %iota3A, %eq3A_870 : vector<16xi32>
          %get3A_872 = arith.index_cast %mul3A_869 : i32 to index
          %get3A_873 = tpu.vector_load %arg16[%get3A_872] {strides = array<i32>} : memref<320xf32, #tpu.memory_space<vmem>>, vector<16xf32>,
          %broadcast_in_dim3A_874 = vector.broadcast %reduce_max3A_827 : f32 to vector<16xf32>
          %select_n3A_875 = arith.select %eq3A_871, %broadcast_in_dim3A_874, %get3A_873 : vector<16xi1>, vector<16xf32>
          %swap3A_876 = arith.index_cast %mul3A_869 : i32 to index
          %swap3A_877 = tpu.vector_load %arg16[%swap3A_876] {strides = array<i32>} : memref<320xf32, #tpu.memory_space<vmem>>, vector<16xf32>,
          tpu.vector_store %arg16[%swap3A_876], %select_n3A_875 {strides = array<i32>} : memref<320xf32, #tpu.memory_space<vmem>>, vector<16xf32>,
          %reduce_max3A_878 = arith.constant true
          %reduce_max3A_879 = vector.broadcast %reduce_max3A_878 : i1 to vector<16xi1>
          %reduce_max3A_880 = tpu.scan <max>, %select_n3A_875 masked %reduce_max3A_879 : vector<16xf32>, vector<16xi1> -> vector<16xf32>
          %reduce_max3A_881 = vector.extract %reduce_max3A_880[15] : f32 from vector<16xf32>
          %jit3A_882 = arith.constant 16 : i32
          %div3A_883 = arith.divsi %select_n3A_851, %jit3A_882 : i32
          %sign3A_884 = arith.constant 0 : i32
          %sign3A_885 = arith.cmpi sgt, %select_n3A_851, %sign3A_884 : i32
          %sign3A_886 = arith.extui %sign3A_885 : i1 to i32
          %sign3A_887 = arith.constant 0 : i32
          %sign3A_888 = arith.cmpi slt, %select_n3A_851, %sign3A_887 : i32
          %sign3A_889 = arith.extui %sign3A_888 : i1 to i32
          %sign3A_890 = arith.subi %sign3A_886, %sign3A_889 : i32
          %sign3A_891 = arith.constant 0 : i32
          %sign3A_892 = arith.cmpi sgt, %jit3A_882, %sign3A_891 : i32
          %sign3A_893 = arith.extui %sign3A_892 : i1 to i32
          %sign3A_894 = arith.constant 0 : i32
          %sign3A_895 = arith.cmpi slt, %jit3A_882, %sign3A_894 : i32
          %sign3A_896 = arith.extui %sign3A_895 : i1 to i32
          %sign3A_897 = arith.subi %sign3A_893, %sign3A_896 : i32
          %ne3A_898 = arith.cmpi ne, %sign3A_890, %sign3A_897 : i32
          %rem3A_899 = arith.remsi %select_n3A_851, %jit3A_882 : i32
          %ne3A_900 = arith.constant 0 : i32
          %ne3A_901 = arith.cmpi ne, %rem3A_899, %ne3A_900 : i32
          %and3A_902 = arith.andi %ne3A_898, %ne3A_901 : i1
          %sub3A_903 = arith.constant 1 : i32
          %sub3A_904 = arith.subi %div3A_883, %sub3A_903 : i32
          %select_n3A_905 = arith.select %and3A_902, %sub3A_904, %div3A_883 : i32
          %jit3A_906 = arith.constant 16 : i32
          %eq3A_907 = arith.constant 0 : i32
          %eq3A_908 = arith.cmpi eq, %jit3A_906, %eq3A_907 : i32
          %jit3A_909 = arith.constant 1 : i32
          %select_n3A_910 = arith.select %eq3A_908, %jit3A_909, %jit3A_906 : i32
          %rem3A_911 = arith.remsi %select_n3A_851, %select_n3A_910 : i32
          %ne3A_912 = arith.constant 0 : i32
          %ne3A_913 = arith.cmpi ne, %rem3A_911, %ne3A_912 : i32
          %lt3A_914 = arith.constant 0 : i32
          %lt3A_915 = arith.cmpi slt, %rem3A_911, %lt3A_914 : i32
          %lt3A_916 = arith.constant 0 : i32
          %lt3A_917 = arith.cmpi slt, %select_n3A_910, %lt3A_916 : i32
          %ne3A_918 = arith.xori %lt3A_915, %lt3A_917 : i1
          %and3A_919 = arith.andi %ne3A_918, %ne3A_913 : i1
          %add3A_920 = arith.addi %rem3A_911, %select_n3A_910 : i32
          %select_n3A_921 = arith.select %and3A_919, %add3A_920, %rem3A_911 : i32
          %mul3A_922 = arith.constant 16 : i32
          %mul3A_923 = arith.muli %select_n3A_905, %mul3A_922 : i32
          %eq3A_924 = vector.broadcast %select_n3A_921 : i32 to vector<16xi32>
          %eq3A_925 = arith.cmpi eq, %iota3A, %eq3A_924 : vector<16xi32>
          %get3A_926 = arith.index_cast %mul3A_923 : i32 to index
          %get3A_927 = tpu.vector_load %arg17[%get3A_926] {strides = array<i32>} : memref<32xf32, #tpu.memory_space<vmem>>, vector<16xf32>,
          %broadcast_in_dim3A_928 = vector.broadcast %reduce_max3A_881 : f32 to vector<16xf32>
          %select_n3A_929 = arith.select %eq3A_925, %broadcast_in_dim3A_928, %get3A_927 : vector<16xi1>, vector<16xf32>
          %swap3A_930 = arith.index_cast %mul3A_923 : i32 to index
          %swap3A_931 = tpu.vector_load %arg17[%swap3A_930] {strides = array<i32>} : memref<32xf32, #tpu.memory_space<vmem>>, vector<16xf32>,
          tpu.vector_store %arg17[%swap3A_930], %select_n3A_929 {strides = array<i32>} : memref<32xf32, #tpu.memory_space<vmem>>, vector<16xf32>,
          %add3A_932 = arith.constant 1 : i32
          %add3A_933 = arith.addi %select_n3A_637, %add3A_932 : i32
          %jit3A_934 = arith.constant 0 : i32
          %jit3A_935 = arith.constant 319 : i32
          %max3A_936 = arith.maxsi %jit3A_934, %add3A_933 : i32
          %min3A_937 = arith.minsi %jit3A_935, %max3A_936 : i32
          %mul3A_938 = arith.constant 16 : i32
          %mul3A_939 = arith.muli %min3A_937, %mul3A_938 : i32
          %get3A_940 = arith.index_cast %mul3A_939 : i32 to index
          %get3A_941 = tpu.vector_load %arg13[%get3A_940] {strides = array<i32>} : memref<5120xf32, #tpu.memory_space<vmem>>, vector<16xf32>,
          %sub3A_942 = vector.broadcast %reduce_max3A_405 : f32 to vector<16xf32>
          %sub3A_943 = arith.subf %get3A_941, %sub3A_942 : vector<16xf32>
          %abs3A_944 = math.absf %sub3A_943 : vector<16xf32>
          %le3A_945 = arith.constant 1.600000e+01 : f32
          %le3A_946 = vector.broadcast %le3A_945 : f32 to vector<16xf32>
          %le3A_947 = arith.cmpf ole, %abs3A_944, %le3A_946 : vector<16xf32>
          %get3A_948 = arith.index_cast %mul3A_939 : i32 to index
          %get3A_949 = tpu.vector_load %arg12[%get3A_948] {strides = array<i32>} : memref<5120xf32, #tpu.memory_space<vmem>>, vector<16xf32>,
          %jit3A_950 = arith.constant -1.000000e+00 : f32
          %broadcast_in_dim3A_951 = vector.broadcast %jit3A_950 : f32 to vector<16xf32>
          %select_n3A_952 = arith.select %le3A_947, %broadcast_in_dim3A_951, %get3A_949 : vector<16xi1>, vector<16xf32>
          %swap3A_953 = arith.index_cast %mul3A_939 : i32 to index
          %swap3A_954 = tpu.vector_load %arg12[%swap3A_953] {strides = array<i32>} : memref<5120xf32, #tpu.memory_space<vmem>>, vector<16xf32>,
          tpu.vector_store %arg12[%swap3A_953], %select_n3A_952 {strides = array<i32>} : memref<5120xf32, #tpu.memory_space<vmem>>, vector<16xf32>,
          %reduce_max3A_955 = arith.constant true
          %reduce_max3A_956 = vector.broadcast %reduce_max3A_955 : i1 to vector<16xi1>
          %reduce_max3A_957 = tpu.scan <max>, %select_n3A_952 masked %reduce_max3A_956 : vector<16xf32>, vector<16xi1> -> vector<16xf32>
          %reduce_max3A_958 = vector.extract %reduce_max3A_957[15] : f32 from vector<16xf32>
          %jit3A_959 = arith.constant 16 : i32
          %div3A_960 = arith.divsi %min3A_937, %jit3A_959 : i32
          %sign3A_961 = arith.constant 0 : i32
          %sign3A_962 = arith.cmpi sgt, %min3A_937, %sign3A_961 : i32
          %sign3A_963 = arith.extui %sign3A_962 : i1 to i32
          %sign3A_964 = arith.constant 0 : i32
          %sign3A_965 = arith.cmpi slt, %min3A_937, %sign3A_964 : i32
          %sign3A_966 = arith.extui %sign3A_965 : i1 to i32
          %sign3A_967 = arith.subi %sign3A_963, %sign3A_966 : i32
          %sign3A_968 = arith.constant 0 : i32
          %sign3A_969 = arith.cmpi sgt, %jit3A_959, %sign3A_968 : i32
          %sign3A_970 = arith.extui %sign3A_969 : i1 to i32
          %sign3A_971 = arith.constant 0 : i32
          %sign3A_972 = arith.cmpi slt, %jit3A_959, %sign3A_971 : i32
          %sign3A_973 = arith.extui %sign3A_972 : i1 to i32
          %sign3A_974 = arith.subi %sign3A_970, %sign3A_973 : i32
          %ne3A_975 = arith.cmpi ne, %sign3A_967, %sign3A_974 : i32
          %rem3A_976 = arith.remsi %min3A_937, %jit3A_959 : i32
          %ne3A_977 = arith.constant 0 : i32
          %ne3A_978 = arith.cmpi ne, %rem3A_976, %ne3A_977 : i32
          %and3A_979 = arith.andi %ne3A_975, %ne3A_978 : i1
          %sub3A_980 = arith.constant 1 : i32
          %sub3A_981 = arith.subi %div3A_960, %sub3A_980 : i32
          %select_n3A_982 = arith.select %and3A_979, %sub3A_981, %div3A_960 : i32
          %jit3A_983 = arith.constant 16 : i32
          %eq3A_984 = arith.constant 0 : i32
          %eq3A_985 = arith.cmpi eq, %jit3A_983, %eq3A_984 : i32
          %jit3A_986 = arith.constant 1 : i32
          %select_n3A_987 = arith.select %eq3A_985, %jit3A_986, %jit3A_983 : i32
          %rem3A_988 = arith.remsi %min3A_937, %select_n3A_987 : i32
          %ne3A_989 = arith.constant 0 : i32
          %ne3A_990 = arith.cmpi ne, %rem3A_988, %ne3A_989 : i32
          %lt3A_991 = arith.constant 0 : i32
          %lt3A_992 = arith.cmpi slt, %rem3A_988, %lt3A_991 : i32
          %lt3A_993 = arith.constant 0 : i32
          %lt3A_994 = arith.cmpi slt, %select_n3A_987, %lt3A_993 : i32
          %ne3A_995 = arith.xori %lt3A_992, %lt3A_994 : i1
          %and3A_996 = arith.andi %ne3A_995, %ne3A_990 : i1
          %add3A_997 = arith.addi %rem3A_988, %select_n3A_987 : i32
          %select_n3A_998 = arith.select %and3A_996, %add3A_997, %rem3A_988 : i32
          %mul3A_999 = arith.constant 16 : i32
          %mul3A_1000 = arith.muli %select_n3A_982, %mul3A_999 : i32
          %eq3A_1001 = vector.broadcast %select_n3A_998 : i32 to vector<16xi32>
          %eq3A_1002 = arith.cmpi eq, %iota3A, %eq3A_1001 : vector<16xi32>
          %get3A_1003 = arith.index_cast %mul3A_1000 : i32 to index
          %get3A_1004 = tpu.vector_load %arg16[%get3A_1003] {strides = array<i32>} : memref<320xf32, #tpu.memory_space<vmem>>, vector<16xf32>,
          %broadcast_in_dim3A_1005 = vector.broadcast %reduce_max3A_958 : f32 to vector<16xf32>
          %select_n3A_1006 = arith.select %eq3A_1002, %broadcast_in_dim3A_1005, %get3A_1004 : vector<16xi1>, vector<16xf32>
          %swap3A_1007 = arith.index_cast %mul3A_1000 : i32 to index
          %swap3A_1008 = tpu.vector_load %arg16[%swap3A_1007] {strides = array<i32>} : memref<320xf32, #tpu.memory_space<vmem>>, vector<16xf32>,
          tpu.vector_store %arg16[%swap3A_1007], %select_n3A_1006 {strides = array<i32>} : memref<320xf32, #tpu.memory_space<vmem>>, vector<16xf32>,
          %reduce_max3A_1009 = arith.constant true
          %reduce_max3A_1010 = vector.broadcast %reduce_max3A_1009 : i1 to vector<16xi1>
          %reduce_max3A_1011 = tpu.scan <max>, %select_n3A_1006 masked %reduce_max3A_1010 : vector<16xf32>, vector<16xi1> -> vector<16xf32>
          %reduce_max3A_1012 = vector.extract %reduce_max3A_1011[15] : f32 from vector<16xf32>
          %jit3A_1013 = arith.constant 16 : i32
          %div3A_1014 = arith.divsi %select_n3A_982, %jit3A_1013 : i32
          %sign3A_1015 = arith.constant 0 : i32
          %sign3A_1016 = arith.cmpi sgt, %select_n3A_982, %sign3A_1015 : i32
          %sign3A_1017 = arith.extui %sign3A_1016 : i1 to i32
          %sign3A_1018 = arith.constant 0 : i32
          %sign3A_1019 = arith.cmpi slt, %select_n3A_982, %sign3A_1018 : i32
          %sign3A_1020 = arith.extui %sign3A_1019 : i1 to i32
          %sign3A_1021 = arith.subi %sign3A_1017, %sign3A_1020 : i32
          %sign3A_1022 = arith.constant 0 : i32
          %sign3A_1023 = arith.cmpi sgt, %jit3A_1013, %sign3A_1022 : i32
          %sign3A_1024 = arith.extui %sign3A_1023 : i1 to i32
          %sign3A_1025 = arith.constant 0 : i32
          %sign3A_1026 = arith.cmpi slt, %jit3A_1013, %sign3A_1025 : i32
          %sign3A_1027 = arith.extui %sign3A_1026 : i1 to i32
          %sign3A_1028 = arith.subi %sign3A_1024, %sign3A_1027 : i32
          %ne3A_1029 = arith.cmpi ne, %sign3A_1021, %sign3A_1028 : i32
          %rem3A_1030 = arith.remsi %select_n3A_982, %jit3A_1013 : i32
          %ne3A_1031 = arith.constant 0 : i32
          %ne3A_1032 = arith.cmpi ne, %rem3A_1030, %ne3A_1031 : i32
          %and3A_1033 = arith.andi %ne3A_1029, %ne3A_1032 : i1
          %sub3A_1034 = arith.constant 1 : i32
          %sub3A_1035 = arith.subi %div3A_1014, %sub3A_1034 : i32
          %select_n3A_1036 = arith.select %and3A_1033, %sub3A_1035, %div3A_1014 : i32
          %jit3A_1037 = arith.constant 16 : i32
          %eq3A_1038 = arith.constant 0 : i32
          %eq3A_1039 = arith.cmpi eq, %jit3A_1037, %eq3A_1038 : i32
          %jit3A_1040 = arith.constant 1 : i32
          %select_n3A_1041 = arith.select %eq3A_1039, %jit3A_1040, %jit3A_1037 : i32
          %rem3A_1042 = arith.remsi %select_n3A_982, %select_n3A_1041 : i32
          %ne3A_1043 = arith.constant 0 : i32
          %ne3A_1044 = arith.cmpi ne, %rem3A_1042, %ne3A_1043 : i32
          %lt3A_1045 = arith.constant 0 : i32
          %lt3A_1046 = arith.cmpi slt, %rem3A_1042, %lt3A_1045 : i32
          %lt3A_1047 = arith.constant 0 : i32
          %lt3A_1048 = arith.cmpi slt, %select_n3A_1041, %lt3A_1047 : i32
          %ne3A_1049 = arith.xori %lt3A_1046, %lt3A_1048 : i1
          %and3A_1050 = arith.andi %ne3A_1049, %ne3A_1044 : i1
          %add3A_1051 = arith.addi %rem3A_1042, %select_n3A_1041 : i32
          %select_n3A_1052 = arith.select %and3A_1050, %add3A_1051, %rem3A_1042 : i32
          %mul3A_1053 = arith.constant 16 : i32
          %mul3A_1054 = arith.muli %select_n3A_1036, %mul3A_1053 : i32
          %eq3A_1055 = vector.broadcast %select_n3A_1052 : i32 to vector<16xi32>
          %eq3A_1056 = arith.cmpi eq, %iota3A, %eq3A_1055 : vector<16xi32>
          %get3A_1057 = arith.index_cast %mul3A_1054 : i32 to index
          %get3A_1058 = tpu.vector_load %arg17[%get3A_1057] {strides = array<i32>} : memref<32xf32, #tpu.memory_space<vmem>>, vector<16xf32>,
          %broadcast_in_dim3A_1059 = vector.broadcast %reduce_max3A_1012 : f32 to vector<16xf32>
          %select_n3A_1060 = arith.select %eq3A_1056, %broadcast_in_dim3A_1059, %get3A_1058 : vector<16xi1>, vector<16xf32>
          %swap3A_1061 = arith.index_cast %mul3A_1054 : i32 to index
          %swap3A_1062 = tpu.vector_load %arg17[%swap3A_1061] {strides = array<i32>} : memref<32xf32, #tpu.memory_space<vmem>>, vector<16xf32>,
          tpu.vector_store %arg17[%swap3A_1061], %select_n3A_1060 {strides = array<i32>} : memref<32xf32, #tpu.memory_space<vmem>>, vector<16xf32>,
        } else {
        }
        %jit3A_660 = arith.constant 1 : i32
        %jit3A_661 = arith.constant 0 : i32
        %select_n3A_662 = arith.select %and3A_515, %jit3A_660, %jit3A_661 : i32
        %add3A_663 = arith.addi %while3A_330, %select_n3A_662 : i32
        %lt3A_664 = arith.constant 50 : i32
        %lt3A_665 = arith.cmpi slt, %add3A_663, %lt3A_664 : i32
        %and3A_666 = arith.andi %ge3A_394, %lt3A_665 : i1
        %jit3A_667 = arith.constant 1 : i32
        %jit3A_668 = arith.constant 0 : i32
        %select_n3A_669 = arith.select %and3A_666, %jit3A_667, %jit3A_668 : i32
        scf.yield %add3A_663, %select_n3A_669 : i32, i32
      }
      "tpu.region"() ({
        %run_scoped3A = tpu.sem_alloc : memref<!tpu.dma_semaphore, #tpu.memory_space<semaphore_mem>>
        %dma_start3A = arith.constant 0 : i32
        %dma_start3A_330 = tpu.memref_slice %arg7[%arg1, %dma_start3A] : memref<8x64xf32, #tpu.memory_space<hbm>> -> memref<1x64xf32, #tpu.memory_space<hbm>>
        %dma_start3A_331 = tpu.memref_squeeze %dma_start3A_330 : memref<1x64xf32, #tpu.memory_space<hbm>> -> memref<64xf32, #tpu.memory_space<hbm>>
        %dma_start3A_332 = arith.constant 0 : i32
        %dma_start3A_333 = tpu.memref_slice %arg7[%arg1, %dma_start3A_332] : memref<8x64xf32, #tpu.memory_space<hbm>> -> memref<1x64xf32, #tpu.memory_space<hbm>>
        %dma_start3A_334 = tpu.memref_squeeze %dma_start3A_333 : memref<1x64xf32, #tpu.memory_space<hbm>> -> memref<64xf32, #tpu.memory_space<hbm>>
        tpu.enqueue_dma source(%arg19 : memref<64xf32, #tpu.memory_space<vmem>>) target(%dma_start3A_334 : memref<64xf32, #tpu.memory_space<hbm>>) target_semaphore(%run_scoped3A : memref<!tpu.dma_semaphore, #tpu.memory_space<semaphore_mem>>)
        %dma_wait3A = arith.constant 0 : i32
        %dma_wait3A_335 = tpu.memref_slice %arg7[%arg1, %dma_wait3A] : memref<8x64xf32, #tpu.memory_space<hbm>> -> memref<1x64xf32, #tpu.memory_space<hbm>>
        %dma_wait3A_336 = tpu.memref_squeeze %dma_wait3A_335 : memref<1x64xf32, #tpu.memory_space<hbm>> -> memref<64xf32, #tpu.memory_space<hbm>>
        %dma_wait3A_337 = arith.constant 0 : i32
        %dma_wait3A_338 = tpu.memref_slice %arg7[%arg1, %dma_wait3A_337] : memref<8x64xf32, #tpu.memory_space<hbm>> -> memref<1x64xf32, #tpu.memory_space<hbm>>
        %dma_wait3A_339 = tpu.memref_squeeze %dma_wait3A_338 : memref<1x64xf32, #tpu.memory_space<hbm>> -> memref<64xf32, #tpu.memory_space<hbm>>
        tpu.wait_dma2 semaphore(%run_scoped3A : memref<!tpu.dma_semaphore, #tpu.memory_space<semaphore_mem>>) src(%arg19 : memref<64xf32, #tpu.memory_space<vmem>>) dst(%dma_wait3A_339 : memref<64xf32, #tpu.memory_space<hbm>>)
        tpu.yield
      }) : () -> ()
      "tpu.region"() ({
        %run_scoped3A = tpu.sem_alloc : memref<!tpu.dma_semaphore, #tpu.memory_space<semaphore_mem>>
        %dma_start3A = arith.constant 0 : i32
        %dma_start3A_330 = tpu.memref_slice %arg8[%arg1, %dma_start3A] : memref<8x64xf32, #tpu.memory_space<hbm>> -> memref<1x64xf32, #tpu.memory_space<hbm>>
        %dma_start3A_331 = tpu.memref_squeeze %dma_start3A_330 : memref<1x64xf32, #tpu.memory_space<hbm>> -> memref<64xf32, #tpu.memory_space<hbm>>
        %dma_start3A_332 = arith.constant 0 : i32
        %dma_start3A_333 = tpu.memref_slice %arg8[%arg1, %dma_start3A_332] : memref<8x64xf32, #tpu.memory_space<hbm>> -> memref<1x64xf32, #tpu.memory_space<hbm>>
        %dma_start3A_334 = tpu.memref_squeeze %dma_start3A_333 : memref<1x64xf32, #tpu.memory_space<hbm>> -> memref<64xf32, #tpu.memory_space<hbm>>
        tpu.enqueue_dma source(%arg20 : memref<64xf32, #tpu.memory_space<vmem>>) target(%dma_start3A_334 : memref<64xf32, #tpu.memory_space<hbm>>) target_semaphore(%run_scoped3A : memref<!tpu.dma_semaphore, #tpu.memory_space<semaphore_mem>>)
        %dma_wait3A = arith.constant 0 : i32
        %dma_wait3A_335 = tpu.memref_slice %arg8[%arg1, %dma_wait3A] : memref<8x64xf32, #tpu.memory_space<hbm>> -> memref<1x64xf32, #tpu.memory_space<hbm>>
        %dma_wait3A_336 = tpu.memref_squeeze %dma_wait3A_335 : memref<1x64xf32, #tpu.memory_space<hbm>> -> memref<64xf32, #tpu.memory_space<hbm>>
        %dma_wait3A_337 = arith.constant 0 : i32
        %dma_wait3A_338 = tpu.memref_slice %arg8[%arg1, %dma_wait3A_337] : memref<8x64xf32, #tpu.memory_space<hbm>> -> memref<1x64xf32, #tpu.memory_space<hbm>>
        %dma_wait3A_339 = tpu.memref_squeeze %dma_wait3A_338 : memref<1x64xf32, #tpu.memory_space<hbm>> -> memref<64xf32, #tpu.memory_space<hbm>>
        tpu.wait_dma2 semaphore(%run_scoped3A : memref<!tpu.dma_semaphore, #tpu.memory_space<semaphore_mem>>) src(%arg20 : memref<64xf32, #tpu.memory_space<vmem>>) dst(%dma_wait3A_339 : memref<64xf32, #tpu.memory_space<hbm>>)
        tpu.yield
      }) : () -> ()
      "tpu.region"() ({
        %run_scoped3A = tpu.sem_alloc : memref<!tpu.dma_semaphore, #tpu.memory_space<semaphore_mem>>
        %dma_start3A = arith.constant 0 : i32
        %dma_start3A_330 = tpu.memref_slice %arg9[%arg1, %dma_start3A] : memref<8x64xf32, #tpu.memory_space<hbm>> -> memref<1x64xf32, #tpu.memory_space<hbm>>
        %dma_start3A_331 = tpu.memref_squeeze %dma_start3A_330 : memref<1x64xf32, #tpu.memory_space<hbm>> -> memref<64xf32, #tpu.memory_space<hbm>>
        %dma_start3A_332 = arith.constant 0 : i32
        %dma_start3A_333 = tpu.memref_slice %arg9[%arg1, %dma_start3A_332] : memref<8x64xf32, #tpu.memory_space<hbm>> -> memref<1x64xf32, #tpu.memory_space<hbm>>
        %dma_start3A_334 = tpu.memref_squeeze %dma_start3A_333 : memref<1x64xf32, #tpu.memory_space<hbm>> -> memref<64xf32, #tpu.memory_space<hbm>>
        tpu.enqueue_dma source(%arg21 : memref<64xf32, #tpu.memory_space<vmem>>) target(%dma_start3A_334 : memref<64xf32, #tpu.memory_space<hbm>>) target_semaphore(%run_scoped3A : memref<!tpu.dma_semaphore, #tpu.memory_space<semaphore_mem>>)
        %dma_wait3A = arith.constant 0 : i32
        %dma_wait3A_335 = tpu.memref_slice %arg9[%arg1, %dma_wait3A] : memref<8x64xf32, #tpu.memory_space<hbm>> -> memref<1x64xf32, #tpu.memory_space<hbm>>
        %dma_wait3A_336 = tpu.memref_squeeze %dma_wait3A_335 : memref<1x64xf32, #tpu.memory_space<hbm>> -> memref<64xf32, #tpu.memory_space<hbm>>
        %dma_wait3A_337 = arith.constant 0 : i32
        %dma_wait3A_338 = tpu.memref_slice %arg9[%arg1, %dma_wait3A_337] : memref<8x64xf32, #tpu.memory_space<hbm>> -> memref<1x64xf32, #tpu.memory_space<hbm>>
        %dma_wait3A_339 = tpu.memref_squeeze %dma_wait3A_338 : memref<1x64xf32, #tpu.memory_space<hbm>> -> memref<64xf32, #tpu.memory_space<hbm>>
        tpu.wait_dma2 semaphore(%run_scoped3A : memref<!tpu.dma_semaphore, #tpu.memory_space<semaphore_mem>>) src(%arg21 : memref<64xf32, #tpu.memory_space<vmem>>) dst(%dma_wait3A_339 : memref<64xf32, #tpu.memory_space<hbm>>)
        tpu.yield
      }) : () -> ()
      "tpu.region"() ({
        %run_scoped3A = tpu.sem_alloc : memref<!tpu.dma_semaphore, #tpu.memory_space<semaphore_mem>>
        %dma_start3A = arith.constant 0 : i32
        %dma_start3A_330 = tpu.memref_slice %arg10[%arg1, %dma_start3A] : memref<8x64xf32, #tpu.memory_space<hbm>> -> memref<1x64xf32, #tpu.memory_space<hbm>>
        %dma_start3A_331 = tpu.memref_squeeze %dma_start3A_330 : memref<1x64xf32, #tpu.memory_space<hbm>> -> memref<64xf32, #tpu.memory_space<hbm>>
        %dma_start3A_332 = arith.constant 0 : i32
        %dma_start3A_333 = tpu.memref_slice %arg10[%arg1, %dma_start3A_332] : memref<8x64xf32, #tpu.memory_space<hbm>> -> memref<1x64xf32, #tpu.memory_space<hbm>>
        %dma_start3A_334 = tpu.memref_squeeze %dma_start3A_333 : memref<1x64xf32, #tpu.memory_space<hbm>> -> memref<64xf32, #tpu.memory_space<hbm>>
        tpu.enqueue_dma source(%arg22 : memref<64xf32, #tpu.memory_space<vmem>>) target(%dma_start3A_334 : memref<64xf32, #tpu.memory_space<hbm>>) target_semaphore(%run_scoped3A : memref<!tpu.dma_semaphore, #tpu.memory_space<semaphore_mem>>)
        %dma_wait3A = arith.constant 0 : i32
        %dma_wait3A_335 = tpu.memref_slice %arg10[%arg1, %dma_wait3A] : memref<8x64xf32, #tpu.memory_space<hbm>> -> memref<1x64xf32, #tpu.memory_space<hbm>>
        %dma_wait3A_336 = tpu.memref_squeeze %dma_wait3A_335 : memref<1x64xf32, #tpu.memory_space<hbm>> -> memref<64xf32, #tpu.memory_space<hbm>>
        %dma_wait3A_337 = arith.constant 0 : i32
        %dma_wait3A_338 = tpu.memref_slice %arg10[%arg1, %dma_wait3A_337] : memref<8x64xf32, #tpu.memory_space<hbm>> -> memref<1x64xf32, #tpu.memory_space<hbm>>
        %dma_wait3A_339 = tpu.memref_squeeze %dma_wait3A_338 : memref<1x64xf32, #tpu.memory_space<hbm>> -> memref<64xf32, #tpu.memory_space<hbm>>
        tpu.wait_dma2 semaphore(%run_scoped3A : memref<!tpu.dma_semaphore, #tpu.memory_space<semaphore_mem>>) src(%arg22 : memref<64xf32, #tpu.memory_space<vmem>>) dst(%dma_wait3A_339 : memref<64xf32, #tpu.memory_space<hbm>>)
        tpu.yield
      }) : () -> ()
      "tpu.region"() ({
        %run_scoped3A = tpu.sem_alloc : memref<!tpu.dma_semaphore, #tpu.memory_space<semaphore_mem>>
        %dma_start3A = arith.constant 0 : i32
        %dma_start3A_330 = tpu.memref_slice %arg11[%arg1, %dma_start3A] : memref<8x5120xf32, #tpu.memory_space<hbm>> -> memref<1x5120xf32, #tpu.memory_space<hbm>>
        %dma_start3A_331 = tpu.memref_squeeze %dma_start3A_330 : memref<1x5120xf32, #tpu.memory_space<hbm>> -> memref<5120xf32, #tpu.memory_space<hbm>>
        %dma_start3A_332 = arith.constant 0 : i32
        %dma_start3A_333 = tpu.memref_slice %arg11[%arg1, %dma_start3A_332] : memref<8x5120xf32, #tpu.memory_space<hbm>> -> memref<1x5120xf32, #tpu.memory_space<hbm>>
        %dma_start3A_334 = tpu.memref_squeeze %dma_start3A_333 : memref<1x5120xf32, #tpu.memory_space<hbm>> -> memref<5120xf32, #tpu.memory_space<hbm>>
        tpu.enqueue_dma source(%arg23 : memref<5120xf32, #tpu.memory_space<vmem>>) target(%dma_start3A_334 : memref<5120xf32, #tpu.memory_space<hbm>>) target_semaphore(%run_scoped3A : memref<!tpu.dma_semaphore, #tpu.memory_space<semaphore_mem>>)
        %dma_wait3A = arith.constant 0 : i32
        %dma_wait3A_335 = tpu.memref_slice %arg11[%arg1, %dma_wait3A] : memref<8x5120xf32, #tpu.memory_space<hbm>> -> memref<1x5120xf32, #tpu.memory_space<hbm>>
        %dma_wait3A_336 = tpu.memref_squeeze %dma_wait3A_335 : memref<1x5120xf32, #tpu.memory_space<hbm>> -> memref<5120xf32, #tpu.memory_space<hbm>>
        %dma_wait3A_337 = arith.constant 0 : i32
        %dma_wait3A_338 = tpu.memref_slice %arg11[%arg1, %dma_wait3A_337] : memref<8x5120xf32, #tpu.memory_space<hbm>> -> memref<1x5120xf32, #tpu.memory_space<hbm>>
        %dma_wait3A_339 = tpu.memref_squeeze %dma_wait3A_338 : memref<1x5120xf32, #tpu.memory_space<hbm>> -> memref<5120xf32, #tpu.memory_space<hbm>>
        tpu.wait_dma2 semaphore(%run_scoped3A : memref<!tpu.dma_semaphore, #tpu.memory_space<semaphore_mem>>) src(%arg23 : memref<5120xf32, #tpu.memory_space<vmem>>) dst(%dma_wait3A_339 : memref<5120xf32, #tpu.memory_space<hbm>>)
        tpu.yield
      }) : () -> ()
    } else {
    }
    return
  }
}

</mosaic_0001>

<sc_bundles>
// kernel: wrapper.3.cloned.1.call-start
scs
__scs_entry_jumppad:
0x0: {  	(pc) =	sbr.rel $0x88, $3  }
0x1: {  	(tag) =	ssettag $0x0;
	lr =	simm.s32 $0x1  }
0x2: {  	[smem:$0x3F9C] =	sst lr;
	_ =	strace $0xD0000000  }
0x3: {  	_ = 	snop  }
0x4: {  	_ = 	snop  }
0x5: {  	_ = 	snop  }
0x6: {  	_ = 	snop  }
0x7: {  	_ = 	snop  }
__scs_overlays_trampoline_lowered:
0x8: {  	[smem:$0x3FAB] =	sst s0  }
0x9: {  	[smem:$0x3FAC] =	sst s1  }
0xa: {  	[smem:$0x3FAD] =	sst s2  }
0xb: {  	[smem:$0x3FAE] =	sst s3  }
0xc: {  	[smem:$0x3FAF] =	sst s4  }
0xd: {  	[smem:$0x3FB0] =	sst s5  }
0xe: {  	[smem:$0x3FB1] =	sst s6  }
0xf: {  	[smem:$0x3FB2] =	sst s7  }
0x10: {  	[smem:$0x3FB3] =	sst s8  }
0x11: {  	[smem:$0x3FB4] =	sst s9;
	s0 =	simm.s32 @!p0 $0x0  }
0x12: {  	s1 =	sld [smem:$0x3F9A];
	s0 =	simm.s32 @p0 $0x1  }
0x13: {  	[smem:$0x3FB5] =	sst s0;
	s0 =	simm.s32 @!p1 $0x0  }
0x14: {  	s2 =	sld [smem:$0x3F99];
	s0 =	simm.s32 @p1 $0x1  }
0x15: {  	[smem:$0x3FB6] =	sst s0;
	s0 =	simm.s32 @!p2 $0x0  }
0x16: {  	s3 =	sld [smem:$0x3FDB];
	s0 =	simm.s32 @p2 $0x1  }
0x17: {  	s4 =	simm.s32 $0x1BF5;
	[smem:$0x3FB8] =	sst s0  }
0x18: {  	s0 =	sld [smem:$0x3F9B];
	_ =	swait.ge [sflag:s4], $0x0  }
0x19: {  	s7 =	sld [smem:$0x3F9C]  }
0x1a: {  	s8 =	sadd.s32 $0xFFFFE003, lr  }
0x1b: {  	s9 =	sadd.s32 $0xFFFFFEF7, lr;
	s5 =	simm.s32 $0xFFFFFFFF;
	p2 =	slt.u32 s8, $0xFFFFF086  }
0x1c: {  	p1 =	slt.u32 s9, $0xF7A;
	s5 =	simm.s32 @!p2 $0x0  }
0x1d: {  	s5 =	simm.s32 @p1 $0x1;
	p0 =	seq.s32 s7, s2  }
0x1e: {  	s7 =	smul.u32 @!p0 $0xF7A, s2;
	p2 =	seq.s32 @!p0 s5, $0x0  }
0x1f: {  	s9 =	smul.u32 $0xF7A, s1;
	s8 =	simm.s32 @!p0 $0x1BF5;
	p2 =	por !p2, p0  }
0x20: {  	[sflag:s8] =	ssyncset.s32 @!p0 $0xFFFFF086;
	s6 =	sadd.s32 @!p0 s3, s7;
	s7 =	simm.s32 @!p0 $0x108  }
0x21: {  	s3 =	sadd.s32 s3, s9;
	s6 =	sadd.s32 @!p0 $0x88, s6;
	s7 =	simm.s32 @p2 $0x1082  }
0x22: {  	[simem:s7], [sflag:s8] =	dma.local @!p0 [hbm:s6], $0xF7A  }
0x23: {  	s9 =	sor.u32 $0xD0000000, s2;
	s6 =	simm.s32 $0x108;
	_ =	swait.ge @!p0 [sflag:s8], $0x0  }
0x24: {  	s3 =	sadd.s32 $0x88, s3;
	s6 =	simm.s32 @!p1 $0x1082;
	[sflag:s4] =	ssyncset.s32 $0xFFFFF086  }
0x25: {  	[simem:s6], [sflag:s4] =	dma.local [hbm:s3], $0xF7A  }
0x26: {  	[smem:$0x3F9C] =	sst s1;
	(tag) =	ssettag s2;
	_ =	strace s9  }
0x27: {  	s1 =	sld [smem:$0x3FAC]  }
0x28: {  	s2 =	sld [smem:$0x3FAD]  }
0x29: {  	s4 =	sld [smem:$0x3FAF]  }
0x2a: {  	p0 =	seq.s32 s5, $0x0;
	s5 =	sld [smem:$0x3FB0]  }
0x2b: {  	s6 =	sld [smem:$0x3FB1]  }
0x2c: {  	s7 =	sld [smem:$0x3FB2]  }
0x2d: {  	s3 =	simm.s32 $0x108;
	s8 =	sld [smem:$0x3FB3]  }
0x2e: {  	s3 =	simm.s32 @!p0 $0x1082;
	s9 =	sld [smem:$0x3FB4]  }
0x2f: {  	lr =	sadd.s32 s0, s3;
	s0 =	sld [smem:$0x3FAB]  }
0x30: {  	s3 =	sld [smem:$0x3FAE]  }
0x31: {  	[smem:$0x3FB7] =	sst s10  }
0x32: {  	s10 =	sld [smem:$0x3FB5];
	_ =	sdelay $0x3  }
0x33: {  	p0 =	seq.s32 s10, $0x1;
	s10 =	sld [smem:$0x3FB7];
	_ =	sdelay $0x3  }
0x34: {  	[smem:$0x3FB7] =	sst s10  }
0x35: {  	s10 =	sld [smem:$0x3FB6];
	_ =	sdelay $0x3  }
0x36: {  	p1 =	seq.s32 s10, $0x1;
	s10 =	sld [smem:$0x3FB7];
	_ =	sdelay $0x3  }
0x37: {  	[smem:$0x3FB7] =	sst s10  }
0x38: {  	s10 =	sld [smem:$0x3FB8]  }
0x39: {  	_ = 	snop;
	(pc) =	sbr.ind lr, $3  }
0x3a: {  	_ = 	snop  }
0x3b: {  	_ = 	snop  }
0x3c: {  	p2 =	seq.s32 s10, $0x1;
	s10 =	sld [smem:$0x3FB7]  }
0x3d: {  	_ =	shalt  }
0x3e: {  	_ =	shalt  }
0x3f: {  	_ =	shalt  }
0x40: {  	_ =	shalt  }
0x41: {  	_ =	shalt  }
0x42: {  	_ =	shalt  }
0x43: {  	_ =	shalt  }
0x44: {  	_ =	shalt  }
0x45: {  	_ =	shalt  }
0x46: {  	_ =	shalt  }
0x47: {  	_ =	shalt  }
0x48: {  	_ =	shalt  }
0x49: {  	_ =	shalt  }
0x4a: {  	_ =	shalt  }
0x4b: {  	_ =	shalt  }
0x4c: {  	_ =	shalt  }
0x4d: {  	_ =	shalt  }
0x4e: {  	_ =	shalt  }
0x4f: {  	_ =	shalt  }
0x50: {  	_ =	shalt  }
0x51: {  	_ =	shalt  }
0x52: {  	_ =	shalt  }
0x53: {  	_ =	shalt  }
0x54: {  	_ =	shalt  }
0x55: {  	_ =	shalt  }
0x56: {  	_ =	shalt  }
0x57: {  	_ =	shalt  }
0x58: {  	_ =	shalt  }
0x59: {  	_ =	shalt  }
0x5a: {  	_ =	shalt  }
0x5b: {  	_ =	shalt  }
0x5c: {  	_ =	shalt  }
0x5d: {  	_ =	shalt  }
0x5e: {  	_ =	shalt  }
0x5f: {  	_ =	shalt  }
0x60: {  	_ =	shalt  }
0x61: {  	_ =	shalt  }
0x62: {  	_ =	shalt  }
0x63: {  	_ =	shalt  }
0x64: {  	_ =	shalt  }
0x65: {  	_ =	shalt  }
0x66: {  	_ =	shalt  }
0x67: {  	_ =	shalt  }
0x68: {  	_ =	shalt  }
0x69: {  	_ =	shalt  }
0x6a: {  	_ =	shalt  }
0x6b: {  	_ =	shalt  }
0x6c: {  	_ =	shalt  }
0x6d: {  	_ =	shalt  }
0x6e: {  	_ =	shalt  }
0x6f: {  	_ =	shalt  }
0x70: {  	_ =	shalt  }
0x71: {  	_ =	shalt  }
0x72: {  	_ =	shalt  }
0x73: {  	_ =	shalt  }
0x74: {  	_ =	shalt  }
0x75: {  	_ =	shalt  }
0x76: {  	_ =	shalt  }
0x77: {  	_ =	shalt  }
0x78: {  	_ =	shalt  }
0x79: {  	_ =	shalt  }
0x7a: {  	_ =	shalt  }
0x7b: {  	_ =	shalt  }
0x7c: {  	_ =	shalt  }
0x7d: {  	_ =	shalt  }
0x7e: {  	_ =	shalt  }
0x7f: {  	_ =	shalt  }
0x80: {  	_ =	shalt  }
0x81: {  	_ =	shalt  }
0x82: {  	_ =	shalt  }
0x83: {  	_ =	shalt  }
0x84: {  	_ =	shalt  }
0x85: {  	_ =	shalt  }
0x86: {  	_ =	shalt  }
0x87: {  	_ =	shalt  }
.Lfunc_end0:
.L_simem_size_0:
called_computation_lowered:
.L_overlay_start_0:
0x88: {  	s2 =	sld [smem:$0x3FD9]  }
0x89: {  	s3 =	sld [smem:$0x3FFE];
	_ =	sdelay $0x1  }
0x8a: {  	s1 =	srdreg.scid  }
0x8b: {  	s0 =	sand.u32 $0x1, s1  }
0x8c: {  	s30 =	sshll.u32 s0, $0xA;
	s2 =	sadd.s32 s3, s2  }
0x8d: {  	s2 =	sadd.s32 s2, s30  }
0x8e: {  	[smem:$0x3FC3] =	sst s2  }
0x8f: {  	_ = 	snop  }
0x90: {  	s2 =	sld [smem:$0x3FC9]  }
0x91: {  	s31 =	sld [smem:$0x3FC8]  }
0x92: {  	s4 =	sld [smem:$0x3FD0]  }
0x93: {  	s5 =	sld [smem:$0x3FC7]  }
0x94: {  	s6 =	sld [smem:$0x3FC6]  }
0x95: {  	s8 =	simm.s32 $0xA;
	s9 =	simm.s32 $0x10;
	s7 =	sld [smem:$0x3FC5]  }
0x96: {  	[smem:s9], [sflag:s8] =	dma.local [hbm:s4], $0x1  }
0x97: {  	_ =	swait.eq [sflag:s8], $0x1  }
0x98: {  	s17 =	sld [smem:$0x10]  }
0x99: {  	s18 =	sld [smem:$0x11]  }
0x9a: {  	s10 =	sld [smem:$0x12];
	[sflag:s8] =	ssyncset.done $0x0  }
0x9b: {  	s11 =	sld [smem:$0x13];
	[sflag:s8] =	ssyncadd.s32 $0xFFFFFFFF  }
0x9c: {  	s19 =	sld [smem:$0x14];
	(tm) =	ssettm $0x1  }
0x9d: {  	s12 =	sld [smem:$0x3FFB];
	_ =	sdelay $0x3  }
0x9e: {  	_ =	strace s12  }
0x9f: {  	s12 =	sld [smem:$0x3FFC];
	_ =	sdelay $0x3  }
0xa0: {  	_ =	strace s12  }
0xa1: {  	s12 =	sld [smem:$0x3FFD];
	_ =	sdelay $0x3  }
0xa2: {  	_ =	strace s12  }
0xa3: {  	_ =	strace $0x8FFFFFFF  }
0xa4: {  	s20 =	sld [smem:$0x3FDB];
	_ =	sdelay $0x1  }
0xa5: {  	s13 =	simm.s32 $_scs_section_size  }
0xa6: {  	s14 =	simm.s32 $_size__tile_overlayer_lowered;
	s15 =	simm.s32 $_tile_overlayer_lowered  }
0xa7: {  	s23 =	simm.s32 $0x1BFF;
	s22 =	sshll.u32 s15, $0x1;
	s12 =	sadd.s32 s13, s20  }
0xa8: {  	s16 =	simm.s32 $0x0;
	s21 =	sshll.u32 s14, $0x1;
	s14 =	sadd.s32 s22, s12  }
0xa9: {  	[timem:s16], [sflag:s23] =	dma.local [hbm:s14], s21  }
0xaa: {  	_ =	swait.ge [sflag:s23], s21  }
0xab: {  	s13 =	ssub.s32 $0x0, s21;
	[sflag:s23] =	ssyncset.done $0x0  }
0xac: {  	[sflag:s23] =	ssyncadd.s32 s13;
	_ =	sdelay $0x1  }
0xad: {  	s24 =	simm.s32 $0x1B8B  }
0xae: {  	_ =	swait.ge [sflag:s24], $0x1  }
0xaf: {  	[sflag:s24] =	ssyncset.done $0x0  }
0xb0: {  	s25 =	simm.s32 $0x1B8E;
	[sflag:s24] =	ssyncadd.s32 $0xFFFFFFFF  }
0xb1: {  	s26 =	simm.s32 $execute0_lowered;
	[smem:$0x3FD2] =	sst s25  }
0xb2: {  	s13 =	sshll.u32 s26, $0x1;
	_ =	strace $0x80000046;
	[dreg:$0x1] =	wrdreg $0xFFFFFFFF  }
0xb3: {  	s28 =	simm.s32 $_size_execute0_lowered;
	s12 =	sadd.s32 s12, s13;
	[dreg:$0x0] =	wrdreg $0x0  }
0xb4: {  	s13 =	sshll.u32 s28, $0x1;
	[dreg:$0x2] =	wrdreg s12  }
0xb5: {  	[dreg:$0x3] =	wrdreg s13  }
0xb6: {  	[dreg:$0x4] =	wrdreg $0xC0  }
0xb7: {  	_ =	task [dreg:s16], $0x5FFFF  }
0xb8: {  	[dreg:$0x1] =	wrdreg $0xFFFFFFFF  }
0xb9: {  	[dreg:$0x0] =	wrdreg $0x60  }
0xba: {  	[dreg:$0x2] =	wrdreg s2  }
0xbb: {  	[dreg:$0x3] =	wrdreg s31  }
0xbc: {  	[dreg:$0x4] =	wrdreg s5  }
0xbd: {  	[dreg:$0x5] =	wrdreg s6  }
0xbe: {  	[dreg:$0x6] =	wrdreg s7  }
0xbf: {  	[dreg:$0x7] =	wrdreg s17  }
0xc0: {  	[dreg:$0x8] =	wrdreg s18  }
0xc1: {  	[dreg:$0x9] =	wrdreg s10  }
0xc2: {  	[dreg:$0xa] =	wrdreg s11  }
0xc3: {  	[dreg:$0xb] =	wrdreg s19  }
0xc4: {  	[dreg:$0xc] =	wrdreg $0x9  }
0xc5: {  	_ =	task.clear_ibuf [dreg:s16], $0xDFFFF;
	_ =	strace $0x90000046  }
0xc6: {  	s29 =	simm.s32 $0x9;
	_ =	strace $0x80000048  }
0xc7: {  	_ =	swait.ge [sflag:s29], $0x1  }
0xc8: {  	[sflag:s29] =	ssyncadd.s32 $0xFFFFFFFF  }
0xc9: {  	_ =	strace $0x90000048  }
0xca: {  	_ =	sfence  }
0xcb: {  	s30 =	sld [smem:$0x0];
	_ =	sdelay $0x2  }
0xcc: {  	s31 =	sshll.u32 s1, $0xD;
	s1 =	sshrl.u32 s1, $0x2  }
0xcd: {  	s3 =	sand.u32 $0x4000, s31;
	s1 =	sadd.s32 s1, s30  }
0xce: {  	s0 =	sor.u32 s3, s0;
	s1 =	sshll.u32 s1, $0x11  }
0xcf: {  	s0 =	sor.u32 s1, s0  }
0xd0: {  	s0 =	sadd.s32 $0x8F2B, s0  }
0xd1: {  	[sflag:s0] =	ssyncadd.remote.s32 $0x1  }
0xd2: {  	_ =	sfence.sel $0xFFFF  }
0xd3: {  	[dreg:$0x0] =	wrdreg $0xFFFFFFFF;
	(pc) =	sbr.abs _section_cstart, $3  }
0xd4: {  	[dreg:$0x1] =	wrdreg $0xFFFFFFFF  }
0xd5: {  	_ =	task.clear_ibuf [dreg:s16], $0x2FFFF;
	_ =	strace $0x9FFFFFFF  }
0xd6: {  	(tm) =	ssettm $0x7FFFFFFF  }
0xd7: {  	_ =	shalt  }
tec
execute0_lowered:
.L_overlay_start_1:
0x0: {  	(tag) =	ssettag $0x1  }
0x1: {  	s7 =	rddreg [dreg:$0x0]  }
0x2: {  	s12 =	rddreg [dreg:$0x1]  }
0x3: {  	s11 =	rddreg [dreg:$0x2];
	s0 =	srdreg.scid  }
0x4: {  	s6 =	rddreg [dreg:$0x3];
	s0 =	sand.u32 $0x1, s0  }
0x5: {  	s5 =	rddreg [dreg:$0x4];
	s1 =	stileid.u32;
	p0 =	seq.s32 s0, $0x1  }
0x6: {  	s3 =	rddreg [dreg:$0x5];
	p1 =	sgt.u32 @!p0 s1, $0x7  }
0x7: {  	s4 =	rddreg [dreg:$0x6];
	p0 =	por p0, p1  }
.Ltmp0:
0x8: {  	s2 =	rddreg [dreg:$0x7];
	(pc) =	sbr.rel @p0 .LBB2_10-.Ltmp0, $4  }
0x9: {  	s8 =	rddreg [dreg:$0x8]  }
0xa: {  	s9 =	rddreg [dreg:$0x9];
	s10 =	simm.s32 $0x0  }
0xb: {  	[smem:$0x7FF] =	sst s10  }
0xc: {  	s0 =	rddreg [dreg:$0xa];
	_ =	strace $0x80000047  }
0xd: {  	s13 =	sshll.u32 s1, $0x4;
	s15 =	simm.s32 $0x400  }
0xe: {  	s28 =	simm.s32 $0x1;
	s14 =	sadd.s32 s7, s13;
	s7 =	simm.s32 $0x80  }
0xf: {  	[tilespmem:s10], [sflag:$0x1] =	stream.strided.gather [hbm4b:s14+s7], $0x1400, s15, s7, $0x38;
	[tilespmem:$0x6980] =	vst v63  }
0x10: {  	_ =	swait.ge [sflag:s28], $0x1400  }
0x11: {  	[sflag:s28] =	ssyncset.done $0x0  }
0x12: {  	s16 =	simm.s32 $0x2800;
	s12 =	sadd.s32 s12, s13;
	[sflag:s28] =	ssyncadd.s32 $0xFFFFEC00  }
0x13: {  	[tilespmem:s16], [sflag:$0x1] =	stream.strided.gather [hbm4b:s12+s7], $0x1400, s15, s7, $0x38;
	[tilespmem:$0x6980] =	vst v63  }
0x14: {  	_ =	swait.ge [sflag:s28], $0x1400  }
0x15: {  	[sflag:s28] =	ssyncset.done $0x0  }
0x16: {  	s29 =	simm.s32 $0x3C00;
	s11 =	sadd.s32 s11, s13;
	[sflag:s28] =	ssyncadd.s32 $0xFFFFEC00  }
0x17: {  	[tilespmem:s29], [sflag:$0x1] =	stream.strided.gather [hbm4b:s11+s7], $0x1400, s15, s7, $0x38;
	[tilespmem:$0x6980] =	vst v63  }
0x18: {  	_ =	swait.ge [sflag:s28], $0x1400  }
0x19: {  	[sflag:s28] =	ssyncset.done $0x0  }
0x1a: {  	s30 =	simm.s32 $0x6880;
	s6 =	sadd.s32 s6, s13;
	[sflag:s28] =	ssyncadd.s32 $0xFFFFEC00  }
0x1b: {  	[tilespmem:s30], [sflag:$0x1] =	stream.linear.gather [hbm4b:s6+s10], $0x80, $0x38;
	[tilespmem:$0x6980] =	vst v63  }
0x1c: {  	_ =	swait.ge [sflag:s28], $0x80  }
0x1d: {  	[sflag:s28] =	ssyncset.done $0x0  }
0x1e: {  	s31 =	simm.s32 $0x6900;
	s5 =	sadd.s32 s5, s13;
	[sflag:s28] =	ssyncadd.s32 $0xFFFFFF80  }
0x1f: {  	[tilespmem:s31], [sflag:$0x1] =	stream.linear.gather [hbm4b:s5+s10], $0x80, $0x38;
	[tilespmem:$0x6980] =	vst v63  }
0x20: {  	_ =	swait.ge [sflag:s28], $0x80  }
0x21: {  	s12 =	simm.s32 $0x2880;
	s11 =	simm.s32 $0x3C80;
	[sflag:s28] =	ssyncset.done $0x0  }
0x22: {  	s6 =	sadd.s32 s3, s13;
	s3 =	sadd.s32 s8, s13;
	[sflag:s28] =	ssyncadd.s32 $0xFFFFFF80  }
0x23: {  	v5 =	vimm.f32 $-3.000000010e+38;
	v4 =	vimm.s32 $0xFFFFFFFF;
	v2 =	vlaneseq.u32;
	s8 =	simm.s32 $0xF0;
	s5 =	sadd.s32 s4, s13;
	s4 =	sadd.s32 s2, s13;
	v1 =	vld [tilespmem:$0x6880]  }
0x24: {  	v3 =	vimm.f32 $0.0e+00;
	v7 =	vimm.s32 $0xFFFFFFFF;
	v6 =	vimm.f32 $-3.000000010e+38;
	s2 =	sadd.s32 s9, s13;
	s9 =	simm.s32 $0x5500;
	s10 =	simm.s32 $0x1480;
	v0 =	vld [tilespmem:$0x6900]  }
.LBB2_2:
0x25: {  	s13 =	sadd.s32 $0xFFFFFF10, s8  }
0x26: {  	v8 =	vor.u32 s13, v2  }
0x27: {  	v10 =	vld [tilespmem:s12+$0xFFFFFF80];
	v9 =	vcvt.s32.f32 v8  }
0x28: {  	v11 =	vld [tilespmem:s11+$0xFFFFFF80]  }
0x29: {  	v9 =	vadd.f32 $5.000000000e-01, v9;
	_ =	sdelay $0x1  }
0x2a: {  	v9 =	vmul.f32 $1.600000000e+01, v9;
	_ =	sdelay $0x1  }
0x2b: {  	v10 =	vmul.f32 $1.600000000e+01, v10;
	v11 =	vmul.f32 $1.600000000e+01, v11;
	v9 =	vadd.f32 v9, v1;
	_ =	sdelay $0x1  }
0x2c: {  	v10 =	vadd.f32 v10, v9;
	v9 =	vadd.f32 v11, v9;
	_ =	sdelay $0x1  }
0x2d: {  	vm0 =	vlt.f32 v10, $0.0e+00;
	vm1 =	vlt.f32 v9, $0.0e+00  }
0x2e: {  	v10 =	vsel vm0, $0x0, v10;
	v9 =	vsel vm1, $0x0, v9  }
0x2f: {  	vm0 =	vgt.f32 v10, v0;
	vm1 =	vgt.f32 v9, v0  }
0x30: {  	v22 =	vsel vm0, v0, v10;
	v21 =	vsel vm1, v0, v9  }
0x31: {  	v9 =	vadd.f32 v21, v22;
	_ =	sdelay $0x1  }
0x32: {  	[tilespmem:s12+$0xFFFFFF80] =	vst v22;
	v9 =	vmul.f32 $5.000000000e-01, v9  }
0x33: {  	[tilespmem:s11+$0xFFFFFF80] =	vst v21  }
0x34: {  	s17 =	sadd.s32 $0xFFFFFF20, s8;
	[tilespmem:s10+$0xFFFFFF80] =	vst v9  }
0x35: {  	v63 =	vor.u32 s17, v2;
	[tilespmem:s9+$0xFFFFFF80] =	vst v3  }
0x36: {  	v39 =	vcvt.s32.f32 v63;
	v40 =	vld [tilespmem:s12+$0xFFFFFF90]  }
0x37: {  	v12 =	vld [tilespmem:s11+$0xFFFFFF90]  }
0x38: {  	v9 =	vadd.f32 $5.000000000e-01, v39;
	_ =	sdelay $0x1  }
0x39: {  	v9 =	vmul.f32 $1.600000000e+01, v9;
	_ =	sdelay $0x1  }
0x3a: {  	v9 =	vadd.f32 v9, v1;
	v10 =	vmul.f32 $1.600000000e+01, v40;
	v12 =	vmul.f32 $1.600000000e+01, v12;
	_ =	sdelay $0x1  }
0x3b: {  	v10 =	vadd.f32 v10, v9;
	v9 =	vadd.f32 v12, v9;
	_ =	sdelay $0x1  }
0x3c: {  	vm10 =	vlt.f32 v10, $0.0e+00;
	vm11 =	vlt.f32 v9, $0.0e+00  }
0x3d: {  	v10 =	vsel vm10, $0x0, v10;
	v9 =	vsel vm11, $0x0, v9  }
0x3e: {  	vm0 =	vgt.f32 v10, v0;
	vm1 =	vgt.f32 v9, v0  }
0x3f: {  	v18 =	vsel vm0, v0, v10;
	v19 =	vsel vm1, v0, v9  }
0x40: {  	v9 =	vadd.f32 v19, v18;
	_ =	sdelay $0x1  }
0x41: {  	v25 =	vld [tilespmem:s7+$0xFFFFFF80];
	[tilespmem:s12+$0xFFFFFF90] =	vst v18;
	v9 =	vmul.f32 $5.000000000e-01, v9  }
0x42: {  	[tilespmem:s11+$0xFFFFFF90] =	vst v19  }
0x43: {  	s18 =	sadd.s32 $0xFFFFFF30, s8;
	[tilespmem:s10+$0xFFFFFF90] =	vst v9  }
0x44: {  	v10 =	vor.u32 s18, v2;
	[tilespmem:s9+$0xFFFFFF90] =	vst v3  }
0x45: {  	v41 =	vcvt.s32.f32 v10;
	v42 =	vld [tilespmem:s12+$0xFFFFFFA0]  }
0x46: {  	v13 =	vld [tilespmem:s11+$0xFFFFFFA0]  }
0x47: {  	v9 =	vadd.f32 $5.000000000e-01, v41;
	_ =	sdelay $0x1  }
0x48: {  	v9 =	vmul.f32 $1.600000000e+01, v9;
	_ =	sdelay $0x1  }
0x49: {  	v9 =	vadd.f32 v9, v1;
	v12 =	vmul.f32 $1.600000000e+01, v42;
	v13 =	vmul.f32 $1.600000000e+01, v13;
	_ =	sdelay $0x1  }
0x4a: {  	v12 =	vadd.f32 v12, v9;
	v9 =	vadd.f32 v13, v9;
	_ =	sdelay $0x1  }
0x4b: {  	vm12 =	vlt.f32 v12, $0.0e+00;
	vm13 =	vlt.f32 v9, $0.0e+00  }
0x4c: {  	v12 =	vsel vm12, $0x0, v12;
	v9 =	vsel vm13, $0x0, v9  }
0x4d: {  	vm0 =	vgt.f32 v12, v0;
	vm1 =	vgt.f32 v9, v0  }
0x4e: {  	v24 =	vsel vm0, v0, v12;
	v23 =	vsel vm1, v0, v9  }
0x4f: {  	v9 =	vadd.f32 v23, v24;
	_ =	sdelay $0x1  }
0x50: {  	v28 =	vld [tilespmem:s7+$0xFFFFFF90];
	[tilespmem:s12+$0xFFFFFFA0] =	vst v24;
	v9 =	vmul.f32 $5.000000000e-01, v9  }
0x51: {  	[tilespmem:s11+$0xFFFFFFA0] =	vst v23  }
0x52: {  	s19 =	sadd.s32 $0xFFFFFF40, s8;
	[tilespmem:s10+$0xFFFFFFA0] =	vst v9  }
0x53: {  	v13 =	vor.u32 s19, v2;
	[tilespmem:s9+$0xFFFFFFA0] =	vst v3  }
0x54: {  	v43 =	vcvt.s32.f32 v13;
	v44 =	vld [tilespmem:s12+$0xFFFFFFB0]  }
0x55: {  	v14 =	vld [tilespmem:s11+$0xFFFFFFB0]  }
0x56: {  	v9 =	vadd.f32 $5.000000000e-01, v43;
	_ =	sdelay $0x1  }
0x57: {  	v9 =	vmul.f32 $1.600000000e+01, v9;
	_ =	sdelay $0x1  }
0x58: {  	v9 =	vadd.f32 v9, v1;
	v12 =	vmul.f32 $1.600000000e+01, v44;
	v14 =	vmul.f32 $1.600000000e+01, v14;
	_ =	sdelay $0x1  }
0x59: {  	v12 =	vadd.f32 v12, v9;
	v9 =	vadd.f32 v14, v9;
	_ =	sdelay $0x1  }
0x5a: {  	vm14 =	vlt.f32 v12, $0.0e+00;
	vm15 =	vlt.f32 v9, $0.0e+00  }
0x5b: {  	v12 =	vsel vm14, $0x0, v12;
	v9 =	vsel vm15, $0x0, v9  }
0x5c: {  	vm0 =	vgt.f32 v12, v0;
	vm1 =	vgt.f32 v9, v0  }
0x5d: {  	v31 =	vsel vm0, v0, v12;
	v29 =	vsel vm1, v0, v9  }
0x5e: {  	v9 =	vadd.f32 v29, v31;
	_ =	sdelay $0x1  }
0x5f: {  	v34 =	vld [tilespmem:s7+$0xFFFFFFA0];
	[tilespmem:s12+$0xFFFFFFB0] =	vst v31;
	v9 =	vmul.f32 $5.000000000e-01, v9  }
0x60: {  	[tilespmem:s11+$0xFFFFFFB0] =	vst v29  }
0x61: {  	s20 =	sadd.s32 $0xFFFFFF50, s8;
	[tilespmem:s10+$0xFFFFFFB0] =	vst v9  }
0x62: {  	v9 =	vor.u32 s20, v2;
	[tilespmem:s9+$0xFFFFFFB0] =	vst v3  }
0x63: {  	v45 =	vcvt.s32.f32 v9;
	v46 =	vld [tilespmem:s12+$0xFFFFFFC0]  }
0x64: {  	v15 =	vld [tilespmem:s11+$0xFFFFFFC0]  }
0x65: {  	v12 =	vadd.f32 $5.000000000e-01, v45;
	_ =	sdelay $0x1  }
0x66: {  	v12 =	vmul.f32 $1.600000000e+01, v12;
	_ =	sdelay $0x1  }
0x67: {  	v12 =	vadd.f32 v12, v1;
	v14 =	vmul.f32 $1.600000000e+01, v46;
	v15 =	vmul.f32 $1.600000000e+01, v15;
	_ =	sdelay $0x1  }
0x68: {  	v14 =	vadd.f32 v14, v12;
	v12 =	vadd.f32 v15, v12;
	_ =	sdelay $0x1  }
0x69: {  	vm4 =	vlt.f32 v14, $0.0e+00;
	vm5 =	vlt.f32 v12, $0.0e+00  }
0x6a: {  	v14 =	vsel vm4, $0x0, v14;
	v12 =	vsel vm5, $0x0, v12  }
0x6b: {  	vm0 =	vgt.f32 v14, v0;
	vm1 =	vgt.f32 v12, v0  }
0x6c: {  	v30 =	vsel vm0, v0, v14;
	v26 =	vsel vm1, v0, v12  }
0x6d: {  	v12 =	vadd.f32 v26, v30;
	_ =	sdelay $0x1  }
0x6e: {  	v35 =	vld [tilespmem:s7+$0xFFFFFFB0];
	[tilespmem:s12+$0xFFFFFFC0] =	vst v30;
	v12 =	vmul.f32 $5.000000000e-01, v12  }
0x6f: {  	[tilespmem:s11+$0xFFFFFFC0] =	vst v26  }
0x70: {  	s21 =	sadd.s32 $0xFFFFFF60, s8;
	[tilespmem:s10+$0xFFFFFFC0] =	vst v12  }
0x71: {  	v14 =	vor.u32 s21, v2;
	[tilespmem:s9+$0xFFFFFFC0] =	vst v3  }
0x72: {  	v47 =	vcvt.s32.f32 v14;
	v48 =	vld [tilespmem:s12+$0xFFFFFFD0]  }
0x73: {  	v16 =	vld [tilespmem:s11+$0xFFFFFFD0]  }
0x74: {  	v12 =	vadd.f32 $5.000000000e-01, v47;
	_ =	sdelay $0x1  }
0x75: {  	v12 =	vmul.f32 $1.600000000e+01, v12;
	_ =	sdelay $0x1  }
0x76: {  	v12 =	vadd.f32 v12, v1;
	v15 =	vmul.f32 $1.600000000e+01, v48;
	v16 =	vmul.f32 $1.600000000e+01, v16;
	_ =	sdelay $0x1  }
0x77: {  	v15 =	vadd.f32 v15, v12;
	v12 =	vadd.f32 v16, v12;
	_ =	sdelay $0x1  }
0x78: {  	vm6 =	vlt.f32 v15, $0.0e+00;
	vm7 =	vlt.f32 v12, $0.0e+00  }
0x79: {  	v15 =	vsel vm6, $0x0, v15;
	v12 =	vsel vm7, $0x0, v12  }
0x7a: {  	vm0 =	vgt.f32 v15, v0;
	vm1 =	vgt.f32 v12, v0  }
0x7b: {  	v33 =	vsel vm0, v0, v15;
	v32 =	vsel vm1, v0, v12  }
0x7c: {  	v12 =	vadd.f32 v32, v33;
	_ =	sdelay $0x1  }
0x7d: {  	v37 =	vld [tilespmem:s7+$0xFFFFFFC0];
	[tilespmem:s12+$0xFFFFFFD0] =	vst v33;
	v12 =	vmul.f32 $5.000000000e-01, v12  }
0x7e: {  	[tilespmem:s11+$0xFFFFFFD0] =	vst v32  }
0x7f: {  	s22 =	sadd.s32 $0xFFFFFF70, s8;
	[tilespmem:s10+$0xFFFFFFD0] =	vst v12  }
0x80: {  	v12 =	vor.u32 s22, v2;
	[tilespmem:s9+$0xFFFFFFD0] =	vst v3  }
0x81: {  	v49 =	vcvt.s32.f32 v12;
	v50 =	vld [tilespmem:s12+$0xFFFFFFE0]  }
0x82: {  	v17 =	vld [tilespmem:s11+$0xFFFFFFE0]  }
0x83: {  	v15 =	vadd.f32 $5.000000000e-01, v49;
	_ =	sdelay $0x1  }
0x84: {  	v15 =	vmul.f32 $1.600000000e+01, v15;
	_ =	sdelay $0x1  }
0x85: {  	v15 =	vadd.f32 v15, v1;
	v16 =	vmul.f32 $1.600000000e+01, v50;
	v17 =	vmul.f32 $1.600000000e+01, v17;
	_ =	sdelay $0x1  }
0x86: {  	v16 =	vadd.f32 v16, v15;
	v15 =	vadd.f32 v17, v15;
	_ =	sdelay $0x1  }
0x87: {  	vm8 =	vlt.f32 v16, $0.0e+00;
	vm9 =	vlt.f32 v15, $0.0e+00  }
0x88: {  	v16 =	vsel vm8, $0x0, v16;
	v15 =	vsel vm9, $0x0, v15  }
0x89: {  	vm0 =	vgt.f32 v16, v0;
	vm1 =	vgt.f32 v15, v0  }
0x8a: {  	v38 =	vsel vm0, v0, v16;
	v36 =	vsel vm1, v0, v15  }
0x8b: {  	v15 =	vadd.f32 v36, v38;
	_ =	sdelay $0x1  }
0x8c: {  	v43 =	vld [tilespmem:s7+$0xFFFFFFD0];
	[tilespmem:s12+$0xFFFFFFE0] =	vst v38;
	v15 =	vmul.f32 $5.000000000e-01, v15  }
0x8d: {  	[tilespmem:s11+$0xFFFFFFE0] =	vst v36  }
0x8e: {  	s23 =	sadd.s32 $0xFFFFFF80, s8;
	[tilespmem:s10+$0xFFFFFFE0] =	vst v15  }
0x8f: {  	v16 =	vor.u32 s23, v2;
	[tilespmem:s9+$0xFFFFFFE0] =	vst v3  }
0x90: {  	v51 =	vcvt.s32.f32 v16;
	v52 =	vld [tilespmem:s12+$0xFFFFFFF0]  }
0x91: {  	v20 =	vld [tilespmem:s11+$0xFFFFFFF0]  }
0x92: {  	v15 =	vadd.f32 $5.000000000e-01, v51;
	_ =	sdelay $0x1  }
0x93: {  	v15 =	vmul.f32 $1.600000000e+01, v15;
	_ =	sdelay $0x1  }
0x94: {  	v15 =	vadd.f32 v15, v1;
	v17 =	vmul.f32 $1.600000000e+01, v52;
	v20 =	vmul.f32 $1.600000000e+01, v20;
	_ =	sdelay $0x1  }
0x95: {  	v17 =	vadd.f32 v17, v15;
	v15 =	vadd.f32 v20, v15;
	_ =	sdelay $0x1  }
0x96: {  	vm10 =	vlt.f32 v17, $0.0e+00;
	vm11 =	vlt.f32 v15, $0.0e+00  }
0x97: {  	v17 =	vsel vm10, $0x0, v17;
	v15 =	vsel vm11, $0x0, v15  }
0x98: {  	vm0 =	vgt.f32 v17, v0;
	vm1 =	vgt.f32 v15, v0  }
0x99: {  	v41 =	vsel vm0, v0, v17;
	v39 =	vsel vm1, v0, v15  }
0x9a: {  	v15 =	vadd.f32 v39, v41;
	_ =	sdelay $0x1  }
0x9b: {  	v45 =	vld [tilespmem:s7+$0xFFFFFFE0];
	[tilespmem:s12+$0xFFFFFFF0] =	vst v41;
	v15 =	vmul.f32 $5.000000000e-01, v15  }
0x9c: {  	[tilespmem:s11+$0xFFFFFFF0] =	vst v39  }
0x9d: {  	s24 =	sadd.s32 $0xFFFFFF90, s8;
	[tilespmem:s10+$0xFFFFFFF0] =	vst v15  }
0x9e: {  	v20 =	vor.u32 s24, v2;
	[tilespmem:s9+$0xFFFFFFF0] =	vst v3  }
0x9f: {  	v53 =	vcvt.s32.f32 v20;
	v54 =	vld [tilespmem:s12+$0x0]  }
0xa0: {  	v27 =	vld [tilespmem:s11+$0x0]  }
0xa1: {  	v15 =	vadd.f32 $5.000000000e-01, v53;
	_ =	sdelay $0x1  }
0xa2: {  	v15 =	vmul.f32 $1.600000000e+01, v15;
	_ =	sdelay $0x1  }
0xa3: {  	v15 =	vadd.f32 v15, v1;
	v17 =	vmul.f32 $1.600000000e+01, v54;
	v27 =	vmul.f32 $1.600000000e+01, v27;
	_ =	sdelay $0x1  }
0xa4: {  	v17 =	vadd.f32 v17, v15;
	v15 =	vadd.f32 v27, v15;
	_ =	sdelay $0x1  }
0xa5: {  	vm12 =	vlt.f32 v17, $0.0e+00;
	vm13 =	vlt.f32 v15, $0.0e+00  }
0xa6: {  	v17 =	vsel vm12, $0x0, v17;
	v15 =	vsel vm13, $0x0, v15  }
0xa7: {  	vm0 =	vgt.f32 v17, v0;
	vm1 =	vgt.f32 v15, v0  }
0xa8: {  	v42 =	vsel vm0, v0, v17;
	v40 =	vsel vm1, v0, v15  }
0xa9: {  	v15 =	vadd.f32 v40, v42;
	_ =	sdelay $0x1  }
0xaa: {  	v47 =	vld [tilespmem:s7+$0xFFFFFFF0];
	[tilespmem:s12+$0x0] =	vst v42;
	v15 =	vmul.f32 $5.000000000e-01, v15  }
0xab: {  	[tilespmem:s11+$0x0] =	vst v40  }
0xac: {  	s25 =	sadd.s32 $0xFFFFFFA0, s8;
	[tilespmem:s10+$0x0] =	vst v15  }
0xad: {  	v15 =	vor.u32 s25, v2;
	[tilespmem:s9+$0x0] =	vst v3  }
0xae: {  	v55 =	vcvt.s32.f32 v15;
	v56 =	vld [tilespmem:s12+$0x10]  }
0xaf: {  	v44 =	vld [tilespmem:s11+$0x10]  }
0xb0: {  	v17 =	vadd.f32 $5.000000000e-01, v55;
	_ =	sdelay $0x1  }
0xb1: {  	v17 =	vmul.f32 $1.600000000e+01, v17;
	_ =	sdelay $0x1  }
0xb2: {  	v17 =	vadd.f32 v17, v1;
	v27 =	vmul.f32 $1.600000000e+01, v56;
	v44 =	vmul.f32 $1.600000000e+01, v44;
	_ =	sdelay $0x1  }
0xb3: {  	v27 =	vadd.f32 v27, v17;
	v17 =	vadd.f32 v44, v17;
	_ =	sdelay $0x1  }
0xb4: {  	vm14 =	vlt.f32 v27, $0.0e+00;
	vm15 =	vlt.f32 v17, $0.0e+00  }
0xb5: {  	v27 =	vsel vm14, $0x0, v27;
	v17 =	vsel vm15, $0x0, v17  }
0xb6: {  	vm0 =	vgt.f32 v27, v0;
	vm1 =	vgt.f32 v17, v0  }
0xb7: {  	v46 =	vsel vm0, v0, v27;
	v44 =	vsel vm1, v0, v17  }
0xb8: {  	v17 =	vadd.f32 v44, v46;
	_ =	sdelay $0x1  }
0xb9: {  	v50 =	vld [tilespmem:s7+$0x0];
	[tilespmem:s12+$0x10] =	vst v46;
	v17 =	vmul.f32 $5.000000000e-01, v17  }
0xba: {  	[tilespmem:s11+$0x10] =	vst v44  }
0xbb: {  	s26 =	sadd.s32 $0xFFFFFFB0, s8;
	[tilespmem:s10+$0x10] =	vst v17  }
0xbc: {  	v17 =	vor.u32 s26, v2;
	[tilespmem:s9+$0x10] =	vst v3  }
0xbd: {  	v57 =	vcvt.s32.f32 v17;
	v48 =	vld [tilespmem:s12+$0x20]  }
0xbe: {  	v49 =	vld [tilespmem:s11+$0x20]  }
0xbf: {  	v27 =	vadd.f32 $5.000000000e-01, v57;
	_ =	sdelay $0x1  }
0xc0: {  	v27 =	vmul.f32 $1.600000000e+01, v27;
	_ =	sdelay $0x1  }
0xc1: {  	v27 =	vadd.f32 v27, v1;
	v48 =	vmul.f32 $1.600000000e+01, v48;
	v49 =	vmul.f32 $1.600000000e+01, v49;
	_ =	sdelay $0x1  }
0xc2: {  	v48 =	vadd.f32 v48, v27;
	v27 =	vadd.f32 v49, v27;
	_ =	sdelay $0x1  }
0xc3: {  	vm4 =	vlt.f32 v48, $0.0e+00;
	vm5 =	vlt.f32 v27, $0.0e+00  }
0xc4: {  	v48 =	vsel vm4, $0x0, v48;
	v27 =	vsel vm5, $0x0, v27  }
0xc5: {  	vm0 =	vgt.f32 v48, v0;
	vm1 =	vgt.f32 v27, v0  }
0xc6: {  	v51 =	vsel vm0, v0, v48;
	v49 =	vsel vm1, v0, v27  }
0xc7: {  	v27 =	vadd.f32 v49, v51;
	_ =	sdelay $0x1  }
0xc8: {  	v48 =	vld [tilespmem:s7+$0x10];
	[tilespmem:s12+$0x20] =	vst v51;
	v27 =	vmul.f32 $5.000000000e-01, v27  }
0xc9: {  	[tilespmem:s11+$0x20] =	vst v49  }
0xca: {  	s28 =	sadd.s32 $0xFFFFFFC0, s8;
	[tilespmem:s10+$0x20] =	vst v27  }
0xcb: {  	v27 =	vor.u32 s28, v2;
	[tilespmem:s9+$0x20] =	vst v3  }
0xcc: {  	v52 =	vcvt.s32.f32 v27;
	v53 =	vld [tilespmem:s12+$0x30]  }
0xcd: {  	v54 =	vld [tilespmem:s11+$0x30]  }
0xce: {  	v52 =	vadd.f32 $5.000000000e-01, v52  }
0xcf: {  	vm2 =	veq.f32 v21, v0;
	vm3 =	veq.f32 v21, $0.0e+00  }
0xd0: {  	vm6 =	veq.f32 v22, v0;
	vm7 =	veq.f32 v22, $0.0e+00;
	v52 =	vmul.f32 $1.600000000e+01, v52  }
0xd1: {  	vm8 =	vge.f32 v25, v6;
	vm11 =	vge.f32 v25, v5;
	vm13 =	veq.f32 v18, v0  }
0xd2: {  	v52 =	vadd.f32 v52, v1;
	v53 =	vmul.f32 $1.600000000e+01, v53;
	v54 =	vmul.f32 $1.600000000e+01, v54  }
0xd3: {  	vm14 =	veq.f32 v19, v0;
	vm4 =	veq.f32 v29, v0;
	vm5 =	veq.f32 v29, $0.0e+00  }
0xd4: {  	vm0 =	vmand vm6, vm2;
	v58 =	vadd.f32 v53, v52;
	v59 =	vadd.f32 v54, v52  }
0xd5: {  	vm1 =	vmand vm7, vm3;
	vm6 =	veq.f32 v18, $0.0e+00;
	vm7 =	veq.f32 v19, $0.0e+00  }
0xd6: {  	vm0 =	vmand vm8, vm0;
	vm9 =	vlt.f32 v58, $0.0e+00;
	vm10 =	vlt.f32 v59, $0.0e+00  }
0xd7: {  	vm1 =	vmand vm11, vm1;
	v21 =	vsel vm9, $0x0, v58;
	v22 =	vsel vm10, $0x0, v59  }
0xd8: {  	vm8 =	vmand vm6, vm7;
	vm12 =	vgt.f32 v21, v0;
	vm3 =	vgt.f32 v22, v0  }
0xd9: {  	v6 =	vsel vm0, v25, v6;
	v21 =	vsel vm12, v0, v21;
	v22 =	vsel vm3, v0, v22  }
0xda: {  	v7 =	vsel vm0, v8, v7;
	v25 =	vsel vm1, v25, v5;
	v60 =	vadd.f32 v22, v21  }
0xdb: {  	v8 =	vsel vm1, v8, v4;
	vm0 =	vmand vm13, vm14;
	vm13 =	veq.f32 v24, $0.0e+00  }
0xdc: {  	vm14 =	veq.f32 v23, $0.0e+00;
	vm15 =	vge.f32 v28, v6;
	v5 =	vld [tilespmem:s7+$0x20];
	[tilespmem:s12+$0x30] =	vst v21;
	v4 =	vmul.f32 $5.000000000e-01, v60  }
0xdd: {  	vm11 =	veq.f32 v24, v0;
	vm0 =	vmand vm15, vm0;
	vm15 =	vmand vm13, vm14;
	[tilespmem:s11+$0x30] =	vst v22  }
0xde: {  	s29 =	sadd.s32 $0xFFFFFFD0, s8;
	v6 =	vsel vm0, v28, v6;
	v7 =	vsel vm0, v63, v7;
	vm9 =	vge.f32 v28, v25;
	[tilespmem:s10+$0x30] =	vst v4  }
0xdf: {  	vm6 =	vge.f32 v34, v6;
	vm10 =	vmand vm9, vm8;
	v4 =	vor.u32 s29, v2;
	[tilespmem:s9+$0x30] =	vst v3  }
0xe0: {  	vm8 =	veq.f32 v31, v0;
	v8 =	vsel vm10, v63, v8;
	v62 =	vcvt.s32.f32 v4;
	v63 =	vld [tilespmem:s12+$0x40]  }
0xe1: {  	vm9 =	veq.f32 v31, $0.0e+00;
	v61 =	vsel vm10, v28, v25;
	vm12 =	veq.f32 v23, v0;
	v28 =	vld [tilespmem:s11+$0x40]  }
0xe2: {  	vm10 =	vmand vm8, vm4;
	vm0 =	vmand vm11, vm12;
	v11 =	vadd.f32 $5.000000000e-01, v62  }
0xe3: {  	vm7 =	vge.f32 v34, v61;
	vm11 =	vmand vm9, vm5;
	vm5 =	veq.f32 v30, v0  }
0xe4: {  	vm0 =	vmand vm6, vm0;
	vm1 =	vmand vm7, vm15;
	v11 =	vmul.f32 $1.600000000e+01, v11  }
0xe5: {  	vm7 =	veq.f32 v26, v0;
	v6 =	vsel vm0, v34, v6;
	v18 =	vsel vm1, v34, v61  }
0xe6: {  	v11 =	vadd.f32 v11, v1;
	v19 =	vmul.f32 $1.600000000e+01, v63;
	v52 =	vmul.f32 $1.600000000e+01, v28  }
0xe7: {  	v53 =	vsel vm0, v10, v7;
	v10 =	vsel vm1, v10, v8;
	vm12 =	vge.f32 v35, v6  }
0xe8: {  	vm0 =	vmand vm12, vm10;
	v19 =	vadd.f32 v19, v11;
	v11 =	vadd.f32 v52, v11  }
0xe9: {  	v6 =	vsel vm0, v35, v6;
	v56 =	vsel vm0, v13, v53;
	vm0 =	vmand vm5, vm7  }
0xea: {  	vm9 =	vge.f32 v37, v6;
	vm13 =	vlt.f32 v19, $0.0e+00;
	vm14 =	vlt.f32 v11, $0.0e+00  }
0xeb: {  	vm0 =	vmand vm9, vm0;
	v7 =	vsel vm13, $0x0, v19;
	v11 =	vsel vm14, $0x0, v11  }
0xec: {  	s30 =	sadd.s32 $0xFFFFFFE0, s8;
	v58 =	vsel vm0, v37, v6;
	vm3 =	vgt.f32 v7, v0;
	vm4 =	vgt.f32 v11, v0  }
0xed: {  	v6 =	vor.u32 s30, v2;
	v8 =	vsel vm3, v0, v7;
	v7 =	vsel vm4, v0, v11  }
0xee: {  	vm15 =	vge.f32 v35, v18;
	v59 =	vcvt.s32.f32 v6;
	v55 =	vadd.f32 v7, v8  }
0xef: {  	vm8 =	veq.f32 v26, $0.0e+00;
	vm1 =	vmand vm15, vm11  }
0xf0: {  	v54 =	vsel vm1, v35, v18;
	v57 =	vld [tilespmem:s7+$0x30];
	v23 =	vadd.f32 $5.000000000e-01, v59;
	[tilespmem:s12+$0x40] =	vst v8;
	v18 =	vmul.f32 $5.000000000e-01, v55  }
0xf1: {  	vm6 =	veq.f32 v30, $0.0e+00;
	vm11 =	veq.f32 v33, v0;
	v13 =	vsel vm1, v13, v10;
	[tilespmem:s11+$0x40] =	vst v7  }
0xf2: {  	vm1 =	vmand vm6, vm8;
	vm10 =	vge.f32 v37, v54;
	v23 =	vmul.f32 $1.600000000e+01, v23;
	[tilespmem:s10+$0x40] =	vst v18  }
0xf3: {  	vm12 =	veq.f32 v33, $0.0e+00;
	v53 =	vor.u32 s8, v2;
	vm1 =	vmand vm10, vm1;
	[tilespmem:s9+$0x40] =	vst v3  }
0xf4: {  	vm9 =	vge.f32 v43, v58;
	v63 =	vadd.f32 v23, v1;
	vm13 =	veq.f32 v32, v0;
	v60 =	vld [tilespmem:s12+$0x50]  }
0xf5: {  	vm14 =	veq.f32 v32, $0.0e+00;
	v19 =	vsel vm0, v9, v56;
	v9 =	vsel vm1, v9, v13;
	v61 =	vld [tilespmem:s11+$0x50]  }
0xf6: {  	vm15 =	vmand vm11, vm13;
	vm8 =	vmand vm12, vm14;
	vm11 =	veq.f32 v38, v0  }
0xf7: {  	s31 =	sadd.s32 $0xFFFFFFF0, s8;
	vm12 =	veq.f32 v38, $0.0e+00;
	vm13 =	veq.f32 v36, v0;
	vm14 =	veq.f32 v36, $0.0e+00  }
0xf8: {  	v38 =	vor.u32 s31, v2;
	v11 =	vsel vm1, v37, v54;
	vm0 =	vmand vm9, vm15  }
0xf9: {  	vm15 =	vmand vm11, vm13;
	vm6 =	vmand vm12, vm14;
	vm11 =	veq.f32 v41, v0  }
0xfa: {  	vm12 =	veq.f32 v41, $0.0e+00;
	v28 =	vmul.f32 $1.600000000e+01, v60;
	v29 =	vmul.f32 $1.600000000e+01, v61  }
0xfb: {  	vm13 =	veq.f32 v39, v0;
	vm14 =	veq.f32 v39, $0.0e+00;
	v39 =	vcvt.s32.f32 v38  }
0xfc: {  	v54 =	vcvt.s32.f32 v53;
	v23 =	vadd.f32 v28, v63;
	v18 =	vadd.f32 v29, v63  }
0xfd: {  	vm10 =	vge.f32 v43, v11;
	v62 =	vsel vm0, v43, v58;
	v19 =	vsel vm0, v14, v19  }
0xfe: {  	vm2 =	vmand vm10, vm8;
	vm7 =	vlt.f32 v23, $0.0e+00;
	vm8 =	vlt.f32 v18, $0.0e+00  }
0xff: {  	vm4 =	vge.f32 v45, v62;
	v31 =	vsel vm7, $0x0, v23;
	v18 =	vsel vm8, $0x0, v18  }
0x100: {  	v11 =	vsel vm2, v43, v11;
	vm10 =	vgt.f32 v31, v0;
	vm3 =	vgt.f32 v18, v0  }
0x101: {  	vm0 =	vmand vm4, vm15;
	v33 =	vsel vm10, v0, v31;
	v34 =	vsel vm3, v0, v18  }
0x102: {  	v9 =	vsel vm2, v14, v9;
	v30 =	vsel vm0, v45, v62;
	v18 =	vadd.f32 v34, v33  }
0x103: {  	vm9 =	vge.f32 v45, v11;
	v19 =	vsel vm0, v12, v19;
	vm0 =	vmand vm11, vm13  }
0x104: {  	vm11 =	veq.f32 v40, $0.0e+00;
	vm1 =	vmand vm9, vm6;
	v35 =	vld [tilespmem:s7+$0x40];
	[tilespmem:s12+$0x50] =	vst v33;
	v18 =	vmul.f32 $5.000000000e-01, v18  }
0x105: {  	vm15 =	vge.f32 v47, v30;
	vm9 =	veq.f32 v42, $0.0e+00;
	v32 =	vsel vm1, v45, v11;
	[tilespmem:s11+$0x50] =	vst v34  }
0x106: {  	vm0 =	vmand vm15, vm0;
	v12 =	vsel vm1, v12, v9;
	vm1 =	vmand vm9, vm11;
	[tilespmem:s10+$0x50] =	vst v18  }
0x107: {  	vm15 =	veq.f32 v46, $0.0e+00;
	vm9 =	veq.f32 v44, $0.0e+00;
	vm11 =	veq.f32 v51, v0;
	[tilespmem:s9+$0x50] =	vst v3  }
0x108: {  	vm6 =	vge.f32 v47, v32;
	v14 =	vsel vm0, v47, v30;
	vm3 =	vmand vm12, vm14;
	v41 =	vld [tilespmem:s12+$0x60]  }
0x109: {  	v36 =	vsel vm0, v16, v19;
	vm8 =	veq.f32 v42, v0;
	vm7 =	vmand vm6, vm3;
	v43 =	vld [tilespmem:s11+$0x60]  }
0x10a: {  	vm10 =	veq.f32 v40, v0;
	v12 =	vsel vm7, v16, v12;
	v16 =	vadd.f32 $5.000000000e-01, v39  }
0x10b: {  	vm12 =	vge.f32 v50, v14;
	vm14 =	veq.f32 v46, v0;
	vm0 =	vmand vm8, vm10  }
0x10c: {  	vm8 =	veq.f32 v44, v0;
	v37 =	vsel vm7, v47, v32;
	v16 =	vmul.f32 $1.600000000e+01, v16  }
0x10d: {  	vm6 =	veq.f32 v49, v0;
	vm0 =	vmand vm12, vm0;
	vm13 =	vge.f32 v50, v37  }
0x10e: {  	v16 =	vadd.f32 v16, v1;
	v45 =	vmul.f32 $1.600000000e+01, v41;
	v47 =	vmul.f32 $1.600000000e+01, v43  }
0x10f: {  	v14 =	vsel vm0, v50, v14;
	vm1 =	vmand vm13, vm1;
	v18 =	vsel vm0, v20, v36  }
0x110: {  	v12 =	vsel vm1, v20, v12;
	v20 =	vadd.f32 v45, v16;
	v16 =	vadd.f32 v47, v16  }
0x111: {  	vm12 =	veq.f32 v51, $0.0e+00;
	vm7 =	veq.f32 v49, $0.0e+00;
	vm10 =	vge.f32 v48, v14  }
0x112: {  	vm0 =	vmand vm14, vm8;
	vm13 =	vlt.f32 v20, $0.0e+00;
	vm14 =	vlt.f32 v16, $0.0e+00  }
0x113: {  	v19 =	vsel vm1, v50, v37;
	v20 =	vsel vm13, $0x0, v20;
	v16 =	vsel vm14, $0x0, v16  }
0x114: {  	vm1 =	vmand vm15, vm9;
	vm2 =	vgt.f32 v20, v0;
	vm3 =	vgt.f32 v16, v0  }
0x115: {  	vm0 =	vmand vm10, vm0;
	v20 =	vsel vm2, v0, v20;
	v16 =	vsel vm3, v0, v16  }
0x116: {  	vm15 =	vge.f32 v48, v19;
	v14 =	vsel vm0, v48, v14;
	v50 =	vadd.f32 v16, v20  }
0x117: {  	v18 =	vsel vm0, v15, v18;
	vm0 =	vmand vm15, vm1;
	vm1 =	vmand vm11, vm6  }
0x118: {  	v51 =	vld [tilespmem:s7+$0x50];
	vm15 =	veq.f32 v22, $0.0e+00;
	vm8 =	vge.f32 v5, v14;
	[tilespmem:s12+$0x60] =	vst v20;
	v23 =	vmul.f32 $5.000000000e-01, v50  }
0x119: {  	v19 =	vsel vm0, v48, v19;
	v12 =	vsel vm0, v15, v12;
	vm10 =	vmand vm8, vm1;
	[tilespmem:s11+$0x60] =	vst v16  }
0x11a: {  	vm9 =	vge.f32 v5, v19;
	v14 =	vsel vm10, v5, v14;
	v52 =	vsel vm10, v17, v18;
	[tilespmem:s10+$0x60] =	vst v23  }
0x11b: {  	vm10 =	veq.f32 v8, v0;
	vm13 =	veq.f32 v22, v0;
	vm14 =	veq.f32 v21, $0.0e+00;
	[tilespmem:s9+$0x60] =	vst v3  }
0x11c: {  	vm6 =	vmand vm14, vm15;
	vm14 =	veq.f32 v33, v0;
	vm2 =	vmand vm12, vm7;
	v55 =	vld [tilespmem:s12+$0x70]  }
0x11d: {  	vm15 =	veq.f32 v33, $0.0e+00;
	vm12 =	veq.f32 v21, v0;
	vm11 =	vmand vm9, vm2;
	v56 =	vld [tilespmem:s11+$0x70]  }
0x11e: {  	vm7 =	vge.f32 v57, v14;
	v5 =	vsel vm11, v5, v19;
	v19 =	vadd.f32 $5.000000000e-01, v54  }
0x11f: {  	vm0 =	vmand vm12, vm13;
	vm12 =	veq.f32 v7, v0;
	vm13 =	veq.f32 v7, $0.0e+00  }
0x120: {  	vm0 =	vmand vm7, vm0;
	v12 =	vsel vm11, v17, v12;
	v58 =	vmul.f32 $1.600000000e+01, v19  }
0x121: {  	vm11 =	veq.f32 v8, $0.0e+00;
	vm8 =	vge.f32 v57, v5;
	v14 =	vsel vm0, v57, v14  }
0x122: {  	v8 =	vadd.f32 v58, v1;
	v59 =	vmul.f32 $1.600000000e+01, v55;
	v60 =	vmul.f32 $1.600000000e+01, v56  }
0x123: {  	vm1 =	vmand vm11, vm13;
	vm13 =	veq.f32 v34, $0.0e+00;
	vm9 =	vmand vm8, vm6  }
0x124: {  	vm7 =	vge.f32 v35, v14;
	v7 =	vadd.f32 v59, v8;
	v8 =	vadd.f32 v60, v8  }
0x125: {  	v5 =	vsel vm9, v57, v5;
	v57 =	vsel vm0, v27, v52;
	v12 =	vsel vm9, v27, v12  }
0x126: {  	vm0 =	vmand vm10, vm12;
	vm8 =	vlt.f32 v7, $0.0e+00;
	vm9 =	vlt.f32 v8, $0.0e+00  }
0x127: {  	vm12 =	veq.f32 v34, v0;
	v7 =	vsel vm8, $0x0, v7;
	v8 =	vsel vm9, $0x0, v8  }
0x128: {  	vm0 =	vmand vm7, vm0;
	vm11 =	vgt.f32 v7, v0;
	vm3 =	vgt.f32 v8, v0  }
0x129: {  	vm10 =	vge.f32 v35, v5;
	v7 =	vsel vm11, v0, v7;
	v8 =	vsel vm3, v0, v8  }
0x12a: {  	vm2 =	vmand vm14, vm12;
	vm12 =	veq.f32 v16, v0;
	v61 =	vadd.f32 v8, v7  }
0x12b: {  	vm1 =	vmand vm10, vm1;
	v14 =	vsel vm0, v35, v14;
	v10 =	vsel vm0, v4, v57  }
0x12c: {  	v62 =	vld [tilespmem:s7+$0x60];
	vm10 =	veq.f32 v20, v0;
	vm14 =	vge.f32 v51, v14;
	[tilespmem:s12+$0x70] =	vst v7;
	v11 =	vmul.f32 $5.000000000e-01, v61  }
0x12d: {  	v5 =	vsel vm1, v35, v5;
	v4 =	vsel vm1, v4, v12;
	vm8 =	vmand vm14, vm2;
	[tilespmem:s11+$0x70] =	vst v8  }
0x12e: {  	vm14 =	veq.f32 v16, $0.0e+00;
	v63 =	vsel vm8, v51, v14;
	v10 =	vsel vm8, v6, v10;
	[tilespmem:s10+$0x70] =	vst v11  }
0x12f: {  	vm3 =	vmand vm15, vm13;
	vm15 =	vge.f32 v51, v5;
	vm11 =	veq.f32 v20, $0.0e+00;
	[tilespmem:s9+$0x70] =	vst v3  }
0x130: {  	vm13 =	vmand vm10, vm12;
	vm9 =	vmand vm15, vm3;
	vm1 =	vmand vm11, vm14;
	v11 =	vld [tilespmem:s7+$0x70]  }
0x131: {  	vm15 =	vge.f32 v62, v63;
	vm10 =	veq.f32 v7, $0.0e+00;
	vm11 =	veq.f32 v8, v0  }
0x132: {  	vm12 =	veq.f32 v8, $0.0e+00;
	v5 =	vsel vm9, v51, v5;
	v4 =	vsel vm9, v6, v4  }
0x133: {  	p0 =	sne.s32 s8, $0x13F0;
	vm0 =	vmand vm15, vm13;
	vm9 =	veq.f32 v7, v0;
	vm8 =	vge.f32 v62, v5  }
.Ltmp1:
0x134: {  	v6 =	vsel vm0, v62, v63;
	v7 =	vsel vm0, v38, v10;
	vm1 =	vmand vm8, vm1;
	(pc) =	sbr.rel @p0 .LBB2_2-.Ltmp1, $4  }
0x135: {  	vm0 =	vmand vm9, vm11;
	v5 =	vsel vm1, v62, v5;
	vm13 =	vge.f32 v11, v6  }
0x136: {  	vm2 =	vmand vm10, vm12;
	vm14 =	vge.f32 v11, v5;
	vm0 =	vmand vm13, vm0  }
0x137: {  	s8 =	sadd.s32 $0x100, s8;
	s12 =	sadd.s32 $0x100, s12;
	s11 =	sadd.s32 $0x100, s11;
	v4 =	vsel vm1, v38, v4;
	vm15 =	vmand vm14, vm2;
	v6 =	vsel vm0, v11, v6  }
0x138: {  	s10 =	sadd.s32 $0x100, s10;
	s9 =	sadd.s32 $0x100, s9;
	s7 =	sadd.s32 $0x100, s7;
	v7 =	vsel vm0, v53, v7;
	v5 =	vsel vm15, v11, v5;
	v4 =	vsel vm15, v53, v4  }
0x139: {  	(xrf0) =	vmax.scan.msk.f32 $0xffff, v6;
	_ =	sdelay $0x5  }
0x13a: {  	v1, _, _ =	vpop (xrf0)  }
0x13b: {  	v1 =	vbroadcast v1, $0xF;
	_ =	sdelay $0x1  }
0x13c: {  	vm0 =	veq.f32 v6, v1;
	v1 =	vxor.u32 $0x80000000, v7  }
0x13d: {  	v1 =	vnsel vm0, $0x7FFFFFFF, v1  }
0x13e: {  	(xrf0) =	vmax.scan.msk.u32 $0xffff, v1  }
0x13f: {  	(xrf0) =	vmax.scan.msk.f32 $0xffff, v5;
	_ =	sdelay $0x4  }
0x140: {  	v1, _, _ =	vpop (xrf0)  }
0x141: {  	v2, _, _ =	vpop (xrf0)  }
0x142: {  	v2 =	vbroadcast v2, $0xF;
	_ =	sdelay $0x1  }
0x143: {  	vm0 =	veq.f32 v5, v2;
	v2 =	vxor.u32 $0x80000000, v4  }
0x144: {  	v2 =	vnsel vm0, $0x7FFFFFFF, v2  }
0x145: {  	(xrf0) =	vmax.scan.msk.u32 $0xffff, v2;
	_ =	sdelay $0x5  }
0x146: {  	(v2sf) =	vpush v1, $0xF;
	v1, _, _ =	vpop (xrf0)  }
0x147: {  	(v2sf) =	vpush v1, $0xF;
	_ =	sdelay $0xd  }
0x148: {  	s7 =	spop (v2sf)  }
0x149: {  	s8 =	simm.s32 $0x5000;
	v3 =	vlaneseq.u32;
	vm4 =	vmmov $0xf;
	vm5 =	vmmov $0x1f;
	s31 =	spop (v2sf)  }
0x14a: {  	s11 =	simm.s32 $0x2880;
	vm11 =	vmmov $0x7ff;
	vm12 =	vmmov $0xfff;
	vm13 =	vmmov $0x1fff;
	s9 =	sxor.u32 $0x80000000, s7;
	s10 =	sxor.u32 $0x80000000, s31  }
0x14b: {  	vm14 =	vmmov $0x3fff;
	s7 =	simm.s32 $0xF0;
	v1 =	vmov s9;
	s9 =	simm.s32 $0x80;
	v2 =	vmov s10;
	s10 =	simm.s32 $0x3C80  }
.LBB2_4:
0x14c: {  	v4 =	vld [tilespmem:s11+$0xFFFFFF80]  }
0x14d: {  	v5 =	vld [tilespmem:s10+$0xFFFFFF80];
	_ =	sdelay $0x3  }
0x14e: {  	s12 =	sadd.s32 $0xFFFFFF10, s7  }
0x14f: {  	v7 =	vld [tilespmem:s9+$0xFFFFFF80];
	v6 =	vor.u32 s12, v3;
	vm0 =	veq.f32 v4, v0;
	vm1 =	veq.f32 v5, v0  }
0x150: {  	vm2 =	veq.f32 v5, $0.0e+00;
	vm0 =	vmand vm0, vm1;
	vm1 =	veq.f32 v4, $0.0e+00  }
0x151: {  	vm3 =	vne.s32 v6, v2;
	vm1 =	vmand vm1, vm2;
	vm2 =	vne.s32 v6, v1  }
0x152: {  	vm0 =	vmand vm2, vm0;
	vm1 =	vmand vm3, vm1  }
0x153: {  	vm0 =	vmor vm0, vm1  }
0x154: {  	v4 =	vsel vm0, $0xBF800000, v7  }
0x155: {  	[tilespmem:s9+$0xFFFFFF80] =	vst v4  }
0x156: {  	v5 =	vld [tilespmem:s11+$0xFFFFFF90]  }
0x157: {  	v31 =	vld [tilespmem:s10+$0xFFFFFF90];
	_ =	sdelay $0x3  }
0x158: {  	s17 =	sadd.s32 $0xFFFFFF20, s7  }
0x159: {  	v8 =	vld [tilespmem:s9+$0xFFFFFF90];
	v32 =	vor.u32 s17, v3;
	vm0 =	veq.f32 v5, v0;
	vm1 =	veq.f32 v31, v0  }
0x15a: {  	vm2 =	veq.f32 v31, $0.0e+00;
	vm0 =	vmand vm0, vm1;
	vm1 =	veq.f32 v5, $0.0e+00  }
0x15b: {  	vm3 =	vne.s32 v32, v2;
	vm1 =	vmand vm1, vm2;
	vm2 =	vne.s32 v32, v1  }
0x15c: {  	vm0 =	vmand vm2, vm0;
	vm1 =	vmand vm3, vm1  }
0x15d: {  	vm0 =	vmor vm0, vm1  }
0x15e: {  	v5 =	vsel vm0, $0xBF800000, v8  }
0x15f: {  	[tilespmem:s9+$0xFFFFFF90] =	vst v5  }
0x160: {  	v33 =	vld [tilespmem:s11+$0xFFFFFFA0]  }
0x161: {  	v34 =	vld [tilespmem:s10+$0xFFFFFFA0];
	_ =	sdelay $0x3  }
0x162: {  	s18 =	sadd.s32 $0xFFFFFF30, s7  }
0x163: {  	v9 =	vld [tilespmem:s9+$0xFFFFFFA0];
	v35 =	vor.u32 s18, v3;
	vm0 =	veq.f32 v33, v0;
	vm1 =	veq.f32 v34, v0  }
0x164: {  	vm2 =	veq.f32 v34, $0.0e+00;
	vm0 =	vmand vm0, vm1;
	vm1 =	veq.f32 v33, $0.0e+00  }
0x165: {  	vm3 =	vne.s32 v35, v2;
	vm1 =	vmand vm1, vm2;
	vm2 =	vne.s32 v35, v1  }
0x166: {  	vm0 =	vmand vm2, vm0;
	vm1 =	vmand vm3, vm1  }
0x167: {  	vm0 =	vmor vm0, vm1  }
0x168: {  	v6 =	vsel vm0, $0xBF800000, v9  }
0x169: {  	[tilespmem:s9+$0xFFFFFFA0] =	vst v6  }
0x16a: {  	v36 =	vld [tilespmem:s11+$0xFFFFFFB0]  }
0x16b: {  	v37 =	vld [tilespmem:s10+$0xFFFFFFB0];
	_ =	sdelay $0x3  }
0x16c: {  	s19 =	sadd.s32 $0xFFFFFF40, s7  }
0x16d: {  	v10 =	vld [tilespmem:s9+$0xFFFFFFB0];
	v38 =	vor.u32 s19, v3;
	vm0 =	veq.f32 v36, v0;
	vm1 =	veq.f32 v37, v0  }
0x16e: {  	vm2 =	veq.f32 v37, $0.0e+00;
	vm0 =	vmand vm0, vm1;
	vm1 =	veq.f32 v36, $0.0e+00  }
0x16f: {  	vm3 =	vne.s32 v38, v2;
	vm1 =	vmand vm1, vm2;
	vm2 =	vne.s32 v38, v1  }
0x170: {  	vm0 =	vmand vm2, vm0;
	vm1 =	vmand vm3, vm1  }
0x171: {  	vm0 =	vmor vm0, vm1  }
0x172: {  	v39 =	vsel vm0, $0xBF800000, v10  }
0x173: {  	[tilespmem:s9+$0xFFFFFFB0] =	vst v39  }
0x174: {  	v40 =	vld [tilespmem:s11+$0xFFFFFFC0]  }
0x175: {  	v41 =	vld [tilespmem:s10+$0xFFFFFFC0];
	_ =	sdelay $0x3  }
0x176: {  	s20 =	sadd.s32 $0xFFFFFF50, s7  }
0x177: {  	v11 =	vld [tilespmem:s9+$0xFFFFFFC0];
	v42 =	vor.u32 s20, v3;
	vm0 =	veq.f32 v40, v0;
	vm1 =	veq.f32 v41, v0  }
0x178: {  	vm2 =	veq.f32 v41, $0.0e+00;
	vm0 =	vmand vm0, vm1;
	vm1 =	veq.f32 v40, $0.0e+00  }
0x179: {  	vm3 =	vne.s32 v42, v2;
	vm1 =	vmand vm1, vm2;
	vm2 =	vne.s32 v42, v1  }
0x17a: {  	vm0 =	vmand vm2, vm0;
	vm1 =	vmand vm3, vm1  }
0x17b: {  	vm0 =	vmor vm0, vm1  }
0x17c: {  	v43 =	vsel vm0, $0xBF800000, v11  }
0x17d: {  	[tilespmem:s9+$0xFFFFFFC0] =	vst v43  }
0x17e: {  	v44 =	vld [tilespmem:s11+$0xFFFFFFD0]  }
0x17f: {  	v45 =	vld [tilespmem:s10+$0xFFFFFFD0];
	_ =	sdelay $0x3  }
0x180: {  	s21 =	sadd.s32 $0xFFFFFF60, s7  }
0x181: {  	v12 =	vld [tilespmem:s9+$0xFFFFFFD0];
	v46 =	vor.u32 s21, v3;
	vm0 =	veq.f32 v44, v0;
	vm1 =	veq.f32 v45, v0  }
0x182: {  	vm2 =	veq.f32 v45, $0.0e+00;
	vm0 =	vmand vm0, vm1;
	vm1 =	veq.f32 v44, $0.0e+00  }
0x183: {  	vm3 =	vne.s32 v46, v2;
	vm1 =	vmand vm1, vm2;
	vm2 =	vne.s32 v46, v1  }
0x184: {  	vm0 =	vmand vm2, vm0;
	vm1 =	vmand vm3, vm1  }
0x185: {  	vm0 =	vmor vm0, vm1  }
0x186: {  	v47 =	vsel vm0, $0xBF800000, v12  }
0x187: {  	[tilespmem:s9+$0xFFFFFFD0] =	vst v47  }
0x188: {  	v48 =	vld [tilespmem:s11+$0xFFFFFFE0]  }
0x189: {  	v49 =	vld [tilespmem:s10+$0xFFFFFFE0];
	_ =	sdelay $0x3  }
0x18a: {  	s22 =	sadd.s32 $0xFFFFFF70, s7  }
0x18b: {  	v13 =	vld [tilespmem:s9+$0xFFFFFFE0];
	v50 =	vor.u32 s22, v3;
	vm0 =	veq.f32 v48, v0;
	vm1 =	veq.f32 v49, v0  }
0x18c: {  	vm2 =	veq.f32 v49, $0.0e+00;
	vm0 =	vmand vm0, vm1;
	vm1 =	veq.f32 v48, $0.0e+00  }
0x18d: {  	vm3 =	vne.s32 v50, v2;
	vm1 =	vmand vm1, vm2;
	vm2 =	vne.s32 v50, v1  }
0x18e: {  	vm0 =	vmand vm2, vm0;
	vm1 =	vmand vm3, vm1  }
0x18f: {  	vm0 =	vmor vm0, vm1  }
0x190: {  	v51 =	vsel vm0, $0xBF800000, v13  }
0x191: {  	[tilespmem:s9+$0xFFFFFFE0] =	vst v51  }
0x192: {  	v52 =	vld [tilespmem:s11+$0xFFFFFFF0]  }
0x193: {  	v53 =	vld [tilespmem:s10+$0xFFFFFFF0];
	_ =	sdelay $0x3  }
0x194: {  	s23 =	sadd.s32 $0xFFFFFF80, s7  }
0x195: {  	v14 =	vld [tilespmem:s9+$0xFFFFFFF0];
	v54 =	vor.u32 s23, v3;
	vm0 =	veq.f32 v52, v0;
	vm1 =	veq.f32 v53, v0  }
0x196: {  	vm2 =	veq.f32 v53, $0.0e+00;
	vm0 =	vmand vm0, vm1;
	vm1 =	veq.f32 v52, $0.0e+00  }
0x197: {  	vm3 =	vne.s32 v54, v2;
	vm1 =	vmand vm1, vm2;
	vm2 =	vne.s32 v54, v1  }
0x198: {  	vm0 =	vmand vm2, vm0;
	vm1 =	vmand vm3, vm1  }
0x199: {  	vm0 =	vmor vm0, vm1  }
0x19a: {  	v55 =	vsel vm0, $0xBF800000, v14  }
0x19b: {  	[tilespmem:s9+$0xFFFFFFF0] =	vst v55  }
0x19c: {  	v56 =	vld [tilespmem:s11+$0x0]  }
0x19d: {  	v57 =	vld [tilespmem:s10+$0x0];
	_ =	sdelay $0x3  }
0x19e: {  	s24 =	sadd.s32 $0xFFFFFF90, s7  }
0x19f: {  	v15 =	vld [tilespmem:s9+$0x0];
	v58 =	vor.u32 s24, v3;
	vm0 =	veq.f32 v56, v0;
	vm1 =	veq.f32 v57, v0  }
0x1a0: {  	vm2 =	veq.f32 v57, $0.0e+00;
	vm0 =	vmand vm0, vm1;
	vm1 =	veq.f32 v56, $0.0e+00  }
0x1a1: {  	vm3 =	vne.s32 v58, v2;
	vm1 =	vmand vm1, vm2;
	vm2 =	vne.s32 v58, v1  }
0x1a2: {  	vm0 =	vmand vm2, vm0;
	vm1 =	vmand vm3, vm1  }
0x1a3: {  	vm0 =	vmor vm0, vm1  }
0x1a4: {  	v59 =	vsel vm0, $0xBF800000, v15  }
0x1a5: {  	[tilespmem:s9+$0x0] =	vst v59  }
0x1a6: {  	v60 =	vld [tilespmem:s11+$0x10]  }
0x1a7: {  	v61 =	vld [tilespmem:s10+$0x10];
	_ =	sdelay $0x3  }
0x1a8: {  	s25 =	sadd.s32 $0xFFFFFFA0, s7  }
0x1a9: {  	v16 =	vld [tilespmem:s9+$0x10];
	v62 =	vor.u32 s25, v3;
	vm0 =	veq.f32 v60, v0;
	vm1 =	veq.f32 v61, v0  }
0x1aa: {  	vm2 =	veq.f32 v61, $0.0e+00;
	vm0 =	vmand vm0, vm1;
	vm1 =	veq.f32 v60, $0.0e+00  }
0x1ab: {  	vm3 =	vne.s32 v62, v2;
	vm1 =	vmand vm1, vm2;
	vm2 =	vne.s32 v62, v1  }
0x1ac: {  	vm0 =	vmand vm2, vm0;
	vm1 =	vmand vm3, vm1  }
0x1ad: {  	vm0 =	vmor vm0, vm1  }
0x1ae: {  	v63 =	vsel vm0, $0xBF800000, v16  }
0x1af: {  	[tilespmem:s9+$0x10] =	vst v63  }
0x1b0: {  	v21 =	vld [tilespmem:s11+$0x20]  }
0x1b1: {  	v22 =	vld [tilespmem:s10+$0x20];
	_ =	sdelay $0x3  }
0x1b2: {  	s26 =	sadd.s32 $0xFFFFFFB0, s7  }
0x1b3: {  	v17 =	vld [tilespmem:s9+$0x20];
	v23 =	vor.u32 s26, v3;
	vm0 =	veq.f32 v21, v0;
	vm1 =	veq.f32 v22, v0  }
0x1b4: {  	vm2 =	veq.f32 v22, $0.0e+00;
	vm0 =	vmand vm0, vm1;
	vm1 =	veq.f32 v21, $0.0e+00  }
0x1b5: {  	vm3 =	vne.s32 v23, v2;
	vm1 =	vmand vm1, vm2;
	vm2 =	vne.s32 v23, v1  }
0x1b6: {  	vm0 =	vmand vm2, vm0;
	vm1 =	vmand vm3, vm1  }
0x1b7: {  	vm0 =	vmor vm0, vm1  }
0x1b8: {  	v24 =	vsel vm0, $0xBF800000, v17  }
0x1b9: {  	[tilespmem:s9+$0x20] =	vst v24  }
0x1ba: {  	v25 =	vld [tilespmem:s11+$0x30]  }
0x1bb: {  	v26 =	vld [tilespmem:s10+$0x30];
	_ =	sdelay $0x3  }
0x1bc: {  	s28 =	sadd.s32 $0xFFFFFFC0, s7  }
0x1bd: {  	v18 =	vld [tilespmem:s9+$0x30];
	v27 =	vor.u32 s28, v3;
	vm0 =	veq.f32 v25, v0;
	vm1 =	veq.f32 v26, v0  }
0x1be: {  	vm2 =	veq.f32 v26, $0.0e+00;
	vm0 =	vmand vm0, vm1;
	vm1 =	veq.f32 v25, $0.0e+00  }
0x1bf: {  	vm3 =	vne.s32 v27, v2;
	vm1 =	vmand vm1, vm2;
	vm2 =	vne.s32 v27, v1  }
0x1c0: {  	vm0 =	vmand vm2, vm0;
	vm1 =	vmand vm3, vm1  }
0x1c1: {  	vm0 =	vmor vm0, vm1  }
0x1c2: {  	v28 =	vsel vm0, $0xBF800000, v18  }
0x1c3: {  	[tilespmem:s9+$0x30] =	vst v28  }
0x1c4: {  	v29 =	vld [tilespmem:s11+$0x40]  }
0x1c5: {  	v30 =	vld [tilespmem:s10+$0x40];
	_ =	sdelay $0x3  }
0x1c6: {  	s29 =	sadd.s32 $0xFFFFFFD0, s7  }
0x1c7: {  	v19 =	vld [tilespmem:s9+$0x40];
	v31 =	vor.u32 s29, v3;
	vm0 =	veq.f32 v29, v0;
	vm1 =	veq.f32 v30, v0  }
0x1c8: {  	vm2 =	veq.f32 v30, $0.0e+00;
	vm0 =	vmand vm0, vm1;
	vm1 =	veq.f32 v29, $0.0e+00  }
0x1c9: {  	vm3 =	vne.s32 v31, v2;
	vm1 =	vmand vm1, vm2;
	vm2 =	vne.s32 v31, v1  }
0x1ca: {  	vm0 =	vmand vm2, vm0;
	vm1 =	vmand vm3, vm1  }
0x1cb: {  	vm0 =	vmor vm0, vm1  }
0x1cc: {  	v32 =	vsel vm0, $0xBF800000, v19  }
0x1cd: {  	[tilespmem:s9+$0x40] =	vst v32  }
0x1ce: {  	v33 =	vld [tilespmem:s11+$0x50]  }
0x1cf: {  	v34 =	vld [tilespmem:s10+$0x50];
	_ =	sdelay $0x3  }
0x1d0: {  	s30 =	sadd.s32 $0xFFFFFFE0, s7  }
0x1d1: {  	v35 =	vld [tilespmem:s9+$0x50];
	v36 =	vor.u32 s30, v3;
	vm0 =	veq.f32 v33, v0;
	vm1 =	veq.f32 v34, v0  }
0x1d2: {  	vm2 =	veq.f32 v33, $0.0e+00;
	vm0 =	vmand vm0, vm1;
	vm1 =	veq.f32 v34, $0.0e+00  }
0x1d3: {  	vm3 =	vne.s32 v36, v2;
	vm1 =	vmand vm2, vm1;
	vm2 =	vne.s32 v36, v1  }
0x1d4: {  	vm0 =	vmand vm2, vm0;
	vm1 =	vmand vm3, vm1  }
0x1d5: {  	vm0 =	vmor vm0, vm1  }
0x1d6: {  	v17 =	vsel vm0, $0xBF800000, v35  }
0x1d7: {  	[tilespmem:s9+$0x50] =	vst v17  }
0x1d8: {  	v37 =	vld [tilespmem:s11+$0x60]  }
0x1d9: {  	v38 =	vld [tilespmem:s10+$0x60];
	_ =	sdelay $0x1  }
0x1da: {  	(xrf0) =	vmax.scan.msk.f32 $0xffff, v4  }
0x1db: {  	(xrf0) =	vmax.scan.msk.f32 $0xffff, v5  }
0x1dc: {  	s31 =	sadd.s32 $0xFFFFFFF0, s7;
	(xrf0) =	vmax.scan.msk.f32 $0xffff, v6  }
0x1dd: {  	v4 =	vor.u32 s31, v3;
	v5 =	vld [tilespmem:s9+$0x60];
	(xrf0) =	vmax.scan.msk.f32 $0xffff, v39;
	vm0 =	veq.f32 v37, v0;
	vm1 =	veq.f32 v38, v0  }
0x1de: {  	(xrf0) =	vmax.scan.msk.f32 $0xffff, v43;
	vm2 =	veq.f32 v38, $0.0e+00;
	vm0 =	vmand vm0, vm1;
	vm1 =	veq.f32 v37, $0.0e+00  }
0x1df: {  	(xrf0) =	vmax.scan.msk.f32 $0xffff, v47;
	vm3 =	vne.s32 v4, v2;
	vm1 =	vmand vm1, vm2;
	vm2 =	vne.s32 v4, v1  }
0x1e0: {  	v4, _, _ =	vpop (xrf0);
	(xrf0) =	vmax.scan.msk.f32 $0xffff, v51;
	vm0 =	vmand vm2, vm0;
	vm1 =	vmand vm3, vm1  }
0x1e1: {  	v39, _, _ =	vpop (xrf0);
	vm0 =	vmor vm0, vm1  }
0x1e2: {  	v4 =	vbroadcast v4, $0xF;
	(xrf0) =	vmax.scan.msk.f32 $0xffff, v55;
	v6 =	vbroadcast v39, $0xF;
	v40, _, _ =	vpop (xrf0);
	v5 =	vsel vm0, $0xBF800000, v5  }
0x1e3: {  	vm0 =	vmmov $0x1;
	v7 =	vbroadcast v40, $0xF;
	v41, _, _ =	vpop (xrf0);
	[tilespmem:s9+$0x60] =	vst v5  }
0x1e4: {  	vm2 =	vmmov $0x3;
	v4 =	vsel vm0, v4, v6;
	v42 =	vbroadcast v41, $0xF;
	v43, _, _ =	vpop (xrf0);
	v44 =	vld [tilespmem:s11+$0x70]  }
0x1e5: {  	vm3 =	vmmov $0x7;
	v4 =	vsel vm2, v4, v7;
	v45 =	vbroadcast v43, $0xF;
	v46, _, _ =	vpop (xrf0);
	v47 =	vld [tilespmem:s10+$0x70]  }
0x1e6: {  	v4 =	vsel vm3, v4, v42;
	v48 =	vbroadcast v46, $0xF;
	v49, _, _ =	vpop (xrf0);
	(xrf0) =	vmax.scan.msk.f32 $0xffff, v59  }
0x1e7: {  	v53 =	vor.u32 s7, v3;
	v4 =	vsel vm4, v4, v45;
	v50 =	vbroadcast v49, $0xF;
	(xrf0) =	vmax.scan.msk.f32 $0xffff, v63  }
0x1e8: {  	vm10 =	vne.s32 v53, v2;
	vm1 =	vmmov $0x3f;
	v51, _, _ =	vpop (xrf0);
	v4 =	vsel vm5, v4, v48;
	(xrf0) =	vmax.scan.msk.f32 $0xffff, v24  }
0x1e9: {  	v6 =	vbroadcast v51, $0xF;
	v4 =	vsel vm1, v4, v50;
	(xrf0) =	vmax.scan.msk.f32 $0xffff, v28;
	vm6 =	veq.f32 v44, v0  }
0x1ea: {  	v52 =	vld [tilespmem:s9+$0x70];
	vm7 =	veq.f32 v47, v0;
	vm8 =	veq.f32 v44, $0.0e+00;
	(xrf0) =	vmax.scan.msk.f32 $0xffff, v32;
	vm9 =	veq.f32 v47, $0.0e+00  }
0x1eb: {  	vm7 =	vmand vm6, vm7;
	(xrf0) =	vmax.scan.msk.f32 $0xffff, v17;
	vm8 =	vmand vm8, vm9;
	vm9 =	vne.s32 v53, v1  }
0x1ec: {  	vm6 =	vmmov $0x7f;
	v54, _, _ =	vpop (xrf0);
	vm7 =	vmand vm9, vm7;
	vm8 =	vmand vm10, vm8  }
0x1ed: {  	(xrf0) =	vmax.scan.msk.f32 $0xffff, v5;
	v4 =	vsel vm6, v4, v6;
	vm9 =	vmmov $0x1ff;
	v5, _, _ =	vpop (xrf0);
	v55 =	vbroadcast v54, $0xF  }
0x1ee: {  	vm7 =	vmor vm7, vm8;
	vm8 =	vmmov $0xff;
	v56, _, _ =	vpop (xrf0);
	v5 =	vbroadcast v5, $0xF  }
0x1ef: {  	v7 =	vsel vm7, $0xBF800000, v52;
	v4 =	vsel vm8, v4, v55;
	v57 =	vbroadcast v56, $0xF;
	v58, _, _ =	vpop (xrf0)  }
0x1f0: {  	vm10 =	vmmov $0x3ff;
	(xrf0) =	vmax.scan.msk.f32 $0xffff, v7;
	v59, _, _ =	vpop (xrf0);
	v4 =	vsel vm9, v4, v5;
	v5 =	vbroadcast v58, $0xF  }
0x1f1: {  	v60, _, _ =	vpop (xrf0);
	v4 =	vsel vm10, v4, v57  }
0x1f2: {  	v61 =	vbroadcast v59, $0xF;
	v4 =	vsel vm11, v4, v5;
	v5 =	vbroadcast v60, $0xF  }
0x1f3: {  	p0 =	sne.s32 s7, $0x13F0;
	v62, _, _ =	vpop (xrf0)  }
.Ltmp2:
0x1f4: {  	v4 =	vsel vm12, v4, v61;
	v63 =	vbroadcast v62, $0xF;
	(pc) =	sbr.rel @p0 .LBB2_4-.Ltmp2, $4  }
0x1f5: {  	v4 =	vsel vm13, v4, v5  }
0x1f6: {  	vm7 =	vmmov $0x7fff;
	v4 =	vsel vm14, v4, v63;
	v5, _, _ =	vpop (xrf0)  }
0x1f7: {  	s7 =	sadd.s32 $0x100, s7;
	s10 =	sadd.s32 $0x100, s10;
	[tilespmem:s9+$0x70] =	vst v7;
	v4 =	vsel vm7, v4, v5  }
0x1f8: {  	s11 =	sadd.s32 $0x100, s11;
	s9 =	sadd.s32 $0x100, s9;
	[tilespmem:s8+$0x0] =	vst v4;
	s8 =	sadd.s32 $0x10, s8  }
0x1f9: {  	v0 =	vld [tilespmem:$0x5000]  }
0x1fa: {  	v1 =	vld [tilespmem:$0x5010]  }
0x1fb: {  	v2 =	vld [tilespmem:$0x5020]  }
0x1fc: {  	v3 =	vld [tilespmem:$0x5030]  }
0x1fd: {  	v4 =	vld [tilespmem:$0x5040]  }
0x1fe: {  	(xrf0) =	vmax.scan.msk.f32 $0xffff, v0;
	v0 =	vld [tilespmem:$0x5050]  }
0x1ff: {  	(xrf0) =	vmax.scan.msk.f32 $0xffff, v1;
	v1 =	vld [tilespmem:$0x5060]  }
0x200: {  	(xrf0) =	vmax.scan.msk.f32 $0xffff, v2;
	v2 =	vld [tilespmem:$0x5070]  }
0x201: {  	(xrf0) =	vmax.scan.msk.f32 $0xffff, v3;
	v3 =	vld [tilespmem:$0x5080]  }
0x202: {  	v43 =	vld [tilespmem:$0x5090];
	(xrf0) =	vmax.scan.msk.f32 $0xffff, v4  }
0x203: {  	(xrf0) =	vmax.scan.msk.f32 $0xffff, v0;
	v0 =	vld [tilespmem:$0x50A0]  }
0x204: {  	v5, _, _ =	vpop (xrf0);
	(xrf0) =	vmax.scan.msk.f32 $0xffff, v1;
	v1 =	vld [tilespmem:$0x50B0]  }
0x205: {  	v6, _, _ =	vpop (xrf0);
	(xrf0) =	vmax.scan.msk.f32 $0xffff, v2;
	v2 =	vld [tilespmem:$0x50C0]  }
0x206: {  	v7, _, _ =	vpop (xrf0);
	(xrf0) =	vmax.scan.msk.f32 $0xffff, v3;
	v3 =	vld [tilespmem:$0x50D0]  }
0x207: {  	v44 =	vld [tilespmem:$0x50E0];
	v8, _, _ =	vpop (xrf0);
	(xrf0) =	vmax.scan.msk.f32 $0xffff, v43  }
0x208: {  	v9, _, _ =	vpop (xrf0);
	(xrf0) =	vmax.scan.msk.f32 $0xffff, v0;
	v0 =	vld [tilespmem:$0x50F0]  }
0x209: {  	v5 =	vbroadcast v5, $0xF;
	v6 =	vbroadcast v6, $0xF;
	v46, _, _ =	vpop (xrf0);
	(xrf0) =	vmax.scan.msk.f32 $0xffff, v1;
	v1 =	vld [tilespmem:$0x5100]  }
0x20a: {  	v7 =	vbroadcast v7, $0xF;
	v48, _, _ =	vpop (xrf0);
	(xrf0) =	vmax.scan.msk.f32 $0xffff, v2  }
0x20b: {  	v5 =	vsel vm0, v5, v6;
	v45 =	vbroadcast v8, $0xF;
	v50, _, _ =	vpop (xrf0);
	(xrf0) =	vmax.scan.msk.f32 $0xffff, v3  }
0x20c: {  	v5 =	vsel vm2, v5, v7;
	v47 =	vbroadcast v9, $0xF;
	v2 =	vld [tilespmem:$0x5110];
	v52, _, _ =	vpop (xrf0);
	(xrf0) =	vmax.scan.msk.f32 $0xffff, v44  }
0x20d: {  	v5 =	vsel vm3, v5, v45;
	v49 =	vbroadcast v46, $0xF;
	v3 =	vld [tilespmem:$0x5120];
	v54, _, _ =	vpop (xrf0);
	(xrf0) =	vmax.scan.msk.f32 $0xffff, v0  }
0x20e: {  	v5 =	vsel vm4, v5, v47;
	v51 =	vbroadcast v48, $0xF;
	v55, _, _ =	vpop (xrf0);
	(xrf0) =	vmax.scan.msk.f32 $0xffff, v1;
	v1 =	vbroadcast v52, $0xF  }
0x20f: {  	v5 =	vsel vm5, v5, v49;
	v0 =	vbroadcast v50, $0xF  }
0x210: {  	v53 =	vld [tilespmem:$0x5130];
	v5 =	vsel vm1, v5, v51  }
0x211: {  	v0 =	vsel vm6, v5, v0;
	v56, _, _ =	vpop (xrf0);
	(xrf0) =	vmax.scan.msk.f32 $0xffff, v2;
	v2 =	vbroadcast v54, $0xF  }
0x212: {  	v0 =	vsel vm8, v0, v1;
	v1, _, _ =	vpop (xrf0);
	(xrf0) =	vmax.scan.msk.f32 $0xffff, v3;
	v3 =	vbroadcast v55, $0xF  }
0x213: {  	v0 =	vsel vm9, v0, v2;
	v2 =	vbroadcast v56, $0xF  }
0x214: {  	v57, _, _ =	vpop (xrf0);
	v1 =	vbroadcast v1, $0xF;
	v0 =	vsel vm10, v0, v3  }
0x215: {  	(xrf0) =	vmax.scan.msk.f32 $0xffff, v53;
	v58, _, _ =	vpop (xrf0);
	v0 =	vsel vm11, v0, v2;
	v2 =	vbroadcast v57, $0xF  }
0x216: {  	v0 =	vsel vm12, v0, v1;
	v1 =	vbroadcast v58, $0xF  }
0x217: {  	v3, _, _ =	vpop (xrf0);
	v0 =	vsel vm13, v0, v2  }
0x218: {  	v59, _, _ =	vpop (xrf0);
	v0 =	vsel vm14, v0, v1  }
0x219: {  	v60, _, _ =	vpop (xrf0);
	v2 =	vbroadcast v59, $0xF;
	v0 =	vsel vm7, v0, v3  }
0x21a: {  	v61, _, _ =	vpop (xrf0);
	v1 =	vbroadcast v60, $0xF;
	[tilespmem:$0x5180] =	vst v0;
	v0 =	vimm.f32 $1.000000020e+30  }
0x21b: {  	vm13 =	vcmask $0x310;
	v2 =	vnsel vm0, $0xFF61B1E6, v2;
	v62 =	vbroadcast v61, $0xF;
	v63, _, _ =	vpop (xrf0);
	[tilespmem:$0x5200] =	vst v0  }
0x21c: {  	vm14 =	vcmask $0x710;
	v1 =	vsel vm13, v2, v1;
	v2 =	vbroadcast v63, $0xF;
	[tilespmem:$0x5210] =	vst v0  }
0x21d: {  	vm15 =	vcmask $0xB10;
	[tilespmem:$0x5220] =	vst v0;
	v1 =	vsel vm14, v1, v62  }
0x21e: {  	[tilespmem:$0x5230] =	vst v0;
	v1 =	vsel vm15, v1, v2  }
0x21f: {  	[tilespmem:$0x5190] =	vst v1;
	v1 =	vimm.f32 $0.0e+00  }
0x220: {  	[tilespmem:$0x5280] =	vst v1  }
0x221: {  	[tilespmem:$0x5300] =	vst v1  }
0x222: {  	[tilespmem:$0x5380] =	vst v1  }
0x223: {  	[tilespmem:$0x5400] =	vst v1  }
0x224: {  	[tilespmem:$0x5290] =	vst v1  }
0x225: {  	[tilespmem:$0x5310] =	vst v1  }
0x226: {  	[tilespmem:$0x5390] =	vst v1  }
0x227: {  	[tilespmem:$0x5410] =	vst v1  }
0x228: {  	[tilespmem:$0x52A0] =	vst v1  }
0x229: {  	[tilespmem:$0x5320] =	vst v1  }
0x22a: {  	[tilespmem:$0x53A0] =	vst v1  }
.Ltmp3:
0x22b: {  	[tilespmem:$0x5420] =	vst v1;
	(pc) =	sbr.rel .LBB2_6-.Ltmp3, $4  }
0x22c: {  	[tilespmem:$0x52B0] =	vst v1  }
0x22d: {  	[tilespmem:$0x5330] =	vst v1  }
0x22e: {  	[tilespmem:$0x53B0] =	vst v1  }
0x22f: {  	s7 =	simm.s32 $0x0;
	v0 =	vlaneseq.u32;
	[tilespmem:$0x5430] =	vst v1  }
.LBB2_8:
0x230: {  	s8 =	simm.s32 $0x1  }
0x231: {  	s8 =	simm.s32 @!p1 $0x0  }
0x232: {  	s7 =	sadd.s32 s8, s7  }
0x233: {  	p1 =	slt.u32 @p0 s7, $0x32  }
0x234: {  	p0 =	por !p0, !p1  }
.Ltmp4:
0x235: {  	_ = 	snop;
	(pc) =	sbr.rel @p0 .LBB2_9-.Ltmp4, $1  }
0x236: {  	_ =	sdelay $0x3  }
.LBB2_6:
0x237: {  	v1 =	vld [tilespmem:$0x5180]  }
0x238: {  	v2 =	vld [tilespmem:$0x5190];
	_ =	sdelay $0x4  }
0x239: {  	vm0 =	vge.f32 v2, v1  }
0x23a: {  	v1 =	vsel vm0, v2, v1  }
0x23b: {  	(xrf0) =	vmax.scan.msk.f32 $0xffff, v1;
	_ =	sdelay $0x5  }
0x23c: {  	v2, _, _ =	vpop (xrf0)  }
0x23d: {  	v3 =	vbroadcast v2, $0xF  }
0x23e: {  	v4 =	vor.u32 $0x80000000, v0;
	v5 =	vor.u32 $0x80000010, v0  }
0x23f: {  	vm1 =	veq.f32 v1, v3;
	v1 =	vsel vm0, v5, v4  }
0x240: {  	v1 =	vnsel vm1, $0x7FFFFFFF, v1  }
0x241: {  	(xrf0) =	vmax.scan.msk.u32 $0xffff, v1;
	_ =	sdelay $0x5  }
0x242: {  	(v2sf) =	vpush v2, $0xF;
	v1, _, _ =	vpop (xrf0)  }
0x243: {  	(v2sf) =	vpush v1, $0xF;
	_ =	sdelay $0xd  }
0x244: {  	s8 =	spop (v2sf)  }
0x245: {  	s9 =	spop (v2sf)  }
0x246: {  	s10 =	sshll.u32 s9, $0x4  }
0x247: {  	v2 =	vld [tilespmem:s10+$0x5000];
	_ =	sdelay $0x4  }
0x248: {  	vm9 =	veq.f32 v2, v3  }
0x249: {  	v1 =	vnsel vm9, $0x7FFFFFFF, v4  }
0x24a: {  	(xrf0) =	vmax.scan.msk.u32 $0xffff, v1;
	_ =	sdelay $0x5  }
0x24b: {  	v1, _, _ =	vpop (xrf0)  }
0x24c: {  	(v2sf) =	vpush v1, $0xF;
	_ =	sdelay $0xe  }
0x24d: {  	s12 =	spop (v2sf)  }
0x24e: {  	s11 =	sadd.s32 s12, s10  }
0x24f: {  	s11 =	sshll.u32 s11, $0x4  }
0x250: {  	v49 =	vld [tilespmem:s11+$0x0];
	_ =	sdelay $0x4  }
0x251: {  	vm10 =	veq.f32 v49, v3  }
0x252: {  	v1 =	vnsel vm10, $0x7FFFFFFF, v4  }
0x253: {  	(xrf0) =	vmax.scan.msk.u32 $0xffff, v1;
	_ =	sdelay $0x5  }
0x254: {  	v1, _, _ =	vpop (xrf0)  }
0x255: {  	(v2sf) =	vpush v1, $0xF;
	_ =	sdelay $0xd  }
0x256: {  	v1 =	vld [tilespmem:s11+$0x1400]  }
0x257: {  	s13 =	spop (v2sf)  }
0x258: {  	s13 =	sxor.u32 $0x80000000, s13  }
0x259: {  	v3 =	vmov s13  }
0x25a: {  	vm11 =	veq.s32 v3, v0  }
0x25b: {  	v1 =	vnsel vm11, $0xFF61B1E6, v1  }
0x25c: {  	(xrf0) =	vmax.scan.msk.f32 $0xffff, v1;
	_ =	sdelay $0x1  }
0x25d: {  	v50 =	vld [tilespmem:$0x5210]  }
0x25e: {  	v6 =	vld [tilespmem:$0x5220]  }
0x25f: {  	v3 =	vld [tilespmem:$0x5200]  }
0x260: {  	v7 =	vld [tilespmem:$0x5230]  }
0x261: {  	v9 =	vld [tilespmem:s11+$0x2800];
	v8, _, _ =	vpop (xrf0)  }
0x262: {  	v1 =	vbroadcast v8, $0xF  }
0x263: {  	v10 =	vld [tilespmem:s11+$0x3C00]  }
0x264: {  	v3 =	vsub.f32 v3, v1;
	v4 =	vsub.f32 v50, v1  }
0x265: {  	v6 =	vsub.f32 v6, v1;
	v7 =	vsub.f32 v7, v1  }
0x266: {  	v9 =	vnsel vm11, $0xFF61B1E6, v9;
	v3 =	vand.u32 $0x7FFFFFFF, v3  }
0x267: {  	(xrf0) =	vmax.scan.msk.f32 $0xffff, v9;
	v4 =	vand.u32 $0x7FFFFFFF, v4;
	v6 =	vand.u32 $0x7FFFFFFF, v6;
	v7 =	vand.u32 $0x7FFFFFFF, v7  }
0x268: {  	v52 =	vnsel vm11, $0xFF61B1E6, v10;
	v3 =	vmin.f32 v3, v4;
	v51 =	vmin.f32 v6, v7  }
0x269: {  	p0 =	sge.f32 s8, $6.999999880e-01;
	(xrf0) =	vmax.scan.msk.f32 $0xffff, v52;
	(v2sf) =	vpush v8, $0xF;
	v3 =	vmin.f32 v3, v51  }
0x26a: {  	s13 =	smov.u32 s8;
	(xrf0) =	vmin.scan.msk.f32 $0xffff, v3  }
0x26b: {  	s13 =	simm.s32 @p0 $0xBF800000  }
0x26c: {  	v3 =	vsel vm11, s13, v49  }
0x26d: {  	v53, _, _ =	vpop (xrf0);
	(xrf0) =	vmax.scan.msk.f32 $0xffff, v3;
	_ =	sdelay $0x1  }
0x26e: {  	s18 =	sxor.u32 $0x80000000, s9;
	v54, _, _ =	vpop (xrf0);
	(v2sf) =	vpush v53, $0xF  }
0x26f: {  	s14 =	sshra.s32 s18, $0x1F;
	(v2sf) =	vpush v54, $0xF;
	v55, _, _ =	vpop (xrf0)  }
0x270: {  	s14 =	sshrl.u32 s14, $0x1C;
	(v2sf) =	vpush v55, $0xF  }
0x271: {  	p2 =	sgt.s32 s9, $0xFFFFFFFF;
	s14 =	sadd.s32 s14, s18  }
0x272: {  	p1 =	slt.s32 s18, $0x1;
	s15 =	sand.u32 $0xFFFFFFF0, s14;
	s12 =	sxor.u32 $0x80000000, s12;
	v56, _, _ =	vpop (xrf0)  }
0x273: {  	p1 =	por p2, p1;
	p3 =	sne.s32 s18, s15;
	v57 =	vmov s12;
	v4 =	vbroadcast v56, $0xF  }
0x274: {  	p1 =	por !p1, !p3;
	vm12 =	veq.s32 v57, v0  }
0x275: {  	p1 =	por !p1, !p1;
	s12 =	simm.s32 $0x1;
	v2 =	vsel vm12, v4, v2  }
0x276: {  	s19 =	sshrl.u32 s14, $0x4;
	s12 =	simm.s32 @!p1 $0x0;
	(xrf0) =	vmax.scan.msk.f32 $0xffff, v2  }
0x277: {  	s12 =	ssub.s32 s19, s12;
	s14 =	spop (v2sf)  }
0x278: {  	s20 =	sshll.u32 s12, $0x6;
	[tilespmem:s11+$0x0] =	vst v3;
	s21 =	smul.f32 $6.250000000e-02, s14  }
0x279: {  	s22 =	sshra.s32 s20, $0x2;
	[tilespmem:s10+$0x5000] =	vst v2  }
0x27a: {  	s23 =	scvt.f32.s32 s21;
	v2 =	vld [tilespmem:s22+$0x5180];
	_ =	sdelay $0x1  }
0x27b: {  	s9 =	sand.u32 $0xF, s9;
	s24 =	scvt.s32.f32 s23;
	v3, _, _ =	vpop (xrf0)  }
0x27c: {  	v58 =	vmov s9;
	s13 =	spop (v2sf);
	v3 =	vbroadcast v3, $0xF  }
0x27d: {  	vm13 =	veq.s32 v58, v0;
	s16 =	spop (v2sf);
	p1 =	slt.f32 s21, s24  }
0x27e: {  	s26 =	sand.u32 $0x7FFFFFF0, s7;
	s9 =	simm.s32 $0x1;
	v2 =	vsel vm13, v3, v2;
	s25 =	spop (v2sf)  }
0x27f: {  	s9 =	simm.s32 @!p1 $0x0;
	p1 =	slt.f32 s14, $0.0e+00;
	[tilespmem:s22+$0x5180] =	vst v2;
	p4 =	sle.f32 s25, $1.600000000e+01  }
0x280: {  	s9 =	ssub.s32 s23, s9;
	v2 =	vld [tilespmem:s26+$0x5200]  }
0x281: {  	s28 =	sand.u32 $0xF, s7;
	s9 =	simm.s32 @p1 $0xFFFFFFFF;
	v3 =	vld [tilespmem:s26+$0x5280];
	p2 =	por !p4, !p4  }
0x282: {  	s12 =	smov.u32 s9;
	v59 =	vld [tilespmem:s26+$0x5300];
	p5 =	por !p0, !p2;
	p2 =	sgt.s32 s9, $0x0  }
0x283: {  	v60 =	vmov s28;
	v61 =	vld [tilespmem:s26+$0x5380];
	p1 =	por !p5, !p5;
	s12 =	simm.s32 @!p2 $0x0  }
0x284: {  	vm14 =	veq.s32 v60, v0;
	v62 =	vld [tilespmem:s26+$0x5400];
	s14 =	simm.s32 @!p1 $0x7149F2CA;
	s29 =	sand.u32 $0xF, s12  }
0x285: {  	p6 =	slt.s32 s9, $0x1;
	s13 =	simm.s32 @!p1 $0x0;
	v2 =	vsel vm14, s14, v2;
	p3 =	sne.s32 s29, $0x0  }
0x286: {  	s11 =	simm.f32 $1.000000000e+00;
	s16 =	simm.s32 @!p1 $0x0;
	[tilespmem:s26+$0x5200] =	vst v2;
	v2 =	vsel vm14, s13, v3;
	p2 =	por !p6, !p3  }
0x287: {  	s8 =	simm.s32 @!p1 $0x0;
	s13 =	simm.s32 $0x1;
	[tilespmem:s26+$0x5280] =	vst v2;
	v2 =	vsel vm14, s16, v59;
	p2 =	por !p2, !p2  }
0x288: {  	s11 =	simm.s32 @!p1 $0x0;
	s30 =	sshrl.u32 s12, $0x4;
	[tilespmem:s26+$0x5300] =	vst v2;
	v2 =	vsel vm14, s8, v61;
	s13 =	simm.s32 @!p2 $0x0  }
0x289: {  	[tilespmem:s26+$0x5380] =	vst v2;
	v2 =	vsel vm14, s11, v62;
	s8 =	ssub.s32 s30, s13  }
0x28a: {  	[tilespmem:s26+$0x5400] =	vst v2;
	s31 =	sshll.u32 s8, $0x4  }
0x28b: {  	v2 =	vld [tilespmem:s31+$0x5480]  }
0x28c: {  	s9 =	ssub.s32 s9, s31  }
0x28d: {  	v3 =	vmov s9  }
.Ltmp5:
0x28e: {  	v63 =	vmov s11;
	vm15 =	veq.s32 v3, v0;
	(pc) =	sbr.rel @!p1 .LBB2_8-.Ltmp5, $3  }
0x28f: {  	v3 =	vnsel vm15, $0x0, v63  }
0x290: {  	v2 =	vadd.f32 v3, v2;
	_ =	sdelay $0x1  }
0x291: {  	[tilespmem:s31+$0x5480] =	vst v2  }
0x292: {  	p2 =	sgt.s32 s8, $0x1;
	s9 =	smov.u32 s8  }
0x293: {  	s9 =	simm.s32 @!p2 $0x1  }
0x294: {  	s9 =	smin.u32 s9, $0x140  }
0x295: {  	s9 =	sadd.s32 $0xFFFFFFFF, s9  }
0x296: {  	s10 =	sshll.u32 s9, $0x4  }
0x297: {  	v2 =	vld [tilespmem:s10+$0x1400];
	_ =	sdelay $0x3  }
0x298: {  	v3 =	vld [tilespmem:s10+$0x0]  }
0x299: {  	v2 =	vsub.f32 v2, v1  }
0x29a: {  	s11 =	sand.u32 $0xF, s9  }
0x29b: {  	p4 =	slt.s32 s8, $0x2;
	p3 =	sne.s32 s11, $0x0;
	v2 =	vand.u32 $0x7FFFFFFF, v2  }
0x29c: {  	p2 =	por !p4, !p3;
	vm0 =	vle.f32 v2, $1.600000000e+01  }
0x29d: {  	s12 =	simm.s32 $0x1;
	p2 =	por !p2, !p2;
	v2 =	vsel vm0, $0xBF800000, v3  }
0x29e: {  	s9 =	sshrl.u32 s9, $0x4;
	s12 =	simm.s32 @!p2 $0x0;
	(xrf0) =	vmax.scan.msk.f32 $0xffff, v2  }
0x29f: {  	s9 =	ssub.s32 s9, s12  }
0x2a0: {  	s12 =	sshll.u32 s9, $0x6;
	s13 =	sshll.u32 s9, $0x18  }
0x2a1: {  	s29 =	sshra.s32 s12, $0x2;
	s30 =	sshra.s32 s13, $0x1F;
	[tilespmem:s10+$0x0] =	vst v2  }
0x2a2: {  	s12 =	sand.u32 $0xF, s30;
	v2 =	vld [tilespmem:s29+$0x5000]  }
0x2a3: {  	s12 =	sadd.s32 s12, s9  }
0x2a4: {  	s31 =	sand.u32 $0xFF, s9;
	s14 =	sand.u32 $0xF0, s12;
	v3, _, _ =	vpop (xrf0)  }
0x2a5: {  	v4 =	vmov s11;
	p5 =	slt.s32 s9, $0x1;
	p6 =	sne.s32 s14, s31;
	v3 =	vbroadcast v3, $0xF  }
0x2a6: {  	vm8 =	veq.s32 v4, v0;
	s13 =	sshll.u32 s12, $0x18;
	p2 =	por !p5, !p6  }
0x2a7: {  	s12 =	simm.s32 $0x1;
	s11 =	sshra.s32 s13, $0x1C;
	p2 =	por !p2, !p2;
	v2 =	vsel vm8, v3, v2  }
0x2a8: {  	s11 =	sand.u32 $0xFF, s11;
	s12 =	simm.s32 @!p2 $0x0;
	(xrf0) =	vmax.scan.msk.f32 $0xffff, v2  }
0x2a9: {  	s11 =	ssub.s32 s11, s12  }
0x2aa: {  	s11 =	sshll.u32 s11, $0x6  }
0x2ab: {  	s14 =	sshra.s32 s11, $0x2;
	[tilespmem:s29+$0x5000] =	vst v2  }
0x2ac: {  	v2 =	vld [tilespmem:s14+$0x5180];
	_ =	sdelay $0x1  }
0x2ad: {  	s9 =	sand.u32 $0xF, s9;
	v3, _, _ =	vpop (xrf0)  }
0x2ae: {  	v61 =	vmov s9;
	s9 =	smov.u32 s8;
	p2 =	sgt.s32 s8, $0x0;
	v3 =	vbroadcast v3, $0xF  }
0x2af: {  	vm9 =	veq.s32 v61, v0;
	s9 =	simm.s32 @!p2 $0x0  }
0x2b0: {  	s9 =	smin.u32 s9, $0x13F;
	v2 =	vsel vm9, v3, v2  }
0x2b1: {  	s15 =	sshll.u32 s9, $0x4;
	[tilespmem:s14+$0x5180] =	vst v2  }
0x2b2: {  	v2 =	vld [tilespmem:s15+$0x1400];
	_ =	sdelay $0x3  }
0x2b3: {  	v3 =	vld [tilespmem:s15+$0x0]  }
0x2b4: {  	v2 =	vsub.f32 v2, v1  }
0x2b5: {  	s16 =	sand.u32 $0xF, s9  }
0x2b6: {  	p3 =	slt.s32 s8, $0x1;
	p4 =	sne.s32 s16, $0x0;
	v2 =	vand.u32 $0x7FFFFFFF, v2  }
0x2b7: {  	p2 =	por !p3, !p4;
	vm10 =	vle.f32 v2, $1.600000000e+01  }
0x2b8: {  	s12 =	simm.s32 $0x1;
	p2 =	por !p2, !p2;
	v2 =	vsel vm10, $0xBF800000, v3  }
0x2b9: {  	s9 =	sshrl.u32 s9, $0x4;
	s12 =	simm.s32 @!p2 $0x0;
	(xrf0) =	vmax.scan.msk.f32 $0xffff, v2  }
0x2ba: {  	s9 =	ssub.s32 s9, s12  }
0x2bb: {  	s12 =	sshll.u32 s9, $0x6;
	s17 =	sshll.u32 s9, $0x18  }
0x2bc: {  	s18 =	sshra.s32 s12, $0x2;
	s19 =	sshra.s32 s17, $0x1F;
	[tilespmem:s15+$0x0] =	vst v2  }
0x2bd: {  	s12 =	sand.u32 $0xF, s19;
	v2 =	vld [tilespmem:s18+$0x5000]  }
0x2be: {  	s12 =	sadd.s32 s12, s9  }
0x2bf: {  	s20 =	sand.u32 $0xFF, s9;
	s21 =	sand.u32 $0xF0, s12;
	v3, _, _ =	vpop (xrf0)  }
0x2c0: {  	v62 =	vmov s16;
	p5 =	slt.s32 s9, $0x1;
	p6 =	sne.s32 s21, s20;
	v3 =	vbroadcast v3, $0xF  }
0x2c1: {  	vm11 =	veq.s32 v62, v0;
	s22 =	sshll.u32 s12, $0x18;
	p2 =	por !p5, !p6  }
0x2c2: {  	s12 =	simm.s32 $0x1;
	s11 =	sshra.s32 s22, $0x1C;
	p2 =	por !p2, !p2;
	v2 =	vsel vm11, v3, v2  }
0x2c3: {  	s11 =	sand.u32 $0xFF, s11;
	s12 =	simm.s32 @!p2 $0x0;
	(xrf0) =	vmax.scan.msk.f32 $0xffff, v2  }
0x2c4: {  	s11 =	ssub.s32 s11, s12  }
0x2c5: {  	s11 =	sshll.u32 s11, $0x6  }
0x2c6: {  	s23 =	sshra.s32 s11, $0x2;
	[tilespmem:s18+$0x5000] =	vst v2  }
0x2c7: {  	v2 =	vld [tilespmem:s23+$0x5180];
	_ =	sdelay $0x1  }
0x2c8: {  	s9 =	sand.u32 $0xF, s9;
	v3, _, _ =	vpop (xrf0)  }
0x2c9: {  	v63 =	vmov s9;
	s9 =	smov.u32 s8;
	p2 =	slt.s32 s8, $0x13E;
	v3 =	vbroadcast v3, $0xF  }
0x2ca: {  	vm12 =	veq.s32 v63, v0;
	s9 =	simm.s32 @!p2 $0x13E  }
0x2cb: {  	s9 =	sadd.s32 $0x1, s9;
	v2 =	vsel vm12, v3, v2  }
0x2cc: {  	s24 =	sshll.u32 s9, $0x4;
	[tilespmem:s23+$0x5180] =	vst v2  }
0x2cd: {  	v2 =	vld [tilespmem:s24+$0x1400];
	_ =	sdelay $0x3  }
0x2ce: {  	v3 =	vld [tilespmem:s24+$0x0]  }
0x2cf: {  	v1 =	vsub.f32 v2, v1  }
0x2d0: {  	s25 =	sand.u32 $0xF, s9  }
0x2d1: {  	p3 =	slt.s32 s8, $0x0;
	p4 =	sne.s32 s25, $0x0;
	v1 =	vand.u32 $0x7FFFFFFF, v1  }
0x2d2: {  	p2 =	por !p3, !p4;
	vm13 =	vle.f32 v1, $1.600000000e+01  }
0x2d3: {  	s8 =	simm.s32 $0x1;
	p2 =	por !p2, !p2;
	v1 =	vsel vm13, $0xBF800000, v3  }
0x2d4: {  	s9 =	sshrl.u32 s9, $0x4;
	s8 =	simm.s32 @!p2 $0x0;
	(xrf0) =	vmax.scan.msk.f32 $0xffff, v1  }
0x2d5: {  	s8 =	ssub.s32 s9, s8  }
0x2d6: {  	s9 =	sshll.u32 s8, $0x6;
	s26 =	sshll.u32 s8, $0x18  }
0x2d7: {  	s9 =	sshra.s32 s9, $0x2;
	s28 =	sshra.s32 s26, $0x1F;
	[tilespmem:s24+$0x0] =	vst v1  }
0x2d8: {  	s10 =	sand.u32 $0xF, s28;
	v1 =	vld [tilespmem:s9+$0x5000]  }
0x2d9: {  	s10 =	sadd.s32 s10, s8  }
0x2da: {  	s29 =	sand.u32 $0xFF, s8;
	s30 =	sand.u32 $0xF0, s10;
	v2, _, _ =	vpop (xrf0)  }
0x2db: {  	p5 =	slt.s32 s8, $0x1;
	p6 =	sne.s32 s30, s29;
	v3 =	vmov s25;
	v2 =	vbroadcast v2, $0xF  }
0x2dc: {  	s10 =	sshll.u32 s10, $0x18;
	p2 =	por !p5, !p6;
	vm14 =	veq.s32 v3, v0  }
0x2dd: {  	s11 =	simm.s32 $0x1;
	s10 =	sshra.s32 s10, $0x1C;
	p2 =	por !p2, !p2;
	v1 =	vsel vm14, v2, v1  }
0x2de: {  	s10 =	sand.u32 $0xFF, s10;
	s11 =	simm.s32 @!p2 $0x0;
	(xrf0) =	vmax.scan.msk.f32 $0xffff, v1  }
0x2df: {  	s10 =	ssub.s32 s10, s11  }
0x2e0: {  	s10 =	sshll.u32 s10, $0x6  }
0x2e1: {  	s31 =	sshra.s32 s10, $0x2;
	[tilespmem:s9+$0x5000] =	vst v1  }
0x2e2: {  	v1 =	vld [tilespmem:s31+$0x5180];
	_ =	sdelay $0x1  }
.Ltmp6:
0x2e3: {  	s8 =	sand.u32 $0xF, s8;
	v2, _, _ =	vpop (xrf0);
	(pc) =	sbr.rel .LBB2_8-.Ltmp6, $4  }
0x2e4: {  	v3 =	vmov s8;
	v2 =	vbroadcast v2, $0xF  }
0x2e5: {  	vm15 =	veq.s32 v3, v0  }
0x2e6: {  	v1 =	vsel vm15, v2, v1  }
0x2e7: {  	[tilespmem:s31+$0x5180] =	vst v1  }
.LBB2_9:
0x2e8: {  	s7 =	simm.s32 $0x0;
	s8 =	simm.s32 $0x5280;
	s24 =	simm.s32 $0x1  }
0x2e9: {  	[hbm4b:s6+s7] =	stream.linear.scatter [tilespmem:s8], [sflag:$0x1], $0x80, $0x38;
	[tilespmem:$0x6980] =	vst v63  }
0x2ea: {  	_ =	swait.ge [sflag:s24], $0x80  }
0x2eb: {  	[sflag:s24] =	ssyncset.done $0x0  }
0x2ec: {  	s25 =	simm.s32 $0x5300;
	[sflag:s24] =	ssyncadd.s32 $0xFFFFFF80  }
0x2ed: {  	[hbm4b:s5+s7] =	stream.linear.scatter [tilespmem:s25], [sflag:$0x1], $0x80, $0x38;
	[tilespmem:$0x6980] =	vst v63  }
0x2ee: {  	_ =	swait.ge [sflag:s24], $0x80  }
0x2ef: {  	[sflag:s24] =	ssyncset.done $0x0  }
0x2f0: {  	s26 =	simm.s32 $0x5380;
	[sflag:s24] =	ssyncadd.s32 $0xFFFFFF80  }
0x2f1: {  	[hbm4b:s4+s7] =	stream.linear.scatter [tilespmem:s26], [sflag:$0x1], $0x80, $0x38;
	[tilespmem:$0x6980] =	vst v63  }
0x2f2: {  	_ =	swait.ge [sflag:s24], $0x80  }
0x2f3: {  	[sflag:s24] =	ssyncset.done $0x0  }
0x2f4: {  	s28 =	simm.s32 $0x5400;
	[sflag:s24] =	ssyncadd.s32 $0xFFFFFF80  }
0x2f5: {  	[hbm4b:s3+s7] =	stream.linear.scatter [tilespmem:s28], [sflag:$0x1], $0x80, $0x38;
	[tilespmem:$0x6980] =	vst v63  }
0x2f6: {  	_ =	swait.ge [sflag:s24], $0x80  }
0x2f7: {  	s29 =	simm.s32 $0x80;
	[sflag:s24] =	ssyncset.done $0x0  }
0x2f8: {  	s30 =	simm.s32 $0x400;
	s31 =	simm.s32 $0x5480;
	[sflag:s24] =	ssyncadd.s32 $0xFFFFFF80  }
0x2f9: {  	[hbm4b:s2+s29] =	stream.strided.scatter [tilespmem:s31], [sflag:$0x1], $0x1400, s30, s29, $0x38;
	[tilespmem:$0x6980] =	vst v63  }
0x2fa: {  	_ =	swait.ge [sflag:s24], $0x1400  }
0x2fb: {  	[sflag:s24] =	ssyncset.done $0x0  }
0x2fc: {  	[sflag:s24] =	ssyncadd.s32 $0xFFFFEC00  }
.LBB2_10:
0x2fd: {  	_ =	sfence.sel $0x180000  }
0x2fe: {  	[bflag:$0x0] =	sbarrier.arrive $0xFFFF  }
0x2ff: {  	p0 =	sne.s32 s1, $0x0;
	_ =	strace $0x90000047  }
0x300: {  	s0 =	sadd.s32 @!p0 $0x100000, s0;
	[bflag:$0x2] =	sbarrier.arrive $0xFFFF  }
0x301: {  	[sflag:s0] =	ssyncadd.tile.s32 @!p0 $0x1;
	_ =	shalt  }
.Lfunc_end2:
_tile_overlayer_lowered:
.L_overlay_start_2:
0x302: {  	(tag) =	ssettag $0x2  }
0x303: {  	s0 =	rddreg [dreg:$0x0];
	s2 =	stileid.u32  }
0x304: {  	s1 =	rddreg [dreg:$0x1];
	p0 =	sne.s32 s2, $0x0  }
0x305: {  	s3 =	rddreg [dreg:$0x2];
	[bflag:$0x3] =	sbarrier.arrive $0xFFFF;
	s2 =	simm.s32 @!p0 $0x1C01  }
0x306: {  	[timem:s3], [sflag:s2] =	dma.local @!p0 [hbm:s0], s1  }
0x307: {  	s0 =	simm.s32 @!p0 $0x1  }
0x308: {  	_ =	swait.ge @!p0 [sflag:s0], s1  }
0x309: {  	s1 =	ssub.s32 @!p0 $0x0, s1;
	[sflag:s0] =	ssyncset.done @!p0 $0x0  }
0x30a: {  	[sflag:s0] =	ssyncadd.s32 @!p0 s1  }
0x30b: {  	[bflag:$0x3] =	sbarrier.arrive $0xFFFF  }
0x30c: {  	_ =	shalt  }

</sc_bundles>
